<compile_context>
chip_gen: v7x
topology: tpu7x:2x2x1
jax: 0.10.2.dev20260603
libtpu: 0.0.44.dev20260713+nightly
codegen_flags: <defaults>
</compile_context>

<pallas_src>
import functools

import jax
import jax.numpy as jnp
from jax import lax
from jax.experimental import pallas as pl
from jax.experimental.pallas import tpu as pltpu
from jax.experimental.pallas import tpu_sc as plsc

N = 10000
E = 320000
D = 128
L = 10
G = 64
C = 2

NC = 2
NS = 16
NW = NC * NS
CH = 128

GK = 8
J_E = GK * -(-E // (NW * CH * GK))
NG = J_E // GK
EP = NW * CH * J_E
J_N = -(-N // (NW * CH))
NPAD = NW * CH * J_N
NAGG = 10240
RPT = NAGG // NS

def _wid():
    return lax.axis_index("s") * NC + lax.axis_index("c")



def _sc_kernel(**kw):
    def deco(body):
        @functools.cache
        def build():
            mesh = plsc.VectorSubcoreMesh(core_axis_name="c",
                                          subcore_axis_name="s")
            return pl.kernel(body, mesh=mesh, **kw)
        return lambda *args: build()(*args)
    return deco


@_sc_kernel(
    out_type=jax.ShapeDtypeStruct((NPAD, D), jnp.float32),
    scratch_types=[
        pltpu.VMEM((J_N, CH), jnp.int32),
        pltpu.VMEM((CH, D), jnp.float32),
        pltpu.SemaphoreType.DMA,
    ],
)
def _emb_gather(xp_hbm, emb_hbm, out_hbm, idx_v, rows_v, sem):
    w = _wid()
    pltpu.sync_copy(xp_hbm.at[w], idx_v)
    for j in range(J_N):
        pltpu.async_copy(emb_hbm.at[idx_v.at[j]], rows_v, sem).wait()
        pltpu.sync_copy(rows_v, out_hbm.at[pl.ds((w * J_N + j) * CH, CH)])


@_sc_kernel(
    out_type=jax.ShapeDtypeStruct((NC, NAGG, D), jnp.float32),
    scratch_types=[
        pltpu.VMEM((J_E // 2, CH), jnp.int32),
        pltpu.VMEM((J_E // 2, CH), jnp.int32),
        pltpu.VMEM((CH, D), jnp.float32),
        pltpu.VMEM((CH, D), jnp.float32),
        pltpu.SemaphoreType.DMA,
        pltpu.SemaphoreType.DMA,
        pltpu.SemaphoreType.DMA,
        pltpu.SemaphoreType.DMA,
        pltpu.VMEM_SHARED((NAGG, D), jnp.float32),
    ],
)
def _edge_agg(srcp_hbm, dstp_hbm, h_hbm, z_hbm, out_hbm,
              src_v, dst_v, rows0, rows1, g0, g1, s0, s1, agg_sh):
    c = lax.axis_index("c")
    s = lax.axis_index("s")
    w = s * NC + c
    JH = J_E // 2
    rows = (rows0, rows1)
    gs = (g0, g1)
    ss = (s0, s1)
    pltpu.sync_copy(z_hbm.at[pl.ds(s * RPT, RPT)], agg_sh.at[pl.ds(s * RPT, RPT)])
    pltpu.async_copy(h_hbm.at[pl.ds(0, CH)], rows0, s0)
    pltpu.async_copy(h_hbm.at[pl.ds(0, CH)], rows1, s1)
    plsc.subcore_barrier()

    def half(h2, carry):
        pltpu.sync_copy(srcp_hbm.at[w, pl.ds(h2 * JH, JH)], src_v)
        pltpu.sync_copy(dstp_hbm.at[w, pl.ds(h2 * JH, JH)], dst_v)

        def body(j2, carry2):
            for p in range(2):
                k = 2 * j2 + p
                pltpu.make_async_copy(h_hbm.at[pl.ds(0, CH)], rows[p], ss[p]).wait()
                pltpu.async_copy(h_hbm.at[src_v.at[k]], rows[p], gs[p]).wait()
                pltpu.async_copy(rows[p], agg_sh.at[dst_v.at[k]], ss[p], add=True)
            return carry2

        lax.fori_loop(0, JH // 2, body, 0)
        return carry

    lax.fori_loop(0, 2, half, 0)
    for p in range(2):
        pltpu.make_async_copy(h_hbm.at[pl.ds(0, CH)], rows[p], ss[p]).wait()
    plsc.subcore_barrier()
    pltpu.sync_copy(agg_sh.at[pl.ds(s * RPT, RPT)],
                    out_hbm.at[c, pl.ds(s * RPT, RPT)])



EDC = 4096
HI = NAGG // 128


def _deg_body(dst_ref, out_ref):
    @pl.when(pl.program_id(0) == 0)
    def _():
        out_ref[...] = jnp.zeros((HI, 128), jnp.float32)

    d = dst_ref[...]
    hi = d // 128
    lo = d - hi * 128
    ohi = (lax.broadcasted_iota(jnp.int32, (HI, EDC), 0) == hi).astype(jnp.float32)
    oloT = (lax.broadcasted_iota(jnp.int32, (128, EDC), 0) == lo).astype(jnp.float32)
    out_ref[...] += lax.dot_general(ohi, oloT, (((1,), (1,)), ((), ())),
                                    preferred_element_type=jnp.float32)


_deg_call = pl.pallas_call(
    _deg_body,
    grid=(EP // EDC,),
    in_specs=[pl.BlockSpec((1, EDC), lambda i: (0, i))],
    out_specs=pl.BlockSpec((HI, 128), lambda i: (0, 0)),
    out_shape=jax.ShapeDtypeStruct((HI, 128), jnp.float32),
)


def _layer_body(part_ref, h_ref, deg_ref, wl_ref, wr_ref, blg_ref, out_ref):
    deg = deg_ref[...]
    agg = (part_ref[0, :N, :] + part_ref[1, :N, :]) / jnp.maximum(deg, 1.0)
    h = h_ref[:N, :]
    t = (jnp.dot(agg, wl_ref[...], preferred_element_type=jnp.float32)
         + jnp.dot(h, wr_ref[...], preferred_element_type=jnp.float32)
         + blg_ref[0:1, :])
    mean = jnp.mean(t, axis=0, keepdims=True)
    var = jnp.mean((t - mean) ** 2, axis=0, keepdims=True)
    hn = (t - mean) / jnp.sqrt(var + 1e-5) * blg_ref[1:2, :] + blg_ref[2:3, :]
    out_ref[:N, :] = jnp.maximum(hn, 0.0)
    out_ref[N:, :] = jnp.zeros((NPAD - N, D), jnp.float32)


def _pool_body(h_ref, mark_ref, wc_ref, bc_ref, out_ref):
    h = h_ref[:N, :]
    gid = lax.broadcasted_iota(jnp.int32, (G, N), 0)
    onehot = (gid == mark_ref[...]).astype(jnp.float32)
    pooled = jnp.dot(onehot, h, preferred_element_type=jnp.float32)
    counts = jnp.sum(onehot, axis=1, keepdims=True)
    pooled = pooled / jnp.maximum(counts, 1.0)
    out_ref[...] = jnp.dot(pooled, wc_ref[...],
                           preferred_element_type=jnp.float32) + bc_ref[...]


_layer_call = pl.pallas_call(
    _layer_body,
    out_shape=jax.ShapeDtypeStruct((NPAD, D), jnp.float32),
)

_pool_call = pl.pallas_call(
    _pool_body,
    out_shape=jax.ShapeDtypeStruct((G, C), jnp.float32),
)



def kernel(x, edge_index, u_index, example_mark, emb, Wl, bl, Wr, gamma,
           beta, Wc, bc):
    del u_index
    i32 = jnp.int32
    f32 = jnp.float32

    src = edge_index[0].astype(i32)
    dst = edge_index[1].astype(i32)
    pad_i = jnp.arange(EP - E, dtype=i32)
    srcp = jnp.concatenate([src, pad_i % N]).reshape(NW, J_E, CH)
    dstp = jnp.concatenate([dst, N + pad_i % (NAGG - N)]).reshape(NW, J_E, CH)
    xp = jnp.concatenate([x.astype(i32), jnp.zeros((NPAD - N,), i32)]
                         ).reshape(NW, J_N, CH)
    zpad = jnp.zeros((NAGG, D), f32)
    blg = jnp.stack([bl, gamma, beta], axis=1)
    markp = example_mark.astype(i32).reshape(1, N)
    bc2 = bc.astype(f32).reshape(1, C)

    h = _emb_gather(xp, emb)
    deg = _deg_call(dstp.reshape(1, EP)).reshape(NAGG, 1)[:N]
    for i in range(L):
        part = _edge_agg(srcp, dstp, h, zpad)
        h = _layer_call(part, h, deg, Wl[i], Wr[i], blg[i])
    return _pool_call(h, markp, Wc, bc2)

# --- scband reference (transcript-rebuilt; emitter-appended) ---
"""Pipeline reference for scband-osug-sage-53060025975027 (READ-ONLY COPY).

The authoritative reference and input builder live on the scoring server;
editing this copy changes nothing except your own understanding.
"""

import jax, jax.numpy as jnp
import numpy as np

N = 10000      # nodes
E = 320000     # edges
D = 128        # embedding_size == hidden_channels
L = 10         # num_layers
G = 64         # number of graphs in batch (example_mark values)
V = 10000      # in_channels (embedding vocab)
C = 2          # out_channels


def setup_inputs(seed: int = 0) -> dict:
    key = jax.random.key(seed)
    ks = jax.random.split(key, 10)
    x = jax.random.randint(ks[0], (N,), 0, V)
    edge_index = jax.random.randint(ks[1], (2, E), 0, N)
    u_index = jax.random.randint(ks[2], (N,), 0, N)
    example_mark = jnp.sort(jax.random.randint(ks[3], (N,), 0, G))
    emb = jax.random.normal(ks[4], (V, D), dtype=jnp.float32) * 0.05
    Wl = jax.random.normal(ks[5], (L, D, D), dtype=jnp.float32) * 0.05
    bl = jnp.zeros((L, D), dtype=jnp.float32)
    Wr = jax.random.normal(ks[6], (L, D, D), dtype=jnp.float32) * 0.05
    gamma = jnp.ones((L, D), dtype=jnp.float32)
    beta = jnp.zeros((L, D), dtype=jnp.float32)
    Wc = jax.random.normal(ks[7], (D, C), dtype=jnp.float32) * 0.05
    bc = jnp.zeros((C,), dtype=jnp.float32)
    return {"x": x, "edge_index": edge_index, "u_index": u_index,
            "example_mark": example_mark, "emb": emb, "Wl": Wl, "bl": bl,
            "Wr": Wr, "gamma": gamma, "beta": beta, "Wc": Wc, "bc": bc}


def _sage_conv(h, src, dst, Wl_i, bl_i, Wr_i):
    # SAGEConv (mean aggregation): out = lin_l(mean_{j in N(i)} h_j) + lin_r(h_i)
    msg = jnp.take(h, src, axis=0)                          # gather
    agg = jax.ops.segment_sum(msg, dst, num_segments=N)     # scatter-add
    deg = jax.ops.segment_sum(jnp.ones((E,), h.dtype), dst, num_segments=N)
    agg = agg / jnp.maximum(deg, 1.0)[:, None]
    return agg @ Wl_i + bl_i + h @ Wr_i


def _bn(h, gamma_i, beta_i):
    # BatchNorm1d, training-mode batch statistics
    mean = jnp.mean(h, axis=0)
    var = jnp.var(h, axis=0)
    return (h - mean) / jnp.sqrt(var + 1e-5) * gamma_i + beta_i


def reference(x, edge_index, u_index, example_mark, emb, Wl, bl, Wr, gamma, beta, Wc, bc):
    src = edge_index[0]
    dst = edge_index[1]
    h = jnp.take(emb, x, axis=0)                            # embedding lookup
    for i in range(L):
        h = _sage_conv(h, src, dst, Wl[i], bl[i], Wr[i])
        h = _bn(h, gamma[i], beta[i])
        h = jax.nn.relu(h)
    # global_mean_pool over example_mark
    pooled = jax.ops.segment_sum(h, example_mark, num_segments=G)
    counts = jax.ops.segment_sum(jnp.ones((N,), h.dtype), example_mark, num_segments=G)
    pooled = pooled / jnp.maximum(counts, 1.0)[:, None]
    out = pooled @ Wc + bc                                  # dropout: eval mode -> identity
    return out

if __name__ == "__main__":
    import jax
    _d = setup_inputs()
    print(jax.jit(kernel)(*tuple(_d.values())))

</pallas_src>

<mosaic_0001>
#map = affine_map<(d0, d1) -> (0, 0, 0)>
#map1 = affine_map<(d0, d1) -> (0, 0)>
module attributes {stable_mosaic.version = 14 : i64} {
  func.func @_edge_agg(%arg0: i32, %arg1: i32, %arg2: memref<32x80x128xi32, #tpu.memory_space<hbm>>, %arg3: memref<32x80x128xi32, #tpu.memory_space<hbm>>, %arg4: memref<12288x128xf32, #tpu.memory_space<hbm>>, %arg5: memref<10240x128xf32, #tpu.memory_space<hbm>>, %arg6: memref<2x10240x128xf32, #tpu.memory_space<hbm>>, %arg7: memref<40x128xi32, #tpu.memory_space<vmem>>, %arg8: memref<40x128xi32, #tpu.memory_space<vmem>>, %arg9: memref<128x128xf32, #tpu.memory_space<vmem>>, %arg10: memref<128x128xf32, #tpu.memory_space<vmem>>, %arg11: memref<!tpu.dma_semaphore, #tpu.memory_space<semaphore_mem>>, %arg12: memref<!tpu.dma_semaphore, #tpu.memory_space<semaphore_mem>>, %arg13: memref<!tpu.dma_semaphore, #tpu.memory_space<semaphore_mem>>, %arg14: memref<!tpu.dma_semaphore, #tpu.memory_space<semaphore_mem>>, %arg15: memref<10240x128xf32, #tpu.memory_space<vmem_shared>>) attributes {dimension_semantics = [#tpu.dimension_semantics<core_parallel>, #tpu.dimension_semantics<subcore_parallel>], iteration_bounds = array<i64: 2, 16>, scalar_prefetch = 0 : i64, scratch_operands = 9 : i64, tpu.core_type = #tpu.core_type<sc_vector_subcore>, window_params = [{transform_indices = #map}, {transform_indices = #map}, {transform_indices = #map1}, {transform_indices = #map1}, {transform_indices = #map}]} {
    %mul3A = arith.constant 2 : i32
    %mul3A_0 = arith.muli %arg1, %mul3A : i32
    %add3A = arith.addi %mul3A_0, %arg0 : i32
    %mul3A_1 = arith.constant 640 : i32
    %mul3A_2 = arith.muli %arg1, %mul3A_1 : i32
    %mul3A_3 = arith.constant 640 : i32
    %mul3A_4 = arith.muli %arg1, %mul3A_3 : i32
    "tpu.region"() ({
      %run_scoped3A = tpu.sem_alloc : memref<!tpu.dma_semaphore, #tpu.memory_space<semaphore_mem>>
      %dma_start3A_37 = arith.constant 0 : i32
      %dma_start3A_38 = tpu.memref_slice %arg15[%mul3A_4, %dma_start3A_37] : memref<10240x128xf32, #tpu.memory_space<vmem_shared>> -> memref<640x128xf32, #tpu.memory_space<vmem_shared>>
      %dma_start3A_39 = arith.constant 0 : i32
      %dma_start3A_40 = tpu.memref_slice %arg5[%mul3A_2, %dma_start3A_39] : memref<10240x128xf32, #tpu.memory_space<hbm>> -> memref<640x128xf32, #tpu.memory_space<hbm>>
      tpu.enqueue_dma source(%dma_start3A_40 : memref<640x128xf32, #tpu.memory_space<hbm>>) target(%dma_start3A_38 : memref<640x128xf32, #tpu.memory_space<vmem_shared>>) target_semaphore(%run_scoped3A : memref<!tpu.dma_semaphore, #tpu.memory_space<semaphore_mem>>)
      %dma_wait3A_41 = arith.constant 0 : i32
      %dma_wait3A_42 = tpu.memref_slice %arg15[%mul3A_4, %dma_wait3A_41] : memref<10240x128xf32, #tpu.memory_space<vmem_shared>> -> memref<640x128xf32, #tpu.memory_space<vmem_shared>>
      %dma_wait3A_43 = arith.constant 0 : i32
      %dma_wait3A_44 = tpu.memref_slice %arg5[%mul3A_2, %dma_wait3A_43] : memref<10240x128xf32, #tpu.memory_space<hbm>> -> memref<640x128xf32, #tpu.memory_space<hbm>>
      tpu.wait_dma2 semaphore(%run_scoped3A : memref<!tpu.dma_semaphore, #tpu.memory_space<semaphore_mem>>) src(%dma_wait3A_44 : memref<640x128xf32, #tpu.memory_space<hbm>>) dst(%dma_wait3A_42 : memref<640x128xf32, #tpu.memory_space<vmem_shared>>)
      tpu.yield
    }) : () -> ()
    %dma_start3A = arith.constant 0 : i32
    %dma_start3A_5 = arith.constant 0 : i32
    %dma_start3A_6 = tpu.memref_slice %arg4[%dma_start3A, %dma_start3A_5] : memref<12288x128xf32, #tpu.memory_space<hbm>> -> memref<128x128xf32, #tpu.memory_space<hbm>>
    %dma_start3A_7 = arith.constant 0 : i32
    %dma_start3A_8 = arith.constant 0 : i32
    %dma_start3A_9 = tpu.memref_slice %arg4[%dma_start3A_7, %dma_start3A_8] : memref<12288x128xf32, #tpu.memory_space<hbm>> -> memref<128x128xf32, #tpu.memory_space<hbm>>
    tpu.enqueue_dma source(%dma_start3A_9 : memref<128x128xf32, #tpu.memory_space<hbm>>) target(%arg9 : memref<128x128xf32, #tpu.memory_space<vmem>>) target_semaphore(%arg13 : memref<!tpu.dma_semaphore, #tpu.memory_space<semaphore_mem>>)
    %dma_start3A_10 = arith.constant 0 : i32
    %dma_start3A_11 = arith.constant 0 : i32
    %dma_start3A_12 = tpu.memref_slice %arg4[%dma_start3A_10, %dma_start3A_11] : memref<12288x128xf32, #tpu.memory_space<hbm>> -> memref<128x128xf32, #tpu.memory_space<hbm>>
    %dma_start3A_13 = arith.constant 0 : i32
    %dma_start3A_14 = arith.constant 0 : i32
    %dma_start3A_15 = tpu.memref_slice %arg4[%dma_start3A_13, %dma_start3A_14] : memref<12288x128xf32, #tpu.memory_space<hbm>> -> memref<128x128xf32, #tpu.memory_space<hbm>>
    tpu.enqueue_dma source(%dma_start3A_15 : memref<128x128xf32, #tpu.memory_space<hbm>>) target(%arg10 : memref<128x128xf32, #tpu.memory_space<vmem>>) target_semaphore(%arg14 : memref<!tpu.dma_semaphore, #tpu.memory_space<semaphore_mem>>)
    %barrier3A = arith.constant 0 : index
    tpu.barrier barrier_id(%barrier3A)
    %scan3A = arith.constant 0 : i32
    %scan3A_16 = arith.constant 0 : i32
    %scan3A_17 = arith.constant 2 : i32
    %scan3A_18 = arith.addi %scan3A_16, %scan3A_17 : i32
    %scan3A_19 = arith.constant 1 : i32
    scf.for %scan3A_37 = %scan3A_16 to %scan3A_18 step %scan3A_19  : i32 {
      %mul3A_38 = arith.constant 40 : i32
      %mul3A_39 = arith.muli %scan3A_37, %mul3A_38 : i32
      "tpu.region"() ({
        %run_scoped3A = tpu.sem_alloc : memref<!tpu.dma_semaphore, #tpu.memory_space<semaphore_mem>>
        %dma_start3A_48 = arith.constant 0 : i32
        %dma_start3A_49 = tpu.memref_slice %arg2[%add3A, %mul3A_39, %dma_start3A_48] : memref<32x80x128xi32, #tpu.memory_space<hbm>> -> memref<1x40x128xi32, #tpu.memory_space<hbm>>
        %dma_start3A_50 = tpu.memref_squeeze %dma_start3A_49 : memref<1x40x128xi32, #tpu.memory_space<hbm>> -> memref<40x128xi32, #tpu.memory_space<hbm>>
        %dma_start3A_51 = arith.constant 0 : i32
        %dma_start3A_52 = tpu.memref_slice %arg2[%add3A, %mul3A_39, %dma_start3A_51] : memref<32x80x128xi32, #tpu.memory_space<hbm>> -> memref<1x40x128xi32, #tpu.memory_space<hbm>>
        %dma_start3A_53 = tpu.memref_squeeze %dma_start3A_52 : memref<1x40x128xi32, #tpu.memory_space<hbm>> -> memref<40x128xi32, #tpu.memory_space<hbm>>
        tpu.enqueue_dma source(%dma_start3A_53 : memref<40x128xi32, #tpu.memory_space<hbm>>) target(%arg7 : memref<40x128xi32, #tpu.memory_space<vmem>>) target_semaphore(%run_scoped3A : memref<!tpu.dma_semaphore, #tpu.memory_space<semaphore_mem>>)
        %dma_wait3A_54 = arith.constant 0 : i32
        %dma_wait3A_55 = tpu.memref_slice %arg2[%add3A, %mul3A_39, %dma_wait3A_54] : memref<32x80x128xi32, #tpu.memory_space<hbm>> -> memref<1x40x128xi32, #tpu.memory_space<hbm>>
        %dma_wait3A_56 = tpu.memref_squeeze %dma_wait3A_55 : memref<1x40x128xi32, #tpu.memory_space<hbm>> -> memref<40x128xi32, #tpu.memory_space<hbm>>
        %dma_wait3A_57 = arith.constant 0 : i32
        %dma_wait3A_58 = tpu.memref_slice %arg2[%add3A, %mul3A_39, %dma_wait3A_57] : memref<32x80x128xi32, #tpu.memory_space<hbm>> -> memref<1x40x128xi32, #tpu.memory_space<hbm>>
        %dma_wait3A_59 = tpu.memref_squeeze %dma_wait3A_58 : memref<1x40x128xi32, #tpu.memory_space<hbm>> -> memref<40x128xi32, #tpu.memory_space<hbm>>
        tpu.wait_dma2 semaphore(%run_scoped3A : memref<!tpu.dma_semaphore, #tpu.memory_space<semaphore_mem>>) src(%dma_wait3A_59 : memref<40x128xi32, #tpu.memory_space<hbm>>) dst(%arg7 : memref<40x128xi32, #tpu.memory_space<vmem>>)
        tpu.yield
      }) : () -> ()
      %mul3A_40 = arith.constant 40 : i32
      %mul3A_41 = arith.muli %scan3A_37, %mul3A_40 : i32
      "tpu.region"() ({
        %run_scoped3A = tpu.sem_alloc : memref<!tpu.dma_semaphore, #tpu.memory_space<semaphore_mem>>
        %dma_start3A_48 = arith.constant 0 : i32
        %dma_start3A_49 = tpu.memref_slice %arg3[%add3A, %mul3A_41, %dma_start3A_48] : memref<32x80x128xi32, #tpu.memory_space<hbm>> -> memref<1x40x128xi32, #tpu.memory_space<hbm>>
        %dma_start3A_50 = tpu.memref_squeeze %dma_start3A_49 : memref<1x40x128xi32, #tpu.memory_space<hbm>> -> memref<40x128xi32, #tpu.memory_space<hbm>>
        %dma_start3A_51 = arith.constant 0 : i32
        %dma_start3A_52 = tpu.memref_slice %arg3[%add3A, %mul3A_41, %dma_start3A_51] : memref<32x80x128xi32, #tpu.memory_space<hbm>> -> memref<1x40x128xi32, #tpu.memory_space<hbm>>
        %dma_start3A_53 = tpu.memref_squeeze %dma_start3A_52 : memref<1x40x128xi32, #tpu.memory_space<hbm>> -> memref<40x128xi32, #tpu.memory_space<hbm>>
        tpu.enqueue_dma source(%dma_start3A_53 : memref<40x128xi32, #tpu.memory_space<hbm>>) target(%arg8 : memref<40x128xi32, #tpu.memory_space<vmem>>) target_semaphore(%run_scoped3A : memref<!tpu.dma_semaphore, #tpu.memory_space<semaphore_mem>>)
        %dma_wait3A_54 = arith.constant 0 : i32
        %dma_wait3A_55 = tpu.memref_slice %arg3[%add3A, %mul3A_41, %dma_wait3A_54] : memref<32x80x128xi32, #tpu.memory_space<hbm>> -> memref<1x40x128xi32, #tpu.memory_space<hbm>>
        %dma_wait3A_56 = tpu.memref_squeeze %dma_wait3A_55 : memref<1x40x128xi32, #tpu.memory_space<hbm>> -> memref<40x128xi32, #tpu.memory_space<hbm>>
        %dma_wait3A_57 = arith.constant 0 : i32
        %dma_wait3A_58 = tpu.memref_slice %arg3[%add3A, %mul3A_41, %dma_wait3A_57] : memref<32x80x128xi32, #tpu.memory_space<hbm>> -> memref<1x40x128xi32, #tpu.memory_space<hbm>>
        %dma_wait3A_59 = tpu.memref_squeeze %dma_wait3A_58 : memref<1x40x128xi32, #tpu.memory_space<hbm>> -> memref<40x128xi32, #tpu.memory_space<hbm>>
        tpu.wait_dma2 semaphore(%run_scoped3A : memref<!tpu.dma_semaphore, #tpu.memory_space<semaphore_mem>>) src(%dma_wait3A_59 : memref<40x128xi32, #tpu.memory_space<hbm>>) dst(%arg8 : memref<40x128xi32, #tpu.memory_space<vmem>>)
        tpu.yield
      }) : () -> ()
      %scan3A_42 = arith.constant 0 : i32
      %scan3A_43 = arith.constant 0 : i32
      %scan3A_44 = arith.constant 20 : i32
      %scan3A_45 = arith.addi %scan3A_43, %scan3A_44 : i32
      %scan3A_46 = arith.constant 1 : i32
      scf.for %scan3A_48 = %scan3A_43 to %scan3A_45 step %scan3A_46  : i32 {
        %mul3A_49 = arith.constant 2 : i32
        %mul3A_50 = arith.muli %mul3A_49, %scan3A_48 : i32
        %add3A_51 = arith.constant 0 : i32
        %add3A_52 = arith.addi %mul3A_50, %add3A_51 : i32
        %dma_wait3A_53 = arith.constant 0 : i32
        %dma_wait3A_54 = arith.constant 0 : i32
        %dma_wait3A_55 = tpu.memref_slice %arg4[%dma_wait3A_53, %dma_wait3A_54] : memref<12288x128xf32, #tpu.memory_space<hbm>> -> memref<128x128xf32, #tpu.memory_space<hbm>>
        %dma_wait3A_56 = arith.constant 0 : i32
        %dma_wait3A_57 = arith.constant 0 : i32
        %dma_wait3A_58 = tpu.memref_slice %arg4[%dma_wait3A_56, %dma_wait3A_57] : memref<12288x128xf32, #tpu.memory_space<hbm>> -> memref<128x128xf32, #tpu.memory_space<hbm>>
        tpu.wait_dma2 semaphore(%arg13 : memref<!tpu.dma_semaphore, #tpu.memory_space<semaphore_mem>>) src(%dma_wait3A_58 : memref<128x128xf32, #tpu.memory_space<hbm>>) dst(%arg9 : memref<128x128xf32, #tpu.memory_space<vmem>>)
        %dma_start3A_59 = arith.constant 0 : i32
        %dma_start3A_60 = tpu.memref_slice %arg7[%add3A_52, %dma_start3A_59] : memref<40x128xi32, #tpu.memory_space<vmem>> -> memref<1x128xi32, #tpu.memory_space<vmem>>
        %dma_start3A_61 = tpu.memref_squeeze %dma_start3A_60 : memref<1x128xi32, #tpu.memory_space<vmem>> -> memref<128xi32, #tpu.memory_space<vmem>>
        %dma_start3A_62 = arith.constant 0 : i32
        %dma_start3A_63 = arith.constant 0 : i32
        %dma_start3A_64 = tpu.memref_slice %arg4[%dma_start3A_62, %dma_start3A_63] : memref<12288x128xf32, #tpu.memory_space<hbm>> -> memref<12288x128xf32, #tpu.memory_space<hbm>>
        tpu.enqueue_indirect_dma source(%dma_start3A_64 : memref<12288x128xf32, #tpu.memory_space<hbm>>) target(%arg9 : memref<128x128xf32, #tpu.memory_space<vmem>>) offsets(%dma_start3A_61 : memref<128xi32, #tpu.memory_space<vmem>>) semaphore(%arg11 : memref<!tpu.dma_semaphore, #tpu.memory_space<semaphore_mem>>)
        %dma_wait3A_65 = arith.constant 0 : i32
        %dma_wait3A_66 = tpu.memref_slice %arg7[%add3A_52, %dma_wait3A_65] : memref<40x128xi32, #tpu.memory_space<vmem>> -> memref<1x128xi32, #tpu.memory_space<vmem>>
        %dma_wait3A_67 = tpu.memref_squeeze %dma_wait3A_66 : memref<1x128xi32, #tpu.memory_space<vmem>> -> memref<128xi32, #tpu.memory_space<vmem>>
        %dma_wait3A_68 = arith.constant 0 : i32
        %dma_wait3A_69 = arith.constant 0 : i32
        %dma_wait3A_70 = tpu.memref_slice %arg4[%dma_wait3A_68, %dma_wait3A_69] : memref<12288x128xf32, #tpu.memory_space<hbm>> -> memref<12288x128xf32, #tpu.memory_space<hbm>>
        tpu.wait_indirect_dma semaphore(%arg11 : memref<!tpu.dma_semaphore, #tpu.memory_space<semaphore_mem>>) src(%dma_wait3A_70 : memref<12288x128xf32, #tpu.memory_space<hbm>>) dst(%arg9 : memref<128x128xf32, #tpu.memory_space<vmem>>)
        %dma_start3A_71 = arith.constant 0 : i32
        %dma_start3A_72 = tpu.memref_slice %arg8[%add3A_52, %dma_start3A_71] : memref<40x128xi32, #tpu.memory_space<vmem>> -> memref<1x128xi32, #tpu.memory_space<vmem>>
        %dma_start3A_73 = tpu.memref_squeeze %dma_start3A_72 : memref<1x128xi32, #tpu.memory_space<vmem>> -> memref<128xi32, #tpu.memory_space<vmem>>
        %dma_start3A_74 = arith.constant 0 : i32
        %dma_start3A_75 = arith.constant 0 : i32
        %dma_start3A_76 = tpu.memref_slice %arg15[%dma_start3A_74, %dma_start3A_75] : memref<10240x128xf32, #tpu.memory_space<vmem_shared>> -> memref<10240x128xf32, #tpu.memory_space<vmem_shared>>
        tpu.enqueue_indirect_dma source(%arg9 : memref<128x128xf32, #tpu.memory_space<vmem>>) target(%dma_start3A_76 : memref<10240x128xf32, #tpu.memory_space<vmem_shared>>) offsets(%dma_start3A_73 : memref<128xi32, #tpu.memory_space<vmem>>) semaphore(%arg13 : memref<!tpu.dma_semaphore, #tpu.memory_space<semaphore_mem>>) {add = true}
        %mul3A_77 = arith.constant 2 : i32
        %mul3A_78 = arith.muli %mul3A_77, %scan3A_48 : i32
        %add3A_79 = arith.constant 1 : i32
        %add3A_80 = arith.addi %mul3A_78, %add3A_79 : i32
        %dma_wait3A_81 = arith.constant 0 : i32
        %dma_wait3A_82 = arith.constant 0 : i32
        %dma_wait3A_83 = tpu.memref_slice %arg4[%dma_wait3A_81, %dma_wait3A_82] : memref<12288x128xf32, #tpu.memory_space<hbm>> -> memref<128x128xf32, #tpu.memory_space<hbm>>
        %dma_wait3A_84 = arith.constant 0 : i32
        %dma_wait3A_85 = arith.constant 0 : i32
        %dma_wait3A_86 = tpu.memref_slice %arg4[%dma_wait3A_84, %dma_wait3A_85] : memref<12288x128xf32, #tpu.memory_space<hbm>> -> memref<128x128xf32, #tpu.memory_space<hbm>>
        tpu.wait_dma2 semaphore(%arg14 : memref<!tpu.dma_semaphore, #tpu.memory_space<semaphore_mem>>) src(%dma_wait3A_86 : memref<128x128xf32, #tpu.memory_space<hbm>>) dst(%arg10 : memref<128x128xf32, #tpu.memory_space<vmem>>)
        %dma_start3A_87 = arith.constant 0 : i32
        %dma_start3A_88 = tpu.memref_slice %arg7[%add3A_80, %dma_start3A_87] : memref<40x128xi32, #tpu.memory_space<vmem>> -> memref<1x128xi32, #tpu.memory_space<vmem>>
        %dma_start3A_89 = tpu.memref_squeeze %dma_start3A_88 : memref<1x128xi32, #tpu.memory_space<vmem>> -> memref<128xi32, #tpu.memory_space<vmem>>
        %dma_start3A_90 = arith.constant 0 : i32
        %dma_start3A_91 = arith.constant 0 : i32
        %dma_start3A_92 = tpu.memref_slice %arg4[%dma_start3A_90, %dma_start3A_91] : memref<12288x128xf32, #tpu.memory_space<hbm>> -> memref<12288x128xf32, #tpu.memory_space<hbm>>
        tpu.enqueue_indirect_dma source(%dma_start3A_92 : memref<12288x128xf32, #tpu.memory_space<hbm>>) target(%arg10 : memref<128x128xf32, #tpu.memory_space<vmem>>) offsets(%dma_start3A_89 : memref<128xi32, #tpu.memory_space<vmem>>) semaphore(%arg12 : memref<!tpu.dma_semaphore, #tpu.memory_space<semaphore_mem>>)
        %dma_wait3A_93 = arith.constant 0 : i32
        %dma_wait3A_94 = tpu.memref_slice %arg7[%add3A_80, %dma_wait3A_93] : memref<40x128xi32, #tpu.memory_space<vmem>> -> memref<1x128xi32, #tpu.memory_space<vmem>>
        %dma_wait3A_95 = tpu.memref_squeeze %dma_wait3A_94 : memref<1x128xi32, #tpu.memory_space<vmem>> -> memref<128xi32, #tpu.memory_space<vmem>>
        %dma_wait3A_96 = arith.constant 0 : i32
        %dma_wait3A_97 = arith.constant 0 : i32
        %dma_wait3A_98 = tpu.memref_slice %arg4[%dma_wait3A_96, %dma_wait3A_97] : memref<12288x128xf32, #tpu.memory_space<hbm>> -> memref<12288x128xf32, #tpu.memory_space<hbm>>
        tpu.wait_indirect_dma semaphore(%arg12 : memref<!tpu.dma_semaphore, #tpu.memory_space<semaphore_mem>>) src(%dma_wait3A_98 : memref<12288x128xf32, #tpu.memory_space<hbm>>) dst(%arg10 : memref<128x128xf32, #tpu.memory_space<vmem>>)
        %dma_start3A_99 = arith.constant 0 : i32
        %dma_start3A_100 = tpu.memref_slice %arg8[%add3A_80, %dma_start3A_99] : memref<40x128xi32, #tpu.memory_space<vmem>> -> memref<1x128xi32, #tpu.memory_space<vmem>>
        %dma_start3A_101 = tpu.memref_squeeze %dma_start3A_100 : memref<1x128xi32, #tpu.memory_space<vmem>> -> memref<128xi32, #tpu.memory_space<vmem>>
        %dma_start3A_102 = arith.constant 0 : i32
        %dma_start3A_103 = arith.constant 0 : i32
        %dma_start3A_104 = tpu.memref_slice %arg15[%dma_start3A_102, %dma_start3A_103] : memref<10240x128xf32, #tpu.memory_space<vmem_shared>> -> memref<10240x128xf32, #tpu.memory_space<vmem_shared>>
        tpu.enqueue_indirect_dma source(%arg10 : memref<128x128xf32, #tpu.memory_space<vmem>>) target(%dma_start3A_104 : memref<10240x128xf32, #tpu.memory_space<vmem_shared>>) offsets(%dma_start3A_101 : memref<128xi32, #tpu.memory_space<vmem>>) semaphore(%arg14 : memref<!tpu.dma_semaphore, #tpu.memory_space<semaphore_mem>>) {add = true}
      }
      %scan3A_47 = arith.constant 20 : i32
    }
    %scan3A_20 = arith.constant 2 : i32
    %dma_wait3A = arith.constant 0 : i32
    %dma_wait3A_21 = arith.constant 0 : i32
    %dma_wait3A_22 = tpu.memref_slice %arg4[%dma_wait3A, %dma_wait3A_21] : memref<12288x128xf32, #tpu.memory_space<hbm>> -> memref<128x128xf32, #tpu.memory_space<hbm>>
    %dma_wait3A_23 = arith.constant 0 : i32
    %dma_wait3A_24 = arith.constant 0 : i32
    %dma_wait3A_25 = tpu.memref_slice %arg4[%dma_wait3A_23, %dma_wait3A_24] : memref<12288x128xf32, #tpu.memory_space<hbm>> -> memref<128x128xf32, #tpu.memory_space<hbm>>
    tpu.wait_dma2 semaphore(%arg13 : memref<!tpu.dma_semaphore, #tpu.memory_space<semaphore_mem>>) src(%dma_wait3A_25 : memref<128x128xf32, #tpu.memory_space<hbm>>) dst(%arg9 : memref<128x128xf32, #tpu.memory_space<vmem>>)
    %dma_wait3A_26 = arith.constant 0 : i32
    %dma_wait3A_27 = arith.constant 0 : i32
    %dma_wait3A_28 = tpu.memref_slice %arg4[%dma_wait3A_26, %dma_wait3A_27] : memref<12288x128xf32, #tpu.memory_space<hbm>> -> memref<128x128xf32, #tpu.memory_space<hbm>>
    %dma_wait3A_29 = arith.constant 0 : i32
    %dma_wait3A_30 = arith.constant 0 : i32
    %dma_wait3A_31 = tpu.memref_slice %arg4[%dma_wait3A_29, %dma_wait3A_30] : memref<12288x128xf32, #tpu.memory_space<hbm>> -> memref<128x128xf32, #tpu.memory_space<hbm>>
    tpu.wait_dma2 semaphore(%arg14 : memref<!tpu.dma_semaphore, #tpu.memory_space<semaphore_mem>>) src(%dma_wait3A_31 : memref<128x128xf32, #tpu.memory_space<hbm>>) dst(%arg10 : memref<128x128xf32, #tpu.memory_space<vmem>>)
    %barrier3A_32 = arith.constant 0 : index
    tpu.barrier barrier_id(%barrier3A_32)
    %mul3A_33 = arith.constant 640 : i32
    %mul3A_34 = arith.muli %arg1, %mul3A_33 : i32
    %mul3A_35 = arith.constant 640 : i32
    %mul3A_36 = arith.muli %arg1, %mul3A_35 : i32
    "tpu.region"() ({
      %run_scoped3A = tpu.sem_alloc : memref<!tpu.dma_semaphore, #tpu.memory_space<semaphore_mem>>
      %dma_start3A_37 = arith.constant 0 : i32
      %dma_start3A_38 = tpu.memref_slice %arg6[%arg0, %mul3A_36, %dma_start3A_37] : memref<2x10240x128xf32, #tpu.memory_space<hbm>> -> memref<1x640x128xf32, #tpu.memory_space<hbm>>
      %dma_start3A_39 = tpu.memref_squeeze %dma_start3A_38 : memref<1x640x128xf32, #tpu.memory_space<hbm>> -> memref<640x128xf32, #tpu.memory_space<hbm>>
      %dma_start3A_40 = arith.constant 0 : i32
      %dma_start3A_41 = tpu.memref_slice %arg15[%mul3A_34, %dma_start3A_40] : memref<10240x128xf32, #tpu.memory_space<vmem_shared>> -> memref<640x128xf32, #tpu.memory_space<vmem_shared>>
      tpu.enqueue_dma source(%dma_start3A_41 : memref<640x128xf32, #tpu.memory_space<vmem_shared>>) target(%dma_start3A_39 : memref<640x128xf32, #tpu.memory_space<hbm>>) target_semaphore(%run_scoped3A : memref<!tpu.dma_semaphore, #tpu.memory_space<semaphore_mem>>)
      %dma_wait3A_42 = arith.constant 0 : i32
      %dma_wait3A_43 = tpu.memref_slice %arg6[%arg0, %mul3A_36, %dma_wait3A_42] : memref<2x10240x128xf32, #tpu.memory_space<hbm>> -> memref<1x640x128xf32, #tpu.memory_space<hbm>>
      %dma_wait3A_44 = tpu.memref_squeeze %dma_wait3A_43 : memref<1x640x128xf32, #tpu.memory_space<hbm>> -> memref<640x128xf32, #tpu.memory_space<hbm>>
      %dma_wait3A_45 = arith.constant 0 : i32
      %dma_wait3A_46 = tpu.memref_slice %arg15[%mul3A_34, %dma_wait3A_45] : memref<10240x128xf32, #tpu.memory_space<vmem_shared>> -> memref<640x128xf32, #tpu.memory_space<vmem_shared>>
      tpu.wait_dma2 semaphore(%run_scoped3A : memref<!tpu.dma_semaphore, #tpu.memory_space<semaphore_mem>>) src(%dma_wait3A_46 : memref<640x128xf32, #tpu.memory_space<vmem_shared>>) dst(%dma_wait3A_44 : memref<640x128xf32, #tpu.memory_space<hbm>>)
      tpu.yield
    }) : () -> ()
    return
  }
}

#map = affine_map<(d0, d1) -> (0, 0, 0)>
#map1 = affine_map<(d0, d1) -> (0, 0)>
module attributes {stable_mosaic.version = 14 : i64} {
  func.func @_emb_gather(%arg0: i32, %arg1: i32, %arg2: memref<32x3x128xi32, #tpu.memory_space<hbm>>, %arg3: memref<10000x128xf32, #tpu.memory_space<hbm>>, %arg4: memref<12288x128xf32, #tpu.memory_space<hbm>>, %arg5: memref<3x128xi32, #tpu.memory_space<vmem>>, %arg6: memref<128x128xf32, #tpu.memory_space<vmem>>, %arg7: memref<!tpu.dma_semaphore, #tpu.memory_space<semaphore_mem>>) attributes {dimension_semantics = [#tpu.dimension_semantics<core_parallel>, #tpu.dimension_semantics<subcore_parallel>], iteration_bounds = array<i64: 2, 16>, scalar_prefetch = 0 : i64, scratch_operands = 3 : i64, tpu.core_type = #tpu.core_type<sc_vector_subcore>, window_params = [{transform_indices = #map}, {transform_indices = #map1}, {transform_indices = #map1}]} {
    %mul3A = arith.constant 2 : i32
    %mul3A_0 = arith.muli %arg1, %mul3A : i32
    %add3A = arith.addi %mul3A_0, %arg0 : i32
    "tpu.region"() ({
      %run_scoped3A = tpu.sem_alloc : memref<!tpu.dma_semaphore, #tpu.memory_space<semaphore_mem>>
      %dma_start3A_59 = arith.constant 0 : i32
      %dma_start3A_60 = arith.constant 0 : i32
      %dma_start3A_61 = tpu.memref_slice %arg2[%add3A, %dma_start3A_59, %dma_start3A_60] : memref<32x3x128xi32, #tpu.memory_space<hbm>> -> memref<1x3x128xi32, #tpu.memory_space<hbm>>
      %dma_start3A_62 = tpu.memref_squeeze %dma_start3A_61 : memref<1x3x128xi32, #tpu.memory_space<hbm>> -> memref<3x128xi32, #tpu.memory_space<hbm>>
      %dma_start3A_63 = arith.constant 0 : i32
      %dma_start3A_64 = arith.constant 0 : i32
      %dma_start3A_65 = tpu.memref_slice %arg2[%add3A, %dma_start3A_63, %dma_start3A_64] : memref<32x3x128xi32, #tpu.memory_space<hbm>> -> memref<1x3x128xi32, #tpu.memory_space<hbm>>
      %dma_start3A_66 = tpu.memref_squeeze %dma_start3A_65 : memref<1x3x128xi32, #tpu.memory_space<hbm>> -> memref<3x128xi32, #tpu.memory_space<hbm>>
      tpu.enqueue_dma source(%dma_start3A_66 : memref<3x128xi32, #tpu.memory_space<hbm>>) target(%arg5 : memref<3x128xi32, #tpu.memory_space<vmem>>) target_semaphore(%run_scoped3A : memref<!tpu.dma_semaphore, #tpu.memory_space<semaphore_mem>>)
      %dma_wait3A_67 = arith.constant 0 : i32
      %dma_wait3A_68 = arith.constant 0 : i32
      %dma_wait3A_69 = tpu.memref_slice %arg2[%add3A, %dma_wait3A_67, %dma_wait3A_68] : memref<32x3x128xi32, #tpu.memory_space<hbm>> -> memref<1x3x128xi32, #tpu.memory_space<hbm>>
      %dma_wait3A_70 = tpu.memref_squeeze %dma_wait3A_69 : memref<1x3x128xi32, #tpu.memory_space<hbm>> -> memref<3x128xi32, #tpu.memory_space<hbm>>
      %dma_wait3A_71 = arith.constant 0 : i32
      %dma_wait3A_72 = arith.constant 0 : i32
      %dma_wait3A_73 = tpu.memref_slice %arg2[%add3A, %dma_wait3A_71, %dma_wait3A_72] : memref<32x3x128xi32, #tpu.memory_space<hbm>> -> memref<1x3x128xi32, #tpu.memory_space<hbm>>
      %dma_wait3A_74 = tpu.memref_squeeze %dma_wait3A_73 : memref<1x3x128xi32, #tpu.memory_space<hbm>> -> memref<3x128xi32, #tpu.memory_space<hbm>>
      tpu.wait_dma2 semaphore(%run_scoped3A : memref<!tpu.dma_semaphore, #tpu.memory_space<semaphore_mem>>) src(%dma_wait3A_74 : memref<3x128xi32, #tpu.memory_space<hbm>>) dst(%arg5 : memref<3x128xi32, #tpu.memory_space<vmem>>)
      tpu.yield
    }) : () -> ()
    %dma_start3A = arith.constant 0 : i32
    %dma_start3A_1 = arith.constant 0 : i32
    %dma_start3A_2 = tpu.memref_slice %arg5[%dma_start3A, %dma_start3A_1] : memref<3x128xi32, #tpu.memory_space<vmem>> -> memref<1x128xi32, #tpu.memory_space<vmem>>
    %dma_start3A_3 = tpu.memref_squeeze %dma_start3A_2 : memref<1x128xi32, #tpu.memory_space<vmem>> -> memref<128xi32, #tpu.memory_space<vmem>>
    %dma_start3A_4 = arith.constant 0 : i32
    %dma_start3A_5 = arith.constant 0 : i32
    %dma_start3A_6 = tpu.memref_slice %arg3[%dma_start3A_4, %dma_start3A_5] : memref<10000x128xf32, #tpu.memory_space<hbm>> -> memref<10000x128xf32, #tpu.memory_space<hbm>>
    tpu.enqueue_indirect_dma source(%dma_start3A_6 : memref<10000x128xf32, #tpu.memory_space<hbm>>) target(%arg6 : memref<128x128xf32, #tpu.memory_space<vmem>>) offsets(%dma_start3A_3 : memref<128xi32, #tpu.memory_space<vmem>>) semaphore(%arg7 : memref<!tpu.dma_semaphore, #tpu.memory_space<semaphore_mem>>)
    %dma_wait3A = arith.constant 0 : i32
    %dma_wait3A_7 = arith.constant 0 : i32
    %dma_wait3A_8 = tpu.memref_slice %arg5[%dma_wait3A, %dma_wait3A_7] : memref<3x128xi32, #tpu.memory_space<vmem>> -> memref<1x128xi32, #tpu.memory_space<vmem>>
    %dma_wait3A_9 = tpu.memref_squeeze %dma_wait3A_8 : memref<1x128xi32, #tpu.memory_space<vmem>> -> memref<128xi32, #tpu.memory_space<vmem>>
    %dma_wait3A_10 = arith.constant 0 : i32
    %dma_wait3A_11 = arith.constant 0 : i32
    %dma_wait3A_12 = tpu.memref_slice %arg3[%dma_wait3A_10, %dma_wait3A_11] : memref<10000x128xf32, #tpu.memory_space<hbm>> -> memref<10000x128xf32, #tpu.memory_space<hbm>>
    tpu.wait_indirect_dma semaphore(%arg7 : memref<!tpu.dma_semaphore, #tpu.memory_space<semaphore_mem>>) src(%dma_wait3A_12 : memref<10000x128xf32, #tpu.memory_space<hbm>>) dst(%arg6 : memref<128x128xf32, #tpu.memory_space<vmem>>)
    %mul3A_13 = arith.constant 3 : i32
    %mul3A_14 = arith.muli %add3A, %mul3A_13 : i32
    %add3A_15 = arith.constant 0 : i32
    %add3A_16 = arith.addi %mul3A_14, %add3A_15 : i32
    %mul3A_17 = arith.constant 128 : i32
    %mul3A_18 = arith.muli %add3A_16, %mul3A_17 : i32
    "tpu.region"() ({
      %run_scoped3A = tpu.sem_alloc : memref<!tpu.dma_semaphore, #tpu.memory_space<semaphore_mem>>
      %dma_start3A_59 = arith.constant 0 : i32
      %dma_start3A_60 = tpu.memref_slice %arg4[%mul3A_18, %dma_start3A_59] : memref<12288x128xf32, #tpu.memory_space<hbm>> -> memref<128x128xf32, #tpu.memory_space<hbm>>
      %dma_start3A_61 = arith.constant 0 : i32
      %dma_start3A_62 = tpu.memref_slice %arg4[%mul3A_18, %dma_start3A_61] : memref<12288x128xf32, #tpu.memory_space<hbm>> -> memref<128x128xf32, #tpu.memory_space<hbm>>
      tpu.enqueue_dma source(%arg6 : memref<128x128xf32, #tpu.memory_space<vmem>>) target(%dma_start3A_62 : memref<128x128xf32, #tpu.memory_space<hbm>>) target_semaphore(%run_scoped3A : memref<!tpu.dma_semaphore, #tpu.memory_space<semaphore_mem>>)
      %dma_wait3A_63 = arith.constant 0 : i32
      %dma_wait3A_64 = tpu.memref_slice %arg4[%mul3A_18, %dma_wait3A_63] : memref<12288x128xf32, #tpu.memory_space<hbm>> -> memref<128x128xf32, #tpu.memory_space<hbm>>
      %dma_wait3A_65 = arith.constant 0 : i32
      %dma_wait3A_66 = tpu.memref_slice %arg4[%mul3A_18, %dma_wait3A_65] : memref<12288x128xf32, #tpu.memory_space<hbm>> -> memref<128x128xf32, #tpu.memory_space<hbm>>
      tpu.wait_dma2 semaphore(%run_scoped3A : memref<!tpu.dma_semaphore, #tpu.memory_space<semaphore_mem>>) src(%arg6 : memref<128x128xf32, #tpu.memory_space<vmem>>) dst(%dma_wait3A_66 : memref<128x128xf32, #tpu.memory_space<hbm>>)
      tpu.yield
    }) : () -> ()
    %dma_start3A_19 = arith.constant 1 : i32
    %dma_start3A_20 = arith.constant 0 : i32
    %dma_start3A_21 = tpu.memref_slice %arg5[%dma_start3A_19, %dma_start3A_20] : memref<3x128xi32, #tpu.memory_space<vmem>> -> memref<1x128xi32, #tpu.memory_space<vmem>>
    %dma_start3A_22 = tpu.memref_squeeze %dma_start3A_21 : memref<1x128xi32, #tpu.memory_space<vmem>> -> memref<128xi32, #tpu.memory_space<vmem>>
    %dma_start3A_23 = arith.constant 0 : i32
    %dma_start3A_24 = arith.constant 0 : i32
    %dma_start3A_25 = tpu.memref_slice %arg3[%dma_start3A_23, %dma_start3A_24] : memref<10000x128xf32, #tpu.memory_space<hbm>> -> memref<10000x128xf32, #tpu.memory_space<hbm>>
    tpu.enqueue_indirect_dma source(%dma_start3A_25 : memref<10000x128xf32, #tpu.memory_space<hbm>>) target(%arg6 : memref<128x128xf32, #tpu.memory_space<vmem>>) offsets(%dma_start3A_22 : memref<128xi32, #tpu.memory_space<vmem>>) semaphore(%arg7 : memref<!tpu.dma_semaphore, #tpu.memory_space<semaphore_mem>>)
    %dma_wait3A_26 = arith.constant 1 : i32
    %dma_wait3A_27 = arith.constant 0 : i32
    %dma_wait3A_28 = tpu.memref_slice %arg5[%dma_wait3A_26, %dma_wait3A_27] : memref<3x128xi32, #tpu.memory_space<vmem>> -> memref<1x128xi32, #tpu.memory_space<vmem>>
    %dma_wait3A_29 = tpu.memref_squeeze %dma_wait3A_28 : memref<1x128xi32, #tpu.memory_space<vmem>> -> memref<128xi32, #tpu.memory_space<vmem>>
    %dma_wait3A_30 = arith.constant 0 : i32
    %dma_wait3A_31 = arith.constant 0 : i32
    %dma_wait3A_32 = tpu.memref_slice %arg3[%dma_wait3A_30, %dma_wait3A_31] : memref<10000x128xf32, #tpu.memory_space<hbm>> -> memref<10000x128xf32, #tpu.memory_space<hbm>>
    tpu.wait_indirect_dma semaphore(%arg7 : memref<!tpu.dma_semaphore, #tpu.memory_space<semaphore_mem>>) src(%dma_wait3A_32 : memref<10000x128xf32, #tpu.memory_space<hbm>>) dst(%arg6 : memref<128x128xf32, #tpu.memory_space<vmem>>)
    %mul3A_33 = arith.constant 3 : i32
    %mul3A_34 = arith.muli %add3A, %mul3A_33 : i32
    %add3A_35 = arith.constant 1 : i32
    %add3A_36 = arith.addi %mul3A_34, %add3A_35 : i32
    %mul3A_37 = arith.constant 128 : i32
    %mul3A_38 = arith.muli %add3A_36, %mul3A_37 : i32
    "tpu.region"() ({
      %run_scoped3A = tpu.sem_alloc : memref<!tpu.dma_semaphore, #tpu.memory_space<semaphore_mem>>
      %dma_start3A_59 = arith.constant 0 : i32
      %dma_start3A_60 = tpu.memref_slice %arg4[%mul3A_38, %dma_start3A_59] : memref<12288x128xf32, #tpu.memory_space<hbm>> -> memref<128x128xf32, #tpu.memory_space<hbm>>
      %dma_start3A_61 = arith.constant 0 : i32
      %dma_start3A_62 = tpu.memref_slice %arg4[%mul3A_38, %dma_start3A_61] : memref<12288x128xf32, #tpu.memory_space<hbm>> -> memref<128x128xf32, #tpu.memory_space<hbm>>
      tpu.enqueue_dma source(%arg6 : memref<128x128xf32, #tpu.memory_space<vmem>>) target(%dma_start3A_62 : memref<128x128xf32, #tpu.memory_space<hbm>>) target_semaphore(%run_scoped3A : memref<!tpu.dma_semaphore, #tpu.memory_space<semaphore_mem>>)
      %dma_wait3A_63 = arith.constant 0 : i32
      %dma_wait3A_64 = tpu.memref_slice %arg4[%mul3A_38, %dma_wait3A_63] : memref<12288x128xf32, #tpu.memory_space<hbm>> -> memref<128x128xf32, #tpu.memory_space<hbm>>
      %dma_wait3A_65 = arith.constant 0 : i32
      %dma_wait3A_66 = tpu.memref_slice %arg4[%mul3A_38, %dma_wait3A_65] : memref<12288x128xf32, #tpu.memory_space<hbm>> -> memref<128x128xf32, #tpu.memory_space<hbm>>
      tpu.wait_dma2 semaphore(%run_scoped3A : memref<!tpu.dma_semaphore, #tpu.memory_space<semaphore_mem>>) src(%arg6 : memref<128x128xf32, #tpu.memory_space<vmem>>) dst(%dma_wait3A_66 : memref<128x128xf32, #tpu.memory_space<hbm>>)
      tpu.yield
    }) : () -> ()
    %dma_start3A_39 = arith.constant 2 : i32
    %dma_start3A_40 = arith.constant 0 : i32
    %dma_start3A_41 = tpu.memref_slice %arg5[%dma_start3A_39, %dma_start3A_40] : memref<3x128xi32, #tpu.memory_space<vmem>> -> memref<1x128xi32, #tpu.memory_space<vmem>>
    %dma_start3A_42 = tpu.memref_squeeze %dma_start3A_41 : memref<1x128xi32, #tpu.memory_space<vmem>> -> memref<128xi32, #tpu.memory_space<vmem>>
    %dma_start3A_43 = arith.constant 0 : i32
    %dma_start3A_44 = arith.constant 0 : i32
    %dma_start3A_45 = tpu.memref_slice %arg3[%dma_start3A_43, %dma_start3A_44] : memref<10000x128xf32, #tpu.memory_space<hbm>> -> memref<10000x128xf32, #tpu.memory_space<hbm>>
    tpu.enqueue_indirect_dma source(%dma_start3A_45 : memref<10000x128xf32, #tpu.memory_space<hbm>>) target(%arg6 : memref<128x128xf32, #tpu.memory_space<vmem>>) offsets(%dma_start3A_42 : memref<128xi32, #tpu.memory_space<vmem>>) semaphore(%arg7 : memref<!tpu.dma_semaphore, #tpu.memory_space<semaphore_mem>>)
    %dma_wait3A_46 = arith.constant 2 : i32
    %dma_wait3A_47 = arith.constant 0 : i32
    %dma_wait3A_48 = tpu.memref_slice %arg5[%dma_wait3A_46, %dma_wait3A_47] : memref<3x128xi32, #tpu.memory_space<vmem>> -> memref<1x128xi32, #tpu.memory_space<vmem>>
    %dma_wait3A_49 = tpu.memref_squeeze %dma_wait3A_48 : memref<1x128xi32, #tpu.memory_space<vmem>> -> memref<128xi32, #tpu.memory_space<vmem>>
    %dma_wait3A_50 = arith.constant 0 : i32
    %dma_wait3A_51 = arith.constant 0 : i32
    %dma_wait3A_52 = tpu.memref_slice %arg3[%dma_wait3A_50, %dma_wait3A_51] : memref<10000x128xf32, #tpu.memory_space<hbm>> -> memref<10000x128xf32, #tpu.memory_space<hbm>>
    tpu.wait_indirect_dma semaphore(%arg7 : memref<!tpu.dma_semaphore, #tpu.memory_space<semaphore_mem>>) src(%dma_wait3A_52 : memref<10000x128xf32, #tpu.memory_space<hbm>>) dst(%arg6 : memref<128x128xf32, #tpu.memory_space<vmem>>)
    %mul3A_53 = arith.constant 3 : i32
    %mul3A_54 = arith.muli %add3A, %mul3A_53 : i32
    %add3A_55 = arith.constant 2 : i32
    %add3A_56 = arith.addi %mul3A_54, %add3A_55 : i32
    %mul3A_57 = arith.constant 128 : i32
    %mul3A_58 = arith.muli %add3A_56, %mul3A_57 : i32
    "tpu.region"() ({
      %run_scoped3A = tpu.sem_alloc : memref<!tpu.dma_semaphore, #tpu.memory_space<semaphore_mem>>
      %dma_start3A_59 = arith.constant 0 : i32
      %dma_start3A_60 = tpu.memref_slice %arg4[%mul3A_58, %dma_start3A_59] : memref<12288x128xf32, #tpu.memory_space<hbm>> -> memref<128x128xf32, #tpu.memory_space<hbm>>
      %dma_start3A_61 = arith.constant 0 : i32
      %dma_start3A_62 = tpu.memref_slice %arg4[%mul3A_58, %dma_start3A_61] : memref<12288x128xf32, #tpu.memory_space<hbm>> -> memref<128x128xf32, #tpu.memory_space<hbm>>
      tpu.enqueue_dma source(%arg6 : memref<128x128xf32, #tpu.memory_space<vmem>>) target(%dma_start3A_62 : memref<128x128xf32, #tpu.memory_space<hbm>>) target_semaphore(%run_scoped3A : memref<!tpu.dma_semaphore, #tpu.memory_space<semaphore_mem>>)
      %dma_wait3A_63 = arith.constant 0 : i32
      %dma_wait3A_64 = tpu.memref_slice %arg4[%mul3A_58, %dma_wait3A_63] : memref<12288x128xf32, #tpu.memory_space<hbm>> -> memref<128x128xf32, #tpu.memory_space<hbm>>
      %dma_wait3A_65 = arith.constant 0 : i32
      %dma_wait3A_66 = tpu.memref_slice %arg4[%mul3A_58, %dma_wait3A_65] : memref<12288x128xf32, #tpu.memory_space<hbm>> -> memref<128x128xf32, #tpu.memory_space<hbm>>
      tpu.wait_dma2 semaphore(%run_scoped3A : memref<!tpu.dma_semaphore, #tpu.memory_space<semaphore_mem>>) src(%arg6 : memref<128x128xf32, #tpu.memory_space<vmem>>) dst(%dma_wait3A_66 : memref<128x128xf32, #tpu.memory_space<hbm>>)
      tpu.yield
    }) : () -> ()
    return
  }
}

#map = affine_map<(d0, d1) -> (0, 0, 0)>
#map1 = affine_map<(d0, d1) -> (0, 0)>
module attributes {stable_mosaic.version = 14 : i64} {
  func.func @_edge_agg(%arg0: i32, %arg1: i32, %arg2: memref<32x80x128xi32, #tpu.memory_space<hbm>>, %arg3: memref<32x80x128xi32, #tpu.memory_space<hbm>>, %arg4: memref<12288x128xf32, #tpu.memory_space<hbm>>, %arg5: memref<10240x128xf32, #tpu.memory_space<hbm>>, %arg6: memref<2x10240x128xf32, #tpu.memory_space<hbm>>, %arg7: memref<40x128xi32, #tpu.memory_space<vmem>>, %arg8: memref<40x128xi32, #tpu.memory_space<vmem>>, %arg9: memref<128x128xf32, #tpu.memory_space<vmem>>, %arg10: memref<128x128xf32, #tpu.memory_space<vmem>>, %arg11: memref<!tpu.dma_semaphore, #tpu.memory_space<semaphore_mem>>, %arg12: memref<!tpu.dma_semaphore, #tpu.memory_space<semaphore_mem>>, %arg13: memref<!tpu.dma_semaphore, #tpu.memory_space<semaphore_mem>>, %arg14: memref<!tpu.dma_semaphore, #tpu.memory_space<semaphore_mem>>, %arg15: memref<10240x128xf32, #tpu.memory_space<vmem_shared>>) attributes {dimension_semantics = [#tpu.dimension_semantics<core_parallel>, #tpu.dimension_semantics<subcore_parallel>], iteration_bounds = array<i64: 2, 16>, scalar_prefetch = 0 : i64, scratch_operands = 9 : i64, tpu.core_type = #tpu.core_type<sc_vector_subcore>, window_params = [{transform_indices = #map}, {transform_indices = #map}, {transform_indices = #map1}, {transform_indices = #map1}, {transform_indices = #map}]} {
    %mul3A = arith.constant 2 : i32
    %mul3A_0 = arith.muli %arg1, %mul3A : i32
    %add3A = arith.addi %mul3A_0, %arg0 : i32
    %mul3A_1 = arith.constant 640 : i32
    %mul3A_2 = arith.muli %arg1, %mul3A_1 : i32
    %mul3A_3 = arith.constant 640 : i32
    %mul3A_4 = arith.muli %arg1, %mul3A_3 : i32
    "tpu.region"() ({
      %run_scoped3A = tpu.sem_alloc : memref<!tpu.dma_semaphore, #tpu.memory_space<semaphore_mem>>
      %dma_start3A_37 = arith.constant 0 : i32
      %dma_start3A_38 = tpu.memref_slice %arg15[%mul3A_4, %dma_start3A_37] : memref<10240x128xf32, #tpu.memory_space<vmem_shared>> -> memref<640x128xf32, #tpu.memory_space<vmem_shared>>
      %dma_start3A_39 = arith.constant 0 : i32
      %dma_start3A_40 = tpu.memref_slice %arg5[%mul3A_2, %dma_start3A_39] : memref<10240x128xf32, #tpu.memory_space<hbm>> -> memref<640x128xf32, #tpu.memory_space<hbm>>
      tpu.enqueue_dma source(%dma_start3A_40 : memref<640x128xf32, #tpu.memory_space<hbm>>) target(%dma_start3A_38 : memref<640x128xf32, #tpu.memory_space<vmem_shared>>) target_semaphore(%run_scoped3A : memref<!tpu.dma_semaphore, #tpu.memory_space<semaphore_mem>>)
      %dma_wait3A_41 = arith.constant 0 : i32
      %dma_wait3A_42 = tpu.memref_slice %arg15[%mul3A_4, %dma_wait3A_41] : memref<10240x128xf32, #tpu.memory_space<vmem_shared>> -> memref<640x128xf32, #tpu.memory_space<vmem_shared>>
      %dma_wait3A_43 = arith.constant 0 : i32
      %dma_wait3A_44 = tpu.memref_slice %arg5[%mul3A_2, %dma_wait3A_43] : memref<10240x128xf32, #tpu.memory_space<hbm>> -> memref<640x128xf32, #tpu.memory_space<hbm>>
      tpu.wait_dma2 semaphore(%run_scoped3A : memref<!tpu.dma_semaphore, #tpu.memory_space<semaphore_mem>>) src(%dma_wait3A_44 : memref<640x128xf32, #tpu.memory_space<hbm>>) dst(%dma_wait3A_42 : memref<640x128xf32, #tpu.memory_space<vmem_shared>>)
      tpu.yield
    }) : () -> ()
    %dma_start3A = arith.constant 0 : i32
    %dma_start3A_5 = arith.constant 0 : i32
    %dma_start3A_6 = tpu.memref_slice %arg4[%dma_start3A, %dma_start3A_5] : memref<12288x128xf32, #tpu.memory_space<hbm>> -> memref<128x128xf32, #tpu.memory_space<hbm>>
    %dma_start3A_7 = arith.constant 0 : i32
    %dma_start3A_8 = arith.constant 0 : i32
    %dma_start3A_9 = tpu.memref_slice %arg4[%dma_start3A_7, %dma_start3A_8] : memref<12288x128xf32, #tpu.memory_space<hbm>> -> memref<128x128xf32, #tpu.memory_space<hbm>>
    tpu.enqueue_dma source(%dma_start3A_9 : memref<128x128xf32, #tpu.memory_space<hbm>>) target(%arg9 : memref<128x128xf32, #tpu.memory_space<vmem>>) target_semaphore(%arg13 : memref<!tpu.dma_semaphore, #tpu.memory_space<semaphore_mem>>)
    %dma_start3A_10 = arith.constant 0 : i32
    %dma_start3A_11 = arith.constant 0 : i32
    %dma_start3A_12 = tpu.memref_slice %arg4[%dma_start3A_10, %dma_start3A_11] : memref<12288x128xf32, #tpu.memory_space<hbm>> -> memref<128x128xf32, #tpu.memory_space<hbm>>
    %dma_start3A_13 = arith.constant 0 : i32
    %dma_start3A_14 = arith.constant 0 : i32
    %dma_start3A_15 = tpu.memref_slice %arg4[%dma_start3A_13, %dma_start3A_14] : memref<12288x128xf32, #tpu.memory_space<hbm>> -> memref<128x128xf32, #tpu.memory_space<hbm>>
    tpu.enqueue_dma source(%dma_start3A_15 : memref<128x128xf32, #tpu.memory_space<hbm>>) target(%arg10 : memref<128x128xf32, #tpu.memory_space<vmem>>) target_semaphore(%arg14 : memref<!tpu.dma_semaphore, #tpu.memory_space<semaphore_mem>>)
    %barrier3A = arith.constant 0 : index
    tpu.barrier barrier_id(%barrier3A)
    %scan3A = arith.constant 0 : i32
    %scan3A_16 = arith.constant 0 : i32
    %scan3A_17 = arith.constant 2 : i32
    %scan3A_18 = arith.addi %scan3A_16, %scan3A_17 : i32
    %scan3A_19 = arith.constant 1 : i32
    scf.for %scan3A_37 = %scan3A_16 to %scan3A_18 step %scan3A_19  : i32 {
      %mul3A_38 = arith.constant 40 : i32
      %mul3A_39 = arith.muli %scan3A_37, %mul3A_38 : i32
      "tpu.region"() ({
        %run_scoped3A = tpu.sem_alloc : memref<!tpu.dma_semaphore, #tpu.memory_space<semaphore_mem>>
        %dma_start3A_48 = arith.constant 0 : i32
        %dma_start3A_49 = tpu.memref_slice %arg2[%add3A, %mul3A_39, %dma_start3A_48] : memref<32x80x128xi32, #tpu.memory_space<hbm>> -> memref<1x40x128xi32, #tpu.memory_space<hbm>>
        %dma_start3A_50 = tpu.memref_squeeze %dma_start3A_49 : memref<1x40x128xi32, #tpu.memory_space<hbm>> -> memref<40x128xi32, #tpu.memory_space<hbm>>
        %dma_start3A_51 = arith.constant 0 : i32
        %dma_start3A_52 = tpu.memref_slice %arg2[%add3A, %mul3A_39, %dma_start3A_51] : memref<32x80x128xi32, #tpu.memory_space<hbm>> -> memref<1x40x128xi32, #tpu.memory_space<hbm>>
        %dma_start3A_53 = tpu.memref_squeeze %dma_start3A_52 : memref<1x40x128xi32, #tpu.memory_space<hbm>> -> memref<40x128xi32, #tpu.memory_space<hbm>>
        tpu.enqueue_dma source(%dma_start3A_53 : memref<40x128xi32, #tpu.memory_space<hbm>>) target(%arg7 : memref<40x128xi32, #tpu.memory_space<vmem>>) target_semaphore(%run_scoped3A : memref<!tpu.dma_semaphore, #tpu.memory_space<semaphore_mem>>)
        %dma_wait3A_54 = arith.constant 0 : i32
        %dma_wait3A_55 = tpu.memref_slice %arg2[%add3A, %mul3A_39, %dma_wait3A_54] : memref<32x80x128xi32, #tpu.memory_space<hbm>> -> memref<1x40x128xi32, #tpu.memory_space<hbm>>
        %dma_wait3A_56 = tpu.memref_squeeze %dma_wait3A_55 : memref<1x40x128xi32, #tpu.memory_space<hbm>> -> memref<40x128xi32, #tpu.memory_space<hbm>>
        %dma_wait3A_57 = arith.constant 0 : i32
        %dma_wait3A_58 = tpu.memref_slice %arg2[%add3A, %mul3A_39, %dma_wait3A_57] : memref<32x80x128xi32, #tpu.memory_space<hbm>> -> memref<1x40x128xi32, #tpu.memory_space<hbm>>
        %dma_wait3A_59 = tpu.memref_squeeze %dma_wait3A_58 : memref<1x40x128xi32, #tpu.memory_space<hbm>> -> memref<40x128xi32, #tpu.memory_space<hbm>>
        tpu.wait_dma2 semaphore(%run_scoped3A : memref<!tpu.dma_semaphore, #tpu.memory_space<semaphore_mem>>) src(%dma_wait3A_59 : memref<40x128xi32, #tpu.memory_space<hbm>>) dst(%arg7 : memref<40x128xi32, #tpu.memory_space<vmem>>)
        tpu.yield
      }) : () -> ()
      %mul3A_40 = arith.constant 40 : i32
      %mul3A_41 = arith.muli %scan3A_37, %mul3A_40 : i32
      "tpu.region"() ({
        %run_scoped3A = tpu.sem_alloc : memref<!tpu.dma_semaphore, #tpu.memory_space<semaphore_mem>>
        %dma_start3A_48 = arith.constant 0 : i32
        %dma_start3A_49 = tpu.memref_slice %arg3[%add3A, %mul3A_41, %dma_start3A_48] : memref<32x80x128xi32, #tpu.memory_space<hbm>> -> memref<1x40x128xi32, #tpu.memory_space<hbm>>
        %dma_start3A_50 = tpu.memref_squeeze %dma_start3A_49 : memref<1x40x128xi32, #tpu.memory_space<hbm>> -> memref<40x128xi32, #tpu.memory_space<hbm>>
        %dma_start3A_51 = arith.constant 0 : i32
        %dma_start3A_52 = tpu.memref_slice %arg3[%add3A, %mul3A_41, %dma_start3A_51] : memref<32x80x128xi32, #tpu.memory_space<hbm>> -> memref<1x40x128xi32, #tpu.memory_space<hbm>>
        %dma_start3A_53 = tpu.memref_squeeze %dma_start3A_52 : memref<1x40x128xi32, #tpu.memory_space<hbm>> -> memref<40x128xi32, #tpu.memory_space<hbm>>
        tpu.enqueue_dma source(%dma_start3A_53 : memref<40x128xi32, #tpu.memory_space<hbm>>) target(%arg8 : memref<40x128xi32, #tpu.memory_space<vmem>>) target_semaphore(%run_scoped3A : memref<!tpu.dma_semaphore, #tpu.memory_space<semaphore_mem>>)
        %dma_wait3A_54 = arith.constant 0 : i32
        %dma_wait3A_55 = tpu.memref_slice %arg3[%add3A, %mul3A_41, %dma_wait3A_54] : memref<32x80x128xi32, #tpu.memory_space<hbm>> -> memref<1x40x128xi32, #tpu.memory_space<hbm>>
        %dma_wait3A_56 = tpu.memref_squeeze %dma_wait3A_55 : memref<1x40x128xi32, #tpu.memory_space<hbm>> -> memref<40x128xi32, #tpu.memory_space<hbm>>
        %dma_wait3A_57 = arith.constant 0 : i32
        %dma_wait3A_58 = tpu.memref_slice %arg3[%add3A, %mul3A_41, %dma_wait3A_57] : memref<32x80x128xi32, #tpu.memory_space<hbm>> -> memref<1x40x128xi32, #tpu.memory_space<hbm>>
        %dma_wait3A_59 = tpu.memref_squeeze %dma_wait3A_58 : memref<1x40x128xi32, #tpu.memory_space<hbm>> -> memref<40x128xi32, #tpu.memory_space<hbm>>
        tpu.wait_dma2 semaphore(%run_scoped3A : memref<!tpu.dma_semaphore, #tpu.memory_space<semaphore_mem>>) src(%dma_wait3A_59 : memref<40x128xi32, #tpu.memory_space<hbm>>) dst(%arg8 : memref<40x128xi32, #tpu.memory_space<vmem>>)
        tpu.yield
      }) : () -> ()
      %scan3A_42 = arith.constant 0 : i32
      %scan3A_43 = arith.constant 0 : i32
      %scan3A_44 = arith.constant 20 : i32
      %scan3A_45 = arith.addi %scan3A_43, %scan3A_44 : i32
      %scan3A_46 = arith.constant 1 : i32
      scf.for %scan3A_48 = %scan3A_43 to %scan3A_45 step %scan3A_46  : i32 {
        %mul3A_49 = arith.constant 2 : i32
        %mul3A_50 = arith.muli %mul3A_49, %scan3A_48 : i32
        %add3A_51 = arith.constant 0 : i32
        %add3A_52 = arith.addi %mul3A_50, %add3A_51 : i32
        %dma_wait3A_53 = arith.constant 0 : i32
        %dma_wait3A_54 = arith.constant 0 : i32
        %dma_wait3A_55 = tpu.memref_slice %arg4[%dma_wait3A_53, %dma_wait3A_54] : memref<12288x128xf32, #tpu.memory_space<hbm>> -> memref<128x128xf32, #tpu.memory_space<hbm>>
        %dma_wait3A_56 = arith.constant 0 : i32
        %dma_wait3A_57 = arith.constant 0 : i32
        %dma_wait3A_58 = tpu.memref_slice %arg4[%dma_wait3A_56, %dma_wait3A_57] : memref<12288x128xf32, #tpu.memory_space<hbm>> -> memref<128x128xf32, #tpu.memory_space<hbm>>
        tpu.wait_dma2 semaphore(%arg13 : memref<!tpu.dma_semaphore, #tpu.memory_space<semaphore_mem>>) src(%dma_wait3A_58 : memref<128x128xf32, #tpu.memory_space<hbm>>) dst(%arg9 : memref<128x128xf32, #tpu.memory_space<vmem>>)
        %dma_start3A_59 = arith.constant 0 : i32
        %dma_start3A_60 = tpu.memref_slice %arg7[%add3A_52, %dma_start3A_59] : memref<40x128xi32, #tpu.memory_space<vmem>> -> memref<1x128xi32, #tpu.memory_space<vmem>>
        %dma_start3A_61 = tpu.memref_squeeze %dma_start3A_60 : memref<1x128xi32, #tpu.memory_space<vmem>> -> memref<128xi32, #tpu.memory_space<vmem>>
        %dma_start3A_62 = arith.constant 0 : i32
        %dma_start3A_63 = arith.constant 0 : i32
        %dma_start3A_64 = tpu.memref_slice %arg4[%dma_start3A_62, %dma_start3A_63] : memref<12288x128xf32, #tpu.memory_space<hbm>> -> memref<12288x128xf32, #tpu.memory_space<hbm>>
        tpu.enqueue_indirect_dma source(%dma_start3A_64 : memref<12288x128xf32, #tpu.memory_space<hbm>>) target(%arg9 : memref<128x128xf32, #tpu.memory_space<vmem>>) offsets(%dma_start3A_61 : memref<128xi32, #tpu.memory_space<vmem>>) semaphore(%arg11 : memref<!tpu.dma_semaphore, #tpu.memory_space<semaphore_mem>>)
        %dma_wait3A_65 = arith.constant 0 : i32
        %dma_wait3A_66 = tpu.memref_slice %arg7[%add3A_52, %dma_wait3A_65] : memref<40x128xi32, #tpu.memory_space<vmem>> -> memref<1x128xi32, #tpu.memory_space<vmem>>
        %dma_wait3A_67 = tpu.memref_squeeze %dma_wait3A_66 : memref<1x128xi32, #tpu.memory_space<vmem>> -> memref<128xi32, #tpu.memory_space<vmem>>
        %dma_wait3A_68 = arith.constant 0 : i32
        %dma_wait3A_69 = arith.constant 0 : i32
        %dma_wait3A_70 = tpu.memref_slice %arg4[%dma_wait3A_68, %dma_wait3A_69] : memref<12288x128xf32, #tpu.memory_space<hbm>> -> memref<12288x128xf32, #tpu.memory_space<hbm>>
        tpu.wait_indirect_dma semaphore(%arg11 : memref<!tpu.dma_semaphore, #tpu.memory_space<semaphore_mem>>) src(%dma_wait3A_70 : memref<12288x128xf32, #tpu.memory_space<hbm>>) dst(%arg9 : memref<128x128xf32, #tpu.memory_space<vmem>>)
        %dma_start3A_71 = arith.constant 0 : i32
        %dma_start3A_72 = tpu.memref_slice %arg8[%add3A_52, %dma_start3A_71] : memref<40x128xi32, #tpu.memory_space<vmem>> -> memref<1x128xi32, #tpu.memory_space<vmem>>
        %dma_start3A_73 = tpu.memref_squeeze %dma_start3A_72 : memref<1x128xi32, #tpu.memory_space<vmem>> -> memref<128xi32, #tpu.memory_space<vmem>>
        %dma_start3A_74 = arith.constant 0 : i32
        %dma_start3A_75 = arith.constant 0 : i32
        %dma_start3A_76 = tpu.memref_slice %arg15[%dma_start3A_74, %dma_start3A_75] : memref<10240x128xf32, #tpu.memory_space<vmem_shared>> -> memref<10240x128xf32, #tpu.memory_space<vmem_shared>>
        tpu.enqueue_indirect_dma source(%arg9 : memref<128x128xf32, #tpu.memory_space<vmem>>) target(%dma_start3A_76 : memref<10240x128xf32, #tpu.memory_space<vmem_shared>>) offsets(%dma_start3A_73 : memref<128xi32, #tpu.memory_space<vmem>>) semaphore(%arg13 : memref<!tpu.dma_semaphore, #tpu.memory_space<semaphore_mem>>) {add = true}
        %mul3A_77 = arith.constant 2 : i32
        %mul3A_78 = arith.muli %mul3A_77, %scan3A_48 : i32
        %add3A_79 = arith.constant 1 : i32
        %add3A_80 = arith.addi %mul3A_78, %add3A_79 : i32
        %dma_wait3A_81 = arith.constant 0 : i32
        %dma_wait3A_82 = arith.constant 0 : i32
        %dma_wait3A_83 = tpu.memref_slice %arg4[%dma_wait3A_81, %dma_wait3A_82] : memref<12288x128xf32, #tpu.memory_space<hbm>> -> memref<128x128xf32, #tpu.memory_space<hbm>>
        %dma_wait3A_84 = arith.constant 0 : i32
        %dma_wait3A_85 = arith.constant 0 : i32
        %dma_wait3A_86 = tpu.memref_slice %arg4[%dma_wait3A_84, %dma_wait3A_85] : memref<12288x128xf32, #tpu.memory_space<hbm>> -> memref<128x128xf32, #tpu.memory_space<hbm>>
        tpu.wait_dma2 semaphore(%arg14 : memref<!tpu.dma_semaphore, #tpu.memory_space<semaphore_mem>>) src(%dma_wait3A_86 : memref<128x128xf32, #tpu.memory_space<hbm>>) dst(%arg10 : memref<128x128xf32, #tpu.memory_space<vmem>>)
        %dma_start3A_87 = arith.constant 0 : i32
        %dma_start3A_88 = tpu.memref_slice %arg7[%add3A_80, %dma_start3A_87] : memref<40x128xi32, #tpu.memory_space<vmem>> -> memref<1x128xi32, #tpu.memory_space<vmem>>
        %dma_start3A_89 = tpu.memref_squeeze %dma_start3A_88 : memref<1x128xi32, #tpu.memory_space<vmem>> -> memref<128xi32, #tpu.memory_space<vmem>>
        %dma_start3A_90 = arith.constant 0 : i32
        %dma_start3A_91 = arith.constant 0 : i32
        %dma_start3A_92 = tpu.memref_slice %arg4[%dma_start3A_90, %dma_start3A_91] : memref<12288x128xf32, #tpu.memory_space<hbm>> -> memref<12288x128xf32, #tpu.memory_space<hbm>>
        tpu.enqueue_indirect_dma source(%dma_start3A_92 : memref<12288x128xf32, #tpu.memory_space<hbm>>) target(%arg10 : memref<128x128xf32, #tpu.memory_space<vmem>>) offsets(%dma_start3A_89 : memref<128xi32, #tpu.memory_space<vmem>>) semaphore(%arg12 : memref<!tpu.dma_semaphore, #tpu.memory_space<semaphore_mem>>)
        %dma_wait3A_93 = arith.constant 0 : i32
        %dma_wait3A_94 = tpu.memref_slice %arg7[%add3A_80, %dma_wait3A_93] : memref<40x128xi32, #tpu.memory_space<vmem>> -> memref<1x128xi32, #tpu.memory_space<vmem>>
        %dma_wait3A_95 = tpu.memref_squeeze %dma_wait3A_94 : memref<1x128xi32, #tpu.memory_space<vmem>> -> memref<128xi32, #tpu.memory_space<vmem>>
        %dma_wait3A_96 = arith.constant 0 : i32
        %dma_wait3A_97 = arith.constant 0 : i32
        %dma_wait3A_98 = tpu.memref_slice %arg4[%dma_wait3A_96, %dma_wait3A_97] : memref<12288x128xf32, #tpu.memory_space<hbm>> -> memref<12288x128xf32, #tpu.memory_space<hbm>>
        tpu.wait_indirect_dma semaphore(%arg12 : memref<!tpu.dma_semaphore, #tpu.memory_space<semaphore_mem>>) src(%dma_wait3A_98 : memref<12288x128xf32, #tpu.memory_space<hbm>>) dst(%arg10 : memref<128x128xf32, #tpu.memory_space<vmem>>)
        %dma_start3A_99 = arith.constant 0 : i32
        %dma_start3A_100 = tpu.memref_slice %arg8[%add3A_80, %dma_start3A_99] : memref<40x128xi32, #tpu.memory_space<vmem>> -> memref<1x128xi32, #tpu.memory_space<vmem>>
        %dma_start3A_101 = tpu.memref_squeeze %dma_start3A_100 : memref<1x128xi32, #tpu.memory_space<vmem>> -> memref<128xi32, #tpu.memory_space<vmem>>
        %dma_start3A_102 = arith.constant 0 : i32
        %dma_start3A_103 = arith.constant 0 : i32
        %dma_start3A_104 = tpu.memref_slice %arg15[%dma_start3A_102, %dma_start3A_103] : memref<10240x128xf32, #tpu.memory_space<vmem_shared>> -> memref<10240x128xf32, #tpu.memory_space<vmem_shared>>
        tpu.enqueue_indirect_dma source(%arg10 : memref<128x128xf32, #tpu.memory_space<vmem>>) target(%dma_start3A_104 : memref<10240x128xf32, #tpu.memory_space<vmem_shared>>) offsets(%dma_start3A_101 : memref<128xi32, #tpu.memory_space<vmem>>) semaphore(%arg14 : memref<!tpu.dma_semaphore, #tpu.memory_space<semaphore_mem>>) {add = true}
      }
      %scan3A_47 = arith.constant 20 : i32
    }
    %scan3A_20 = arith.constant 2 : i32
    %dma_wait3A = arith.constant 0 : i32
    %dma_wait3A_21 = arith.constant 0 : i32
    %dma_wait3A_22 = tpu.memref_slice %arg4[%dma_wait3A, %dma_wait3A_21] : memref<12288x128xf32, #tpu.memory_space<hbm>> -> memref<128x128xf32, #tpu.memory_space<hbm>>
    %dma_wait3A_23 = arith.constant 0 : i32
    %dma_wait3A_24 = arith.constant 0 : i32
    %dma_wait3A_25 = tpu.memref_slice %arg4[%dma_wait3A_23, %dma_wait3A_24] : memref<12288x128xf32, #tpu.memory_space<hbm>> -> memref<128x128xf32, #tpu.memory_space<hbm>>
    tpu.wait_dma2 semaphore(%arg13 : memref<!tpu.dma_semaphore, #tpu.memory_space<semaphore_mem>>) src(%dma_wait3A_25 : memref<128x128xf32, #tpu.memory_space<hbm>>) dst(%arg9 : memref<128x128xf32, #tpu.memory_space<vmem>>)
    %dma_wait3A_26 = arith.constant 0 : i32
    %dma_wait3A_27 = arith.constant 0 : i32
    %dma_wait3A_28 = tpu.memref_slice %arg4[%dma_wait3A_26, %dma_wait3A_27] : memref<12288x128xf32, #tpu.memory_space<hbm>> -> memref<128x128xf32, #tpu.memory_space<hbm>>
    %dma_wait3A_29 = arith.constant 0 : i32
    %dma_wait3A_30 = arith.constant 0 : i32
    %dma_wait3A_31 = tpu.memref_slice %arg4[%dma_wait3A_29, %dma_wait3A_30] : memref<12288x128xf32, #tpu.memory_space<hbm>> -> memref<128x128xf32, #tpu.memory_space<hbm>>
    tpu.wait_dma2 semaphore(%arg14 : memref<!tpu.dma_semaphore, #tpu.memory_space<semaphore_mem>>) src(%dma_wait3A_31 : memref<128x128xf32, #tpu.memory_space<hbm>>) dst(%arg10 : memref<128x128xf32, #tpu.memory_space<vmem>>)
    %barrier3A_32 = arith.constant 0 : index
    tpu.barrier barrier_id(%barrier3A_32)
    %mul3A_33 = arith.constant 640 : i32
    %mul3A_34 = arith.muli %arg1, %mul3A_33 : i32
    %mul3A_35 = arith.constant 640 : i32
    %mul3A_36 = arith.muli %arg1, %mul3A_35 : i32
    "tpu.region"() ({
      %run_scoped3A = tpu.sem_alloc : memref<!tpu.dma_semaphore, #tpu.memory_space<semaphore_mem>>
      %dma_start3A_37 = arith.constant 0 : i32
      %dma_start3A_38 = tpu.memref_slice %arg6[%arg0, %mul3A_36, %dma_start3A_37] : memref<2x10240x128xf32, #tpu.memory_space<hbm>> -> memref<1x640x128xf32, #tpu.memory_space<hbm>>
      %dma_start3A_39 = tpu.memref_squeeze %dma_start3A_38 : memref<1x640x128xf32, #tpu.memory_space<hbm>> -> memref<640x128xf32, #tpu.memory_space<hbm>>
      %dma_start3A_40 = arith.constant 0 : i32
      %dma_start3A_41 = tpu.memref_slice %arg15[%mul3A_34, %dma_start3A_40] : memref<10240x128xf32, #tpu.memory_space<vmem_shared>> -> memref<640x128xf32, #tpu.memory_space<vmem_shared>>
      tpu.enqueue_dma source(%dma_start3A_41 : memref<640x128xf32, #tpu.memory_space<vmem_shared>>) target(%dma_start3A_39 : memref<640x128xf32, #tpu.memory_space<hbm>>) target_semaphore(%run_scoped3A : memref<!tpu.dma_semaphore, #tpu.memory_space<semaphore_mem>>)
      %dma_wait3A_42 = arith.constant 0 : i32
      %dma_wait3A_43 = tpu.memref_slice %arg6[%arg0, %mul3A_36, %dma_wait3A_42] : memref<2x10240x128xf32, #tpu.memory_space<hbm>> -> memref<1x640x128xf32, #tpu.memory_space<hbm>>
      %dma_wait3A_44 = tpu.memref_squeeze %dma_wait3A_43 : memref<1x640x128xf32, #tpu.memory_space<hbm>> -> memref<640x128xf32, #tpu.memory_space<hbm>>
      %dma_wait3A_45 = arith.constant 0 : i32
      %dma_wait3A_46 = tpu.memref_slice %arg15[%mul3A_34, %dma_wait3A_45] : memref<10240x128xf32, #tpu.memory_space<vmem_shared>> -> memref<640x128xf32, #tpu.memory_space<vmem_shared>>
      tpu.wait_dma2 semaphore(%run_scoped3A : memref<!tpu.dma_semaphore, #tpu.memory_space<semaphore_mem>>) src(%dma_wait3A_46 : memref<640x128xf32, #tpu.memory_space<vmem_shared>>) dst(%dma_wait3A_44 : memref<640x128xf32, #tpu.memory_space<hbm>>)
      tpu.yield
    }) : () -> ()
    return
  }
}

#map = affine_map<(d0, d1) -> (0, 0, 0)>
#map1 = affine_map<(d0, d1) -> (0, 0)>
module attributes {stable_mosaic.version = 14 : i64} {
  func.func @_edge_agg(%arg0: i32, %arg1: i32, %arg2: memref<32x80x128xi32, #tpu.memory_space<hbm>>, %arg3: memref<32x80x128xi32, #tpu.memory_space<hbm>>, %arg4: memref<12288x128xf32, #tpu.memory_space<hbm>>, %arg5: memref<10240x128xf32, #tpu.memory_space<hbm>>, %arg6: memref<2x10240x128xf32, #tpu.memory_space<hbm>>, %arg7: memref<40x128xi32, #tpu.memory_space<vmem>>, %arg8: memref<40x128xi32, #tpu.memory_space<vmem>>, %arg9: memref<128x128xf32, #tpu.memory_space<vmem>>, %arg10: memref<128x128xf32, #tpu.memory_space<vmem>>, %arg11: memref<!tpu.dma_semaphore, #tpu.memory_space<semaphore_mem>>, %arg12: memref<!tpu.dma_semaphore, #tpu.memory_space<semaphore_mem>>, %arg13: memref<!tpu.dma_semaphore, #tpu.memory_space<semaphore_mem>>, %arg14: memref<!tpu.dma_semaphore, #tpu.memory_space<semaphore_mem>>, %arg15: memref<10240x128xf32, #tpu.memory_space<vmem_shared>>) attributes {dimension_semantics = [#tpu.dimension_semantics<core_parallel>, #tpu.dimension_semantics<subcore_parallel>], iteration_bounds = array<i64: 2, 16>, scalar_prefetch = 0 : i64, scratch_operands = 9 : i64, tpu.core_type = #tpu.core_type<sc_vector_subcore>, window_params = [{transform_indices = #map}, {transform_indices = #map}, {transform_indices = #map1}, {transform_indices = #map1}, {transform_indices = #map}]} {
    %mul3A = arith.constant 2 : i32
    %mul3A_0 = arith.muli %arg1, %mul3A : i32
    %add3A = arith.addi %mul3A_0, %arg0 : i32
    %mul3A_1 = arith.constant 640 : i32
    %mul3A_2 = arith.muli %arg1, %mul3A_1 : i32
    %mul3A_3 = arith.constant 640 : i32
    %mul3A_4 = arith.muli %arg1, %mul3A_3 : i32
    "tpu.region"() ({
      %run_scoped3A = tpu.sem_alloc : memref<!tpu.dma_semaphore, #tpu.memory_space<semaphore_mem>>
      %dma_start3A_37 = arith.constant 0 : i32
      %dma_start3A_38 = tpu.memref_slice %arg15[%mul3A_4, %dma_start3A_37] : memref<10240x128xf32, #tpu.memory_space<vmem_shared>> -> memref<640x128xf32, #tpu.memory_space<vmem_shared>>
      %dma_start3A_39 = arith.constant 0 : i32
      %dma_start3A_40 = tpu.memref_slice %arg5[%mul3A_2, %dma_start3A_39] : memref<10240x128xf32, #tpu.memory_space<hbm>> -> memref<640x128xf32, #tpu.memory_space<hbm>>
      tpu.enqueue_dma source(%dma_start3A_40 : memref<640x128xf32, #tpu.memory_space<hbm>>) target(%dma_start3A_38 : memref<640x128xf32, #tpu.memory_space<vmem_shared>>) target_semaphore(%run_scoped3A : memref<!tpu.dma_semaphore, #tpu.memory_space<semaphore_mem>>)
      %dma_wait3A_41 = arith.constant 0 : i32
      %dma_wait3A_42 = tpu.memref_slice %arg15[%mul3A_4, %dma_wait3A_41] : memref<10240x128xf32, #tpu.memory_space<vmem_shared>> -> memref<640x128xf32, #tpu.memory_space<vmem_shared>>
      %dma_wait3A_43 = arith.constant 0 : i32
      %dma_wait3A_44 = tpu.memref_slice %arg5[%mul3A_2, %dma_wait3A_43] : memref<10240x128xf32, #tpu.memory_space<hbm>> -> memref<640x128xf32, #tpu.memory_space<hbm>>
      tpu.wait_dma2 semaphore(%run_scoped3A : memref<!tpu.dma_semaphore, #tpu.memory_space<semaphore_mem>>) src(%dma_wait3A_44 : memref<640x128xf32, #tpu.memory_space<hbm>>) dst(%dma_wait3A_42 : memref<640x128xf32, #tpu.memory_space<vmem_shared>>)
      tpu.yield
    }) : () -> ()
    %dma_start3A = arith.constant 0 : i32
    %dma_start3A_5 = arith.constant 0 : i32
    %dma_start3A_6 = tpu.memref_slice %arg4[%dma_start3A, %dma_start3A_5] : memref<12288x128xf32, #tpu.memory_space<hbm>> -> memref<128x128xf32, #tpu.memory_space<hbm>>
    %dma_start3A_7 = arith.constant 0 : i32
    %dma_start3A_8 = arith.constant 0 : i32
    %dma_start3A_9 = tpu.memref_slice %arg4[%dma_start3A_7, %dma_start3A_8] : memref<12288x128xf32, #tpu.memory_space<hbm>> -> memref<128x128xf32, #tpu.memory_space<hbm>>
    tpu.enqueue_dma source(%dma_start3A_9 : memref<128x128xf32, #tpu.memory_space<hbm>>) target(%arg9 : memref<128x128xf32, #tpu.memory_space<vmem>>) target_semaphore(%arg13 : memref<!tpu.dma_semaphore, #tpu.memory_space<semaphore_mem>>)
    %dma_start3A_10 = arith.constant 0 : i32
    %dma_start3A_11 = arith.constant 0 : i32
    %dma_start3A_12 = tpu.memref_slice %arg4[%dma_start3A_10, %dma_start3A_11] : memref<12288x128xf32, #tpu.memory_space<hbm>> -> memref<128x128xf32, #tpu.memory_space<hbm>>
    %dma_start3A_13 = arith.constant 0 : i32
    %dma_start3A_14 = arith.constant 0 : i32
    %dma_start3A_15 = tpu.memref_slice %arg4[%dma_start3A_13, %dma_start3A_14] : memref<12288x128xf32, #tpu.memory_space<hbm>> -> memref<128x128xf32, #tpu.memory_space<hbm>>
    tpu.enqueue_dma source(%dma_start3A_15 : memref<128x128xf32, #tpu.memory_space<hbm>>) target(%arg10 : memref<128x128xf32, #tpu.memory_space<vmem>>) target_semaphore(%arg14 : memref<!tpu.dma_semaphore, #tpu.memory_space<semaphore_mem>>)
    %barrier3A = arith.constant 0 : index
    tpu.barrier barrier_id(%barrier3A)
    %scan3A = arith.constant 0 : i32
    %scan3A_16 = arith.constant 0 : i32
    %scan3A_17 = arith.constant 2 : i32
    %scan3A_18 = arith.addi %scan3A_16, %scan3A_17 : i32
    %scan3A_19 = arith.constant 1 : i32
    scf.for %scan3A_37 = %scan3A_16 to %scan3A_18 step %scan3A_19  : i32 {
      %mul3A_38 = arith.constant 40 : i32
      %mul3A_39 = arith.muli %scan3A_37, %mul3A_38 : i32
      "tpu.region"() ({
        %run_scoped3A = tpu.sem_alloc : memref<!tpu.dma_semaphore, #tpu.memory_space<semaphore_mem>>
        %dma_start3A_48 = arith.constant 0 : i32
        %dma_start3A_49 = tpu.memref_slice %arg2[%add3A, %mul3A_39, %dma_start3A_48] : memref<32x80x128xi32, #tpu.memory_space<hbm>> -> memref<1x40x128xi32, #tpu.memory_space<hbm>>
        %dma_start3A_50 = tpu.memref_squeeze %dma_start3A_49 : memref<1x40x128xi32, #tpu.memory_space<hbm>> -> memref<40x128xi32, #tpu.memory_space<hbm>>
        %dma_start3A_51 = arith.constant 0 : i32
        %dma_start3A_52 = tpu.memref_slice %arg2[%add3A, %mul3A_39, %dma_start3A_51] : memref<32x80x128xi32, #tpu.memory_space<hbm>> -> memref<1x40x128xi32, #tpu.memory_space<hbm>>
        %dma_start3A_53 = tpu.memref_squeeze %dma_start3A_52 : memref<1x40x128xi32, #tpu.memory_space<hbm>> -> memref<40x128xi32, #tpu.memory_space<hbm>>
        tpu.enqueue_dma source(%dma_start3A_53 : memref<40x128xi32, #tpu.memory_space<hbm>>) target(%arg7 : memref<40x128xi32, #tpu.memory_space<vmem>>) target_semaphore(%run_scoped3A : memref<!tpu.dma_semaphore, #tpu.memory_space<semaphore_mem>>)
        %dma_wait3A_54 = arith.constant 0 : i32
        %dma_wait3A_55 = tpu.memref_slice %arg2[%add3A, %mul3A_39, %dma_wait3A_54] : memref<32x80x128xi32, #tpu.memory_space<hbm>> -> memref<1x40x128xi32, #tpu.memory_space<hbm>>
        %dma_wait3A_56 = tpu.memref_squeeze %dma_wait3A_55 : memref<1x40x128xi32, #tpu.memory_space<hbm>> -> memref<40x128xi32, #tpu.memory_space<hbm>>
        %dma_wait3A_57 = arith.constant 0 : i32
        %dma_wait3A_58 = tpu.memref_slice %arg2[%add3A, %mul3A_39, %dma_wait3A_57] : memref<32x80x128xi32, #tpu.memory_space<hbm>> -> memref<1x40x128xi32, #tpu.memory_space<hbm>>
        %dma_wait3A_59 = tpu.memref_squeeze %dma_wait3A_58 : memref<1x40x128xi32, #tpu.memory_space<hbm>> -> memref<40x128xi32, #tpu.memory_space<hbm>>
        tpu.wait_dma2 semaphore(%run_scoped3A : memref<!tpu.dma_semaphore, #tpu.memory_space<semaphore_mem>>) src(%dma_wait3A_59 : memref<40x128xi32, #tpu.memory_space<hbm>>) dst(%arg7 : memref<40x128xi32, #tpu.memory_space<vmem>>)
        tpu.yield
      }) : () -> ()
      %mul3A_40 = arith.constant 40 : i32
      %mul3A_41 = arith.muli %scan3A_37, %mul3A_40 : i32
      "tpu.region"() ({
        %run_scoped3A = tpu.sem_alloc : memref<!tpu.dma_semaphore, #tpu.memory_space<semaphore_mem>>
        %dma_start3A_48 = arith.constant 0 : i32
        %dma_start3A_49 = tpu.memref_slice %arg3[%add3A, %mul3A_41, %dma_start3A_48] : memref<32x80x128xi32, #tpu.memory_space<hbm>> -> memref<1x40x128xi32, #tpu.memory_space<hbm>>
        %dma_start3A_50 = tpu.memref_squeeze %dma_start3A_49 : memref<1x40x128xi32, #tpu.memory_space<hbm>> -> memref<40x128xi32, #tpu.memory_space<hbm>>
        %dma_start3A_51 = arith.constant 0 : i32
        %dma_start3A_52 = tpu.memref_slice %arg3[%add3A, %mul3A_41, %dma_start3A_51] : memref<32x80x128xi32, #tpu.memory_space<hbm>> -> memref<1x40x128xi32, #tpu.memory_space<hbm>>
        %dma_start3A_53 = tpu.memref_squeeze %dma_start3A_52 : memref<1x40x128xi32, #tpu.memory_space<hbm>> -> memref<40x128xi32, #tpu.memory_space<hbm>>
        tpu.enqueue_dma source(%dma_start3A_53 : memref<40x128xi32, #tpu.memory_space<hbm>>) target(%arg8 : memref<40x128xi32, #tpu.memory_space<vmem>>) target_semaphore(%run_scoped3A : memref<!tpu.dma_semaphore, #tpu.memory_space<semaphore_mem>>)
        %dma_wait3A_54 = arith.constant 0 : i32
        %dma_wait3A_55 = tpu.memref_slice %arg3[%add3A, %mul3A_41, %dma_wait3A_54] : memref<32x80x128xi32, #tpu.memory_space<hbm>> -> memref<1x40x128xi32, #tpu.memory_space<hbm>>
        %dma_wait3A_56 = tpu.memref_squeeze %dma_wait3A_55 : memref<1x40x128xi32, #tpu.memory_space<hbm>> -> memref<40x128xi32, #tpu.memory_space<hbm>>
        %dma_wait3A_57 = arith.constant 0 : i32
        %dma_wait3A_58 = tpu.memref_slice %arg3[%add3A, %mul3A_41, %dma_wait3A_57] : memref<32x80x128xi32, #tpu.memory_space<hbm>> -> memref<1x40x128xi32, #tpu.memory_space<hbm>>
        %dma_wait3A_59 = tpu.memref_squeeze %dma_wait3A_58 : memref<1x40x128xi32, #tpu.memory_space<hbm>> -> memref<40x128xi32, #tpu.memory_space<hbm>>
        tpu.wait_dma2 semaphore(%run_scoped3A : memref<!tpu.dma_semaphore, #tpu.memory_space<semaphore_mem>>) src(%dma_wait3A_59 : memref<40x128xi32, #tpu.memory_space<hbm>>) dst(%arg8 : memref<40x128xi32, #tpu.memory_space<vmem>>)
        tpu.yield
      }) : () -> ()
      %scan3A_42 = arith.constant 0 : i32
      %scan3A_43 = arith.constant 0 : i32
      %scan3A_44 = arith.constant 20 : i32
      %scan3A_45 = arith.addi %scan3A_43, %scan3A_44 : i32
      %scan3A_46 = arith.constant 1 : i32
      scf.for %scan3A_48 = %scan3A_43 to %scan3A_45 step %scan3A_46  : i32 {
        %mul3A_49 = arith.constant 2 : i32
        %mul3A_50 = arith.muli %mul3A_49, %scan3A_48 : i32
        %add3A_51 = arith.constant 0 : i32
        %add3A_52 = arith.addi %mul3A_50, %add3A_51 : i32
        %dma_wait3A_53 = arith.constant 0 : i32
        %dma_wait3A_54 = arith.constant 0 : i32
        %dma_wait3A_55 = tpu.memref_slice %arg4[%dma_wait3A_53, %dma_wait3A_54] : memref<12288x128xf32, #tpu.memory_space<hbm>> -> memref<128x128xf32, #tpu.memory_space<hbm>>
        %dma_wait3A_56 = arith.constant 0 : i32
        %dma_wait3A_57 = arith.constant 0 : i32
        %dma_wait3A_58 = tpu.memref_slice %arg4[%dma_wait3A_56, %dma_wait3A_57] : memref<12288x128xf32, #tpu.memory_space<hbm>> -> memref<128x128xf32, #tpu.memory_space<hbm>>
        tpu.wait_dma2 semaphore(%arg13 : memref<!tpu.dma_semaphore, #tpu.memory_space<semaphore_mem>>) src(%dma_wait3A_58 : memref<128x128xf32, #tpu.memory_space<hbm>>) dst(%arg9 : memref<128x128xf32, #tpu.memory_space<vmem>>)
        %dma_start3A_59 = arith.constant 0 : i32
        %dma_start3A_60 = tpu.memref_slice %arg7[%add3A_52, %dma_start3A_59] : memref<40x128xi32, #tpu.memory_space<vmem>> -> memref<1x128xi32, #tpu.memory_space<vmem>>
        %dma_start3A_61 = tpu.memref_squeeze %dma_start3A_60 : memref<1x128xi32, #tpu.memory_space<vmem>> -> memref<128xi32, #tpu.memory_space<vmem>>
        %dma_start3A_62 = arith.constant 0 : i32
        %dma_start3A_63 = arith.constant 0 : i32
        %dma_start3A_64 = tpu.memref_slice %arg4[%dma_start3A_62, %dma_start3A_63] : memref<12288x128xf32, #tpu.memory_space<hbm>> -> memref<12288x128xf32, #tpu.memory_space<hbm>>
        tpu.enqueue_indirect_dma source(%dma_start3A_64 : memref<12288x128xf32, #tpu.memory_space<hbm>>) target(%arg9 : memref<128x128xf32, #tpu.memory_space<vmem>>) offsets(%dma_start3A_61 : memref<128xi32, #tpu.memory_space<vmem>>) semaphore(%arg11 : memref<!tpu.dma_semaphore, #tpu.memory_space<semaphore_mem>>)
        %dma_wait3A_65 = arith.constant 0 : i32
        %dma_wait3A_66 = tpu.memref_slice %arg7[%add3A_52, %dma_wait3A_65] : memref<40x128xi32, #tpu.memory_space<vmem>> -> memref<1x128xi32, #tpu.memory_space<vmem>>
        %dma_wait3A_67 = tpu.memref_squeeze %dma_wait3A_66 : memref<1x128xi32, #tpu.memory_space<vmem>> -> memref<128xi32, #tpu.memory_space<vmem>>
        %dma_wait3A_68 = arith.constant 0 : i32
        %dma_wait3A_69 = arith.constant 0 : i32
        %dma_wait3A_70 = tpu.memref_slice %arg4[%dma_wait3A_68, %dma_wait3A_69] : memref<12288x128xf32, #tpu.memory_space<hbm>> -> memref<12288x128xf32, #tpu.memory_space<hbm>>
        tpu.wait_indirect_dma semaphore(%arg11 : memref<!tpu.dma_semaphore, #tpu.memory_space<semaphore_mem>>) src(%dma_wait3A_70 : memref<12288x128xf32, #tpu.memory_space<hbm>>) dst(%arg9 : memref<128x128xf32, #tpu.memory_space<vmem>>)
        %dma_start3A_71 = arith.constant 0 : i32
        %dma_start3A_72 = tpu.memref_slice %arg8[%add3A_52, %dma_start3A_71] : memref<40x128xi32, #tpu.memory_space<vmem>> -> memref<1x128xi32, #tpu.memory_space<vmem>>
        %dma_start3A_73 = tpu.memref_squeeze %dma_start3A_72 : memref<1x128xi32, #tpu.memory_space<vmem>> -> memref<128xi32, #tpu.memory_space<vmem>>
        %dma_start3A_74 = arith.constant 0 : i32
        %dma_start3A_75 = arith.constant 0 : i32
        %dma_start3A_76 = tpu.memref_slice %arg15[%dma_start3A_74, %dma_start3A_75] : memref<10240x128xf32, #tpu.memory_space<vmem_shared>> -> memref<10240x128xf32, #tpu.memory_space<vmem_shared>>
        tpu.enqueue_indirect_dma source(%arg9 : memref<128x128xf32, #tpu.memory_space<vmem>>) target(%dma_start3A_76 : memref<10240x128xf32, #tpu.memory_space<vmem_shared>>) offsets(%dma_start3A_73 : memref<128xi32, #tpu.memory_space<vmem>>) semaphore(%arg13 : memref<!tpu.dma_semaphore, #tpu.memory_space<semaphore_mem>>) {add = true}
        %mul3A_77 = arith.constant 2 : i32
        %mul3A_78 = arith.muli %mul3A_77, %scan3A_48 : i32
        %add3A_79 = arith.constant 1 : i32
        %add3A_80 = arith.addi %mul3A_78, %add3A_79 : i32
        %dma_wait3A_81 = arith.constant 0 : i32
        %dma_wait3A_82 = arith.constant 0 : i32
        %dma_wait3A_83 = tpu.memref_slice %arg4[%dma_wait3A_81, %dma_wait3A_82] : memref<12288x128xf32, #tpu.memory_space<hbm>> -> memref<128x128xf32, #tpu.memory_space<hbm>>
        %dma_wait3A_84 = arith.constant 0 : i32
        %dma_wait3A_85 = arith.constant 0 : i32
        %dma_wait3A_86 = tpu.memref_slice %arg4[%dma_wait3A_84, %dma_wait3A_85] : memref<12288x128xf32, #tpu.memory_space<hbm>> -> memref<128x128xf32, #tpu.memory_space<hbm>>
        tpu.wait_dma2 semaphore(%arg14 : memref<!tpu.dma_semaphore, #tpu.memory_space<semaphore_mem>>) src(%dma_wait3A_86 : memref<128x128xf32, #tpu.memory_space<hbm>>) dst(%arg10 : memref<128x128xf32, #tpu.memory_space<vmem>>)
        %dma_start3A_87 = arith.constant 0 : i32
        %dma_start3A_88 = tpu.memref_slice %arg7[%add3A_80, %dma_start3A_87] : memref<40x128xi32, #tpu.memory_space<vmem>> -> memref<1x128xi32, #tpu.memory_space<vmem>>
        %dma_start3A_89 = tpu.memref_squeeze %dma_start3A_88 : memref<1x128xi32, #tpu.memory_space<vmem>> -> memref<128xi32, #tpu.memory_space<vmem>>
        %dma_start3A_90 = arith.constant 0 : i32
        %dma_start3A_91 = arith.constant 0 : i32
        %dma_start3A_92 = tpu.memref_slice %arg4[%dma_start3A_90, %dma_start3A_91] : memref<12288x128xf32, #tpu.memory_space<hbm>> -> memref<12288x128xf32, #tpu.memory_space<hbm>>
        tpu.enqueue_indirect_dma source(%dma_start3A_92 : memref<12288x128xf32, #tpu.memory_space<hbm>>) target(%arg10 : memref<128x128xf32, #tpu.memory_space<vmem>>) offsets(%dma_start3A_89 : memref<128xi32, #tpu.memory_space<vmem>>) semaphore(%arg12 : memref<!tpu.dma_semaphore, #tpu.memory_space<semaphore_mem>>)
        %dma_wait3A_93 = arith.constant 0 : i32
        %dma_wait3A_94 = tpu.memref_slice %arg7[%add3A_80, %dma_wait3A_93] : memref<40x128xi32, #tpu.memory_space<vmem>> -> memref<1x128xi32, #tpu.memory_space<vmem>>
        %dma_wait3A_95 = tpu.memref_squeeze %dma_wait3A_94 : memref<1x128xi32, #tpu.memory_space<vmem>> -> memref<128xi32, #tpu.memory_space<vmem>>
        %dma_wait3A_96 = arith.constant 0 : i32
        %dma_wait3A_97 = arith.constant 0 : i32
        %dma_wait3A_98 = tpu.memref_slice %arg4[%dma_wait3A_96, %dma_wait3A_97] : memref<12288x128xf32, #tpu.memory_space<hbm>> -> memref<12288x128xf32, #tpu.memory_space<hbm>>
        tpu.wait_indirect_dma semaphore(%arg12 : memref<!tpu.dma_semaphore, #tpu.memory_space<semaphore_mem>>) src(%dma_wait3A_98 : memref<12288x128xf32, #tpu.memory_space<hbm>>) dst(%arg10 : memref<128x128xf32, #tpu.memory_space<vmem>>)
        %dma_start3A_99 = arith.constant 0 : i32
        %dma_start3A_100 = tpu.memref_slice %arg8[%add3A_80, %dma_start3A_99] : memref<40x128xi32, #tpu.memory_space<vmem>> -> memref<1x128xi32, #tpu.memory_space<vmem>>
        %dma_start3A_101 = tpu.memref_squeeze %dma_start3A_100 : memref<1x128xi32, #tpu.memory_space<vmem>> -> memref<128xi32, #tpu.memory_space<vmem>>
        %dma_start3A_102 = arith.constant 0 : i32
        %dma_start3A_103 = arith.constant 0 : i32
        %dma_start3A_104 = tpu.memref_slice %arg15[%dma_start3A_102, %dma_start3A_103] : memref<10240x128xf32, #tpu.memory_space<vmem_shared>> -> memref<10240x128xf32, #tpu.memory_space<vmem_shared>>
        tpu.enqueue_indirect_dma source(%arg10 : memref<128x128xf32, #tpu.memory_space<vmem>>) target(%dma_start3A_104 : memref<10240x128xf32, #tpu.memory_space<vmem_shared>>) offsets(%dma_start3A_101 : memref<128xi32, #tpu.memory_space<vmem>>) semaphore(%arg14 : memref<!tpu.dma_semaphore, #tpu.memory_space<semaphore_mem>>) {add = true}
      }
      %scan3A_47 = arith.constant 20 : i32
    }
    %scan3A_20 = arith.constant 2 : i32
    %dma_wait3A = arith.constant 0 : i32
    %dma_wait3A_21 = arith.constant 0 : i32
    %dma_wait3A_22 = tpu.memref_slice %arg4[%dma_wait3A, %dma_wait3A_21] : memref<12288x128xf32, #tpu.memory_space<hbm>> -> memref<128x128xf32, #tpu.memory_space<hbm>>
    %dma_wait3A_23 = arith.constant 0 : i32
    %dma_wait3A_24 = arith.constant 0 : i32
    %dma_wait3A_25 = tpu.memref_slice %arg4[%dma_wait3A_23, %dma_wait3A_24] : memref<12288x128xf32, #tpu.memory_space<hbm>> -> memref<128x128xf32, #tpu.memory_space<hbm>>
    tpu.wait_dma2 semaphore(%arg13 : memref<!tpu.dma_semaphore, #tpu.memory_space<semaphore_mem>>) src(%dma_wait3A_25 : memref<128x128xf32, #tpu.memory_space<hbm>>) dst(%arg9 : memref<128x128xf32, #tpu.memory_space<vmem>>)
    %dma_wait3A_26 = arith.constant 0 : i32
    %dma_wait3A_27 = arith.constant 0 : i32
    %dma_wait3A_28 = tpu.memref_slice %arg4[%dma_wait3A_26, %dma_wait3A_27] : memref<12288x128xf32, #tpu.memory_space<hbm>> -> memref<128x128xf32, #tpu.memory_space<hbm>>
    %dma_wait3A_29 = arith.constant 0 : i32
    %dma_wait3A_30 = arith.constant 0 : i32
    %dma_wait3A_31 = tpu.memref_slice %arg4[%dma_wait3A_29, %dma_wait3A_30] : memref<12288x128xf32, #tpu.memory_space<hbm>> -> memref<128x128xf32, #tpu.memory_space<hbm>>
    tpu.wait_dma2 semaphore(%arg14 : memref<!tpu.dma_semaphore, #tpu.memory_space<semaphore_mem>>) src(%dma_wait3A_31 : memref<128x128xf32, #tpu.memory_space<hbm>>) dst(%arg10 : memref<128x128xf32, #tpu.memory_space<vmem>>)
    %barrier3A_32 = arith.constant 0 : index
    tpu.barrier barrier_id(%barrier3A_32)
    %mul3A_33 = arith.constant 640 : i32
    %mul3A_34 = arith.muli %arg1, %mul3A_33 : i32
    %mul3A_35 = arith.constant 640 : i32
    %mul3A_36 = arith.muli %arg1, %mul3A_35 : i32
    "tpu.region"() ({
      %run_scoped3A = tpu.sem_alloc : memref<!tpu.dma_semaphore, #tpu.memory_space<semaphore_mem>>
      %dma_start3A_37 = arith.constant 0 : i32
      %dma_start3A_38 = tpu.memref_slice %arg6[%arg0, %mul3A_36, %dma_start3A_37] : memref<2x10240x128xf32, #tpu.memory_space<hbm>> -> memref<1x640x128xf32, #tpu.memory_space<hbm>>
      %dma_start3A_39 = tpu.memref_squeeze %dma_start3A_38 : memref<1x640x128xf32, #tpu.memory_space<hbm>> -> memref<640x128xf32, #tpu.memory_space<hbm>>
      %dma_start3A_40 = arith.constant 0 : i32
      %dma_start3A_41 = tpu.memref_slice %arg15[%mul3A_34, %dma_start3A_40] : memref<10240x128xf32, #tpu.memory_space<vmem_shared>> -> memref<640x128xf32, #tpu.memory_space<vmem_shared>>
      tpu.enqueue_dma source(%dma_start3A_41 : memref<640x128xf32, #tpu.memory_space<vmem_shared>>) target(%dma_start3A_39 : memref<640x128xf32, #tpu.memory_space<hbm>>) target_semaphore(%run_scoped3A : memref<!tpu.dma_semaphore, #tpu.memory_space<semaphore_mem>>)
      %dma_wait3A_42 = arith.constant 0 : i32
      %dma_wait3A_43 = tpu.memref_slice %arg6[%arg0, %mul3A_36, %dma_wait3A_42] : memref<2x10240x128xf32, #tpu.memory_space<hbm>> -> memref<1x640x128xf32, #tpu.memory_space<hbm>>
      %dma_wait3A_44 = tpu.memref_squeeze %dma_wait3A_43 : memref<1x640x128xf32, #tpu.memory_space<hbm>> -> memref<640x128xf32, #tpu.memory_space<hbm>>
      %dma_wait3A_45 = arith.constant 0 : i32
      %dma_wait3A_46 = tpu.memref_slice %arg15[%mul3A_34, %dma_wait3A_45] : memref<10240x128xf32, #tpu.memory_space<vmem_shared>> -> memref<640x128xf32, #tpu.memory_space<vmem_shared>>
      tpu.wait_dma2 semaphore(%run_scoped3A : memref<!tpu.dma_semaphore, #tpu.memory_space<semaphore_mem>>) src(%dma_wait3A_46 : memref<640x128xf32, #tpu.memory_space<vmem_shared>>) dst(%dma_wait3A_44 : memref<640x128xf32, #tpu.memory_space<hbm>>)
      tpu.yield
    }) : () -> ()
    return
  }
}

#map = affine_map<(d0, d1) -> (0, 0, 0)>
#map1 = affine_map<(d0, d1) -> (0, 0)>
module attributes {stable_mosaic.version = 14 : i64} {
  func.func @_edge_agg(%arg0: i32, %arg1: i32, %arg2: memref<32x80x128xi32, #tpu.memory_space<hbm>>, %arg3: memref<32x80x128xi32, #tpu.memory_space<hbm>>, %arg4: memref<12288x128xf32, #tpu.memory_space<hbm>>, %arg5: memref<10240x128xf32, #tpu.memory_space<hbm>>, %arg6: memref<2x10240x128xf32, #tpu.memory_space<hbm>>, %arg7: memref<40x128xi32, #tpu.memory_space<vmem>>, %arg8: memref<40x128xi32, #tpu.memory_space<vmem>>, %arg9: memref<128x128xf32, #tpu.memory_space<vmem>>, %arg10: memref<128x128xf32, #tpu.memory_space<vmem>>, %arg11: memref<!tpu.dma_semaphore, #tpu.memory_space<semaphore_mem>>, %arg12: memref<!tpu.dma_semaphore, #tpu.memory_space<semaphore_mem>>, %arg13: memref<!tpu.dma_semaphore, #tpu.memory_space<semaphore_mem>>, %arg14: memref<!tpu.dma_semaphore, #tpu.memory_space<semaphore_mem>>, %arg15: memref<10240x128xf32, #tpu.memory_space<vmem_shared>>) attributes {dimension_semantics = [#tpu.dimension_semantics<core_parallel>, #tpu.dimension_semantics<subcore_parallel>], iteration_bounds = array<i64: 2, 16>, scalar_prefetch = 0 : i64, scratch_operands = 9 : i64, tpu.core_type = #tpu.core_type<sc_vector_subcore>, window_params = [{transform_indices = #map}, {transform_indices = #map}, {transform_indices = #map1}, {transform_indices = #map1}, {transform_indices = #map}]} {
    %mul3A = arith.constant 2 : i32
    %mul3A_0 = arith.muli %arg1, %mul3A : i32
    %add3A = arith.addi %mul3A_0, %arg0 : i32
    %mul3A_1 = arith.constant 640 : i32
    %mul3A_2 = arith.muli %arg1, %mul3A_1 : i32
    %mul3A_3 = arith.constant 640 : i32
    %mul3A_4 = arith.muli %arg1, %mul3A_3 : i32
    "tpu.region"() ({
      %run_scoped3A = tpu.sem_alloc : memref<!tpu.dma_semaphore, #tpu.memory_space<semaphore_mem>>
      %dma_start3A_37 = arith.constant 0 : i32
      %dma_start3A_38 = tpu.memref_slice %arg15[%mul3A_4, %dma_start3A_37] : memref<10240x128xf32, #tpu.memory_space<vmem_shared>> -> memref<640x128xf32, #tpu.memory_space<vmem_shared>>
      %dma_start3A_39 = arith.constant 0 : i32
      %dma_start3A_40 = tpu.memref_slice %arg5[%mul3A_2, %dma_start3A_39] : memref<10240x128xf32, #tpu.memory_space<hbm>> -> memref<640x128xf32, #tpu.memory_space<hbm>>
      tpu.enqueue_dma source(%dma_start3A_40 : memref<640x128xf32, #tpu.memory_space<hbm>>) target(%dma_start3A_38 : memref<640x128xf32, #tpu.memory_space<vmem_shared>>) target_semaphore(%run_scoped3A : memref<!tpu.dma_semaphore, #tpu.memory_space<semaphore_mem>>)
      %dma_wait3A_41 = arith.constant 0 : i32
      %dma_wait3A_42 = tpu.memref_slice %arg15[%mul3A_4, %dma_wait3A_41] : memref<10240x128xf32, #tpu.memory_space<vmem_shared>> -> memref<640x128xf32, #tpu.memory_space<vmem_shared>>
      %dma_wait3A_43 = arith.constant 0 : i32
      %dma_wait3A_44 = tpu.memref_slice %arg5[%mul3A_2, %dma_wait3A_43] : memref<10240x128xf32, #tpu.memory_space<hbm>> -> memref<640x128xf32, #tpu.memory_space<hbm>>
      tpu.wait_dma2 semaphore(%run_scoped3A : memref<!tpu.dma_semaphore, #tpu.memory_space<semaphore_mem>>) src(%dma_wait3A_44 : memref<640x128xf32, #tpu.memory_space<hbm>>) dst(%dma_wait3A_42 : memref<640x128xf32, #tpu.memory_space<vmem_shared>>)
      tpu.yield
    }) : () -> ()
    %dma_start3A = arith.constant 0 : i32
    %dma_start3A_5 = arith.constant 0 : i32
    %dma_start3A_6 = tpu.memref_slice %arg4[%dma_start3A, %dma_start3A_5] : memref<12288x128xf32, #tpu.memory_space<hbm>> -> memref<128x128xf32, #tpu.memory_space<hbm>>
    %dma_start3A_7 = arith.constant 0 : i32
    %dma_start3A_8 = arith.constant 0 : i32
    %dma_start3A_9 = tpu.memref_slice %arg4[%dma_start3A_7, %dma_start3A_8] : memref<12288x128xf32, #tpu.memory_space<hbm>> -> memref<128x128xf32, #tpu.memory_space<hbm>>
    tpu.enqueue_dma source(%dma_start3A_9 : memref<128x128xf32, #tpu.memory_space<hbm>>) target(%arg9 : memref<128x128xf32, #tpu.memory_space<vmem>>) target_semaphore(%arg13 : memref<!tpu.dma_semaphore, #tpu.memory_space<semaphore_mem>>)
    %dma_start3A_10 = arith.constant 0 : i32
    %dma_start3A_11 = arith.constant 0 : i32
    %dma_start3A_12 = tpu.memref_slice %arg4[%dma_start3A_10, %dma_start3A_11] : memref<12288x128xf32, #tpu.memory_space<hbm>> -> memref<128x128xf32, #tpu.memory_space<hbm>>
    %dma_start3A_13 = arith.constant 0 : i32
    %dma_start3A_14 = arith.constant 0 : i32
    %dma_start3A_15 = tpu.memref_slice %arg4[%dma_start3A_13, %dma_start3A_14] : memref<12288x128xf32, #tpu.memory_space<hbm>> -> memref<128x128xf32, #tpu.memory_space<hbm>>
    tpu.enqueue_dma source(%dma_start3A_15 : memref<128x128xf32, #tpu.memory_space<hbm>>) target(%arg10 : memref<128x128xf32, #tpu.memory_space<vmem>>) target_semaphore(%arg14 : memref<!tpu.dma_semaphore, #tpu.memory_space<semaphore_mem>>)
    %barrier3A = arith.constant 0 : index
    tpu.barrier barrier_id(%barrier3A)
    %scan3A = arith.constant 0 : i32
    %scan3A_16 = arith.constant 0 : i32
    %scan3A_17 = arith.constant 2 : i32
    %scan3A_18 = arith.addi %scan3A_16, %scan3A_17 : i32
    %scan3A_19 = arith.constant 1 : i32
    scf.for %scan3A_37 = %scan3A_16 to %scan3A_18 step %scan3A_19  : i32 {
      %mul3A_38 = arith.constant 40 : i32
      %mul3A_39 = arith.muli %scan3A_37, %mul3A_38 : i32
      "tpu.region"() ({
        %run_scoped3A = tpu.sem_alloc : memref<!tpu.dma_semaphore, #tpu.memory_space<semaphore_mem>>
        %dma_start3A_48 = arith.constant 0 : i32
        %dma_start3A_49 = tpu.memref_slice %arg2[%add3A, %mul3A_39, %dma_start3A_48] : memref<32x80x128xi32, #tpu.memory_space<hbm>> -> memref<1x40x128xi32, #tpu.memory_space<hbm>>
        %dma_start3A_50 = tpu.memref_squeeze %dma_start3A_49 : memref<1x40x128xi32, #tpu.memory_space<hbm>> -> memref<40x128xi32, #tpu.memory_space<hbm>>
        %dma_start3A_51 = arith.constant 0 : i32
        %dma_start3A_52 = tpu.memref_slice %arg2[%add3A, %mul3A_39, %dma_start3A_51] : memref<32x80x128xi32, #tpu.memory_space<hbm>> -> memref<1x40x128xi32, #tpu.memory_space<hbm>>
        %dma_start3A_53 = tpu.memref_squeeze %dma_start3A_52 : memref<1x40x128xi32, #tpu.memory_space<hbm>> -> memref<40x128xi32, #tpu.memory_space<hbm>>
        tpu.enqueue_dma source(%dma_start3A_53 : memref<40x128xi32, #tpu.memory_space<hbm>>) target(%arg7 : memref<40x128xi32, #tpu.memory_space<vmem>>) target_semaphore(%run_scoped3A : memref<!tpu.dma_semaphore, #tpu.memory_space<semaphore_mem>>)
        %dma_wait3A_54 = arith.constant 0 : i32
        %dma_wait3A_55 = tpu.memref_slice %arg2[%add3A, %mul3A_39, %dma_wait3A_54] : memref<32x80x128xi32, #tpu.memory_space<hbm>> -> memref<1x40x128xi32, #tpu.memory_space<hbm>>
        %dma_wait3A_56 = tpu.memref_squeeze %dma_wait3A_55 : memref<1x40x128xi32, #tpu.memory_space<hbm>> -> memref<40x128xi32, #tpu.memory_space<hbm>>
        %dma_wait3A_57 = arith.constant 0 : i32
        %dma_wait3A_58 = tpu.memref_slice %arg2[%add3A, %mul3A_39, %dma_wait3A_57] : memref<32x80x128xi32, #tpu.memory_space<hbm>> -> memref<1x40x128xi32, #tpu.memory_space<hbm>>
        %dma_wait3A_59 = tpu.memref_squeeze %dma_wait3A_58 : memref<1x40x128xi32, #tpu.memory_space<hbm>> -> memref<40x128xi32, #tpu.memory_space<hbm>>
        tpu.wait_dma2 semaphore(%run_scoped3A : memref<!tpu.dma_semaphore, #tpu.memory_space<semaphore_mem>>) src(%dma_wait3A_59 : memref<40x128xi32, #tpu.memory_space<hbm>>) dst(%arg7 : memref<40x128xi32, #tpu.memory_space<vmem>>)
        tpu.yield
      }) : () -> ()
      %mul3A_40 = arith.constant 40 : i32
      %mul3A_41 = arith.muli %scan3A_37, %mul3A_40 : i32
      "tpu.region"() ({
        %run_scoped3A = tpu.sem_alloc : memref<!tpu.dma_semaphore, #tpu.memory_space<semaphore_mem>>
        %dma_start3A_48 = arith.constant 0 : i32
        %dma_start3A_49 = tpu.memref_slice %arg3[%add3A, %mul3A_41, %dma_start3A_48] : memref<32x80x128xi32, #tpu.memory_space<hbm>> -> memref<1x40x128xi32, #tpu.memory_space<hbm>>
        %dma_start3A_50 = tpu.memref_squeeze %dma_start3A_49 : memref<1x40x128xi32, #tpu.memory_space<hbm>> -> memref<40x128xi32, #tpu.memory_space<hbm>>
        %dma_start3A_51 = arith.constant 0 : i32
        %dma_start3A_52 = tpu.memref_slice %arg3[%add3A, %mul3A_41, %dma_start3A_51] : memref<32x80x128xi32, #tpu.memory_space<hbm>> -> memref<1x40x128xi32, #tpu.memory_space<hbm>>
        %dma_start3A_53 = tpu.memref_squeeze %dma_start3A_52 : memref<1x40x128xi32, #tpu.memory_space<hbm>> -> memref<40x128xi32, #tpu.memory_space<hbm>>
        tpu.enqueue_dma source(%dma_start3A_53 : memref<40x128xi32, #tpu.memory_space<hbm>>) target(%arg8 : memref<40x128xi32, #tpu.memory_space<vmem>>) target_semaphore(%run_scoped3A : memref<!tpu.dma_semaphore, #tpu.memory_space<semaphore_mem>>)
        %dma_wait3A_54 = arith.constant 0 : i32
        %dma_wait3A_55 = tpu.memref_slice %arg3[%add3A, %mul3A_41, %dma_wait3A_54] : memref<32x80x128xi32, #tpu.memory_space<hbm>> -> memref<1x40x128xi32, #tpu.memory_space<hbm>>
        %dma_wait3A_56 = tpu.memref_squeeze %dma_wait3A_55 : memref<1x40x128xi32, #tpu.memory_space<hbm>> -> memref<40x128xi32, #tpu.memory_space<hbm>>
        %dma_wait3A_57 = arith.constant 0 : i32
        %dma_wait3A_58 = tpu.memref_slice %arg3[%add3A, %mul3A_41, %dma_wait3A_57] : memref<32x80x128xi32, #tpu.memory_space<hbm>> -> memref<1x40x128xi32, #tpu.memory_space<hbm>>
        %dma_wait3A_59 = tpu.memref_squeeze %dma_wait3A_58 : memref<1x40x128xi32, #tpu.memory_space<hbm>> -> memref<40x128xi32, #tpu.memory_space<hbm>>
        tpu.wait_dma2 semaphore(%run_scoped3A : memref<!tpu.dma_semaphore, #tpu.memory_space<semaphore_mem>>) src(%dma_wait3A_59 : memref<40x128xi32, #tpu.memory_space<hbm>>) dst(%arg8 : memref<40x128xi32, #tpu.memory_space<vmem>>)
        tpu.yield
      }) : () -> ()
      %scan3A_42 = arith.constant 0 : i32
      %scan3A_43 = arith.constant 0 : i32
      %scan3A_44 = arith.constant 20 : i32
      %scan3A_45 = arith.addi %scan3A_43, %scan3A_44 : i32
      %scan3A_46 = arith.constant 1 : i32
      scf.for %scan3A_48 = %scan3A_43 to %scan3A_45 step %scan3A_46  : i32 {
        %mul3A_49 = arith.constant 2 : i32
        %mul3A_50 = arith.muli %mul3A_49, %scan3A_48 : i32
        %add3A_51 = arith.constant 0 : i32
        %add3A_52 = arith.addi %mul3A_50, %add3A_51 : i32
        %dma_wait3A_53 = arith.constant 0 : i32
        %dma_wait3A_54 = arith.constant 0 : i32
        %dma_wait3A_55 = tpu.memref_slice %arg4[%dma_wait3A_53, %dma_wait3A_54] : memref<12288x128xf32, #tpu.memory_space<hbm>> -> memref<128x128xf32, #tpu.memory_space<hbm>>
        %dma_wait3A_56 = arith.constant 0 : i32
        %dma_wait3A_57 = arith.constant 0 : i32
        %dma_wait3A_58 = tpu.memref_slice %arg4[%dma_wait3A_56, %dma_wait3A_57] : memref<12288x128xf32, #tpu.memory_space<hbm>> -> memref<128x128xf32, #tpu.memory_space<hbm>>
        tpu.wait_dma2 semaphore(%arg13 : memref<!tpu.dma_semaphore, #tpu.memory_space<semaphore_mem>>) src(%dma_wait3A_58 : memref<128x128xf32, #tpu.memory_space<hbm>>) dst(%arg9 : memref<128x128xf32, #tpu.memory_space<vmem>>)
        %dma_start3A_59 = arith.constant 0 : i32
        %dma_start3A_60 = tpu.memref_slice %arg7[%add3A_52, %dma_start3A_59] : memref<40x128xi32, #tpu.memory_space<vmem>> -> memref<1x128xi32, #tpu.memory_space<vmem>>
        %dma_start3A_61 = tpu.memref_squeeze %dma_start3A_60 : memref<1x128xi32, #tpu.memory_space<vmem>> -> memref<128xi32, #tpu.memory_space<vmem>>
        %dma_start3A_62 = arith.constant 0 : i32
        %dma_start3A_63 = arith.constant 0 : i32
        %dma_start3A_64 = tpu.memref_slice %arg4[%dma_start3A_62, %dma_start3A_63] : memref<12288x128xf32, #tpu.memory_space<hbm>> -> memref<12288x128xf32, #tpu.memory_space<hbm>>
        tpu.enqueue_indirect_dma source(%dma_start3A_64 : memref<12288x128xf32, #tpu.memory_space<hbm>>) target(%arg9 : memref<128x128xf32, #tpu.memory_space<vmem>>) offsets(%dma_start3A_61 : memref<128xi32, #tpu.memory_space<vmem>>) semaphore(%arg11 : memref<!tpu.dma_semaphore, #tpu.memory_space<semaphore_mem>>)
        %dma_wait3A_65 = arith.constant 0 : i32
        %dma_wait3A_66 = tpu.memref_slice %arg7[%add3A_52, %dma_wait3A_65] : memref<40x128xi32, #tpu.memory_space<vmem>> -> memref<1x128xi32, #tpu.memory_space<vmem>>
        %dma_wait3A_67 = tpu.memref_squeeze %dma_wait3A_66 : memref<1x128xi32, #tpu.memory_space<vmem>> -> memref<128xi32, #tpu.memory_space<vmem>>
        %dma_wait3A_68 = arith.constant 0 : i32
        %dma_wait3A_69 = arith.constant 0 : i32
        %dma_wait3A_70 = tpu.memref_slice %arg4[%dma_wait3A_68, %dma_wait3A_69] : memref<12288x128xf32, #tpu.memory_space<hbm>> -> memref<12288x128xf32, #tpu.memory_space<hbm>>
        tpu.wait_indirect_dma semaphore(%arg11 : memref<!tpu.dma_semaphore, #tpu.memory_space<semaphore_mem>>) src(%dma_wait3A_70 : memref<12288x128xf32, #tpu.memory_space<hbm>>) dst(%arg9 : memref<128x128xf32, #tpu.memory_space<vmem>>)
        %dma_start3A_71 = arith.constant 0 : i32
        %dma_start3A_72 = tpu.memref_slice %arg8[%add3A_52, %dma_start3A_71] : memref<40x128xi32, #tpu.memory_space<vmem>> -> memref<1x128xi32, #tpu.memory_space<vmem>>
        %dma_start3A_73 = tpu.memref_squeeze %dma_start3A_72 : memref<1x128xi32, #tpu.memory_space<vmem>> -> memref<128xi32, #tpu.memory_space<vmem>>
        %dma_start3A_74 = arith.constant 0 : i32
        %dma_start3A_75 = arith.constant 0 : i32
        %dma_start3A_76 = tpu.memref_slice %arg15[%dma_start3A_74, %dma_start3A_75] : memref<10240x128xf32, #tpu.memory_space<vmem_shared>> -> memref<10240x128xf32, #tpu.memory_space<vmem_shared>>
        tpu.enqueue_indirect_dma source(%arg9 : memref<128x128xf32, #tpu.memory_space<vmem>>) target(%dma_start3A_76 : memref<10240x128xf32, #tpu.memory_space<vmem_shared>>) offsets(%dma_start3A_73 : memref<128xi32, #tpu.memory_space<vmem>>) semaphore(%arg13 : memref<!tpu.dma_semaphore, #tpu.memory_space<semaphore_mem>>) {add = true}
        %mul3A_77 = arith.constant 2 : i32
        %mul3A_78 = arith.muli %mul3A_77, %scan3A_48 : i32
        %add3A_79 = arith.constant 1 : i32
        %add3A_80 = arith.addi %mul3A_78, %add3A_79 : i32
        %dma_wait3A_81 = arith.constant 0 : i32
        %dma_wait3A_82 = arith.constant 0 : i32
        %dma_wait3A_83 = tpu.memref_slice %arg4[%dma_wait3A_81, %dma_wait3A_82] : memref<12288x128xf32, #tpu.memory_space<hbm>> -> memref<128x128xf32, #tpu.memory_space<hbm>>
        %dma_wait3A_84 = arith.constant 0 : i32
        %dma_wait3A_85 = arith.constant 0 : i32
        %dma_wait3A_86 = tpu.memref_slice %arg4[%dma_wait3A_84, %dma_wait3A_85] : memref<12288x128xf32, #tpu.memory_space<hbm>> -> memref<128x128xf32, #tpu.memory_space<hbm>>
        tpu.wait_dma2 semaphore(%arg14 : memref<!tpu.dma_semaphore, #tpu.memory_space<semaphore_mem>>) src(%dma_wait3A_86 : memref<128x128xf32, #tpu.memory_space<hbm>>) dst(%arg10 : memref<128x128xf32, #tpu.memory_space<vmem>>)
        %dma_start3A_87 = arith.constant 0 : i32
        %dma_start3A_88 = tpu.memref_slice %arg7[%add3A_80, %dma_start3A_87] : memref<40x128xi32, #tpu.memory_space<vmem>> -> memref<1x128xi32, #tpu.memory_space<vmem>>
        %dma_start3A_89 = tpu.memref_squeeze %dma_start3A_88 : memref<1x128xi32, #tpu.memory_space<vmem>> -> memref<128xi32, #tpu.memory_space<vmem>>
        %dma_start3A_90 = arith.constant 0 : i32
        %dma_start3A_91 = arith.constant 0 : i32
        %dma_start3A_92 = tpu.memref_slice %arg4[%dma_start3A_90, %dma_start3A_91] : memref<12288x128xf32, #tpu.memory_space<hbm>> -> memref<12288x128xf32, #tpu.memory_space<hbm>>
        tpu.enqueue_indirect_dma source(%dma_start3A_92 : memref<12288x128xf32, #tpu.memory_space<hbm>>) target(%arg10 : memref<128x128xf32, #tpu.memory_space<vmem>>) offsets(%dma_start3A_89 : memref<128xi32, #tpu.memory_space<vmem>>) semaphore(%arg12 : memref<!tpu.dma_semaphore, #tpu.memory_space<semaphore_mem>>)
        %dma_wait3A_93 = arith.constant 0 : i32
        %dma_wait3A_94 = tpu.memref_slice %arg7[%add3A_80, %dma_wait3A_93] : memref<40x128xi32, #tpu.memory_space<vmem>> -> memref<1x128xi32, #tpu.memory_space<vmem>>
        %dma_wait3A_95 = tpu.memref_squeeze %dma_wait3A_94 : memref<1x128xi32, #tpu.memory_space<vmem>> -> memref<128xi32, #tpu.memory_space<vmem>>
        %dma_wait3A_96 = arith.constant 0 : i32
        %dma_wait3A_97 = arith.constant 0 : i32
        %dma_wait3A_98 = tpu.memref_slice %arg4[%dma_wait3A_96, %dma_wait3A_97] : memref<12288x128xf32, #tpu.memory_space<hbm>> -> memref<12288x128xf32, #tpu.memory_space<hbm>>
        tpu.wait_indirect_dma semaphore(%arg12 : memref<!tpu.dma_semaphore, #tpu.memory_space<semaphore_mem>>) src(%dma_wait3A_98 : memref<12288x128xf32, #tpu.memory_space<hbm>>) dst(%arg10 : memref<128x128xf32, #tpu.memory_space<vmem>>)
        %dma_start3A_99 = arith.constant 0 : i32
        %dma_start3A_100 = tpu.memref_slice %arg8[%add3A_80, %dma_start3A_99] : memref<40x128xi32, #tpu.memory_space<vmem>> -> memref<1x128xi32, #tpu.memory_space<vmem>>
        %dma_start3A_101 = tpu.memref_squeeze %dma_start3A_100 : memref<1x128xi32, #tpu.memory_space<vmem>> -> memref<128xi32, #tpu.memory_space<vmem>>
        %dma_start3A_102 = arith.constant 0 : i32
        %dma_start3A_103 = arith.constant 0 : i32
        %dma_start3A_104 = tpu.memref_slice %arg15[%dma_start3A_102, %dma_start3A_103] : memref<10240x128xf32, #tpu.memory_space<vmem_shared>> -> memref<10240x128xf32, #tpu.memory_space<vmem_shared>>
        tpu.enqueue_indirect_dma source(%arg10 : memref<128x128xf32, #tpu.memory_space<vmem>>) target(%dma_start3A_104 : memref<10240x128xf32, #tpu.memory_space<vmem_shared>>) offsets(%dma_start3A_101 : memref<128xi32, #tpu.memory_space<vmem>>) semaphore(%arg14 : memref<!tpu.dma_semaphore, #tpu.memory_space<semaphore_mem>>) {add = true}
      }
      %scan3A_47 = arith.constant 20 : i32
    }
    %scan3A_20 = arith.constant 2 : i32
    %dma_wait3A = arith.constant 0 : i32
    %dma_wait3A_21 = arith.constant 0 : i32
    %dma_wait3A_22 = tpu.memref_slice %arg4[%dma_wait3A, %dma_wait3A_21] : memref<12288x128xf32, #tpu.memory_space<hbm>> -> memref<128x128xf32, #tpu.memory_space<hbm>>
    %dma_wait3A_23 = arith.constant 0 : i32
    %dma_wait3A_24 = arith.constant 0 : i32
    %dma_wait3A_25 = tpu.memref_slice %arg4[%dma_wait3A_23, %dma_wait3A_24] : memref<12288x128xf32, #tpu.memory_space<hbm>> -> memref<128x128xf32, #tpu.memory_space<hbm>>
    tpu.wait_dma2 semaphore(%arg13 : memref<!tpu.dma_semaphore, #tpu.memory_space<semaphore_mem>>) src(%dma_wait3A_25 : memref<128x128xf32, #tpu.memory_space<hbm>>) dst(%arg9 : memref<128x128xf32, #tpu.memory_space<vmem>>)
    %dma_wait3A_26 = arith.constant 0 : i32
    %dma_wait3A_27 = arith.constant 0 : i32
    %dma_wait3A_28 = tpu.memref_slice %arg4[%dma_wait3A_26, %dma_wait3A_27] : memref<12288x128xf32, #tpu.memory_space<hbm>> -> memref<128x128xf32, #tpu.memory_space<hbm>>
    %dma_wait3A_29 = arith.constant 0 : i32
    %dma_wait3A_30 = arith.constant 0 : i32
    %dma_wait3A_31 = tpu.memref_slice %arg4[%dma_wait3A_29, %dma_wait3A_30] : memref<12288x128xf32, #tpu.memory_space<hbm>> -> memref<128x128xf32, #tpu.memory_space<hbm>>
    tpu.wait_dma2 semaphore(%arg14 : memref<!tpu.dma_semaphore, #tpu.memory_space<semaphore_mem>>) src(%dma_wait3A_31 : memref<128x128xf32, #tpu.memory_space<hbm>>) dst(%arg10 : memref<128x128xf32, #tpu.memory_space<vmem>>)
    %barrier3A_32 = arith.constant 0 : index
    tpu.barrier barrier_id(%barrier3A_32)
    %mul3A_33 = arith.constant 640 : i32
    %mul3A_34 = arith.muli %arg1, %mul3A_33 : i32
    %mul3A_35 = arith.constant 640 : i32
    %mul3A_36 = arith.muli %arg1, %mul3A_35 : i32
    "tpu.region"() ({
      %run_scoped3A = tpu.sem_alloc : memref<!tpu.dma_semaphore, #tpu.memory_space<semaphore_mem>>
      %dma_start3A_37 = arith.constant 0 : i32
      %dma_start3A_38 = tpu.memref_slice %arg6[%arg0, %mul3A_36, %dma_start3A_37] : memref<2x10240x128xf32, #tpu.memory_space<hbm>> -> memref<1x640x128xf32, #tpu.memory_space<hbm>>
      %dma_start3A_39 = tpu.memref_squeeze %dma_start3A_38 : memref<1x640x128xf32, #tpu.memory_space<hbm>> -> memref<640x128xf32, #tpu.memory_space<hbm>>
      %dma_start3A_40 = arith.constant 0 : i32
      %dma_start3A_41 = tpu.memref_slice %arg15[%mul3A_34, %dma_start3A_40] : memref<10240x128xf32, #tpu.memory_space<vmem_shared>> -> memref<640x128xf32, #tpu.memory_space<vmem_shared>>
      tpu.enqueue_dma source(%dma_start3A_41 : memref<640x128xf32, #tpu.memory_space<vmem_shared>>) target(%dma_start3A_39 : memref<640x128xf32, #tpu.memory_space<hbm>>) target_semaphore(%run_scoped3A : memref<!tpu.dma_semaphore, #tpu.memory_space<semaphore_mem>>)
      %dma_wait3A_42 = arith.constant 0 : i32
      %dma_wait3A_43 = tpu.memref_slice %arg6[%arg0, %mul3A_36, %dma_wait3A_42] : memref<2x10240x128xf32, #tpu.memory_space<hbm>> -> memref<1x640x128xf32, #tpu.memory_space<hbm>>
      %dma_wait3A_44 = tpu.memref_squeeze %dma_wait3A_43 : memref<1x640x128xf32, #tpu.memory_space<hbm>> -> memref<640x128xf32, #tpu.memory_space<hbm>>
      %dma_wait3A_45 = arith.constant 0 : i32
      %dma_wait3A_46 = tpu.memref_slice %arg15[%mul3A_34, %dma_wait3A_45] : memref<10240x128xf32, #tpu.memory_space<vmem_shared>> -> memref<640x128xf32, #tpu.memory_space<vmem_shared>>
      tpu.wait_dma2 semaphore(%run_scoped3A : memref<!tpu.dma_semaphore, #tpu.memory_space<semaphore_mem>>) src(%dma_wait3A_46 : memref<640x128xf32, #tpu.memory_space<vmem_shared>>) dst(%dma_wait3A_44 : memref<640x128xf32, #tpu.memory_space<hbm>>)
      tpu.yield
    }) : () -> ()
    return
  }
}

#map = affine_map<(d0, d1) -> (0, 0, 0)>
#map1 = affine_map<(d0, d1) -> (0, 0)>
module attributes {stable_mosaic.version = 14 : i64} {
  func.func @_edge_agg(%arg0: i32, %arg1: i32, %arg2: memref<32x80x128xi32, #tpu.memory_space<hbm>>, %arg3: memref<32x80x128xi32, #tpu.memory_space<hbm>>, %arg4: memref<12288x128xf32, #tpu.memory_space<hbm>>, %arg5: memref<10240x128xf32, #tpu.memory_space<hbm>>, %arg6: memref<2x10240x128xf32, #tpu.memory_space<hbm>>, %arg7: memref<40x128xi32, #tpu.memory_space<vmem>>, %arg8: memref<40x128xi32, #tpu.memory_space<vmem>>, %arg9: memref<128x128xf32, #tpu.memory_space<vmem>>, %arg10: memref<128x128xf32, #tpu.memory_space<vmem>>, %arg11: memref<!tpu.dma_semaphore, #tpu.memory_space<semaphore_mem>>, %arg12: memref<!tpu.dma_semaphore, #tpu.memory_space<semaphore_mem>>, %arg13: memref<!tpu.dma_semaphore, #tpu.memory_space<semaphore_mem>>, %arg14: memref<!tpu.dma_semaphore, #tpu.memory_space<semaphore_mem>>, %arg15: memref<10240x128xf32, #tpu.memory_space<vmem_shared>>) attributes {dimension_semantics = [#tpu.dimension_semantics<core_parallel>, #tpu.dimension_semantics<subcore_parallel>], iteration_bounds = array<i64: 2, 16>, scalar_prefetch = 0 : i64, scratch_operands = 9 : i64, tpu.core_type = #tpu.core_type<sc_vector_subcore>, window_params = [{transform_indices = #map}, {transform_indices = #map}, {transform_indices = #map1}, {transform_indices = #map1}, {transform_indices = #map}]} {
    %mul3A = arith.constant 2 : i32
    %mul3A_0 = arith.muli %arg1, %mul3A : i32
    %add3A = arith.addi %mul3A_0, %arg0 : i32
    %mul3A_1 = arith.constant 640 : i32
    %mul3A_2 = arith.muli %arg1, %mul3A_1 : i32
    %mul3A_3 = arith.constant 640 : i32
    %mul3A_4 = arith.muli %arg1, %mul3A_3 : i32
    "tpu.region"() ({
      %run_scoped3A = tpu.sem_alloc : memref<!tpu.dma_semaphore, #tpu.memory_space<semaphore_mem>>
      %dma_start3A_37 = arith.constant 0 : i32
      %dma_start3A_38 = tpu.memref_slice %arg15[%mul3A_4, %dma_start3A_37] : memref<10240x128xf32, #tpu.memory_space<vmem_shared>> -> memref<640x128xf32, #tpu.memory_space<vmem_shared>>
      %dma_start3A_39 = arith.constant 0 : i32
      %dma_start3A_40 = tpu.memref_slice %arg5[%mul3A_2, %dma_start3A_39] : memref<10240x128xf32, #tpu.memory_space<hbm>> -> memref<640x128xf32, #tpu.memory_space<hbm>>
      tpu.enqueue_dma source(%dma_start3A_40 : memref<640x128xf32, #tpu.memory_space<hbm>>) target(%dma_start3A_38 : memref<640x128xf32, #tpu.memory_space<vmem_shared>>) target_semaphore(%run_scoped3A : memref<!tpu.dma_semaphore, #tpu.memory_space<semaphore_mem>>)
      %dma_wait3A_41 = arith.constant 0 : i32
      %dma_wait3A_42 = tpu.memref_slice %arg15[%mul3A_4, %dma_wait3A_41] : memref<10240x128xf32, #tpu.memory_space<vmem_shared>> -> memref<640x128xf32, #tpu.memory_space<vmem_shared>>
      %dma_wait3A_43 = arith.constant 0 : i32
      %dma_wait3A_44 = tpu.memref_slice %arg5[%mul3A_2, %dma_wait3A_43] : memref<10240x128xf32, #tpu.memory_space<hbm>> -> memref<640x128xf32, #tpu.memory_space<hbm>>
      tpu.wait_dma2 semaphore(%run_scoped3A : memref<!tpu.dma_semaphore, #tpu.memory_space<semaphore_mem>>) src(%dma_wait3A_44 : memref<640x128xf32, #tpu.memory_space<hbm>>) dst(%dma_wait3A_42 : memref<640x128xf32, #tpu.memory_space<vmem_shared>>)
      tpu.yield
    }) : () -> ()
    %dma_start3A = arith.constant 0 : i32
    %dma_start3A_5 = arith.constant 0 : i32
    %dma_start3A_6 = tpu.memref_slice %arg4[%dma_start3A, %dma_start3A_5] : memref<12288x128xf32, #tpu.memory_space<hbm>> -> memref<128x128xf32, #tpu.memory_space<hbm>>
    %dma_start3A_7 = arith.constant 0 : i32
    %dma_start3A_8 = arith.constant 0 : i32
    %dma_start3A_9 = tpu.memref_slice %arg4[%dma_start3A_7, %dma_start3A_8] : memref<12288x128xf32, #tpu.memory_space<hbm>> -> memref<128x128xf32, #tpu.memory_space<hbm>>
    tpu.enqueue_dma source(%dma_start3A_9 : memref<128x128xf32, #tpu.memory_space<hbm>>) target(%arg9 : memref<128x128xf32, #tpu.memory_space<vmem>>) target_semaphore(%arg13 : memref<!tpu.dma_semaphore, #tpu.memory_space<semaphore_mem>>)
    %dma_start3A_10 = arith.constant 0 : i32
    %dma_start3A_11 = arith.constant 0 : i32
    %dma_start3A_12 = tpu.memref_slice %arg4[%dma_start3A_10, %dma_start3A_11] : memref<12288x128xf32, #tpu.memory_space<hbm>> -> memref<128x128xf32, #tpu.memory_space<hbm>>
    %dma_start3A_13 = arith.constant 0 : i32
    %dma_start3A_14 = arith.constant 0 : i32
    %dma_start3A_15 = tpu.memref_slice %arg4[%dma_start3A_13, %dma_start3A_14] : memref<12288x128xf32, #tpu.memory_space<hbm>> -> memref<128x128xf32, #tpu.memory_space<hbm>>
    tpu.enqueue_dma source(%dma_start3A_15 : memref<128x128xf32, #tpu.memory_space<hbm>>) target(%arg10 : memref<128x128xf32, #tpu.memory_space<vmem>>) target_semaphore(%arg14 : memref<!tpu.dma_semaphore, #tpu.memory_space<semaphore_mem>>)
    %barrier3A = arith.constant 0 : index
    tpu.barrier barrier_id(%barrier3A)
    %scan3A = arith.constant 0 : i32
    %scan3A_16 = arith.constant 0 : i32
    %scan3A_17 = arith.constant 2 : i32
    %scan3A_18 = arith.addi %scan3A_16, %scan3A_17 : i32
    %scan3A_19 = arith.constant 1 : i32
    scf.for %scan3A_37 = %scan3A_16 to %scan3A_18 step %scan3A_19  : i32 {
      %mul3A_38 = arith.constant 40 : i32
      %mul3A_39 = arith.muli %scan3A_37, %mul3A_38 : i32
      "tpu.region"() ({
        %run_scoped3A = tpu.sem_alloc : memref<!tpu.dma_semaphore, #tpu.memory_space<semaphore_mem>>
        %dma_start3A_48 = arith.constant 0 : i32
        %dma_start3A_49 = tpu.memref_slice %arg2[%add3A, %mul3A_39, %dma_start3A_48] : memref<32x80x128xi32, #tpu.memory_space<hbm>> -> memref<1x40x128xi32, #tpu.memory_space<hbm>>
        %dma_start3A_50 = tpu.memref_squeeze %dma_start3A_49 : memref<1x40x128xi32, #tpu.memory_space<hbm>> -> memref<40x128xi32, #tpu.memory_space<hbm>>
        %dma_start3A_51 = arith.constant 0 : i32
        %dma_start3A_52 = tpu.memref_slice %arg2[%add3A, %mul3A_39, %dma_start3A_51] : memref<32x80x128xi32, #tpu.memory_space<hbm>> -> memref<1x40x128xi32, #tpu.memory_space<hbm>>
        %dma_start3A_53 = tpu.memref_squeeze %dma_start3A_52 : memref<1x40x128xi32, #tpu.memory_space<hbm>> -> memref<40x128xi32, #tpu.memory_space<hbm>>
        tpu.enqueue_dma source(%dma_start3A_53 : memref<40x128xi32, #tpu.memory_space<hbm>>) target(%arg7 : memref<40x128xi32, #tpu.memory_space<vmem>>) target_semaphore(%run_scoped3A : memref<!tpu.dma_semaphore, #tpu.memory_space<semaphore_mem>>)
        %dma_wait3A_54 = arith.constant 0 : i32
        %dma_wait3A_55 = tpu.memref_slice %arg2[%add3A, %mul3A_39, %dma_wait3A_54] : memref<32x80x128xi32, #tpu.memory_space<hbm>> -> memref<1x40x128xi32, #tpu.memory_space<hbm>>
        %dma_wait3A_56 = tpu.memref_squeeze %dma_wait3A_55 : memref<1x40x128xi32, #tpu.memory_space<hbm>> -> memref<40x128xi32, #tpu.memory_space<hbm>>
        %dma_wait3A_57 = arith.constant 0 : i32
        %dma_wait3A_58 = tpu.memref_slice %arg2[%add3A, %mul3A_39, %dma_wait3A_57] : memref<32x80x128xi32, #tpu.memory_space<hbm>> -> memref<1x40x128xi32, #tpu.memory_space<hbm>>
        %dma_wait3A_59 = tpu.memref_squeeze %dma_wait3A_58 : memref<1x40x128xi32, #tpu.memory_space<hbm>> -> memref<40x128xi32, #tpu.memory_space<hbm>>
        tpu.wait_dma2 semaphore(%run_scoped3A : memref<!tpu.dma_semaphore, #tpu.memory_space<semaphore_mem>>) src(%dma_wait3A_59 : memref<40x128xi32, #tpu.memory_space<hbm>>) dst(%arg7 : memref<40x128xi32, #tpu.memory_space<vmem>>)
        tpu.yield
      }) : () -> ()
      %mul3A_40 = arith.constant 40 : i32
      %mul3A_41 = arith.muli %scan3A_37, %mul3A_40 : i32
      "tpu.region"() ({
        %run_scoped3A = tpu.sem_alloc : memref<!tpu.dma_semaphore, #tpu.memory_space<semaphore_mem>>
        %dma_start3A_48 = arith.constant 0 : i32
        %dma_start3A_49 = tpu.memref_slice %arg3[%add3A, %mul3A_41, %dma_start3A_48] : memref<32x80x128xi32, #tpu.memory_space<hbm>> -> memref<1x40x128xi32, #tpu.memory_space<hbm>>
        %dma_start3A_50 = tpu.memref_squeeze %dma_start3A_49 : memref<1x40x128xi32, #tpu.memory_space<hbm>> -> memref<40x128xi32, #tpu.memory_space<hbm>>
        %dma_start3A_51 = arith.constant 0 : i32
        %dma_start3A_52 = tpu.memref_slice %arg3[%add3A, %mul3A_41, %dma_start3A_51] : memref<32x80x128xi32, #tpu.memory_space<hbm>> -> memref<1x40x128xi32, #tpu.memory_space<hbm>>
        %dma_start3A_53 = tpu.memref_squeeze %dma_start3A_52 : memref<1x40x128xi32, #tpu.memory_space<hbm>> -> memref<40x128xi32, #tpu.memory_space<hbm>>
        tpu.enqueue_dma source(%dma_start3A_53 : memref<40x128xi32, #tpu.memory_space<hbm>>) target(%arg8 : memref<40x128xi32, #tpu.memory_space<vmem>>) target_semaphore(%run_scoped3A : memref<!tpu.dma_semaphore, #tpu.memory_space<semaphore_mem>>)
        %dma_wait3A_54 = arith.constant 0 : i32
        %dma_wait3A_55 = tpu.memref_slice %arg3[%add3A, %mul3A_41, %dma_wait3A_54] : memref<32x80x128xi32, #tpu.memory_space<hbm>> -> memref<1x40x128xi32, #tpu.memory_space<hbm>>
        %dma_wait3A_56 = tpu.memref_squeeze %dma_wait3A_55 : memref<1x40x128xi32, #tpu.memory_space<hbm>> -> memref<40x128xi32, #tpu.memory_space<hbm>>
        %dma_wait3A_57 = arith.constant 0 : i32
        %dma_wait3A_58 = tpu.memref_slice %arg3[%add3A, %mul3A_41, %dma_wait3A_57] : memref<32x80x128xi32, #tpu.memory_space<hbm>> -> memref<1x40x128xi32, #tpu.memory_space<hbm>>
        %dma_wait3A_59 = tpu.memref_squeeze %dma_wait3A_58 : memref<1x40x128xi32, #tpu.memory_space<hbm>> -> memref<40x128xi32, #tpu.memory_space<hbm>>
        tpu.wait_dma2 semaphore(%run_scoped3A : memref<!tpu.dma_semaphore, #tpu.memory_space<semaphore_mem>>) src(%dma_wait3A_59 : memref<40x128xi32, #tpu.memory_space<hbm>>) dst(%arg8 : memref<40x128xi32, #tpu.memory_space<vmem>>)
        tpu.yield
      }) : () -> ()
      %scan3A_42 = arith.constant 0 : i32
      %scan3A_43 = arith.constant 0 : i32
      %scan3A_44 = arith.constant 20 : i32
      %scan3A_45 = arith.addi %scan3A_43, %scan3A_44 : i32
      %scan3A_46 = arith.constant 1 : i32
      scf.for %scan3A_48 = %scan3A_43 to %scan3A_45 step %scan3A_46  : i32 {
        %mul3A_49 = arith.constant 2 : i32
        %mul3A_50 = arith.muli %mul3A_49, %scan3A_48 : i32
        %add3A_51 = arith.constant 0 : i32
        %add3A_52 = arith.addi %mul3A_50, %add3A_51 : i32
        %dma_wait3A_53 = arith.constant 0 : i32
        %dma_wait3A_54 = arith.constant 0 : i32
        %dma_wait3A_55 = tpu.memref_slice %arg4[%dma_wait3A_53, %dma_wait3A_54] : memref<12288x128xf32, #tpu.memory_space<hbm>> -> memref<128x128xf32, #tpu.memory_space<hbm>>
        %dma_wait3A_56 = arith.constant 0 : i32
        %dma_wait3A_57 = arith.constant 0 : i32
        %dma_wait3A_58 = tpu.memref_slice %arg4[%dma_wait3A_56, %dma_wait3A_57] : memref<12288x128xf32, #tpu.memory_space<hbm>> -> memref<128x128xf32, #tpu.memory_space<hbm>>
        tpu.wait_dma2 semaphore(%arg13 : memref<!tpu.dma_semaphore, #tpu.memory_space<semaphore_mem>>) src(%dma_wait3A_58 : memref<128x128xf32, #tpu.memory_space<hbm>>) dst(%arg9 : memref<128x128xf32, #tpu.memory_space<vmem>>)
        %dma_start3A_59 = arith.constant 0 : i32
        %dma_start3A_60 = tpu.memref_slice %arg7[%add3A_52, %dma_start3A_59] : memref<40x128xi32, #tpu.memory_space<vmem>> -> memref<1x128xi32, #tpu.memory_space<vmem>>
        %dma_start3A_61 = tpu.memref_squeeze %dma_start3A_60 : memref<1x128xi32, #tpu.memory_space<vmem>> -> memref<128xi32, #tpu.memory_space<vmem>>
        %dma_start3A_62 = arith.constant 0 : i32
        %dma_start3A_63 = arith.constant 0 : i32
        %dma_start3A_64 = tpu.memref_slice %arg4[%dma_start3A_62, %dma_start3A_63] : memref<12288x128xf32, #tpu.memory_space<hbm>> -> memref<12288x128xf32, #tpu.memory_space<hbm>>
        tpu.enqueue_indirect_dma source(%dma_start3A_64 : memref<12288x128xf32, #tpu.memory_space<hbm>>) target(%arg9 : memref<128x128xf32, #tpu.memory_space<vmem>>) offsets(%dma_start3A_61 : memref<128xi32, #tpu.memory_space<vmem>>) semaphore(%arg11 : memref<!tpu.dma_semaphore, #tpu.memory_space<semaphore_mem>>)
        %dma_wait3A_65 = arith.constant 0 : i32
        %dma_wait3A_66 = tpu.memref_slice %arg7[%add3A_52, %dma_wait3A_65] : memref<40x128xi32, #tpu.memory_space<vmem>> -> memref<1x128xi32, #tpu.memory_space<vmem>>
        %dma_wait3A_67 = tpu.memref_squeeze %dma_wait3A_66 : memref<1x128xi32, #tpu.memory_space<vmem>> -> memref<128xi32, #tpu.memory_space<vmem>>
        %dma_wait3A_68 = arith.constant 0 : i32
        %dma_wait3A_69 = arith.constant 0 : i32
        %dma_wait3A_70 = tpu.memref_slice %arg4[%dma_wait3A_68, %dma_wait3A_69] : memref<12288x128xf32, #tpu.memory_space<hbm>> -> memref<12288x128xf32, #tpu.memory_space<hbm>>
        tpu.wait_indirect_dma semaphore(%arg11 : memref<!tpu.dma_semaphore, #tpu.memory_space<semaphore_mem>>) src(%dma_wait3A_70 : memref<12288x128xf32, #tpu.memory_space<hbm>>) dst(%arg9 : memref<128x128xf32, #tpu.memory_space<vmem>>)
        %dma_start3A_71 = arith.constant 0 : i32
        %dma_start3A_72 = tpu.memref_slice %arg8[%add3A_52, %dma_start3A_71] : memref<40x128xi32, #tpu.memory_space<vmem>> -> memref<1x128xi32, #tpu.memory_space<vmem>>
        %dma_start3A_73 = tpu.memref_squeeze %dma_start3A_72 : memref<1x128xi32, #tpu.memory_space<vmem>> -> memref<128xi32, #tpu.memory_space<vmem>>
        %dma_start3A_74 = arith.constant 0 : i32
        %dma_start3A_75 = arith.constant 0 : i32
        %dma_start3A_76 = tpu.memref_slice %arg15[%dma_start3A_74, %dma_start3A_75] : memref<10240x128xf32, #tpu.memory_space<vmem_shared>> -> memref<10240x128xf32, #tpu.memory_space<vmem_shared>>
        tpu.enqueue_indirect_dma source(%arg9 : memref<128x128xf32, #tpu.memory_space<vmem>>) target(%dma_start3A_76 : memref<10240x128xf32, #tpu.memory_space<vmem_shared>>) offsets(%dma_start3A_73 : memref<128xi32, #tpu.memory_space<vmem>>) semaphore(%arg13 : memref<!tpu.dma_semaphore, #tpu.memory_space<semaphore_mem>>) {add = true}
        %mul3A_77 = arith.constant 2 : i32
        %mul3A_78 = arith.muli %mul3A_77, %scan3A_48 : i32
        %add3A_79 = arith.constant 1 : i32
        %add3A_80 = arith.addi %mul3A_78, %add3A_79 : i32
        %dma_wait3A_81 = arith.constant 0 : i32
        %dma_wait3A_82 = arith.constant 0 : i32
        %dma_wait3A_83 = tpu.memref_slice %arg4[%dma_wait3A_81, %dma_wait3A_82] : memref<12288x128xf32, #tpu.memory_space<hbm>> -> memref<128x128xf32, #tpu.memory_space<hbm>>
        %dma_wait3A_84 = arith.constant 0 : i32
        %dma_wait3A_85 = arith.constant 0 : i32
        %dma_wait3A_86 = tpu.memref_slice %arg4[%dma_wait3A_84, %dma_wait3A_85] : memref<12288x128xf32, #tpu.memory_space<hbm>> -> memref<128x128xf32, #tpu.memory_space<hbm>>
        tpu.wait_dma2 semaphore(%arg14 : memref<!tpu.dma_semaphore, #tpu.memory_space<semaphore_mem>>) src(%dma_wait3A_86 : memref<128x128xf32, #tpu.memory_space<hbm>>) dst(%arg10 : memref<128x128xf32, #tpu.memory_space<vmem>>)
        %dma_start3A_87 = arith.constant 0 : i32
        %dma_start3A_88 = tpu.memref_slice %arg7[%add3A_80, %dma_start3A_87] : memref<40x128xi32, #tpu.memory_space<vmem>> -> memref<1x128xi32, #tpu.memory_space<vmem>>
        %dma_start3A_89 = tpu.memref_squeeze %dma_start3A_88 : memref<1x128xi32, #tpu.memory_space<vmem>> -> memref<128xi32, #tpu.memory_space<vmem>>
        %dma_start3A_90 = arith.constant 0 : i32
        %dma_start3A_91 = arith.constant 0 : i32
        %dma_start3A_92 = tpu.memref_slice %arg4[%dma_start3A_90, %dma_start3A_91] : memref<12288x128xf32, #tpu.memory_space<hbm>> -> memref<12288x128xf32, #tpu.memory_space<hbm>>
        tpu.enqueue_indirect_dma source(%dma_start3A_92 : memref<12288x128xf32, #tpu.memory_space<hbm>>) target(%arg10 : memref<128x128xf32, #tpu.memory_space<vmem>>) offsets(%dma_start3A_89 : memref<128xi32, #tpu.memory_space<vmem>>) semaphore(%arg12 : memref<!tpu.dma_semaphore, #tpu.memory_space<semaphore_mem>>)
        %dma_wait3A_93 = arith.constant 0 : i32
        %dma_wait3A_94 = tpu.memref_slice %arg7[%add3A_80, %dma_wait3A_93] : memref<40x128xi32, #tpu.memory_space<vmem>> -> memref<1x128xi32, #tpu.memory_space<vmem>>
        %dma_wait3A_95 = tpu.memref_squeeze %dma_wait3A_94 : memref<1x128xi32, #tpu.memory_space<vmem>> -> memref<128xi32, #tpu.memory_space<vmem>>
        %dma_wait3A_96 = arith.constant 0 : i32
        %dma_wait3A_97 = arith.constant 0 : i32
        %dma_wait3A_98 = tpu.memref_slice %arg4[%dma_wait3A_96, %dma_wait3A_97] : memref<12288x128xf32, #tpu.memory_space<hbm>> -> memref<12288x128xf32, #tpu.memory_space<hbm>>
        tpu.wait_indirect_dma semaphore(%arg12 : memref<!tpu.dma_semaphore, #tpu.memory_space<semaphore_mem>>) src(%dma_wait3A_98 : memref<12288x128xf32, #tpu.memory_space<hbm>>) dst(%arg10 : memref<128x128xf32, #tpu.memory_space<vmem>>)
        %dma_start3A_99 = arith.constant 0 : i32
        %dma_start3A_100 = tpu.memref_slice %arg8[%add3A_80, %dma_start3A_99] : memref<40x128xi32, #tpu.memory_space<vmem>> -> memref<1x128xi32, #tpu.memory_space<vmem>>
        %dma_start3A_101 = tpu.memref_squeeze %dma_start3A_100 : memref<1x128xi32, #tpu.memory_space<vmem>> -> memref<128xi32, #tpu.memory_space<vmem>>
        %dma_start3A_102 = arith.constant 0 : i32
        %dma_start3A_103 = arith.constant 0 : i32
        %dma_start3A_104 = tpu.memref_slice %arg15[%dma_start3A_102, %dma_start3A_103] : memref<10240x128xf32, #tpu.memory_space<vmem_shared>> -> memref<10240x128xf32, #tpu.memory_space<vmem_shared>>
        tpu.enqueue_indirect_dma source(%arg10 : memref<128x128xf32, #tpu.memory_space<vmem>>) target(%dma_start3A_104 : memref<10240x128xf32, #tpu.memory_space<vmem_shared>>) offsets(%dma_start3A_101 : memref<128xi32, #tpu.memory_space<vmem>>) semaphore(%arg14 : memref<!tpu.dma_semaphore, #tpu.memory_space<semaphore_mem>>) {add = true}
      }
      %scan3A_47 = arith.constant 20 : i32
    }
    %scan3A_20 = arith.constant 2 : i32
    %dma_wait3A = arith.constant 0 : i32
    %dma_wait3A_21 = arith.constant 0 : i32
    %dma_wait3A_22 = tpu.memref_slice %arg4[%dma_wait3A, %dma_wait3A_21] : memref<12288x128xf32, #tpu.memory_space<hbm>> -> memref<128x128xf32, #tpu.memory_space<hbm>>
    %dma_wait3A_23 = arith.constant 0 : i32
    %dma_wait3A_24 = arith.constant 0 : i32
    %dma_wait3A_25 = tpu.memref_slice %arg4[%dma_wait3A_23, %dma_wait3A_24] : memref<12288x128xf32, #tpu.memory_space<hbm>> -> memref<128x128xf32, #tpu.memory_space<hbm>>
    tpu.wait_dma2 semaphore(%arg13 : memref<!tpu.dma_semaphore, #tpu.memory_space<semaphore_mem>>) src(%dma_wait3A_25 : memref<128x128xf32, #tpu.memory_space<hbm>>) dst(%arg9 : memref<128x128xf32, #tpu.memory_space<vmem>>)
    %dma_wait3A_26 = arith.constant 0 : i32
    %dma_wait3A_27 = arith.constant 0 : i32
    %dma_wait3A_28 = tpu.memref_slice %arg4[%dma_wait3A_26, %dma_wait3A_27] : memref<12288x128xf32, #tpu.memory_space<hbm>> -> memref<128x128xf32, #tpu.memory_space<hbm>>
    %dma_wait3A_29 = arith.constant 0 : i32
    %dma_wait3A_30 = arith.constant 0 : i32
    %dma_wait3A_31 = tpu.memref_slice %arg4[%dma_wait3A_29, %dma_wait3A_30] : memref<12288x128xf32, #tpu.memory_space<hbm>> -> memref<128x128xf32, #tpu.memory_space<hbm>>
    tpu.wait_dma2 semaphore(%arg14 : memref<!tpu.dma_semaphore, #tpu.memory_space<semaphore_mem>>) src(%dma_wait3A_31 : memref<128x128xf32, #tpu.memory_space<hbm>>) dst(%arg10 : memref<128x128xf32, #tpu.memory_space<vmem>>)
    %barrier3A_32 = arith.constant 0 : index
    tpu.barrier barrier_id(%barrier3A_32)
    %mul3A_33 = arith.constant 640 : i32
    %mul3A_34 = arith.muli %arg1, %mul3A_33 : i32
    %mul3A_35 = arith.constant 640 : i32
    %mul3A_36 = arith.muli %arg1, %mul3A_35 : i32
    "tpu.region"() ({
      %run_scoped3A = tpu.sem_alloc : memref<!tpu.dma_semaphore, #tpu.memory_space<semaphore_mem>>
      %dma_start3A_37 = arith.constant 0 : i32
      %dma_start3A_38 = tpu.memref_slice %arg6[%arg0, %mul3A_36, %dma_start3A_37] : memref<2x10240x128xf32, #tpu.memory_space<hbm>> -> memref<1x640x128xf32, #tpu.memory_space<hbm>>
      %dma_start3A_39 = tpu.memref_squeeze %dma_start3A_38 : memref<1x640x128xf32, #tpu.memory_space<hbm>> -> memref<640x128xf32, #tpu.memory_space<hbm>>
      %dma_start3A_40 = arith.constant 0 : i32
      %dma_start3A_41 = tpu.memref_slice %arg15[%mul3A_34, %dma_start3A_40] : memref<10240x128xf32, #tpu.memory_space<vmem_shared>> -> memref<640x128xf32, #tpu.memory_space<vmem_shared>>
      tpu.enqueue_dma source(%dma_start3A_41 : memref<640x128xf32, #tpu.memory_space<vmem_shared>>) target(%dma_start3A_39 : memref<640x128xf32, #tpu.memory_space<hbm>>) target_semaphore(%run_scoped3A : memref<!tpu.dma_semaphore, #tpu.memory_space<semaphore_mem>>)
      %dma_wait3A_42 = arith.constant 0 : i32
      %dma_wait3A_43 = tpu.memref_slice %arg6[%arg0, %mul3A_36, %dma_wait3A_42] : memref<2x10240x128xf32, #tpu.memory_space<hbm>> -> memref<1x640x128xf32, #tpu.memory_space<hbm>>
      %dma_wait3A_44 = tpu.memref_squeeze %dma_wait3A_43 : memref<1x640x128xf32, #tpu.memory_space<hbm>> -> memref<640x128xf32, #tpu.memory_space<hbm>>
      %dma_wait3A_45 = arith.constant 0 : i32
      %dma_wait3A_46 = tpu.memref_slice %arg15[%mul3A_34, %dma_wait3A_45] : memref<10240x128xf32, #tpu.memory_space<vmem_shared>> -> memref<640x128xf32, #tpu.memory_space<vmem_shared>>
      tpu.wait_dma2 semaphore(%run_scoped3A : memref<!tpu.dma_semaphore, #tpu.memory_space<semaphore_mem>>) src(%dma_wait3A_46 : memref<640x128xf32, #tpu.memory_space<vmem_shared>>) dst(%dma_wait3A_44 : memref<640x128xf32, #tpu.memory_space<hbm>>)
      tpu.yield
    }) : () -> ()
    return
  }
}

#map = affine_map<(d0, d1) -> (0, 0, 0)>
#map1 = affine_map<(d0, d1) -> (0, 0)>
module attributes {stable_mosaic.version = 14 : i64} {
  func.func @_edge_agg(%arg0: i32, %arg1: i32, %arg2: memref<32x80x128xi32, #tpu.memory_space<hbm>>, %arg3: memref<32x80x128xi32, #tpu.memory_space<hbm>>, %arg4: memref<12288x128xf32, #tpu.memory_space<hbm>>, %arg5: memref<10240x128xf32, #tpu.memory_space<hbm>>, %arg6: memref<2x10240x128xf32, #tpu.memory_space<hbm>>, %arg7: memref<40x128xi32, #tpu.memory_space<vmem>>, %arg8: memref<40x128xi32, #tpu.memory_space<vmem>>, %arg9: memref<128x128xf32, #tpu.memory_space<vmem>>, %arg10: memref<128x128xf32, #tpu.memory_space<vmem>>, %arg11: memref<!tpu.dma_semaphore, #tpu.memory_space<semaphore_mem>>, %arg12: memref<!tpu.dma_semaphore, #tpu.memory_space<semaphore_mem>>, %arg13: memref<!tpu.dma_semaphore, #tpu.memory_space<semaphore_mem>>, %arg14: memref<!tpu.dma_semaphore, #tpu.memory_space<semaphore_mem>>, %arg15: memref<10240x128xf32, #tpu.memory_space<vmem_shared>>) attributes {dimension_semantics = [#tpu.dimension_semantics<core_parallel>, #tpu.dimension_semantics<subcore_parallel>], iteration_bounds = array<i64: 2, 16>, scalar_prefetch = 0 : i64, scratch_operands = 9 : i64, tpu.core_type = #tpu.core_type<sc_vector_subcore>, window_params = [{transform_indices = #map}, {transform_indices = #map}, {transform_indices = #map1}, {transform_indices = #map1}, {transform_indices = #map}]} {
    %mul3A = arith.constant 2 : i32
    %mul3A_0 = arith.muli %arg1, %mul3A : i32
    %add3A = arith.addi %mul3A_0, %arg0 : i32
    %mul3A_1 = arith.constant 640 : i32
    %mul3A_2 = arith.muli %arg1, %mul3A_1 : i32
    %mul3A_3 = arith.constant 640 : i32
    %mul3A_4 = arith.muli %arg1, %mul3A_3 : i32
    "tpu.region"() ({
      %run_scoped3A = tpu.sem_alloc : memref<!tpu.dma_semaphore, #tpu.memory_space<semaphore_mem>>
      %dma_start3A_37 = arith.constant 0 : i32
      %dma_start3A_38 = tpu.memref_slice %arg15[%mul3A_4, %dma_start3A_37] : memref<10240x128xf32, #tpu.memory_space<vmem_shared>> -> memref<640x128xf32, #tpu.memory_space<vmem_shared>>
      %dma_start3A_39 = arith.constant 0 : i32
      %dma_start3A_40 = tpu.memref_slice %arg5[%mul3A_2, %dma_start3A_39] : memref<10240x128xf32, #tpu.memory_space<hbm>> -> memref<640x128xf32, #tpu.memory_space<hbm>>
      tpu.enqueue_dma source(%dma_start3A_40 : memref<640x128xf32, #tpu.memory_space<hbm>>) target(%dma_start3A_38 : memref<640x128xf32, #tpu.memory_space<vmem_shared>>) target_semaphore(%run_scoped3A : memref<!tpu.dma_semaphore, #tpu.memory_space<semaphore_mem>>)
      %dma_wait3A_41 = arith.constant 0 : i32
      %dma_wait3A_42 = tpu.memref_slice %arg15[%mul3A_4, %dma_wait3A_41] : memref<10240x128xf32, #tpu.memory_space<vmem_shared>> -> memref<640x128xf32, #tpu.memory_space<vmem_shared>>
      %dma_wait3A_43 = arith.constant 0 : i32
      %dma_wait3A_44 = tpu.memref_slice %arg5[%mul3A_2, %dma_wait3A_43] : memref<10240x128xf32, #tpu.memory_space<hbm>> -> memref<640x128xf32, #tpu.memory_space<hbm>>
      tpu.wait_dma2 semaphore(%run_scoped3A : memref<!tpu.dma_semaphore, #tpu.memory_space<semaphore_mem>>) src(%dma_wait3A_44 : memref<640x128xf32, #tpu.memory_space<hbm>>) dst(%dma_wait3A_42 : memref<640x128xf32, #tpu.memory_space<vmem_shared>>)
      tpu.yield
    }) : () -> ()
    %dma_start3A = arith.constant 0 : i32
    %dma_start3A_5 = arith.constant 0 : i32
    %dma_start3A_6 = tpu.memref_slice %arg4[%dma_start3A, %dma_start3A_5] : memref<12288x128xf32, #tpu.memory_space<hbm>> -> memref<128x128xf32, #tpu.memory_space<hbm>>
    %dma_start3A_7 = arith.constant 0 : i32
    %dma_start3A_8 = arith.constant 0 : i32
    %dma_start3A_9 = tpu.memref_slice %arg4[%dma_start3A_7, %dma_start3A_8] : memref<12288x128xf32, #tpu.memory_space<hbm>> -> memref<128x128xf32, #tpu.memory_space<hbm>>
    tpu.enqueue_dma source(%dma_start3A_9 : memref<128x128xf32, #tpu.memory_space<hbm>>) target(%arg9 : memref<128x128xf32, #tpu.memory_space<vmem>>) target_semaphore(%arg13 : memref<!tpu.dma_semaphore, #tpu.memory_space<semaphore_mem>>)
    %dma_start3A_10 = arith.constant 0 : i32
    %dma_start3A_11 = arith.constant 0 : i32
    %dma_start3A_12 = tpu.memref_slice %arg4[%dma_start3A_10, %dma_start3A_11] : memref<12288x128xf32, #tpu.memory_space<hbm>> -> memref<128x128xf32, #tpu.memory_space<hbm>>
    %dma_start3A_13 = arith.constant 0 : i32
    %dma_start3A_14 = arith.constant 0 : i32
    %dma_start3A_15 = tpu.memref_slice %arg4[%dma_start3A_13, %dma_start3A_14] : memref<12288x128xf32, #tpu.memory_space<hbm>> -> memref<128x128xf32, #tpu.memory_space<hbm>>
    tpu.enqueue_dma source(%dma_start3A_15 : memref<128x128xf32, #tpu.memory_space<hbm>>) target(%arg10 : memref<128x128xf32, #tpu.memory_space<vmem>>) target_semaphore(%arg14 : memref<!tpu.dma_semaphore, #tpu.memory_space<semaphore_mem>>)
    %barrier3A = arith.constant 0 : index
    tpu.barrier barrier_id(%barrier3A)
    %scan3A = arith.constant 0 : i32
    %scan3A_16 = arith.constant 0 : i32
    %scan3A_17 = arith.constant 2 : i32
    %scan3A_18 = arith.addi %scan3A_16, %scan3A_17 : i32
    %scan3A_19 = arith.constant 1 : i32
    scf.for %scan3A_37 = %scan3A_16 to %scan3A_18 step %scan3A_19  : i32 {
      %mul3A_38 = arith.constant 40 : i32
      %mul3A_39 = arith.muli %scan3A_37, %mul3A_38 : i32
      "tpu.region"() ({
        %run_scoped3A = tpu.sem_alloc : memref<!tpu.dma_semaphore, #tpu.memory_space<semaphore_mem>>
        %dma_start3A_48 = arith.constant 0 : i32
        %dma_start3A_49 = tpu.memref_slice %arg2[%add3A, %mul3A_39, %dma_start3A_48] : memref<32x80x128xi32, #tpu.memory_space<hbm>> -> memref<1x40x128xi32, #tpu.memory_space<hbm>>
        %dma_start3A_50 = tpu.memref_squeeze %dma_start3A_49 : memref<1x40x128xi32, #tpu.memory_space<hbm>> -> memref<40x128xi32, #tpu.memory_space<hbm>>
        %dma_start3A_51 = arith.constant 0 : i32
        %dma_start3A_52 = tpu.memref_slice %arg2[%add3A, %mul3A_39, %dma_start3A_51] : memref<32x80x128xi32, #tpu.memory_space<hbm>> -> memref<1x40x128xi32, #tpu.memory_space<hbm>>
        %dma_start3A_53 = tpu.memref_squeeze %dma_start3A_52 : memref<1x40x128xi32, #tpu.memory_space<hbm>> -> memref<40x128xi32, #tpu.memory_space<hbm>>
        tpu.enqueue_dma source(%dma_start3A_53 : memref<40x128xi32, #tpu.memory_space<hbm>>) target(%arg7 : memref<40x128xi32, #tpu.memory_space<vmem>>) target_semaphore(%run_scoped3A : memref<!tpu.dma_semaphore, #tpu.memory_space<semaphore_mem>>)
        %dma_wait3A_54 = arith.constant 0 : i32
        %dma_wait3A_55 = tpu.memref_slice %arg2[%add3A, %mul3A_39, %dma_wait3A_54] : memref<32x80x128xi32, #tpu.memory_space<hbm>> -> memref<1x40x128xi32, #tpu.memory_space<hbm>>
        %dma_wait3A_56 = tpu.memref_squeeze %dma_wait3A_55 : memref<1x40x128xi32, #tpu.memory_space<hbm>> -> memref<40x128xi32, #tpu.memory_space<hbm>>
        %dma_wait3A_57 = arith.constant 0 : i32
        %dma_wait3A_58 = tpu.memref_slice %arg2[%add3A, %mul3A_39, %dma_wait3A_57] : memref<32x80x128xi32, #tpu.memory_space<hbm>> -> memref<1x40x128xi32, #tpu.memory_space<hbm>>
        %dma_wait3A_59 = tpu.memref_squeeze %dma_wait3A_58 : memref<1x40x128xi32, #tpu.memory_space<hbm>> -> memref<40x128xi32, #tpu.memory_space<hbm>>
        tpu.wait_dma2 semaphore(%run_scoped3A : memref<!tpu.dma_semaphore, #tpu.memory_space<semaphore_mem>>) src(%dma_wait3A_59 : memref<40x128xi32, #tpu.memory_space<hbm>>) dst(%arg7 : memref<40x128xi32, #tpu.memory_space<vmem>>)
        tpu.yield
      }) : () -> ()
      %mul3A_40 = arith.constant 40 : i32
      %mul3A_41 = arith.muli %scan3A_37, %mul3A_40 : i32
      "tpu.region"() ({
        %run_scoped3A = tpu.sem_alloc : memref<!tpu.dma_semaphore, #tpu.memory_space<semaphore_mem>>
        %dma_start3A_48 = arith.constant 0 : i32
        %dma_start3A_49 = tpu.memref_slice %arg3[%add3A, %mul3A_41, %dma_start3A_48] : memref<32x80x128xi32, #tpu.memory_space<hbm>> -> memref<1x40x128xi32, #tpu.memory_space<hbm>>
        %dma_start3A_50 = tpu.memref_squeeze %dma_start3A_49 : memref<1x40x128xi32, #tpu.memory_space<hbm>> -> memref<40x128xi32, #tpu.memory_space<hbm>>
        %dma_start3A_51 = arith.constant 0 : i32
        %dma_start3A_52 = tpu.memref_slice %arg3[%add3A, %mul3A_41, %dma_start3A_51] : memref<32x80x128xi32, #tpu.memory_space<hbm>> -> memref<1x40x128xi32, #tpu.memory_space<hbm>>
        %dma_start3A_53 = tpu.memref_squeeze %dma_start3A_52 : memref<1x40x128xi32, #tpu.memory_space<hbm>> -> memref<40x128xi32, #tpu.memory_space<hbm>>
        tpu.enqueue_dma source(%dma_start3A_53 : memref<40x128xi32, #tpu.memory_space<hbm>>) target(%arg8 : memref<40x128xi32, #tpu.memory_space<vmem>>) target_semaphore(%run_scoped3A : memref<!tpu.dma_semaphore, #tpu.memory_space<semaphore_mem>>)
        %dma_wait3A_54 = arith.constant 0 : i32
        %dma_wait3A_55 = tpu.memref_slice %arg3[%add3A, %mul3A_41, %dma_wait3A_54] : memref<32x80x128xi32, #tpu.memory_space<hbm>> -> memref<1x40x128xi32, #tpu.memory_space<hbm>>
        %dma_wait3A_56 = tpu.memref_squeeze %dma_wait3A_55 : memref<1x40x128xi32, #tpu.memory_space<hbm>> -> memref<40x128xi32, #tpu.memory_space<hbm>>
        %dma_wait3A_57 = arith.constant 0 : i32
        %dma_wait3A_58 = tpu.memref_slice %arg3[%add3A, %mul3A_41, %dma_wait3A_57] : memref<32x80x128xi32, #tpu.memory_space<hbm>> -> memref<1x40x128xi32, #tpu.memory_space<hbm>>
        %dma_wait3A_59 = tpu.memref_squeeze %dma_wait3A_58 : memref<1x40x128xi32, #tpu.memory_space<hbm>> -> memref<40x128xi32, #tpu.memory_space<hbm>>
        tpu.wait_dma2 semaphore(%run_scoped3A : memref<!tpu.dma_semaphore, #tpu.memory_space<semaphore_mem>>) src(%dma_wait3A_59 : memref<40x128xi32, #tpu.memory_space<hbm>>) dst(%arg8 : memref<40x128xi32, #tpu.memory_space<vmem>>)
        tpu.yield
      }) : () -> ()
      %scan3A_42 = arith.constant 0 : i32
      %scan3A_43 = arith.constant 0 : i32
      %scan3A_44 = arith.constant 20 : i32
      %scan3A_45 = arith.addi %scan3A_43, %scan3A_44 : i32
      %scan3A_46 = arith.constant 1 : i32
      scf.for %scan3A_48 = %scan3A_43 to %scan3A_45 step %scan3A_46  : i32 {
        %mul3A_49 = arith.constant 2 : i32
        %mul3A_50 = arith.muli %mul3A_49, %scan3A_48 : i32
        %add3A_51 = arith.constant 0 : i32
        %add3A_52 = arith.addi %mul3A_50, %add3A_51 : i32
        %dma_wait3A_53 = arith.constant 0 : i32
        %dma_wait3A_54 = arith.constant 0 : i32
        %dma_wait3A_55 = tpu.memref_slice %arg4[%dma_wait3A_53, %dma_wait3A_54] : memref<12288x128xf32, #tpu.memory_space<hbm>> -> memref<128x128xf32, #tpu.memory_space<hbm>>
        %dma_wait3A_56 = arith.constant 0 : i32
        %dma_wait3A_57 = arith.constant 0 : i32
        %dma_wait3A_58 = tpu.memref_slice %arg4[%dma_wait3A_56, %dma_wait3A_57] : memref<12288x128xf32, #tpu.memory_space<hbm>> -> memref<128x128xf32, #tpu.memory_space<hbm>>
        tpu.wait_dma2 semaphore(%arg13 : memref<!tpu.dma_semaphore, #tpu.memory_space<semaphore_mem>>) src(%dma_wait3A_58 : memref<128x128xf32, #tpu.memory_space<hbm>>) dst(%arg9 : memref<128x128xf32, #tpu.memory_space<vmem>>)
        %dma_start3A_59 = arith.constant 0 : i32
        %dma_start3A_60 = tpu.memref_slice %arg7[%add3A_52, %dma_start3A_59] : memref<40x128xi32, #tpu.memory_space<vmem>> -> memref<1x128xi32, #tpu.memory_space<vmem>>
        %dma_start3A_61 = tpu.memref_squeeze %dma_start3A_60 : memref<1x128xi32, #tpu.memory_space<vmem>> -> memref<128xi32, #tpu.memory_space<vmem>>
        %dma_start3A_62 = arith.constant 0 : i32
        %dma_start3A_63 = arith.constant 0 : i32
        %dma_start3A_64 = tpu.memref_slice %arg4[%dma_start3A_62, %dma_start3A_63] : memref<12288x128xf32, #tpu.memory_space<hbm>> -> memref<12288x128xf32, #tpu.memory_space<hbm>>
        tpu.enqueue_indirect_dma source(%dma_start3A_64 : memref<12288x128xf32, #tpu.memory_space<hbm>>) target(%arg9 : memref<128x128xf32, #tpu.memory_space<vmem>>) offsets(%dma_start3A_61 : memref<128xi32, #tpu.memory_space<vmem>>) semaphore(%arg11 : memref<!tpu.dma_semaphore, #tpu.memory_space<semaphore_mem>>)
        %dma_wait3A_65 = arith.constant 0 : i32
        %dma_wait3A_66 = tpu.memref_slice %arg7[%add3A_52, %dma_wait3A_65] : memref<40x128xi32, #tpu.memory_space<vmem>> -> memref<1x128xi32, #tpu.memory_space<vmem>>
        %dma_wait3A_67 = tpu.memref_squeeze %dma_wait3A_66 : memref<1x128xi32, #tpu.memory_space<vmem>> -> memref<128xi32, #tpu.memory_space<vmem>>
        %dma_wait3A_68 = arith.constant 0 : i32
        %dma_wait3A_69 = arith.constant 0 : i32
        %dma_wait3A_70 = tpu.memref_slice %arg4[%dma_wait3A_68, %dma_wait3A_69] : memref<12288x128xf32, #tpu.memory_space<hbm>> -> memref<12288x128xf32, #tpu.memory_space<hbm>>
        tpu.wait_indirect_dma semaphore(%arg11 : memref<!tpu.dma_semaphore, #tpu.memory_space<semaphore_mem>>) src(%dma_wait3A_70 : memref<12288x128xf32, #tpu.memory_space<hbm>>) dst(%arg9 : memref<128x128xf32, #tpu.memory_space<vmem>>)
        %dma_start3A_71 = arith.constant 0 : i32
        %dma_start3A_72 = tpu.memref_slice %arg8[%add3A_52, %dma_start3A_71] : memref<40x128xi32, #tpu.memory_space<vmem>> -> memref<1x128xi32, #tpu.memory_space<vmem>>
        %dma_start3A_73 = tpu.memref_squeeze %dma_start3A_72 : memref<1x128xi32, #tpu.memory_space<vmem>> -> memref<128xi32, #tpu.memory_space<vmem>>
        %dma_start3A_74 = arith.constant 0 : i32
        %dma_start3A_75 = arith.constant 0 : i32
        %dma_start3A_76 = tpu.memref_slice %arg15[%dma_start3A_74, %dma_start3A_75] : memref<10240x128xf32, #tpu.memory_space<vmem_shared>> -> memref<10240x128xf32, #tpu.memory_space<vmem_shared>>
        tpu.enqueue_indirect_dma source(%arg9 : memref<128x128xf32, #tpu.memory_space<vmem>>) target(%dma_start3A_76 : memref<10240x128xf32, #tpu.memory_space<vmem_shared>>) offsets(%dma_start3A_73 : memref<128xi32, #tpu.memory_space<vmem>>) semaphore(%arg13 : memref<!tpu.dma_semaphore, #tpu.memory_space<semaphore_mem>>) {add = true}
        %mul3A_77 = arith.constant 2 : i32
        %mul3A_78 = arith.muli %mul3A_77, %scan3A_48 : i32
        %add3A_79 = arith.constant 1 : i32
        %add3A_80 = arith.addi %mul3A_78, %add3A_79 : i32
        %dma_wait3A_81 = arith.constant 0 : i32
        %dma_wait3A_82 = arith.constant 0 : i32
        %dma_wait3A_83 = tpu.memref_slice %arg4[%dma_wait3A_81, %dma_wait3A_82] : memref<12288x128xf32, #tpu.memory_space<hbm>> -> memref<128x128xf32, #tpu.memory_space<hbm>>
        %dma_wait3A_84 = arith.constant 0 : i32
        %dma_wait3A_85 = arith.constant 0 : i32
        %dma_wait3A_86 = tpu.memref_slice %arg4[%dma_wait3A_84, %dma_wait3A_85] : memref<12288x128xf32, #tpu.memory_space<hbm>> -> memref<128x128xf32, #tpu.memory_space<hbm>>
        tpu.wait_dma2 semaphore(%arg14 : memref<!tpu.dma_semaphore, #tpu.memory_space<semaphore_mem>>) src(%dma_wait3A_86 : memref<128x128xf32, #tpu.memory_space<hbm>>) dst(%arg10 : memref<128x128xf32, #tpu.memory_space<vmem>>)
        %dma_start3A_87 = arith.constant 0 : i32
        %dma_start3A_88 = tpu.memref_slice %arg7[%add3A_80, %dma_start3A_87] : memref<40x128xi32, #tpu.memory_space<vmem>> -> memref<1x128xi32, #tpu.memory_space<vmem>>
        %dma_start3A_89 = tpu.memref_squeeze %dma_start3A_88 : memref<1x128xi32, #tpu.memory_space<vmem>> -> memref<128xi32, #tpu.memory_space<vmem>>
        %dma_start3A_90 = arith.constant 0 : i32
        %dma_start3A_91 = arith.constant 0 : i32
        %dma_start3A_92 = tpu.memref_slice %arg4[%dma_start3A_90, %dma_start3A_91] : memref<12288x128xf32, #tpu.memory_space<hbm>> -> memref<12288x128xf32, #tpu.memory_space<hbm>>
        tpu.enqueue_indirect_dma source(%dma_start3A_92 : memref<12288x128xf32, #tpu.memory_space<hbm>>) target(%arg10 : memref<128x128xf32, #tpu.memory_space<vmem>>) offsets(%dma_start3A_89 : memref<128xi32, #tpu.memory_space<vmem>>) semaphore(%arg12 : memref<!tpu.dma_semaphore, #tpu.memory_space<semaphore_mem>>)
        %dma_wait3A_93 = arith.constant 0 : i32
        %dma_wait3A_94 = tpu.memref_slice %arg7[%add3A_80, %dma_wait3A_93] : memref<40x128xi32, #tpu.memory_space<vmem>> -> memref<1x128xi32, #tpu.memory_space<vmem>>
        %dma_wait3A_95 = tpu.memref_squeeze %dma_wait3A_94 : memref<1x128xi32, #tpu.memory_space<vmem>> -> memref<128xi32, #tpu.memory_space<vmem>>
        %dma_wait3A_96 = arith.constant 0 : i32
        %dma_wait3A_97 = arith.constant 0 : i32
        %dma_wait3A_98 = tpu.memref_slice %arg4[%dma_wait3A_96, %dma_wait3A_97] : memref<12288x128xf32, #tpu.memory_space<hbm>> -> memref<12288x128xf32, #tpu.memory_space<hbm>>
        tpu.wait_indirect_dma semaphore(%arg12 : memref<!tpu.dma_semaphore, #tpu.memory_space<semaphore_mem>>) src(%dma_wait3A_98 : memref<12288x128xf32, #tpu.memory_space<hbm>>) dst(%arg10 : memref<128x128xf32, #tpu.memory_space<vmem>>)
        %dma_start3A_99 = arith.constant 0 : i32
        %dma_start3A_100 = tpu.memref_slice %arg8[%add3A_80, %dma_start3A_99] : memref<40x128xi32, #tpu.memory_space<vmem>> -> memref<1x128xi32, #tpu.memory_space<vmem>>
        %dma_start3A_101 = tpu.memref_squeeze %dma_start3A_100 : memref<1x128xi32, #tpu.memory_space<vmem>> -> memref<128xi32, #tpu.memory_space<vmem>>
        %dma_start3A_102 = arith.constant 0 : i32
        %dma_start3A_103 = arith.constant 0 : i32
        %dma_start3A_104 = tpu.memref_slice %arg15[%dma_start3A_102, %dma_start3A_103] : memref<10240x128xf32, #tpu.memory_space<vmem_shared>> -> memref<10240x128xf32, #tpu.memory_space<vmem_shared>>
        tpu.enqueue_indirect_dma source(%arg10 : memref<128x128xf32, #tpu.memory_space<vmem>>) target(%dma_start3A_104 : memref<10240x128xf32, #tpu.memory_space<vmem_shared>>) offsets(%dma_start3A_101 : memref<128xi32, #tpu.memory_space<vmem>>) semaphore(%arg14 : memref<!tpu.dma_semaphore, #tpu.memory_space<semaphore_mem>>) {add = true}
      }
      %scan3A_47 = arith.constant 20 : i32
    }
    %scan3A_20 = arith.constant 2 : i32
    %dma_wait3A = arith.constant 0 : i32
    %dma_wait3A_21 = arith.constant 0 : i32
    %dma_wait3A_22 = tpu.memref_slice %arg4[%dma_wait3A, %dma_wait3A_21] : memref<12288x128xf32, #tpu.memory_space<hbm>> -> memref<128x128xf32, #tpu.memory_space<hbm>>
    %dma_wait3A_23 = arith.constant 0 : i32
    %dma_wait3A_24 = arith.constant 0 : i32
    %dma_wait3A_25 = tpu.memref_slice %arg4[%dma_wait3A_23, %dma_wait3A_24] : memref<12288x128xf32, #tpu.memory_space<hbm>> -> memref<128x128xf32, #tpu.memory_space<hbm>>
    tpu.wait_dma2 semaphore(%arg13 : memref<!tpu.dma_semaphore, #tpu.memory_space<semaphore_mem>>) src(%dma_wait3A_25 : memref<128x128xf32, #tpu.memory_space<hbm>>) dst(%arg9 : memref<128x128xf32, #tpu.memory_space<vmem>>)
    %dma_wait3A_26 = arith.constant 0 : i32
    %dma_wait3A_27 = arith.constant 0 : i32
    %dma_wait3A_28 = tpu.memref_slice %arg4[%dma_wait3A_26, %dma_wait3A_27] : memref<12288x128xf32, #tpu.memory_space<hbm>> -> memref<128x128xf32, #tpu.memory_space<hbm>>
    %dma_wait3A_29 = arith.constant 0 : i32
    %dma_wait3A_30 = arith.constant 0 : i32
    %dma_wait3A_31 = tpu.memref_slice %arg4[%dma_wait3A_29, %dma_wait3A_30] : memref<12288x128xf32, #tpu.memory_space<hbm>> -> memref<128x128xf32, #tpu.memory_space<hbm>>
    tpu.wait_dma2 semaphore(%arg14 : memref<!tpu.dma_semaphore, #tpu.memory_space<semaphore_mem>>) src(%dma_wait3A_31 : memref<128x128xf32, #tpu.memory_space<hbm>>) dst(%arg10 : memref<128x128xf32, #tpu.memory_space<vmem>>)
    %barrier3A_32 = arith.constant 0 : index
    tpu.barrier barrier_id(%barrier3A_32)
    %mul3A_33 = arith.constant 640 : i32
    %mul3A_34 = arith.muli %arg1, %mul3A_33 : i32
    %mul3A_35 = arith.constant 640 : i32
    %mul3A_36 = arith.muli %arg1, %mul3A_35 : i32
    "tpu.region"() ({
      %run_scoped3A = tpu.sem_alloc : memref<!tpu.dma_semaphore, #tpu.memory_space<semaphore_mem>>
      %dma_start3A_37 = arith.constant 0 : i32
      %dma_start3A_38 = tpu.memref_slice %arg6[%arg0, %mul3A_36, %dma_start3A_37] : memref<2x10240x128xf32, #tpu.memory_space<hbm>> -> memref<1x640x128xf32, #tpu.memory_space<hbm>>
      %dma_start3A_39 = tpu.memref_squeeze %dma_start3A_38 : memref<1x640x128xf32, #tpu.memory_space<hbm>> -> memref<640x128xf32, #tpu.memory_space<hbm>>
      %dma_start3A_40 = arith.constant 0 : i32
      %dma_start3A_41 = tpu.memref_slice %arg15[%mul3A_34, %dma_start3A_40] : memref<10240x128xf32, #tpu.memory_space<vmem_shared>> -> memref<640x128xf32, #tpu.memory_space<vmem_shared>>
      tpu.enqueue_dma source(%dma_start3A_41 : memref<640x128xf32, #tpu.memory_space<vmem_shared>>) target(%dma_start3A_39 : memref<640x128xf32, #tpu.memory_space<hbm>>) target_semaphore(%run_scoped3A : memref<!tpu.dma_semaphore, #tpu.memory_space<semaphore_mem>>)
      %dma_wait3A_42 = arith.constant 0 : i32
      %dma_wait3A_43 = tpu.memref_slice %arg6[%arg0, %mul3A_36, %dma_wait3A_42] : memref<2x10240x128xf32, #tpu.memory_space<hbm>> -> memref<1x640x128xf32, #tpu.memory_space<hbm>>
      %dma_wait3A_44 = tpu.memref_squeeze %dma_wait3A_43 : memref<1x640x128xf32, #tpu.memory_space<hbm>> -> memref<640x128xf32, #tpu.memory_space<hbm>>
      %dma_wait3A_45 = arith.constant 0 : i32
      %dma_wait3A_46 = tpu.memref_slice %arg15[%mul3A_34, %dma_wait3A_45] : memref<10240x128xf32, #tpu.memory_space<vmem_shared>> -> memref<640x128xf32, #tpu.memory_space<vmem_shared>>
      tpu.wait_dma2 semaphore(%run_scoped3A : memref<!tpu.dma_semaphore, #tpu.memory_space<semaphore_mem>>) src(%dma_wait3A_46 : memref<640x128xf32, #tpu.memory_space<vmem_shared>>) dst(%dma_wait3A_44 : memref<640x128xf32, #tpu.memory_space<hbm>>)
      tpu.yield
    }) : () -> ()
    return
  }
}

#map = affine_map<(d0, d1) -> (0, 0, 0)>
#map1 = affine_map<(d0, d1) -> (0, 0)>
module attributes {stable_mosaic.version = 14 : i64} {
  func.func @_edge_agg(%arg0: i32, %arg1: i32, %arg2: memref<32x80x128xi32, #tpu.memory_space<hbm>>, %arg3: memref<32x80x128xi32, #tpu.memory_space<hbm>>, %arg4: memref<12288x128xf32, #tpu.memory_space<hbm>>, %arg5: memref<10240x128xf32, #tpu.memory_space<hbm>>, %arg6: memref<2x10240x128xf32, #tpu.memory_space<hbm>>, %arg7: memref<40x128xi32, #tpu.memory_space<vmem>>, %arg8: memref<40x128xi32, #tpu.memory_space<vmem>>, %arg9: memref<128x128xf32, #tpu.memory_space<vmem>>, %arg10: memref<128x128xf32, #tpu.memory_space<vmem>>, %arg11: memref<!tpu.dma_semaphore, #tpu.memory_space<semaphore_mem>>, %arg12: memref<!tpu.dma_semaphore, #tpu.memory_space<semaphore_mem>>, %arg13: memref<!tpu.dma_semaphore, #tpu.memory_space<semaphore_mem>>, %arg14: memref<!tpu.dma_semaphore, #tpu.memory_space<semaphore_mem>>, %arg15: memref<10240x128xf32, #tpu.memory_space<vmem_shared>>) attributes {dimension_semantics = [#tpu.dimension_semantics<core_parallel>, #tpu.dimension_semantics<subcore_parallel>], iteration_bounds = array<i64: 2, 16>, scalar_prefetch = 0 : i64, scratch_operands = 9 : i64, tpu.core_type = #tpu.core_type<sc_vector_subcore>, window_params = [{transform_indices = #map}, {transform_indices = #map}, {transform_indices = #map1}, {transform_indices = #map1}, {transform_indices = #map}]} {
    %mul3A = arith.constant 2 : i32
    %mul3A_0 = arith.muli %arg1, %mul3A : i32
    %add3A = arith.addi %mul3A_0, %arg0 : i32
    %mul3A_1 = arith.constant 640 : i32
    %mul3A_2 = arith.muli %arg1, %mul3A_1 : i32
    %mul3A_3 = arith.constant 640 : i32
    %mul3A_4 = arith.muli %arg1, %mul3A_3 : i32
    "tpu.region"() ({
      %run_scoped3A = tpu.sem_alloc : memref<!tpu.dma_semaphore, #tpu.memory_space<semaphore_mem>>
      %dma_start3A_37 = arith.constant 0 : i32
      %dma_start3A_38 = tpu.memref_slice %arg15[%mul3A_4, %dma_start3A_37] : memref<10240x128xf32, #tpu.memory_space<vmem_shared>> -> memref<640x128xf32, #tpu.memory_space<vmem_shared>>
      %dma_start3A_39 = arith.constant 0 : i32
      %dma_start3A_40 = tpu.memref_slice %arg5[%mul3A_2, %dma_start3A_39] : memref<10240x128xf32, #tpu.memory_space<hbm>> -> memref<640x128xf32, #tpu.memory_space<hbm>>
      tpu.enqueue_dma source(%dma_start3A_40 : memref<640x128xf32, #tpu.memory_space<hbm>>) target(%dma_start3A_38 : memref<640x128xf32, #tpu.memory_space<vmem_shared>>) target_semaphore(%run_scoped3A : memref<!tpu.dma_semaphore, #tpu.memory_space<semaphore_mem>>)
      %dma_wait3A_41 = arith.constant 0 : i32
      %dma_wait3A_42 = tpu.memref_slice %arg15[%mul3A_4, %dma_wait3A_41] : memref<10240x128xf32, #tpu.memory_space<vmem_shared>> -> memref<640x128xf32, #tpu.memory_space<vmem_shared>>
      %dma_wait3A_43 = arith.constant 0 : i32
      %dma_wait3A_44 = tpu.memref_slice %arg5[%mul3A_2, %dma_wait3A_43] : memref<10240x128xf32, #tpu.memory_space<hbm>> -> memref<640x128xf32, #tpu.memory_space<hbm>>
      tpu.wait_dma2 semaphore(%run_scoped3A : memref<!tpu.dma_semaphore, #tpu.memory_space<semaphore_mem>>) src(%dma_wait3A_44 : memref<640x128xf32, #tpu.memory_space<hbm>>) dst(%dma_wait3A_42 : memref<640x128xf32, #tpu.memory_space<vmem_shared>>)
      tpu.yield
    }) : () -> ()
    %dma_start3A = arith.constant 0 : i32
    %dma_start3A_5 = arith.constant 0 : i32
    %dma_start3A_6 = tpu.memref_slice %arg4[%dma_start3A, %dma_start3A_5] : memref<12288x128xf32, #tpu.memory_space<hbm>> -> memref<128x128xf32, #tpu.memory_space<hbm>>
    %dma_start3A_7 = arith.constant 0 : i32
    %dma_start3A_8 = arith.constant 0 : i32
    %dma_start3A_9 = tpu.memref_slice %arg4[%dma_start3A_7, %dma_start3A_8] : memref<12288x128xf32, #tpu.memory_space<hbm>> -> memref<128x128xf32, #tpu.memory_space<hbm>>
    tpu.enqueue_dma source(%dma_start3A_9 : memref<128x128xf32, #tpu.memory_space<hbm>>) target(%arg9 : memref<128x128xf32, #tpu.memory_space<vmem>>) target_semaphore(%arg13 : memref<!tpu.dma_semaphore, #tpu.memory_space<semaphore_mem>>)
    %dma_start3A_10 = arith.constant 0 : i32
    %dma_start3A_11 = arith.constant 0 : i32
    %dma_start3A_12 = tpu.memref_slice %arg4[%dma_start3A_10, %dma_start3A_11] : memref<12288x128xf32, #tpu.memory_space<hbm>> -> memref<128x128xf32, #tpu.memory_space<hbm>>
    %dma_start3A_13 = arith.constant 0 : i32
    %dma_start3A_14 = arith.constant 0 : i32
    %dma_start3A_15 = tpu.memref_slice %arg4[%dma_start3A_13, %dma_start3A_14] : memref<12288x128xf32, #tpu.memory_space<hbm>> -> memref<128x128xf32, #tpu.memory_space<hbm>>
    tpu.enqueue_dma source(%dma_start3A_15 : memref<128x128xf32, #tpu.memory_space<hbm>>) target(%arg10 : memref<128x128xf32, #tpu.memory_space<vmem>>) target_semaphore(%arg14 : memref<!tpu.dma_semaphore, #tpu.memory_space<semaphore_mem>>)
    %barrier3A = arith.constant 0 : index
    tpu.barrier barrier_id(%barrier3A)
    %scan3A = arith.constant 0 : i32
    %scan3A_16 = arith.constant 0 : i32
    %scan3A_17 = arith.constant 2 : i32
    %scan3A_18 = arith.addi %scan3A_16, %scan3A_17 : i32
    %scan3A_19 = arith.constant 1 : i32
    scf.for %scan3A_37 = %scan3A_16 to %scan3A_18 step %scan3A_19  : i32 {
      %mul3A_38 = arith.constant 40 : i32
      %mul3A_39 = arith.muli %scan3A_37, %mul3A_38 : i32
      "tpu.region"() ({
        %run_scoped3A = tpu.sem_alloc : memref<!tpu.dma_semaphore, #tpu.memory_space<semaphore_mem>>
        %dma_start3A_48 = arith.constant 0 : i32
        %dma_start3A_49 = tpu.memref_slice %arg2[%add3A, %mul3A_39, %dma_start3A_48] : memref<32x80x128xi32, #tpu.memory_space<hbm>> -> memref<1x40x128xi32, #tpu.memory_space<hbm>>
        %dma_start3A_50 = tpu.memref_squeeze %dma_start3A_49 : memref<1x40x128xi32, #tpu.memory_space<hbm>> -> memref<40x128xi32, #tpu.memory_space<hbm>>
        %dma_start3A_51 = arith.constant 0 : i32
        %dma_start3A_52 = tpu.memref_slice %arg2[%add3A, %mul3A_39, %dma_start3A_51] : memref<32x80x128xi32, #tpu.memory_space<hbm>> -> memref<1x40x128xi32, #tpu.memory_space<hbm>>
        %dma_start3A_53 = tpu.memref_squeeze %dma_start3A_52 : memref<1x40x128xi32, #tpu.memory_space<hbm>> -> memref<40x128xi32, #tpu.memory_space<hbm>>
        tpu.enqueue_dma source(%dma_start3A_53 : memref<40x128xi32, #tpu.memory_space<hbm>>) target(%arg7 : memref<40x128xi32, #tpu.memory_space<vmem>>) target_semaphore(%run_scoped3A : memref<!tpu.dma_semaphore, #tpu.memory_space<semaphore_mem>>)
        %dma_wait3A_54 = arith.constant 0 : i32
        %dma_wait3A_55 = tpu.memref_slice %arg2[%add3A, %mul3A_39, %dma_wait3A_54] : memref<32x80x128xi32, #tpu.memory_space<hbm>> -> memref<1x40x128xi32, #tpu.memory_space<hbm>>
        %dma_wait3A_56 = tpu.memref_squeeze %dma_wait3A_55 : memref<1x40x128xi32, #tpu.memory_space<hbm>> -> memref<40x128xi32, #tpu.memory_space<hbm>>
        %dma_wait3A_57 = arith.constant 0 : i32
        %dma_wait3A_58 = tpu.memref_slice %arg2[%add3A, %mul3A_39, %dma_wait3A_57] : memref<32x80x128xi32, #tpu.memory_space<hbm>> -> memref<1x40x128xi32, #tpu.memory_space<hbm>>
        %dma_wait3A_59 = tpu.memref_squeeze %dma_wait3A_58 : memref<1x40x128xi32, #tpu.memory_space<hbm>> -> memref<40x128xi32, #tpu.memory_space<hbm>>
        tpu.wait_dma2 semaphore(%run_scoped3A : memref<!tpu.dma_semaphore, #tpu.memory_space<semaphore_mem>>) src(%dma_wait3A_59 : memref<40x128xi32, #tpu.memory_space<hbm>>) dst(%arg7 : memref<40x128xi32, #tpu.memory_space<vmem>>)
        tpu.yield
      }) : () -> ()
      %mul3A_40 = arith.constant 40 : i32
      %mul3A_41 = arith.muli %scan3A_37, %mul3A_40 : i32
      "tpu.region"() ({
        %run_scoped3A = tpu.sem_alloc : memref<!tpu.dma_semaphore, #tpu.memory_space<semaphore_mem>>
        %dma_start3A_48 = arith.constant 0 : i32
        %dma_start3A_49 = tpu.memref_slice %arg3[%add3A, %mul3A_41, %dma_start3A_48] : memref<32x80x128xi32, #tpu.memory_space<hbm>> -> memref<1x40x128xi32, #tpu.memory_space<hbm>>
        %dma_start3A_50 = tpu.memref_squeeze %dma_start3A_49 : memref<1x40x128xi32, #tpu.memory_space<hbm>> -> memref<40x128xi32, #tpu.memory_space<hbm>>
        %dma_start3A_51 = arith.constant 0 : i32
        %dma_start3A_52 = tpu.memref_slice %arg3[%add3A, %mul3A_41, %dma_start3A_51] : memref<32x80x128xi32, #tpu.memory_space<hbm>> -> memref<1x40x128xi32, #tpu.memory_space<hbm>>
        %dma_start3A_53 = tpu.memref_squeeze %dma_start3A_52 : memref<1x40x128xi32, #tpu.memory_space<hbm>> -> memref<40x128xi32, #tpu.memory_space<hbm>>
        tpu.enqueue_dma source(%dma_start3A_53 : memref<40x128xi32, #tpu.memory_space<hbm>>) target(%arg8 : memref<40x128xi32, #tpu.memory_space<vmem>>) target_semaphore(%run_scoped3A : memref<!tpu.dma_semaphore, #tpu.memory_space<semaphore_mem>>)
        %dma_wait3A_54 = arith.constant 0 : i32
        %dma_wait3A_55 = tpu.memref_slice %arg3[%add3A, %mul3A_41, %dma_wait3A_54] : memref<32x80x128xi32, #tpu.memory_space<hbm>> -> memref<1x40x128xi32, #tpu.memory_space<hbm>>
        %dma_wait3A_56 = tpu.memref_squeeze %dma_wait3A_55 : memref<1x40x128xi32, #tpu.memory_space<hbm>> -> memref<40x128xi32, #tpu.memory_space<hbm>>
        %dma_wait3A_57 = arith.constant 0 : i32
        %dma_wait3A_58 = tpu.memref_slice %arg3[%add3A, %mul3A_41, %dma_wait3A_57] : memref<32x80x128xi32, #tpu.memory_space<hbm>> -> memref<1x40x128xi32, #tpu.memory_space<hbm>>
        %dma_wait3A_59 = tpu.memref_squeeze %dma_wait3A_58 : memref<1x40x128xi32, #tpu.memory_space<hbm>> -> memref<40x128xi32, #tpu.memory_space<hbm>>
        tpu.wait_dma2 semaphore(%run_scoped3A : memref<!tpu.dma_semaphore, #tpu.memory_space<semaphore_mem>>) src(%dma_wait3A_59 : memref<40x128xi32, #tpu.memory_space<hbm>>) dst(%arg8 : memref<40x128xi32, #tpu.memory_space<vmem>>)
        tpu.yield
      }) : () -> ()
      %scan3A_42 = arith.constant 0 : i32
      %scan3A_43 = arith.constant 0 : i32
      %scan3A_44 = arith.constant 20 : i32
      %scan3A_45 = arith.addi %scan3A_43, %scan3A_44 : i32
      %scan3A_46 = arith.constant 1 : i32
      scf.for %scan3A_48 = %scan3A_43 to %scan3A_45 step %scan3A_46  : i32 {
        %mul3A_49 = arith.constant 2 : i32
        %mul3A_50 = arith.muli %mul3A_49, %scan3A_48 : i32
        %add3A_51 = arith.constant 0 : i32
        %add3A_52 = arith.addi %mul3A_50, %add3A_51 : i32
        %dma_wait3A_53 = arith.constant 0 : i32
        %dma_wait3A_54 = arith.constant 0 : i32
        %dma_wait3A_55 = tpu.memref_slice %arg4[%dma_wait3A_53, %dma_wait3A_54] : memref<12288x128xf32, #tpu.memory_space<hbm>> -> memref<128x128xf32, #tpu.memory_space<hbm>>
        %dma_wait3A_56 = arith.constant 0 : i32
        %dma_wait3A_57 = arith.constant 0 : i32
        %dma_wait3A_58 = tpu.memref_slice %arg4[%dma_wait3A_56, %dma_wait3A_57] : memref<12288x128xf32, #tpu.memory_space<hbm>> -> memref<128x128xf32, #tpu.memory_space<hbm>>
        tpu.wait_dma2 semaphore(%arg13 : memref<!tpu.dma_semaphore, #tpu.memory_space<semaphore_mem>>) src(%dma_wait3A_58 : memref<128x128xf32, #tpu.memory_space<hbm>>) dst(%arg9 : memref<128x128xf32, #tpu.memory_space<vmem>>)
        %dma_start3A_59 = arith.constant 0 : i32
        %dma_start3A_60 = tpu.memref_slice %arg7[%add3A_52, %dma_start3A_59] : memref<40x128xi32, #tpu.memory_space<vmem>> -> memref<1x128xi32, #tpu.memory_space<vmem>>
        %dma_start3A_61 = tpu.memref_squeeze %dma_start3A_60 : memref<1x128xi32, #tpu.memory_space<vmem>> -> memref<128xi32, #tpu.memory_space<vmem>>
        %dma_start3A_62 = arith.constant 0 : i32
        %dma_start3A_63 = arith.constant 0 : i32
        %dma_start3A_64 = tpu.memref_slice %arg4[%dma_start3A_62, %dma_start3A_63] : memref<12288x128xf32, #tpu.memory_space<hbm>> -> memref<12288x128xf32, #tpu.memory_space<hbm>>
        tpu.enqueue_indirect_dma source(%dma_start3A_64 : memref<12288x128xf32, #tpu.memory_space<hbm>>) target(%arg9 : memref<128x128xf32, #tpu.memory_space<vmem>>) offsets(%dma_start3A_61 : memref<128xi32, #tpu.memory_space<vmem>>) semaphore(%arg11 : memref<!tpu.dma_semaphore, #tpu.memory_space<semaphore_mem>>)
        %dma_wait3A_65 = arith.constant 0 : i32
        %dma_wait3A_66 = tpu.memref_slice %arg7[%add3A_52, %dma_wait3A_65] : memref<40x128xi32, #tpu.memory_space<vmem>> -> memref<1x128xi32, #tpu.memory_space<vmem>>
        %dma_wait3A_67 = tpu.memref_squeeze %dma_wait3A_66 : memref<1x128xi32, #tpu.memory_space<vmem>> -> memref<128xi32, #tpu.memory_space<vmem>>
        %dma_wait3A_68 = arith.constant 0 : i32
        %dma_wait3A_69 = arith.constant 0 : i32
        %dma_wait3A_70 = tpu.memref_slice %arg4[%dma_wait3A_68, %dma_wait3A_69] : memref<12288x128xf32, #tpu.memory_space<hbm>> -> memref<12288x128xf32, #tpu.memory_space<hbm>>
        tpu.wait_indirect_dma semaphore(%arg11 : memref<!tpu.dma_semaphore, #tpu.memory_space<semaphore_mem>>) src(%dma_wait3A_70 : memref<12288x128xf32, #tpu.memory_space<hbm>>) dst(%arg9 : memref<128x128xf32, #tpu.memory_space<vmem>>)
        %dma_start3A_71 = arith.constant 0 : i32
        %dma_start3A_72 = tpu.memref_slice %arg8[%add3A_52, %dma_start3A_71] : memref<40x128xi32, #tpu.memory_space<vmem>> -> memref<1x128xi32, #tpu.memory_space<vmem>>
        %dma_start3A_73 = tpu.memref_squeeze %dma_start3A_72 : memref<1x128xi32, #tpu.memory_space<vmem>> -> memref<128xi32, #tpu.memory_space<vmem>>
        %dma_start3A_74 = arith.constant 0 : i32
        %dma_start3A_75 = arith.constant 0 : i32
        %dma_start3A_76 = tpu.memref_slice %arg15[%dma_start3A_74, %dma_start3A_75] : memref<10240x128xf32, #tpu.memory_space<vmem_shared>> -> memref<10240x128xf32, #tpu.memory_space<vmem_shared>>
        tpu.enqueue_indirect_dma source(%arg9 : memref<128x128xf32, #tpu.memory_space<vmem>>) target(%dma_start3A_76 : memref<10240x128xf32, #tpu.memory_space<vmem_shared>>) offsets(%dma_start3A_73 : memref<128xi32, #tpu.memory_space<vmem>>) semaphore(%arg13 : memref<!tpu.dma_semaphore, #tpu.memory_space<semaphore_mem>>) {add = true}
        %mul3A_77 = arith.constant 2 : i32
        %mul3A_78 = arith.muli %mul3A_77, %scan3A_48 : i32
        %add3A_79 = arith.constant 1 : i32
        %add3A_80 = arith.addi %mul3A_78, %add3A_79 : i32
        %dma_wait3A_81 = arith.constant 0 : i32
        %dma_wait3A_82 = arith.constant 0 : i32
        %dma_wait3A_83 = tpu.memref_slice %arg4[%dma_wait3A_81, %dma_wait3A_82] : memref<12288x128xf32, #tpu.memory_space<hbm>> -> memref<128x128xf32, #tpu.memory_space<hbm>>
        %dma_wait3A_84 = arith.constant 0 : i32
        %dma_wait3A_85 = arith.constant 0 : i32
        %dma_wait3A_86 = tpu.memref_slice %arg4[%dma_wait3A_84, %dma_wait3A_85] : memref<12288x128xf32, #tpu.memory_space<hbm>> -> memref<128x128xf32, #tpu.memory_space<hbm>>
        tpu.wait_dma2 semaphore(%arg14 : memref<!tpu.dma_semaphore, #tpu.memory_space<semaphore_mem>>) src(%dma_wait3A_86 : memref<128x128xf32, #tpu.memory_space<hbm>>) dst(%arg10 : memref<128x128xf32, #tpu.memory_space<vmem>>)
        %dma_start3A_87 = arith.constant 0 : i32
        %dma_start3A_88 = tpu.memref_slice %arg7[%add3A_80, %dma_start3A_87] : memref<40x128xi32, #tpu.memory_space<vmem>> -> memref<1x128xi32, #tpu.memory_space<vmem>>
        %dma_start3A_89 = tpu.memref_squeeze %dma_start3A_88 : memref<1x128xi32, #tpu.memory_space<vmem>> -> memref<128xi32, #tpu.memory_space<vmem>>
        %dma_start3A_90 = arith.constant 0 : i32
        %dma_start3A_91 = arith.constant 0 : i32
        %dma_start3A_92 = tpu.memref_slice %arg4[%dma_start3A_90, %dma_start3A_91] : memref<12288x128xf32, #tpu.memory_space<hbm>> -> memref<12288x128xf32, #tpu.memory_space<hbm>>
        tpu.enqueue_indirect_dma source(%dma_start3A_92 : memref<12288x128xf32, #tpu.memory_space<hbm>>) target(%arg10 : memref<128x128xf32, #tpu.memory_space<vmem>>) offsets(%dma_start3A_89 : memref<128xi32, #tpu.memory_space<vmem>>) semaphore(%arg12 : memref<!tpu.dma_semaphore, #tpu.memory_space<semaphore_mem>>)
        %dma_wait3A_93 = arith.constant 0 : i32
        %dma_wait3A_94 = tpu.memref_slice %arg7[%add3A_80, %dma_wait3A_93] : memref<40x128xi32, #tpu.memory_space<vmem>> -> memref<1x128xi32, #tpu.memory_space<vmem>>
        %dma_wait3A_95 = tpu.memref_squeeze %dma_wait3A_94 : memref<1x128xi32, #tpu.memory_space<vmem>> -> memref<128xi32, #tpu.memory_space<vmem>>
        %dma_wait3A_96 = arith.constant 0 : i32
        %dma_wait3A_97 = arith.constant 0 : i32
        %dma_wait3A_98 = tpu.memref_slice %arg4[%dma_wait3A_96, %dma_wait3A_97] : memref<12288x128xf32, #tpu.memory_space<hbm>> -> memref<12288x128xf32, #tpu.memory_space<hbm>>
        tpu.wait_indirect_dma semaphore(%arg12 : memref<!tpu.dma_semaphore, #tpu.memory_space<semaphore_mem>>) src(%dma_wait3A_98 : memref<12288x128xf32, #tpu.memory_space<hbm>>) dst(%arg10 : memref<128x128xf32, #tpu.memory_space<vmem>>)
        %dma_start3A_99 = arith.constant 0 : i32
        %dma_start3A_100 = tpu.memref_slice %arg8[%add3A_80, %dma_start3A_99] : memref<40x128xi32, #tpu.memory_space<vmem>> -> memref<1x128xi32, #tpu.memory_space<vmem>>
        %dma_start3A_101 = tpu.memref_squeeze %dma_start3A_100 : memref<1x128xi32, #tpu.memory_space<vmem>> -> memref<128xi32, #tpu.memory_space<vmem>>
        %dma_start3A_102 = arith.constant 0 : i32
        %dma_start3A_103 = arith.constant 0 : i32
        %dma_start3A_104 = tpu.memref_slice %arg15[%dma_start3A_102, %dma_start3A_103] : memref<10240x128xf32, #tpu.memory_space<vmem_shared>> -> memref<10240x128xf32, #tpu.memory_space<vmem_shared>>
        tpu.enqueue_indirect_dma source(%arg10 : memref<128x128xf32, #tpu.memory_space<vmem>>) target(%dma_start3A_104 : memref<10240x128xf32, #tpu.memory_space<vmem_shared>>) offsets(%dma_start3A_101 : memref<128xi32, #tpu.memory_space<vmem>>) semaphore(%arg14 : memref<!tpu.dma_semaphore, #tpu.memory_space<semaphore_mem>>) {add = true}
      }
      %scan3A_47 = arith.constant 20 : i32
    }
    %scan3A_20 = arith.constant 2 : i32
    %dma_wait3A = arith.constant 0 : i32
    %dma_wait3A_21 = arith.constant 0 : i32
    %dma_wait3A_22 = tpu.memref_slice %arg4[%dma_wait3A, %dma_wait3A_21] : memref<12288x128xf32, #tpu.memory_space<hbm>> -> memref<128x128xf32, #tpu.memory_space<hbm>>
    %dma_wait3A_23 = arith.constant 0 : i32
    %dma_wait3A_24 = arith.constant 0 : i32
    %dma_wait3A_25 = tpu.memref_slice %arg4[%dma_wait3A_23, %dma_wait3A_24] : memref<12288x128xf32, #tpu.memory_space<hbm>> -> memref<128x128xf32, #tpu.memory_space<hbm>>
    tpu.wait_dma2 semaphore(%arg13 : memref<!tpu.dma_semaphore, #tpu.memory_space<semaphore_mem>>) src(%dma_wait3A_25 : memref<128x128xf32, #tpu.memory_space<hbm>>) dst(%arg9 : memref<128x128xf32, #tpu.memory_space<vmem>>)
    %dma_wait3A_26 = arith.constant 0 : i32
    %dma_wait3A_27 = arith.constant 0 : i32
    %dma_wait3A_28 = tpu.memref_slice %arg4[%dma_wait3A_26, %dma_wait3A_27] : memref<12288x128xf32, #tpu.memory_space<hbm>> -> memref<128x128xf32, #tpu.memory_space<hbm>>
    %dma_wait3A_29 = arith.constant 0 : i32
    %dma_wait3A_30 = arith.constant 0 : i32
    %dma_wait3A_31 = tpu.memref_slice %arg4[%dma_wait3A_29, %dma_wait3A_30] : memref<12288x128xf32, #tpu.memory_space<hbm>> -> memref<128x128xf32, #tpu.memory_space<hbm>>
    tpu.wait_dma2 semaphore(%arg14 : memref<!tpu.dma_semaphore, #tpu.memory_space<semaphore_mem>>) src(%dma_wait3A_31 : memref<128x128xf32, #tpu.memory_space<hbm>>) dst(%arg10 : memref<128x128xf32, #tpu.memory_space<vmem>>)
    %barrier3A_32 = arith.constant 0 : index
    tpu.barrier barrier_id(%barrier3A_32)
    %mul3A_33 = arith.constant 640 : i32
    %mul3A_34 = arith.muli %arg1, %mul3A_33 : i32
    %mul3A_35 = arith.constant 640 : i32
    %mul3A_36 = arith.muli %arg1, %mul3A_35 : i32
    "tpu.region"() ({
      %run_scoped3A = tpu.sem_alloc : memref<!tpu.dma_semaphore, #tpu.memory_space<semaphore_mem>>
      %dma_start3A_37 = arith.constant 0 : i32
      %dma_start3A_38 = tpu.memref_slice %arg6[%arg0, %mul3A_36, %dma_start3A_37] : memref<2x10240x128xf32, #tpu.memory_space<hbm>> -> memref<1x640x128xf32, #tpu.memory_space<hbm>>
      %dma_start3A_39 = tpu.memref_squeeze %dma_start3A_38 : memref<1x640x128xf32, #tpu.memory_space<hbm>> -> memref<640x128xf32, #tpu.memory_space<hbm>>
      %dma_start3A_40 = arith.constant 0 : i32
      %dma_start3A_41 = tpu.memref_slice %arg15[%mul3A_34, %dma_start3A_40] : memref<10240x128xf32, #tpu.memory_space<vmem_shared>> -> memref<640x128xf32, #tpu.memory_space<vmem_shared>>
      tpu.enqueue_dma source(%dma_start3A_41 : memref<640x128xf32, #tpu.memory_space<vmem_shared>>) target(%dma_start3A_39 : memref<640x128xf32, #tpu.memory_space<hbm>>) target_semaphore(%run_scoped3A : memref<!tpu.dma_semaphore, #tpu.memory_space<semaphore_mem>>)
      %dma_wait3A_42 = arith.constant 0 : i32
      %dma_wait3A_43 = tpu.memref_slice %arg6[%arg0, %mul3A_36, %dma_wait3A_42] : memref<2x10240x128xf32, #tpu.memory_space<hbm>> -> memref<1x640x128xf32, #tpu.memory_space<hbm>>
      %dma_wait3A_44 = tpu.memref_squeeze %dma_wait3A_43 : memref<1x640x128xf32, #tpu.memory_space<hbm>> -> memref<640x128xf32, #tpu.memory_space<hbm>>
      %dma_wait3A_45 = arith.constant 0 : i32
      %dma_wait3A_46 = tpu.memref_slice %arg15[%mul3A_34, %dma_wait3A_45] : memref<10240x128xf32, #tpu.memory_space<vmem_shared>> -> memref<640x128xf32, #tpu.memory_space<vmem_shared>>
      tpu.wait_dma2 semaphore(%run_scoped3A : memref<!tpu.dma_semaphore, #tpu.memory_space<semaphore_mem>>) src(%dma_wait3A_46 : memref<640x128xf32, #tpu.memory_space<vmem_shared>>) dst(%dma_wait3A_44 : memref<640x128xf32, #tpu.memory_space<hbm>>)
      tpu.yield
    }) : () -> ()
    return
  }
}

#map = affine_map<(d0, d1) -> (0, 0, 0)>
#map1 = affine_map<(d0, d1) -> (0, 0)>
module attributes {stable_mosaic.version = 14 : i64} {
  func.func @_edge_agg(%arg0: i32, %arg1: i32, %arg2: memref<32x80x128xi32, #tpu.memory_space<hbm>>, %arg3: memref<32x80x128xi32, #tpu.memory_space<hbm>>, %arg4: memref<12288x128xf32, #tpu.memory_space<hbm>>, %arg5: memref<10240x128xf32, #tpu.memory_space<hbm>>, %arg6: memref<2x10240x128xf32, #tpu.memory_space<hbm>>, %arg7: memref<40x128xi32, #tpu.memory_space<vmem>>, %arg8: memref<40x128xi32, #tpu.memory_space<vmem>>, %arg9: memref<128x128xf32, #tpu.memory_space<vmem>>, %arg10: memref<128x128xf32, #tpu.memory_space<vmem>>, %arg11: memref<!tpu.dma_semaphore, #tpu.memory_space<semaphore_mem>>, %arg12: memref<!tpu.dma_semaphore, #tpu.memory_space<semaphore_mem>>, %arg13: memref<!tpu.dma_semaphore, #tpu.memory_space<semaphore_mem>>, %arg14: memref<!tpu.dma_semaphore, #tpu.memory_space<semaphore_mem>>, %arg15: memref<10240x128xf32, #tpu.memory_space<vmem_shared>>) attributes {dimension_semantics = [#tpu.dimension_semantics<core_parallel>, #tpu.dimension_semantics<subcore_parallel>], iteration_bounds = array<i64: 2, 16>, scalar_prefetch = 0 : i64, scratch_operands = 9 : i64, tpu.core_type = #tpu.core_type<sc_vector_subcore>, window_params = [{transform_indices = #map}, {transform_indices = #map}, {transform_indices = #map1}, {transform_indices = #map1}, {transform_indices = #map}]} {
    %mul3A = arith.constant 2 : i32
    %mul3A_0 = arith.muli %arg1, %mul3A : i32
    %add3A = arith.addi %mul3A_0, %arg0 : i32
    %mul3A_1 = arith.constant 640 : i32
    %mul3A_2 = arith.muli %arg1, %mul3A_1 : i32
    %mul3A_3 = arith.constant 640 : i32
    %mul3A_4 = arith.muli %arg1, %mul3A_3 : i32
    "tpu.region"() ({
      %run_scoped3A = tpu.sem_alloc : memref<!tpu.dma_semaphore, #tpu.memory_space<semaphore_mem>>
      %dma_start3A_37 = arith.constant 0 : i32
      %dma_start3A_38 = tpu.memref_slice %arg15[%mul3A_4, %dma_start3A_37] : memref<10240x128xf32, #tpu.memory_space<vmem_shared>> -> memref<640x128xf32, #tpu.memory_space<vmem_shared>>
      %dma_start3A_39 = arith.constant 0 : i32
      %dma_start3A_40 = tpu.memref_slice %arg5[%mul3A_2, %dma_start3A_39] : memref<10240x128xf32, #tpu.memory_space<hbm>> -> memref<640x128xf32, #tpu.memory_space<hbm>>
      tpu.enqueue_dma source(%dma_start3A_40 : memref<640x128xf32, #tpu.memory_space<hbm>>) target(%dma_start3A_38 : memref<640x128xf32, #tpu.memory_space<vmem_shared>>) target_semaphore(%run_scoped3A : memref<!tpu.dma_semaphore, #tpu.memory_space<semaphore_mem>>)
      %dma_wait3A_41 = arith.constant 0 : i32
      %dma_wait3A_42 = tpu.memref_slice %arg15[%mul3A_4, %dma_wait3A_41] : memref<10240x128xf32, #tpu.memory_space<vmem_shared>> -> memref<640x128xf32, #tpu.memory_space<vmem_shared>>
      %dma_wait3A_43 = arith.constant 0 : i32
      %dma_wait3A_44 = tpu.memref_slice %arg5[%mul3A_2, %dma_wait3A_43] : memref<10240x128xf32, #tpu.memory_space<hbm>> -> memref<640x128xf32, #tpu.memory_space<hbm>>
      tpu.wait_dma2 semaphore(%run_scoped3A : memref<!tpu.dma_semaphore, #tpu.memory_space<semaphore_mem>>) src(%dma_wait3A_44 : memref<640x128xf32, #tpu.memory_space<hbm>>) dst(%dma_wait3A_42 : memref<640x128xf32, #tpu.memory_space<vmem_shared>>)
      tpu.yield
    }) : () -> ()
    %dma_start3A = arith.constant 0 : i32
    %dma_start3A_5 = arith.constant 0 : i32
    %dma_start3A_6 = tpu.memref_slice %arg4[%dma_start3A, %dma_start3A_5] : memref<12288x128xf32, #tpu.memory_space<hbm>> -> memref<128x128xf32, #tpu.memory_space<hbm>>
    %dma_start3A_7 = arith.constant 0 : i32
    %dma_start3A_8 = arith.constant 0 : i32
    %dma_start3A_9 = tpu.memref_slice %arg4[%dma_start3A_7, %dma_start3A_8] : memref<12288x128xf32, #tpu.memory_space<hbm>> -> memref<128x128xf32, #tpu.memory_space<hbm>>
    tpu.enqueue_dma source(%dma_start3A_9 : memref<128x128xf32, #tpu.memory_space<hbm>>) target(%arg9 : memref<128x128xf32, #tpu.memory_space<vmem>>) target_semaphore(%arg13 : memref<!tpu.dma_semaphore, #tpu.memory_space<semaphore_mem>>)
    %dma_start3A_10 = arith.constant 0 : i32
    %dma_start3A_11 = arith.constant 0 : i32
    %dma_start3A_12 = tpu.memref_slice %arg4[%dma_start3A_10, %dma_start3A_11] : memref<12288x128xf32, #tpu.memory_space<hbm>> -> memref<128x128xf32, #tpu.memory_space<hbm>>
    %dma_start3A_13 = arith.constant 0 : i32
    %dma_start3A_14 = arith.constant 0 : i32
    %dma_start3A_15 = tpu.memref_slice %arg4[%dma_start3A_13, %dma_start3A_14] : memref<12288x128xf32, #tpu.memory_space<hbm>> -> memref<128x128xf32, #tpu.memory_space<hbm>>
    tpu.enqueue_dma source(%dma_start3A_15 : memref<128x128xf32, #tpu.memory_space<hbm>>) target(%arg10 : memref<128x128xf32, #tpu.memory_space<vmem>>) target_semaphore(%arg14 : memref<!tpu.dma_semaphore, #tpu.memory_space<semaphore_mem>>)
    %barrier3A = arith.constant 0 : index
    tpu.barrier barrier_id(%barrier3A)
    %scan3A = arith.constant 0 : i32
    %scan3A_16 = arith.constant 0 : i32
    %scan3A_17 = arith.constant 2 : i32
    %scan3A_18 = arith.addi %scan3A_16, %scan3A_17 : i32
    %scan3A_19 = arith.constant 1 : i32
    scf.for %scan3A_37 = %scan3A_16 to %scan3A_18 step %scan3A_19  : i32 {
      %mul3A_38 = arith.constant 40 : i32
      %mul3A_39 = arith.muli %scan3A_37, %mul3A_38 : i32
      "tpu.region"() ({
        %run_scoped3A = tpu.sem_alloc : memref<!tpu.dma_semaphore, #tpu.memory_space<semaphore_mem>>
        %dma_start3A_48 = arith.constant 0 : i32
        %dma_start3A_49 = tpu.memref_slice %arg2[%add3A, %mul3A_39, %dma_start3A_48] : memref<32x80x128xi32, #tpu.memory_space<hbm>> -> memref<1x40x128xi32, #tpu.memory_space<hbm>>
        %dma_start3A_50 = tpu.memref_squeeze %dma_start3A_49 : memref<1x40x128xi32, #tpu.memory_space<hbm>> -> memref<40x128xi32, #tpu.memory_space<hbm>>
        %dma_start3A_51 = arith.constant 0 : i32
        %dma_start3A_52 = tpu.memref_slice %arg2[%add3A, %mul3A_39, %dma_start3A_51] : memref<32x80x128xi32, #tpu.memory_space<hbm>> -> memref<1x40x128xi32, #tpu.memory_space<hbm>>
        %dma_start3A_53 = tpu.memref_squeeze %dma_start3A_52 : memref<1x40x128xi32, #tpu.memory_space<hbm>> -> memref<40x128xi32, #tpu.memory_space<hbm>>
        tpu.enqueue_dma source(%dma_start3A_53 : memref<40x128xi32, #tpu.memory_space<hbm>>) target(%arg7 : memref<40x128xi32, #tpu.memory_space<vmem>>) target_semaphore(%run_scoped3A : memref<!tpu.dma_semaphore, #tpu.memory_space<semaphore_mem>>)
        %dma_wait3A_54 = arith.constant 0 : i32
        %dma_wait3A_55 = tpu.memref_slice %arg2[%add3A, %mul3A_39, %dma_wait3A_54] : memref<32x80x128xi32, #tpu.memory_space<hbm>> -> memref<1x40x128xi32, #tpu.memory_space<hbm>>
        %dma_wait3A_56 = tpu.memref_squeeze %dma_wait3A_55 : memref<1x40x128xi32, #tpu.memory_space<hbm>> -> memref<40x128xi32, #tpu.memory_space<hbm>>
        %dma_wait3A_57 = arith.constant 0 : i32
        %dma_wait3A_58 = tpu.memref_slice %arg2[%add3A, %mul3A_39, %dma_wait3A_57] : memref<32x80x128xi32, #tpu.memory_space<hbm>> -> memref<1x40x128xi32, #tpu.memory_space<hbm>>
        %dma_wait3A_59 = tpu.memref_squeeze %dma_wait3A_58 : memref<1x40x128xi32, #tpu.memory_space<hbm>> -> memref<40x128xi32, #tpu.memory_space<hbm>>
        tpu.wait_dma2 semaphore(%run_scoped3A : memref<!tpu.dma_semaphore, #tpu.memory_space<semaphore_mem>>) src(%dma_wait3A_59 : memref<40x128xi32, #tpu.memory_space<hbm>>) dst(%arg7 : memref<40x128xi32, #tpu.memory_space<vmem>>)
        tpu.yield
      }) : () -> ()
      %mul3A_40 = arith.constant 40 : i32
      %mul3A_41 = arith.muli %scan3A_37, %mul3A_40 : i32
      "tpu.region"() ({
        %run_scoped3A = tpu.sem_alloc : memref<!tpu.dma_semaphore, #tpu.memory_space<semaphore_mem>>
        %dma_start3A_48 = arith.constant 0 : i32
        %dma_start3A_49 = tpu.memref_slice %arg3[%add3A, %mul3A_41, %dma_start3A_48] : memref<32x80x128xi32, #tpu.memory_space<hbm>> -> memref<1x40x128xi32, #tpu.memory_space<hbm>>
        %dma_start3A_50 = tpu.memref_squeeze %dma_start3A_49 : memref<1x40x128xi32, #tpu.memory_space<hbm>> -> memref<40x128xi32, #tpu.memory_space<hbm>>
        %dma_start3A_51 = arith.constant 0 : i32
        %dma_start3A_52 = tpu.memref_slice %arg3[%add3A, %mul3A_41, %dma_start3A_51] : memref<32x80x128xi32, #tpu.memory_space<hbm>> -> memref<1x40x128xi32, #tpu.memory_space<hbm>>
        %dma_start3A_53 = tpu.memref_squeeze %dma_start3A_52 : memref<1x40x128xi32, #tpu.memory_space<hbm>> -> memref<40x128xi32, #tpu.memory_space<hbm>>
        tpu.enqueue_dma source(%dma_start3A_53 : memref<40x128xi32, #tpu.memory_space<hbm>>) target(%arg8 : memref<40x128xi32, #tpu.memory_space<vmem>>) target_semaphore(%run_scoped3A : memref<!tpu.dma_semaphore, #tpu.memory_space<semaphore_mem>>)
        %dma_wait3A_54 = arith.constant 0 : i32
        %dma_wait3A_55 = tpu.memref_slice %arg3[%add3A, %mul3A_41, %dma_wait3A_54] : memref<32x80x128xi32, #tpu.memory_space<hbm>> -> memref<1x40x128xi32, #tpu.memory_space<hbm>>
        %dma_wait3A_56 = tpu.memref_squeeze %dma_wait3A_55 : memref<1x40x128xi32, #tpu.memory_space<hbm>> -> memref<40x128xi32, #tpu.memory_space<hbm>>
        %dma_wait3A_57 = arith.constant 0 : i32
        %dma_wait3A_58 = tpu.memref_slice %arg3[%add3A, %mul3A_41, %dma_wait3A_57] : memref<32x80x128xi32, #tpu.memory_space<hbm>> -> memref<1x40x128xi32, #tpu.memory_space<hbm>>
        %dma_wait3A_59 = tpu.memref_squeeze %dma_wait3A_58 : memref<1x40x128xi32, #tpu.memory_space<hbm>> -> memref<40x128xi32, #tpu.memory_space<hbm>>
        tpu.wait_dma2 semaphore(%run_scoped3A : memref<!tpu.dma_semaphore, #tpu.memory_space<semaphore_mem>>) src(%dma_wait3A_59 : memref<40x128xi32, #tpu.memory_space<hbm>>) dst(%arg8 : memref<40x128xi32, #tpu.memory_space<vmem>>)
        tpu.yield
      }) : () -> ()
      %scan3A_42 = arith.constant 0 : i32
      %scan3A_43 = arith.constant 0 : i32
      %scan3A_44 = arith.constant 20 : i32
      %scan3A_45 = arith.addi %scan3A_43, %scan3A_44 : i32
      %scan3A_46 = arith.constant 1 : i32
      scf.for %scan3A_48 = %scan3A_43 to %scan3A_45 step %scan3A_46  : i32 {
        %mul3A_49 = arith.constant 2 : i32
        %mul3A_50 = arith.muli %mul3A_49, %scan3A_48 : i32
        %add3A_51 = arith.constant 0 : i32
        %add3A_52 = arith.addi %mul3A_50, %add3A_51 : i32
        %dma_wait3A_53 = arith.constant 0 : i32
        %dma_wait3A_54 = arith.constant 0 : i32
        %dma_wait3A_55 = tpu.memref_slice %arg4[%dma_wait3A_53, %dma_wait3A_54] : memref<12288x128xf32, #tpu.memory_space<hbm>> -> memref<128x128xf32, #tpu.memory_space<hbm>>
        %dma_wait3A_56 = arith.constant 0 : i32
        %dma_wait3A_57 = arith.constant 0 : i32
        %dma_wait3A_58 = tpu.memref_slice %arg4[%dma_wait3A_56, %dma_wait3A_57] : memref<12288x128xf32, #tpu.memory_space<hbm>> -> memref<128x128xf32, #tpu.memory_space<hbm>>
        tpu.wait_dma2 semaphore(%arg13 : memref<!tpu.dma_semaphore, #tpu.memory_space<semaphore_mem>>) src(%dma_wait3A_58 : memref<128x128xf32, #tpu.memory_space<hbm>>) dst(%arg9 : memref<128x128xf32, #tpu.memory_space<vmem>>)
        %dma_start3A_59 = arith.constant 0 : i32
        %dma_start3A_60 = tpu.memref_slice %arg7[%add3A_52, %dma_start3A_59] : memref<40x128xi32, #tpu.memory_space<vmem>> -> memref<1x128xi32, #tpu.memory_space<vmem>>
        %dma_start3A_61 = tpu.memref_squeeze %dma_start3A_60 : memref<1x128xi32, #tpu.memory_space<vmem>> -> memref<128xi32, #tpu.memory_space<vmem>>
        %dma_start3A_62 = arith.constant 0 : i32
        %dma_start3A_63 = arith.constant 0 : i32
        %dma_start3A_64 = tpu.memref_slice %arg4[%dma_start3A_62, %dma_start3A_63] : memref<12288x128xf32, #tpu.memory_space<hbm>> -> memref<12288x128xf32, #tpu.memory_space<hbm>>
        tpu.enqueue_indirect_dma source(%dma_start3A_64 : memref<12288x128xf32, #tpu.memory_space<hbm>>) target(%arg9 : memref<128x128xf32, #tpu.memory_space<vmem>>) offsets(%dma_start3A_61 : memref<128xi32, #tpu.memory_space<vmem>>) semaphore(%arg11 : memref<!tpu.dma_semaphore, #tpu.memory_space<semaphore_mem>>)
        %dma_wait3A_65 = arith.constant 0 : i32
        %dma_wait3A_66 = tpu.memref_slice %arg7[%add3A_52, %dma_wait3A_65] : memref<40x128xi32, #tpu.memory_space<vmem>> -> memref<1x128xi32, #tpu.memory_space<vmem>>
        %dma_wait3A_67 = tpu.memref_squeeze %dma_wait3A_66 : memref<1x128xi32, #tpu.memory_space<vmem>> -> memref<128xi32, #tpu.memory_space<vmem>>
        %dma_wait3A_68 = arith.constant 0 : i32
        %dma_wait3A_69 = arith.constant 0 : i32
        %dma_wait3A_70 = tpu.memref_slice %arg4[%dma_wait3A_68, %dma_wait3A_69] : memref<12288x128xf32, #tpu.memory_space<hbm>> -> memref<12288x128xf32, #tpu.memory_space<hbm>>
        tpu.wait_indirect_dma semaphore(%arg11 : memref<!tpu.dma_semaphore, #tpu.memory_space<semaphore_mem>>) src(%dma_wait3A_70 : memref<12288x128xf32, #tpu.memory_space<hbm>>) dst(%arg9 : memref<128x128xf32, #tpu.memory_space<vmem>>)
        %dma_start3A_71 = arith.constant 0 : i32
        %dma_start3A_72 = tpu.memref_slice %arg8[%add3A_52, %dma_start3A_71] : memref<40x128xi32, #tpu.memory_space<vmem>> -> memref<1x128xi32, #tpu.memory_space<vmem>>
        %dma_start3A_73 = tpu.memref_squeeze %dma_start3A_72 : memref<1x128xi32, #tpu.memory_space<vmem>> -> memref<128xi32, #tpu.memory_space<vmem>>
        %dma_start3A_74 = arith.constant 0 : i32
        %dma_start3A_75 = arith.constant 0 : i32
        %dma_start3A_76 = tpu.memref_slice %arg15[%dma_start3A_74, %dma_start3A_75] : memref<10240x128xf32, #tpu.memory_space<vmem_shared>> -> memref<10240x128xf32, #tpu.memory_space<vmem_shared>>
        tpu.enqueue_indirect_dma source(%arg9 : memref<128x128xf32, #tpu.memory_space<vmem>>) target(%dma_start3A_76 : memref<10240x128xf32, #tpu.memory_space<vmem_shared>>) offsets(%dma_start3A_73 : memref<128xi32, #tpu.memory_space<vmem>>) semaphore(%arg13 : memref<!tpu.dma_semaphore, #tpu.memory_space<semaphore_mem>>) {add = true}
        %mul3A_77 = arith.constant 2 : i32
        %mul3A_78 = arith.muli %mul3A_77, %scan3A_48 : i32
        %add3A_79 = arith.constant 1 : i32
        %add3A_80 = arith.addi %mul3A_78, %add3A_79 : i32
        %dma_wait3A_81 = arith.constant 0 : i32
        %dma_wait3A_82 = arith.constant 0 : i32
        %dma_wait3A_83 = tpu.memref_slice %arg4[%dma_wait3A_81, %dma_wait3A_82] : memref<12288x128xf32, #tpu.memory_space<hbm>> -> memref<128x128xf32, #tpu.memory_space<hbm>>
        %dma_wait3A_84 = arith.constant 0 : i32
        %dma_wait3A_85 = arith.constant 0 : i32
        %dma_wait3A_86 = tpu.memref_slice %arg4[%dma_wait3A_84, %dma_wait3A_85] : memref<12288x128xf32, #tpu.memory_space<hbm>> -> memref<128x128xf32, #tpu.memory_space<hbm>>
        tpu.wait_dma2 semaphore(%arg14 : memref<!tpu.dma_semaphore, #tpu.memory_space<semaphore_mem>>) src(%dma_wait3A_86 : memref<128x128xf32, #tpu.memory_space<hbm>>) dst(%arg10 : memref<128x128xf32, #tpu.memory_space<vmem>>)
        %dma_start3A_87 = arith.constant 0 : i32
        %dma_start3A_88 = tpu.memref_slice %arg7[%add3A_80, %dma_start3A_87] : memref<40x128xi32, #tpu.memory_space<vmem>> -> memref<1x128xi32, #tpu.memory_space<vmem>>
        %dma_start3A_89 = tpu.memref_squeeze %dma_start3A_88 : memref<1x128xi32, #tpu.memory_space<vmem>> -> memref<128xi32, #tpu.memory_space<vmem>>
        %dma_start3A_90 = arith.constant 0 : i32
        %dma_start3A_91 = arith.constant 0 : i32
        %dma_start3A_92 = tpu.memref_slice %arg4[%dma_start3A_90, %dma_start3A_91] : memref<12288x128xf32, #tpu.memory_space<hbm>> -> memref<12288x128xf32, #tpu.memory_space<hbm>>
        tpu.enqueue_indirect_dma source(%dma_start3A_92 : memref<12288x128xf32, #tpu.memory_space<hbm>>) target(%arg10 : memref<128x128xf32, #tpu.memory_space<vmem>>) offsets(%dma_start3A_89 : memref<128xi32, #tpu.memory_space<vmem>>) semaphore(%arg12 : memref<!tpu.dma_semaphore, #tpu.memory_space<semaphore_mem>>)
        %dma_wait3A_93 = arith.constant 0 : i32
        %dma_wait3A_94 = tpu.memref_slice %arg7[%add3A_80, %dma_wait3A_93] : memref<40x128xi32, #tpu.memory_space<vmem>> -> memref<1x128xi32, #tpu.memory_space<vmem>>
        %dma_wait3A_95 = tpu.memref_squeeze %dma_wait3A_94 : memref<1x128xi32, #tpu.memory_space<vmem>> -> memref<128xi32, #tpu.memory_space<vmem>>
        %dma_wait3A_96 = arith.constant 0 : i32
        %dma_wait3A_97 = arith.constant 0 : i32
        %dma_wait3A_98 = tpu.memref_slice %arg4[%dma_wait3A_96, %dma_wait3A_97] : memref<12288x128xf32, #tpu.memory_space<hbm>> -> memref<12288x128xf32, #tpu.memory_space<hbm>>
        tpu.wait_indirect_dma semaphore(%arg12 : memref<!tpu.dma_semaphore, #tpu.memory_space<semaphore_mem>>) src(%dma_wait3A_98 : memref<12288x128xf32, #tpu.memory_space<hbm>>) dst(%arg10 : memref<128x128xf32, #tpu.memory_space<vmem>>)
        %dma_start3A_99 = arith.constant 0 : i32
        %dma_start3A_100 = tpu.memref_slice %arg8[%add3A_80, %dma_start3A_99] : memref<40x128xi32, #tpu.memory_space<vmem>> -> memref<1x128xi32, #tpu.memory_space<vmem>>
        %dma_start3A_101 = tpu.memref_squeeze %dma_start3A_100 : memref<1x128xi32, #tpu.memory_space<vmem>> -> memref<128xi32, #tpu.memory_space<vmem>>
        %dma_start3A_102 = arith.constant 0 : i32
        %dma_start3A_103 = arith.constant 0 : i32
        %dma_start3A_104 = tpu.memref_slice %arg15[%dma_start3A_102, %dma_start3A_103] : memref<10240x128xf32, #tpu.memory_space<vmem_shared>> -> memref<10240x128xf32, #tpu.memory_space<vmem_shared>>
        tpu.enqueue_indirect_dma source(%arg10 : memref<128x128xf32, #tpu.memory_space<vmem>>) target(%dma_start3A_104 : memref<10240x128xf32, #tpu.memory_space<vmem_shared>>) offsets(%dma_start3A_101 : memref<128xi32, #tpu.memory_space<vmem>>) semaphore(%arg14 : memref<!tpu.dma_semaphore, #tpu.memory_space<semaphore_mem>>) {add = true}
      }
      %scan3A_47 = arith.constant 20 : i32
    }
    %scan3A_20 = arith.constant 2 : i32
    %dma_wait3A = arith.constant 0 : i32
    %dma_wait3A_21 = arith.constant 0 : i32
    %dma_wait3A_22 = tpu.memref_slice %arg4[%dma_wait3A, %dma_wait3A_21] : memref<12288x128xf32, #tpu.memory_space<hbm>> -> memref<128x128xf32, #tpu.memory_space<hbm>>
    %dma_wait3A_23 = arith.constant 0 : i32
    %dma_wait3A_24 = arith.constant 0 : i32
    %dma_wait3A_25 = tpu.memref_slice %arg4[%dma_wait3A_23, %dma_wait3A_24] : memref<12288x128xf32, #tpu.memory_space<hbm>> -> memref<128x128xf32, #tpu.memory_space<hbm>>
    tpu.wait_dma2 semaphore(%arg13 : memref<!tpu.dma_semaphore, #tpu.memory_space<semaphore_mem>>) src(%dma_wait3A_25 : memref<128x128xf32, #tpu.memory_space<hbm>>) dst(%arg9 : memref<128x128xf32, #tpu.memory_space<vmem>>)
    %dma_wait3A_26 = arith.constant 0 : i32
    %dma_wait3A_27 = arith.constant 0 : i32
    %dma_wait3A_28 = tpu.memref_slice %arg4[%dma_wait3A_26, %dma_wait3A_27] : memref<12288x128xf32, #tpu.memory_space<hbm>> -> memref<128x128xf32, #tpu.memory_space<hbm>>
    %dma_wait3A_29 = arith.constant 0 : i32
    %dma_wait3A_30 = arith.constant 0 : i32
    %dma_wait3A_31 = tpu.memref_slice %arg4[%dma_wait3A_29, %dma_wait3A_30] : memref<12288x128xf32, #tpu.memory_space<hbm>> -> memref<128x128xf32, #tpu.memory_space<hbm>>
    tpu.wait_dma2 semaphore(%arg14 : memref<!tpu.dma_semaphore, #tpu.memory_space<semaphore_mem>>) src(%dma_wait3A_31 : memref<128x128xf32, #tpu.memory_space<hbm>>) dst(%arg10 : memref<128x128xf32, #tpu.memory_space<vmem>>)
    %barrier3A_32 = arith.constant 0 : index
    tpu.barrier barrier_id(%barrier3A_32)
    %mul3A_33 = arith.constant 640 : i32
    %mul3A_34 = arith.muli %arg1, %mul3A_33 : i32
    %mul3A_35 = arith.constant 640 : i32
    %mul3A_36 = arith.muli %arg1, %mul3A_35 : i32
    "tpu.region"() ({
      %run_scoped3A = tpu.sem_alloc : memref<!tpu.dma_semaphore, #tpu.memory_space<semaphore_mem>>
      %dma_start3A_37 = arith.constant 0 : i32
      %dma_start3A_38 = tpu.memref_slice %arg6[%arg0, %mul3A_36, %dma_start3A_37] : memref<2x10240x128xf32, #tpu.memory_space<hbm>> -> memref<1x640x128xf32, #tpu.memory_space<hbm>>
      %dma_start3A_39 = tpu.memref_squeeze %dma_start3A_38 : memref<1x640x128xf32, #tpu.memory_space<hbm>> -> memref<640x128xf32, #tpu.memory_space<hbm>>
      %dma_start3A_40 = arith.constant 0 : i32
      %dma_start3A_41 = tpu.memref_slice %arg15[%mul3A_34, %dma_start3A_40] : memref<10240x128xf32, #tpu.memory_space<vmem_shared>> -> memref<640x128xf32, #tpu.memory_space<vmem_shared>>
      tpu.enqueue_dma source(%dma_start3A_41 : memref<640x128xf32, #tpu.memory_space<vmem_shared>>) target(%dma_start3A_39 : memref<640x128xf32, #tpu.memory_space<hbm>>) target_semaphore(%run_scoped3A : memref<!tpu.dma_semaphore, #tpu.memory_space<semaphore_mem>>)
      %dma_wait3A_42 = arith.constant 0 : i32
      %dma_wait3A_43 = tpu.memref_slice %arg6[%arg0, %mul3A_36, %dma_wait3A_42] : memref<2x10240x128xf32, #tpu.memory_space<hbm>> -> memref<1x640x128xf32, #tpu.memory_space<hbm>>
      %dma_wait3A_44 = tpu.memref_squeeze %dma_wait3A_43 : memref<1x640x128xf32, #tpu.memory_space<hbm>> -> memref<640x128xf32, #tpu.memory_space<hbm>>
      %dma_wait3A_45 = arith.constant 0 : i32
      %dma_wait3A_46 = tpu.memref_slice %arg15[%mul3A_34, %dma_wait3A_45] : memref<10240x128xf32, #tpu.memory_space<vmem_shared>> -> memref<640x128xf32, #tpu.memory_space<vmem_shared>>
      tpu.wait_dma2 semaphore(%run_scoped3A : memref<!tpu.dma_semaphore, #tpu.memory_space<semaphore_mem>>) src(%dma_wait3A_46 : memref<640x128xf32, #tpu.memory_space<vmem_shared>>) dst(%dma_wait3A_44 : memref<640x128xf32, #tpu.memory_space<hbm>>)
      tpu.yield
    }) : () -> ()
    return
  }
}

#map = affine_map<(d0, d1) -> (0, 0, 0)>
#map1 = affine_map<(d0, d1) -> (0, 0)>
module attributes {stable_mosaic.version = 14 : i64} {
  func.func @_edge_agg(%arg0: i32, %arg1: i32, %arg2: memref<32x80x128xi32, #tpu.memory_space<hbm>>, %arg3: memref<32x80x128xi32, #tpu.memory_space<hbm>>, %arg4: memref<12288x128xf32, #tpu.memory_space<hbm>>, %arg5: memref<10240x128xf32, #tpu.memory_space<hbm>>, %arg6: memref<2x10240x128xf32, #tpu.memory_space<hbm>>, %arg7: memref<40x128xi32, #tpu.memory_space<vmem>>, %arg8: memref<40x128xi32, #tpu.memory_space<vmem>>, %arg9: memref<128x128xf32, #tpu.memory_space<vmem>>, %arg10: memref<128x128xf32, #tpu.memory_space<vmem>>, %arg11: memref<!tpu.dma_semaphore, #tpu.memory_space<semaphore_mem>>, %arg12: memref<!tpu.dma_semaphore, #tpu.memory_space<semaphore_mem>>, %arg13: memref<!tpu.dma_semaphore, #tpu.memory_space<semaphore_mem>>, %arg14: memref<!tpu.dma_semaphore, #tpu.memory_space<semaphore_mem>>, %arg15: memref<10240x128xf32, #tpu.memory_space<vmem_shared>>) attributes {dimension_semantics = [#tpu.dimension_semantics<core_parallel>, #tpu.dimension_semantics<subcore_parallel>], iteration_bounds = array<i64: 2, 16>, scalar_prefetch = 0 : i64, scratch_operands = 9 : i64, tpu.core_type = #tpu.core_type<sc_vector_subcore>, window_params = [{transform_indices = #map}, {transform_indices = #map}, {transform_indices = #map1}, {transform_indices = #map1}, {transform_indices = #map}]} {
    %mul3A = arith.constant 2 : i32
    %mul3A_0 = arith.muli %arg1, %mul3A : i32
    %add3A = arith.addi %mul3A_0, %arg0 : i32
    %mul3A_1 = arith.constant 640 : i32
    %mul3A_2 = arith.muli %arg1, %mul3A_1 : i32
    %mul3A_3 = arith.constant 640 : i32
    %mul3A_4 = arith.muli %arg1, %mul3A_3 : i32
    "tpu.region"() ({
      %run_scoped3A = tpu.sem_alloc : memref<!tpu.dma_semaphore, #tpu.memory_space<semaphore_mem>>
      %dma_start3A_37 = arith.constant 0 : i32
      %dma_start3A_38 = tpu.memref_slice %arg15[%mul3A_4, %dma_start3A_37] : memref<10240x128xf32, #tpu.memory_space<vmem_shared>> -> memref<640x128xf32, #tpu.memory_space<vmem_shared>>
      %dma_start3A_39 = arith.constant 0 : i32
      %dma_start3A_40 = tpu.memref_slice %arg5[%mul3A_2, %dma_start3A_39] : memref<10240x128xf32, #tpu.memory_space<hbm>> -> memref<640x128xf32, #tpu.memory_space<hbm>>
      tpu.enqueue_dma source(%dma_start3A_40 : memref<640x128xf32, #tpu.memory_space<hbm>>) target(%dma_start3A_38 : memref<640x128xf32, #tpu.memory_space<vmem_shared>>) target_semaphore(%run_scoped3A : memref<!tpu.dma_semaphore, #tpu.memory_space<semaphore_mem>>)
      %dma_wait3A_41 = arith.constant 0 : i32
      %dma_wait3A_42 = tpu.memref_slice %arg15[%mul3A_4, %dma_wait3A_41] : memref<10240x128xf32, #tpu.memory_space<vmem_shared>> -> memref<640x128xf32, #tpu.memory_space<vmem_shared>>
      %dma_wait3A_43 = arith.constant 0 : i32
      %dma_wait3A_44 = tpu.memref_slice %arg5[%mul3A_2, %dma_wait3A_43] : memref<10240x128xf32, #tpu.memory_space<hbm>> -> memref<640x128xf32, #tpu.memory_space<hbm>>
      tpu.wait_dma2 semaphore(%run_scoped3A : memref<!tpu.dma_semaphore, #tpu.memory_space<semaphore_mem>>) src(%dma_wait3A_44 : memref<640x128xf32, #tpu.memory_space<hbm>>) dst(%dma_wait3A_42 : memref<640x128xf32, #tpu.memory_space<vmem_shared>>)
      tpu.yield
    }) : () -> ()
    %dma_start3A = arith.constant 0 : i32
    %dma_start3A_5 = arith.constant 0 : i32
    %dma_start3A_6 = tpu.memref_slice %arg4[%dma_start3A, %dma_start3A_5] : memref<12288x128xf32, #tpu.memory_space<hbm>> -> memref<128x128xf32, #tpu.memory_space<hbm>>
    %dma_start3A_7 = arith.constant 0 : i32
    %dma_start3A_8 = arith.constant 0 : i32
    %dma_start3A_9 = tpu.memref_slice %arg4[%dma_start3A_7, %dma_start3A_8] : memref<12288x128xf32, #tpu.memory_space<hbm>> -> memref<128x128xf32, #tpu.memory_space<hbm>>
    tpu.enqueue_dma source(%dma_start3A_9 : memref<128x128xf32, #tpu.memory_space<hbm>>) target(%arg9 : memref<128x128xf32, #tpu.memory_space<vmem>>) target_semaphore(%arg13 : memref<!tpu.dma_semaphore, #tpu.memory_space<semaphore_mem>>)
    %dma_start3A_10 = arith.constant 0 : i32
    %dma_start3A_11 = arith.constant 0 : i32
    %dma_start3A_12 = tpu.memref_slice %arg4[%dma_start3A_10, %dma_start3A_11] : memref<12288x128xf32, #tpu.memory_space<hbm>> -> memref<128x128xf32, #tpu.memory_space<hbm>>
    %dma_start3A_13 = arith.constant 0 : i32
    %dma_start3A_14 = arith.constant 0 : i32
    %dma_start3A_15 = tpu.memref_slice %arg4[%dma_start3A_13, %dma_start3A_14] : memref<12288x128xf32, #tpu.memory_space<hbm>> -> memref<128x128xf32, #tpu.memory_space<hbm>>
    tpu.enqueue_dma source(%dma_start3A_15 : memref<128x128xf32, #tpu.memory_space<hbm>>) target(%arg10 : memref<128x128xf32, #tpu.memory_space<vmem>>) target_semaphore(%arg14 : memref<!tpu.dma_semaphore, #tpu.memory_space<semaphore_mem>>)
    %barrier3A = arith.constant 0 : index
    tpu.barrier barrier_id(%barrier3A)
    %scan3A = arith.constant 0 : i32
    %scan3A_16 = arith.constant 0 : i32
    %scan3A_17 = arith.constant 2 : i32
    %scan3A_18 = arith.addi %scan3A_16, %scan3A_17 : i32
    %scan3A_19 = arith.constant 1 : i32
    scf.for %scan3A_37 = %scan3A_16 to %scan3A_18 step %scan3A_19  : i32 {
      %mul3A_38 = arith.constant 40 : i32
      %mul3A_39 = arith.muli %scan3A_37, %mul3A_38 : i32
      "tpu.region"() ({
        %run_scoped3A = tpu.sem_alloc : memref<!tpu.dma_semaphore, #tpu.memory_space<semaphore_mem>>
        %dma_start3A_48 = arith.constant 0 : i32
        %dma_start3A_49 = tpu.memref_slice %arg2[%add3A, %mul3A_39, %dma_start3A_48] : memref<32x80x128xi32, #tpu.memory_space<hbm>> -> memref<1x40x128xi32, #tpu.memory_space<hbm>>
        %dma_start3A_50 = tpu.memref_squeeze %dma_start3A_49 : memref<1x40x128xi32, #tpu.memory_space<hbm>> -> memref<40x128xi32, #tpu.memory_space<hbm>>
        %dma_start3A_51 = arith.constant 0 : i32
        %dma_start3A_52 = tpu.memref_slice %arg2[%add3A, %mul3A_39, %dma_start3A_51] : memref<32x80x128xi32, #tpu.memory_space<hbm>> -> memref<1x40x128xi32, #tpu.memory_space<hbm>>
        %dma_start3A_53 = tpu.memref_squeeze %dma_start3A_52 : memref<1x40x128xi32, #tpu.memory_space<hbm>> -> memref<40x128xi32, #tpu.memory_space<hbm>>
        tpu.enqueue_dma source(%dma_start3A_53 : memref<40x128xi32, #tpu.memory_space<hbm>>) target(%arg7 : memref<40x128xi32, #tpu.memory_space<vmem>>) target_semaphore(%run_scoped3A : memref<!tpu.dma_semaphore, #tpu.memory_space<semaphore_mem>>)
        %dma_wait3A_54 = arith.constant 0 : i32
        %dma_wait3A_55 = tpu.memref_slice %arg2[%add3A, %mul3A_39, %dma_wait3A_54] : memref<32x80x128xi32, #tpu.memory_space<hbm>> -> memref<1x40x128xi32, #tpu.memory_space<hbm>>
        %dma_wait3A_56 = tpu.memref_squeeze %dma_wait3A_55 : memref<1x40x128xi32, #tpu.memory_space<hbm>> -> memref<40x128xi32, #tpu.memory_space<hbm>>
        %dma_wait3A_57 = arith.constant 0 : i32
        %dma_wait3A_58 = tpu.memref_slice %arg2[%add3A, %mul3A_39, %dma_wait3A_57] : memref<32x80x128xi32, #tpu.memory_space<hbm>> -> memref<1x40x128xi32, #tpu.memory_space<hbm>>
        %dma_wait3A_59 = tpu.memref_squeeze %dma_wait3A_58 : memref<1x40x128xi32, #tpu.memory_space<hbm>> -> memref<40x128xi32, #tpu.memory_space<hbm>>
        tpu.wait_dma2 semaphore(%run_scoped3A : memref<!tpu.dma_semaphore, #tpu.memory_space<semaphore_mem>>) src(%dma_wait3A_59 : memref<40x128xi32, #tpu.memory_space<hbm>>) dst(%arg7 : memref<40x128xi32, #tpu.memory_space<vmem>>)
        tpu.yield
      }) : () -> ()
      %mul3A_40 = arith.constant 40 : i32
      %mul3A_41 = arith.muli %scan3A_37, %mul3A_40 : i32
      "tpu.region"() ({
        %run_scoped3A = tpu.sem_alloc : memref<!tpu.dma_semaphore, #tpu.memory_space<semaphore_mem>>
        %dma_start3A_48 = arith.constant 0 : i32
        %dma_start3A_49 = tpu.memref_slice %arg3[%add3A, %mul3A_41, %dma_start3A_48] : memref<32x80x128xi32, #tpu.memory_space<hbm>> -> memref<1x40x128xi32, #tpu.memory_space<hbm>>
        %dma_start3A_50 = tpu.memref_squeeze %dma_start3A_49 : memref<1x40x128xi32, #tpu.memory_space<hbm>> -> memref<40x128xi32, #tpu.memory_space<hbm>>
        %dma_start3A_51 = arith.constant 0 : i32
        %dma_start3A_52 = tpu.memref_slice %arg3[%add3A, %mul3A_41, %dma_start3A_51] : memref<32x80x128xi32, #tpu.memory_space<hbm>> -> memref<1x40x128xi32, #tpu.memory_space<hbm>>
        %dma_start3A_53 = tpu.memref_squeeze %dma_start3A_52 : memref<1x40x128xi32, #tpu.memory_space<hbm>> -> memref<40x128xi32, #tpu.memory_space<hbm>>
        tpu.enqueue_dma source(%dma_start3A_53 : memref<40x128xi32, #tpu.memory_space<hbm>>) target(%arg8 : memref<40x128xi32, #tpu.memory_space<vmem>>) target_semaphore(%run_scoped3A : memref<!tpu.dma_semaphore, #tpu.memory_space<semaphore_mem>>)
        %dma_wait3A_54 = arith.constant 0 : i32
        %dma_wait3A_55 = tpu.memref_slice %arg3[%add3A, %mul3A_41, %dma_wait3A_54] : memref<32x80x128xi32, #tpu.memory_space<hbm>> -> memref<1x40x128xi32, #tpu.memory_space<hbm>>
        %dma_wait3A_56 = tpu.memref_squeeze %dma_wait3A_55 : memref<1x40x128xi32, #tpu.memory_space<hbm>> -> memref<40x128xi32, #tpu.memory_space<hbm>>
        %dma_wait3A_57 = arith.constant 0 : i32
        %dma_wait3A_58 = tpu.memref_slice %arg3[%add3A, %mul3A_41, %dma_wait3A_57] : memref<32x80x128xi32, #tpu.memory_space<hbm>> -> memref<1x40x128xi32, #tpu.memory_space<hbm>>
        %dma_wait3A_59 = tpu.memref_squeeze %dma_wait3A_58 : memref<1x40x128xi32, #tpu.memory_space<hbm>> -> memref<40x128xi32, #tpu.memory_space<hbm>>
        tpu.wait_dma2 semaphore(%run_scoped3A : memref<!tpu.dma_semaphore, #tpu.memory_space<semaphore_mem>>) src(%dma_wait3A_59 : memref<40x128xi32, #tpu.memory_space<hbm>>) dst(%arg8 : memref<40x128xi32, #tpu.memory_space<vmem>>)
        tpu.yield
      }) : () -> ()
      %scan3A_42 = arith.constant 0 : i32
      %scan3A_43 = arith.constant 0 : i32
      %scan3A_44 = arith.constant 20 : i32
      %scan3A_45 = arith.addi %scan3A_43, %scan3A_44 : i32
      %scan3A_46 = arith.constant 1 : i32
      scf.for %scan3A_48 = %scan3A_43 to %scan3A_45 step %scan3A_46  : i32 {
        %mul3A_49 = arith.constant 2 : i32
        %mul3A_50 = arith.muli %mul3A_49, %scan3A_48 : i32
        %add3A_51 = arith.constant 0 : i32
        %add3A_52 = arith.addi %mul3A_50, %add3A_51 : i32
        %dma_wait3A_53 = arith.constant 0 : i32
        %dma_wait3A_54 = arith.constant 0 : i32
        %dma_wait3A_55 = tpu.memref_slice %arg4[%dma_wait3A_53, %dma_wait3A_54] : memref<12288x128xf32, #tpu.memory_space<hbm>> -> memref<128x128xf32, #tpu.memory_space<hbm>>
        %dma_wait3A_56 = arith.constant 0 : i32
        %dma_wait3A_57 = arith.constant 0 : i32
        %dma_wait3A_58 = tpu.memref_slice %arg4[%dma_wait3A_56, %dma_wait3A_57] : memref<12288x128xf32, #tpu.memory_space<hbm>> -> memref<128x128xf32, #tpu.memory_space<hbm>>
        tpu.wait_dma2 semaphore(%arg13 : memref<!tpu.dma_semaphore, #tpu.memory_space<semaphore_mem>>) src(%dma_wait3A_58 : memref<128x128xf32, #tpu.memory_space<hbm>>) dst(%arg9 : memref<128x128xf32, #tpu.memory_space<vmem>>)
        %dma_start3A_59 = arith.constant 0 : i32
        %dma_start3A_60 = tpu.memref_slice %arg7[%add3A_52, %dma_start3A_59] : memref<40x128xi32, #tpu.memory_space<vmem>> -> memref<1x128xi32, #tpu.memory_space<vmem>>
        %dma_start3A_61 = tpu.memref_squeeze %dma_start3A_60 : memref<1x128xi32, #tpu.memory_space<vmem>> -> memref<128xi32, #tpu.memory_space<vmem>>
        %dma_start3A_62 = arith.constant 0 : i32
        %dma_start3A_63 = arith.constant 0 : i32
        %dma_start3A_64 = tpu.memref_slice %arg4[%dma_start3A_62, %dma_start3A_63] : memref<12288x128xf32, #tpu.memory_space<hbm>> -> memref<12288x128xf32, #tpu.memory_space<hbm>>
        tpu.enqueue_indirect_dma source(%dma_start3A_64 : memref<12288x128xf32, #tpu.memory_space<hbm>>) target(%arg9 : memref<128x128xf32, #tpu.memory_space<vmem>>) offsets(%dma_start3A_61 : memref<128xi32, #tpu.memory_space<vmem>>) semaphore(%arg11 : memref<!tpu.dma_semaphore, #tpu.memory_space<semaphore_mem>>)
        %dma_wait3A_65 = arith.constant 0 : i32
        %dma_wait3A_66 = tpu.memref_slice %arg7[%add3A_52, %dma_wait3A_65] : memref<40x128xi32, #tpu.memory_space<vmem>> -> memref<1x128xi32, #tpu.memory_space<vmem>>
        %dma_wait3A_67 = tpu.memref_squeeze %dma_wait3A_66 : memref<1x128xi32, #tpu.memory_space<vmem>> -> memref<128xi32, #tpu.memory_space<vmem>>
        %dma_wait3A_68 = arith.constant 0 : i32
        %dma_wait3A_69 = arith.constant 0 : i32
        %dma_wait3A_70 = tpu.memref_slice %arg4[%dma_wait3A_68, %dma_wait3A_69] : memref<12288x128xf32, #tpu.memory_space<hbm>> -> memref<12288x128xf32, #tpu.memory_space<hbm>>
        tpu.wait_indirect_dma semaphore(%arg11 : memref<!tpu.dma_semaphore, #tpu.memory_space<semaphore_mem>>) src(%dma_wait3A_70 : memref<12288x128xf32, #tpu.memory_space<hbm>>) dst(%arg9 : memref<128x128xf32, #tpu.memory_space<vmem>>)
        %dma_start3A_71 = arith.constant 0 : i32
        %dma_start3A_72 = tpu.memref_slice %arg8[%add3A_52, %dma_start3A_71] : memref<40x128xi32, #tpu.memory_space<vmem>> -> memref<1x128xi32, #tpu.memory_space<vmem>>
        %dma_start3A_73 = tpu.memref_squeeze %dma_start3A_72 : memref<1x128xi32, #tpu.memory_space<vmem>> -> memref<128xi32, #tpu.memory_space<vmem>>
        %dma_start3A_74 = arith.constant 0 : i32
        %dma_start3A_75 = arith.constant 0 : i32
        %dma_start3A_76 = tpu.memref_slice %arg15[%dma_start3A_74, %dma_start3A_75] : memref<10240x128xf32, #tpu.memory_space<vmem_shared>> -> memref<10240x128xf32, #tpu.memory_space<vmem_shared>>
        tpu.enqueue_indirect_dma source(%arg9 : memref<128x128xf32, #tpu.memory_space<vmem>>) target(%dma_start3A_76 : memref<10240x128xf32, #tpu.memory_space<vmem_shared>>) offsets(%dma_start3A_73 : memref<128xi32, #tpu.memory_space<vmem>>) semaphore(%arg13 : memref<!tpu.dma_semaphore, #tpu.memory_space<semaphore_mem>>) {add = true}
        %mul3A_77 = arith.constant 2 : i32
        %mul3A_78 = arith.muli %mul3A_77, %scan3A_48 : i32
        %add3A_79 = arith.constant 1 : i32
        %add3A_80 = arith.addi %mul3A_78, %add3A_79 : i32
        %dma_wait3A_81 = arith.constant 0 : i32
        %dma_wait3A_82 = arith.constant 0 : i32
        %dma_wait3A_83 = tpu.memref_slice %arg4[%dma_wait3A_81, %dma_wait3A_82] : memref<12288x128xf32, #tpu.memory_space<hbm>> -> memref<128x128xf32, #tpu.memory_space<hbm>>
        %dma_wait3A_84 = arith.constant 0 : i32
        %dma_wait3A_85 = arith.constant 0 : i32
        %dma_wait3A_86 = tpu.memref_slice %arg4[%dma_wait3A_84, %dma_wait3A_85] : memref<12288x128xf32, #tpu.memory_space<hbm>> -> memref<128x128xf32, #tpu.memory_space<hbm>>
        tpu.wait_dma2 semaphore(%arg14 : memref<!tpu.dma_semaphore, #tpu.memory_space<semaphore_mem>>) src(%dma_wait3A_86 : memref<128x128xf32, #tpu.memory_space<hbm>>) dst(%arg10 : memref<128x128xf32, #tpu.memory_space<vmem>>)
        %dma_start3A_87 = arith.constant 0 : i32
        %dma_start3A_88 = tpu.memref_slice %arg7[%add3A_80, %dma_start3A_87] : memref<40x128xi32, #tpu.memory_space<vmem>> -> memref<1x128xi32, #tpu.memory_space<vmem>>
        %dma_start3A_89 = tpu.memref_squeeze %dma_start3A_88 : memref<1x128xi32, #tpu.memory_space<vmem>> -> memref<128xi32, #tpu.memory_space<vmem>>
        %dma_start3A_90 = arith.constant 0 : i32
        %dma_start3A_91 = arith.constant 0 : i32
        %dma_start3A_92 = tpu.memref_slice %arg4[%dma_start3A_90, %dma_start3A_91] : memref<12288x128xf32, #tpu.memory_space<hbm>> -> memref<12288x128xf32, #tpu.memory_space<hbm>>
        tpu.enqueue_indirect_dma source(%dma_start3A_92 : memref<12288x128xf32, #tpu.memory_space<hbm>>) target(%arg10 : memref<128x128xf32, #tpu.memory_space<vmem>>) offsets(%dma_start3A_89 : memref<128xi32, #tpu.memory_space<vmem>>) semaphore(%arg12 : memref<!tpu.dma_semaphore, #tpu.memory_space<semaphore_mem>>)
        %dma_wait3A_93 = arith.constant 0 : i32
        %dma_wait3A_94 = tpu.memref_slice %arg7[%add3A_80, %dma_wait3A_93] : memref<40x128xi32, #tpu.memory_space<vmem>> -> memref<1x128xi32, #tpu.memory_space<vmem>>
        %dma_wait3A_95 = tpu.memref_squeeze %dma_wait3A_94 : memref<1x128xi32, #tpu.memory_space<vmem>> -> memref<128xi32, #tpu.memory_space<vmem>>
        %dma_wait3A_96 = arith.constant 0 : i32
        %dma_wait3A_97 = arith.constant 0 : i32
        %dma_wait3A_98 = tpu.memref_slice %arg4[%dma_wait3A_96, %dma_wait3A_97] : memref<12288x128xf32, #tpu.memory_space<hbm>> -> memref<12288x128xf32, #tpu.memory_space<hbm>>
        tpu.wait_indirect_dma semaphore(%arg12 : memref<!tpu.dma_semaphore, #tpu.memory_space<semaphore_mem>>) src(%dma_wait3A_98 : memref<12288x128xf32, #tpu.memory_space<hbm>>) dst(%arg10 : memref<128x128xf32, #tpu.memory_space<vmem>>)
        %dma_start3A_99 = arith.constant 0 : i32
        %dma_start3A_100 = tpu.memref_slice %arg8[%add3A_80, %dma_start3A_99] : memref<40x128xi32, #tpu.memory_space<vmem>> -> memref<1x128xi32, #tpu.memory_space<vmem>>
        %dma_start3A_101 = tpu.memref_squeeze %dma_start3A_100 : memref<1x128xi32, #tpu.memory_space<vmem>> -> memref<128xi32, #tpu.memory_space<vmem>>
        %dma_start3A_102 = arith.constant 0 : i32
        %dma_start3A_103 = arith.constant 0 : i32
        %dma_start3A_104 = tpu.memref_slice %arg15[%dma_start3A_102, %dma_start3A_103] : memref<10240x128xf32, #tpu.memory_space<vmem_shared>> -> memref<10240x128xf32, #tpu.memory_space<vmem_shared>>
        tpu.enqueue_indirect_dma source(%arg10 : memref<128x128xf32, #tpu.memory_space<vmem>>) target(%dma_start3A_104 : memref<10240x128xf32, #tpu.memory_space<vmem_shared>>) offsets(%dma_start3A_101 : memref<128xi32, #tpu.memory_space<vmem>>) semaphore(%arg14 : memref<!tpu.dma_semaphore, #tpu.memory_space<semaphore_mem>>) {add = true}
      }
      %scan3A_47 = arith.constant 20 : i32
    }
    %scan3A_20 = arith.constant 2 : i32
    %dma_wait3A = arith.constant 0 : i32
    %dma_wait3A_21 = arith.constant 0 : i32
    %dma_wait3A_22 = tpu.memref_slice %arg4[%dma_wait3A, %dma_wait3A_21] : memref<12288x128xf32, #tpu.memory_space<hbm>> -> memref<128x128xf32, #tpu.memory_space<hbm>>
    %dma_wait3A_23 = arith.constant 0 : i32
    %dma_wait3A_24 = arith.constant 0 : i32
    %dma_wait3A_25 = tpu.memref_slice %arg4[%dma_wait3A_23, %dma_wait3A_24] : memref<12288x128xf32, #tpu.memory_space<hbm>> -> memref<128x128xf32, #tpu.memory_space<hbm>>
    tpu.wait_dma2 semaphore(%arg13 : memref<!tpu.dma_semaphore, #tpu.memory_space<semaphore_mem>>) src(%dma_wait3A_25 : memref<128x128xf32, #tpu.memory_space<hbm>>) dst(%arg9 : memref<128x128xf32, #tpu.memory_space<vmem>>)
    %dma_wait3A_26 = arith.constant 0 : i32
    %dma_wait3A_27 = arith.constant 0 : i32
    %dma_wait3A_28 = tpu.memref_slice %arg4[%dma_wait3A_26, %dma_wait3A_27] : memref<12288x128xf32, #tpu.memory_space<hbm>> -> memref<128x128xf32, #tpu.memory_space<hbm>>
    %dma_wait3A_29 = arith.constant 0 : i32
    %dma_wait3A_30 = arith.constant 0 : i32
    %dma_wait3A_31 = tpu.memref_slice %arg4[%dma_wait3A_29, %dma_wait3A_30] : memref<12288x128xf32, #tpu.memory_space<hbm>> -> memref<128x128xf32, #tpu.memory_space<hbm>>
    tpu.wait_dma2 semaphore(%arg14 : memref<!tpu.dma_semaphore, #tpu.memory_space<semaphore_mem>>) src(%dma_wait3A_31 : memref<128x128xf32, #tpu.memory_space<hbm>>) dst(%arg10 : memref<128x128xf32, #tpu.memory_space<vmem>>)
    %barrier3A_32 = arith.constant 0 : index
    tpu.barrier barrier_id(%barrier3A_32)
    %mul3A_33 = arith.constant 640 : i32
    %mul3A_34 = arith.muli %arg1, %mul3A_33 : i32
    %mul3A_35 = arith.constant 640 : i32
    %mul3A_36 = arith.muli %arg1, %mul3A_35 : i32
    "tpu.region"() ({
      %run_scoped3A = tpu.sem_alloc : memref<!tpu.dma_semaphore, #tpu.memory_space<semaphore_mem>>
      %dma_start3A_37 = arith.constant 0 : i32
      %dma_start3A_38 = tpu.memref_slice %arg6[%arg0, %mul3A_36, %dma_start3A_37] : memref<2x10240x128xf32, #tpu.memory_space<hbm>> -> memref<1x640x128xf32, #tpu.memory_space<hbm>>
      %dma_start3A_39 = tpu.memref_squeeze %dma_start3A_38 : memref<1x640x128xf32, #tpu.memory_space<hbm>> -> memref<640x128xf32, #tpu.memory_space<hbm>>
      %dma_start3A_40 = arith.constant 0 : i32
      %dma_start3A_41 = tpu.memref_slice %arg15[%mul3A_34, %dma_start3A_40] : memref<10240x128xf32, #tpu.memory_space<vmem_shared>> -> memref<640x128xf32, #tpu.memory_space<vmem_shared>>
      tpu.enqueue_dma source(%dma_start3A_41 : memref<640x128xf32, #tpu.memory_space<vmem_shared>>) target(%dma_start3A_39 : memref<640x128xf32, #tpu.memory_space<hbm>>) target_semaphore(%run_scoped3A : memref<!tpu.dma_semaphore, #tpu.memory_space<semaphore_mem>>)
      %dma_wait3A_42 = arith.constant 0 : i32
      %dma_wait3A_43 = tpu.memref_slice %arg6[%arg0, %mul3A_36, %dma_wait3A_42] : memref<2x10240x128xf32, #tpu.memory_space<hbm>> -> memref<1x640x128xf32, #tpu.memory_space<hbm>>
      %dma_wait3A_44 = tpu.memref_squeeze %dma_wait3A_43 : memref<1x640x128xf32, #tpu.memory_space<hbm>> -> memref<640x128xf32, #tpu.memory_space<hbm>>
      %dma_wait3A_45 = arith.constant 0 : i32
      %dma_wait3A_46 = tpu.memref_slice %arg15[%mul3A_34, %dma_wait3A_45] : memref<10240x128xf32, #tpu.memory_space<vmem_shared>> -> memref<640x128xf32, #tpu.memory_space<vmem_shared>>
      tpu.wait_dma2 semaphore(%run_scoped3A : memref<!tpu.dma_semaphore, #tpu.memory_space<semaphore_mem>>) src(%dma_wait3A_46 : memref<640x128xf32, #tpu.memory_space<vmem_shared>>) dst(%dma_wait3A_44 : memref<640x128xf32, #tpu.memory_space<hbm>>)
      tpu.yield
    }) : () -> ()
    return
  }
}

#map = affine_map<(d0, d1) -> (0, 0, 0)>
#map1 = affine_map<(d0, d1) -> (0, 0)>
module attributes {stable_mosaic.version = 14 : i64} {
  func.func @_edge_agg(%arg0: i32, %arg1: i32, %arg2: memref<32x80x128xi32, #tpu.memory_space<hbm>>, %arg3: memref<32x80x128xi32, #tpu.memory_space<hbm>>, %arg4: memref<12288x128xf32, #tpu.memory_space<hbm>>, %arg5: memref<10240x128xf32, #tpu.memory_space<hbm>>, %arg6: memref<2x10240x128xf32, #tpu.memory_space<hbm>>, %arg7: memref<40x128xi32, #tpu.memory_space<vmem>>, %arg8: memref<40x128xi32, #tpu.memory_space<vmem>>, %arg9: memref<128x128xf32, #tpu.memory_space<vmem>>, %arg10: memref<128x128xf32, #tpu.memory_space<vmem>>, %arg11: memref<!tpu.dma_semaphore, #tpu.memory_space<semaphore_mem>>, %arg12: memref<!tpu.dma_semaphore, #tpu.memory_space<semaphore_mem>>, %arg13: memref<!tpu.dma_semaphore, #tpu.memory_space<semaphore_mem>>, %arg14: memref<!tpu.dma_semaphore, #tpu.memory_space<semaphore_mem>>, %arg15: memref<10240x128xf32, #tpu.memory_space<vmem_shared>>) attributes {dimension_semantics = [#tpu.dimension_semantics<core_parallel>, #tpu.dimension_semantics<subcore_parallel>], iteration_bounds = array<i64: 2, 16>, scalar_prefetch = 0 : i64, scratch_operands = 9 : i64, tpu.core_type = #tpu.core_type<sc_vector_subcore>, window_params = [{transform_indices = #map}, {transform_indices = #map}, {transform_indices = #map1}, {transform_indices = #map1}, {transform_indices = #map}]} {
    %mul3A = arith.constant 2 : i32
    %mul3A_0 = arith.muli %arg1, %mul3A : i32
    %add3A = arith.addi %mul3A_0, %arg0 : i32
    %mul3A_1 = arith.constant 640 : i32
    %mul3A_2 = arith.muli %arg1, %mul3A_1 : i32
    %mul3A_3 = arith.constant 640 : i32
    %mul3A_4 = arith.muli %arg1, %mul3A_3 : i32
    "tpu.region"() ({
      %run_scoped3A = tpu.sem_alloc : memref<!tpu.dma_semaphore, #tpu.memory_space<semaphore_mem>>
      %dma_start3A_37 = arith.constant 0 : i32
      %dma_start3A_38 = tpu.memref_slice %arg15[%mul3A_4, %dma_start3A_37] : memref<10240x128xf32, #tpu.memory_space<vmem_shared>> -> memref<640x128xf32, #tpu.memory_space<vmem_shared>>
      %dma_start3A_39 = arith.constant 0 : i32
      %dma_start3A_40 = tpu.memref_slice %arg5[%mul3A_2, %dma_start3A_39] : memref<10240x128xf32, #tpu.memory_space<hbm>> -> memref<640x128xf32, #tpu.memory_space<hbm>>
      tpu.enqueue_dma source(%dma_start3A_40 : memref<640x128xf32, #tpu.memory_space<hbm>>) target(%dma_start3A_38 : memref<640x128xf32, #tpu.memory_space<vmem_shared>>) target_semaphore(%run_scoped3A : memref<!tpu.dma_semaphore, #tpu.memory_space<semaphore_mem>>)
      %dma_wait3A_41 = arith.constant 0 : i32
      %dma_wait3A_42 = tpu.memref_slice %arg15[%mul3A_4, %dma_wait3A_41] : memref<10240x128xf32, #tpu.memory_space<vmem_shared>> -> memref<640x128xf32, #tpu.memory_space<vmem_shared>>
      %dma_wait3A_43 = arith.constant 0 : i32
      %dma_wait3A_44 = tpu.memref_slice %arg5[%mul3A_2, %dma_wait3A_43] : memref<10240x128xf32, #tpu.memory_space<hbm>> -> memref<640x128xf32, #tpu.memory_space<hbm>>
      tpu.wait_dma2 semaphore(%run_scoped3A : memref<!tpu.dma_semaphore, #tpu.memory_space<semaphore_mem>>) src(%dma_wait3A_44 : memref<640x128xf32, #tpu.memory_space<hbm>>) dst(%dma_wait3A_42 : memref<640x128xf32, #tpu.memory_space<vmem_shared>>)
      tpu.yield
    }) : () -> ()
    %dma_start3A = arith.constant 0 : i32
    %dma_start3A_5 = arith.constant 0 : i32
    %dma_start3A_6 = tpu.memref_slice %arg4[%dma_start3A, %dma_start3A_5] : memref<12288x128xf32, #tpu.memory_space<hbm>> -> memref<128x128xf32, #tpu.memory_space<hbm>>
    %dma_start3A_7 = arith.constant 0 : i32
    %dma_start3A_8 = arith.constant 0 : i32
    %dma_start3A_9 = tpu.memref_slice %arg4[%dma_start3A_7, %dma_start3A_8] : memref<12288x128xf32, #tpu.memory_space<hbm>> -> memref<128x128xf32, #tpu.memory_space<hbm>>
    tpu.enqueue_dma source(%dma_start3A_9 : memref<128x128xf32, #tpu.memory_space<hbm>>) target(%arg9 : memref<128x128xf32, #tpu.memory_space<vmem>>) target_semaphore(%arg13 : memref<!tpu.dma_semaphore, #tpu.memory_space<semaphore_mem>>)
    %dma_start3A_10 = arith.constant 0 : i32
    %dma_start3A_11 = arith.constant 0 : i32
    %dma_start3A_12 = tpu.memref_slice %arg4[%dma_start3A_10, %dma_start3A_11] : memref<12288x128xf32, #tpu.memory_space<hbm>> -> memref<128x128xf32, #tpu.memory_space<hbm>>
    %dma_start3A_13 = arith.constant 0 : i32
    %dma_start3A_14 = arith.constant 0 : i32
    %dma_start3A_15 = tpu.memref_slice %arg4[%dma_start3A_13, %dma_start3A_14] : memref<12288x128xf32, #tpu.memory_space<hbm>> -> memref<128x128xf32, #tpu.memory_space<hbm>>
    tpu.enqueue_dma source(%dma_start3A_15 : memref<128x128xf32, #tpu.memory_space<hbm>>) target(%arg10 : memref<128x128xf32, #tpu.memory_space<vmem>>) target_semaphore(%arg14 : memref<!tpu.dma_semaphore, #tpu.memory_space<semaphore_mem>>)
    %barrier3A = arith.constant 0 : index
    tpu.barrier barrier_id(%barrier3A)
    %scan3A = arith.constant 0 : i32
    %scan3A_16 = arith.constant 0 : i32
    %scan3A_17 = arith.constant 2 : i32
    %scan3A_18 = arith.addi %scan3A_16, %scan3A_17 : i32
    %scan3A_19 = arith.constant 1 : i32
    scf.for %scan3A_37 = %scan3A_16 to %scan3A_18 step %scan3A_19  : i32 {
      %mul3A_38 = arith.constant 40 : i32
      %mul3A_39 = arith.muli %scan3A_37, %mul3A_38 : i32
      "tpu.region"() ({
        %run_scoped3A = tpu.sem_alloc : memref<!tpu.dma_semaphore, #tpu.memory_space<semaphore_mem>>
        %dma_start3A_48 = arith.constant 0 : i32
        %dma_start3A_49 = tpu.memref_slice %arg2[%add3A, %mul3A_39, %dma_start3A_48] : memref<32x80x128xi32, #tpu.memory_space<hbm>> -> memref<1x40x128xi32, #tpu.memory_space<hbm>>
        %dma_start3A_50 = tpu.memref_squeeze %dma_start3A_49 : memref<1x40x128xi32, #tpu.memory_space<hbm>> -> memref<40x128xi32, #tpu.memory_space<hbm>>
        %dma_start3A_51 = arith.constant 0 : i32
        %dma_start3A_52 = tpu.memref_slice %arg2[%add3A, %mul3A_39, %dma_start3A_51] : memref<32x80x128xi32, #tpu.memory_space<hbm>> -> memref<1x40x128xi32, #tpu.memory_space<hbm>>
        %dma_start3A_53 = tpu.memref_squeeze %dma_start3A_52 : memref<1x40x128xi32, #tpu.memory_space<hbm>> -> memref<40x128xi32, #tpu.memory_space<hbm>>
        tpu.enqueue_dma source(%dma_start3A_53 : memref<40x128xi32, #tpu.memory_space<hbm>>) target(%arg7 : memref<40x128xi32, #tpu.memory_space<vmem>>) target_semaphore(%run_scoped3A : memref<!tpu.dma_semaphore, #tpu.memory_space<semaphore_mem>>)
        %dma_wait3A_54 = arith.constant 0 : i32
        %dma_wait3A_55 = tpu.memref_slice %arg2[%add3A, %mul3A_39, %dma_wait3A_54] : memref<32x80x128xi32, #tpu.memory_space<hbm>> -> memref<1x40x128xi32, #tpu.memory_space<hbm>>
        %dma_wait3A_56 = tpu.memref_squeeze %dma_wait3A_55 : memref<1x40x128xi32, #tpu.memory_space<hbm>> -> memref<40x128xi32, #tpu.memory_space<hbm>>
        %dma_wait3A_57 = arith.constant 0 : i32
        %dma_wait3A_58 = tpu.memref_slice %arg2[%add3A, %mul3A_39, %dma_wait3A_57] : memref<32x80x128xi32, #tpu.memory_space<hbm>> -> memref<1x40x128xi32, #tpu.memory_space<hbm>>
        %dma_wait3A_59 = tpu.memref_squeeze %dma_wait3A_58 : memref<1x40x128xi32, #tpu.memory_space<hbm>> -> memref<40x128xi32, #tpu.memory_space<hbm>>
        tpu.wait_dma2 semaphore(%run_scoped3A : memref<!tpu.dma_semaphore, #tpu.memory_space<semaphore_mem>>) src(%dma_wait3A_59 : memref<40x128xi32, #tpu.memory_space<hbm>>) dst(%arg7 : memref<40x128xi32, #tpu.memory_space<vmem>>)
        tpu.yield
      }) : () -> ()
      %mul3A_40 = arith.constant 40 : i32
      %mul3A_41 = arith.muli %scan3A_37, %mul3A_40 : i32
      "tpu.region"() ({
        %run_scoped3A = tpu.sem_alloc : memref<!tpu.dma_semaphore, #tpu.memory_space<semaphore_mem>>
        %dma_start3A_48 = arith.constant 0 : i32
        %dma_start3A_49 = tpu.memref_slice %arg3[%add3A, %mul3A_41, %dma_start3A_48] : memref<32x80x128xi32, #tpu.memory_space<hbm>> -> memref<1x40x128xi32, #tpu.memory_space<hbm>>
        %dma_start3A_50 = tpu.memref_squeeze %dma_start3A_49 : memref<1x40x128xi32, #tpu.memory_space<hbm>> -> memref<40x128xi32, #tpu.memory_space<hbm>>
        %dma_start3A_51 = arith.constant 0 : i32
        %dma_start3A_52 = tpu.memref_slice %arg3[%add3A, %mul3A_41, %dma_start3A_51] : memref<32x80x128xi32, #tpu.memory_space<hbm>> -> memref<1x40x128xi32, #tpu.memory_space<hbm>>
        %dma_start3A_53 = tpu.memref_squeeze %dma_start3A_52 : memref<1x40x128xi32, #tpu.memory_space<hbm>> -> memref<40x128xi32, #tpu.memory_space<hbm>>
        tpu.enqueue_dma source(%dma_start3A_53 : memref<40x128xi32, #tpu.memory_space<hbm>>) target(%arg8 : memref<40x128xi32, #tpu.memory_space<vmem>>) target_semaphore(%run_scoped3A : memref<!tpu.dma_semaphore, #tpu.memory_space<semaphore_mem>>)
        %dma_wait3A_54 = arith.constant 0 : i32
        %dma_wait3A_55 = tpu.memref_slice %arg3[%add3A, %mul3A_41, %dma_wait3A_54] : memref<32x80x128xi32, #tpu.memory_space<hbm>> -> memref<1x40x128xi32, #tpu.memory_space<hbm>>
        %dma_wait3A_56 = tpu.memref_squeeze %dma_wait3A_55 : memref<1x40x128xi32, #tpu.memory_space<hbm>> -> memref<40x128xi32, #tpu.memory_space<hbm>>
        %dma_wait3A_57 = arith.constant 0 : i32
        %dma_wait3A_58 = tpu.memref_slice %arg3[%add3A, %mul3A_41, %dma_wait3A_57] : memref<32x80x128xi32, #tpu.memory_space<hbm>> -> memref<1x40x128xi32, #tpu.memory_space<hbm>>
        %dma_wait3A_59 = tpu.memref_squeeze %dma_wait3A_58 : memref<1x40x128xi32, #tpu.memory_space<hbm>> -> memref<40x128xi32, #tpu.memory_space<hbm>>
        tpu.wait_dma2 semaphore(%run_scoped3A : memref<!tpu.dma_semaphore, #tpu.memory_space<semaphore_mem>>) src(%dma_wait3A_59 : memref<40x128xi32, #tpu.memory_space<hbm>>) dst(%arg8 : memref<40x128xi32, #tpu.memory_space<vmem>>)
        tpu.yield
      }) : () -> ()
      %scan3A_42 = arith.constant 0 : i32
      %scan3A_43 = arith.constant 0 : i32
      %scan3A_44 = arith.constant 20 : i32
      %scan3A_45 = arith.addi %scan3A_43, %scan3A_44 : i32
      %scan3A_46 = arith.constant 1 : i32
      scf.for %scan3A_48 = %scan3A_43 to %scan3A_45 step %scan3A_46  : i32 {
        %mul3A_49 = arith.constant 2 : i32
        %mul3A_50 = arith.muli %mul3A_49, %scan3A_48 : i32
        %add3A_51 = arith.constant 0 : i32
        %add3A_52 = arith.addi %mul3A_50, %add3A_51 : i32
        %dma_wait3A_53 = arith.constant 0 : i32
        %dma_wait3A_54 = arith.constant 0 : i32
        %dma_wait3A_55 = tpu.memref_slice %arg4[%dma_wait3A_53, %dma_wait3A_54] : memref<12288x128xf32, #tpu.memory_space<hbm>> -> memref<128x128xf32, #tpu.memory_space<hbm>>
        %dma_wait3A_56 = arith.constant 0 : i32
        %dma_wait3A_57 = arith.constant 0 : i32
        %dma_wait3A_58 = tpu.memref_slice %arg4[%dma_wait3A_56, %dma_wait3A_57] : memref<12288x128xf32, #tpu.memory_space<hbm>> -> memref<128x128xf32, #tpu.memory_space<hbm>>
        tpu.wait_dma2 semaphore(%arg13 : memref<!tpu.dma_semaphore, #tpu.memory_space<semaphore_mem>>) src(%dma_wait3A_58 : memref<128x128xf32, #tpu.memory_space<hbm>>) dst(%arg9 : memref<128x128xf32, #tpu.memory_space<vmem>>)
        %dma_start3A_59 = arith.constant 0 : i32
        %dma_start3A_60 = tpu.memref_slice %arg7[%add3A_52, %dma_start3A_59] : memref<40x128xi32, #tpu.memory_space<vmem>> -> memref<1x128xi32, #tpu.memory_space<vmem>>
        %dma_start3A_61 = tpu.memref_squeeze %dma_start3A_60 : memref<1x128xi32, #tpu.memory_space<vmem>> -> memref<128xi32, #tpu.memory_space<vmem>>
        %dma_start3A_62 = arith.constant 0 : i32
        %dma_start3A_63 = arith.constant 0 : i32
        %dma_start3A_64 = tpu.memref_slice %arg4[%dma_start3A_62, %dma_start3A_63] : memref<12288x128xf32, #tpu.memory_space<hbm>> -> memref<12288x128xf32, #tpu.memory_space<hbm>>
        tpu.enqueue_indirect_dma source(%dma_start3A_64 : memref<12288x128xf32, #tpu.memory_space<hbm>>) target(%arg9 : memref<128x128xf32, #tpu.memory_space<vmem>>) offsets(%dma_start3A_61 : memref<128xi32, #tpu.memory_space<vmem>>) semaphore(%arg11 : memref<!tpu.dma_semaphore, #tpu.memory_space<semaphore_mem>>)
        %dma_wait3A_65 = arith.constant 0 : i32
        %dma_wait3A_66 = tpu.memref_slice %arg7[%add3A_52, %dma_wait3A_65] : memref<40x128xi32, #tpu.memory_space<vmem>> -> memref<1x128xi32, #tpu.memory_space<vmem>>
        %dma_wait3A_67 = tpu.memref_squeeze %dma_wait3A_66 : memref<1x128xi32, #tpu.memory_space<vmem>> -> memref<128xi32, #tpu.memory_space<vmem>>
        %dma_wait3A_68 = arith.constant 0 : i32
        %dma_wait3A_69 = arith.constant 0 : i32
        %dma_wait3A_70 = tpu.memref_slice %arg4[%dma_wait3A_68, %dma_wait3A_69] : memref<12288x128xf32, #tpu.memory_space<hbm>> -> memref<12288x128xf32, #tpu.memory_space<hbm>>
        tpu.wait_indirect_dma semaphore(%arg11 : memref<!tpu.dma_semaphore, #tpu.memory_space<semaphore_mem>>) src(%dma_wait3A_70 : memref<12288x128xf32, #tpu.memory_space<hbm>>) dst(%arg9 : memref<128x128xf32, #tpu.memory_space<vmem>>)
        %dma_start3A_71 = arith.constant 0 : i32
        %dma_start3A_72 = tpu.memref_slice %arg8[%add3A_52, %dma_start3A_71] : memref<40x128xi32, #tpu.memory_space<vmem>> -> memref<1x128xi32, #tpu.memory_space<vmem>>
        %dma_start3A_73 = tpu.memref_squeeze %dma_start3A_72 : memref<1x128xi32, #tpu.memory_space<vmem>> -> memref<128xi32, #tpu.memory_space<vmem>>
        %dma_start3A_74 = arith.constant 0 : i32
        %dma_start3A_75 = arith.constant 0 : i32
        %dma_start3A_76 = tpu.memref_slice %arg15[%dma_start3A_74, %dma_start3A_75] : memref<10240x128xf32, #tpu.memory_space<vmem_shared>> -> memref<10240x128xf32, #tpu.memory_space<vmem_shared>>
        tpu.enqueue_indirect_dma source(%arg9 : memref<128x128xf32, #tpu.memory_space<vmem>>) target(%dma_start3A_76 : memref<10240x128xf32, #tpu.memory_space<vmem_shared>>) offsets(%dma_start3A_73 : memref<128xi32, #tpu.memory_space<vmem>>) semaphore(%arg13 : memref<!tpu.dma_semaphore, #tpu.memory_space<semaphore_mem>>) {add = true}
        %mul3A_77 = arith.constant 2 : i32
        %mul3A_78 = arith.muli %mul3A_77, %scan3A_48 : i32
        %add3A_79 = arith.constant 1 : i32
        %add3A_80 = arith.addi %mul3A_78, %add3A_79 : i32
        %dma_wait3A_81 = arith.constant 0 : i32
        %dma_wait3A_82 = arith.constant 0 : i32
        %dma_wait3A_83 = tpu.memref_slice %arg4[%dma_wait3A_81, %dma_wait3A_82] : memref<12288x128xf32, #tpu.memory_space<hbm>> -> memref<128x128xf32, #tpu.memory_space<hbm>>
        %dma_wait3A_84 = arith.constant 0 : i32
        %dma_wait3A_85 = arith.constant 0 : i32
        %dma_wait3A_86 = tpu.memref_slice %arg4[%dma_wait3A_84, %dma_wait3A_85] : memref<12288x128xf32, #tpu.memory_space<hbm>> -> memref<128x128xf32, #tpu.memory_space<hbm>>
        tpu.wait_dma2 semaphore(%arg14 : memref<!tpu.dma_semaphore, #tpu.memory_space<semaphore_mem>>) src(%dma_wait3A_86 : memref<128x128xf32, #tpu.memory_space<hbm>>) dst(%arg10 : memref<128x128xf32, #tpu.memory_space<vmem>>)
        %dma_start3A_87 = arith.constant 0 : i32
        %dma_start3A_88 = tpu.memref_slice %arg7[%add3A_80, %dma_start3A_87] : memref<40x128xi32, #tpu.memory_space<vmem>> -> memref<1x128xi32, #tpu.memory_space<vmem>>
        %dma_start3A_89 = tpu.memref_squeeze %dma_start3A_88 : memref<1x128xi32, #tpu.memory_space<vmem>> -> memref<128xi32, #tpu.memory_space<vmem>>
        %dma_start3A_90 = arith.constant 0 : i32
        %dma_start3A_91 = arith.constant 0 : i32
        %dma_start3A_92 = tpu.memref_slice %arg4[%dma_start3A_90, %dma_start3A_91] : memref<12288x128xf32, #tpu.memory_space<hbm>> -> memref<12288x128xf32, #tpu.memory_space<hbm>>
        tpu.enqueue_indirect_dma source(%dma_start3A_92 : memref<12288x128xf32, #tpu.memory_space<hbm>>) target(%arg10 : memref<128x128xf32, #tpu.memory_space<vmem>>) offsets(%dma_start3A_89 : memref<128xi32, #tpu.memory_space<vmem>>) semaphore(%arg12 : memref<!tpu.dma_semaphore, #tpu.memory_space<semaphore_mem>>)
        %dma_wait3A_93 = arith.constant 0 : i32
        %dma_wait3A_94 = tpu.memref_slice %arg7[%add3A_80, %dma_wait3A_93] : memref<40x128xi32, #tpu.memory_space<vmem>> -> memref<1x128xi32, #tpu.memory_space<vmem>>
        %dma_wait3A_95 = tpu.memref_squeeze %dma_wait3A_94 : memref<1x128xi32, #tpu.memory_space<vmem>> -> memref<128xi32, #tpu.memory_space<vmem>>
        %dma_wait3A_96 = arith.constant 0 : i32
        %dma_wait3A_97 = arith.constant 0 : i32
        %dma_wait3A_98 = tpu.memref_slice %arg4[%dma_wait3A_96, %dma_wait3A_97] : memref<12288x128xf32, #tpu.memory_space<hbm>> -> memref<12288x128xf32, #tpu.memory_space<hbm>>
        tpu.wait_indirect_dma semaphore(%arg12 : memref<!tpu.dma_semaphore, #tpu.memory_space<semaphore_mem>>) src(%dma_wait3A_98 : memref<12288x128xf32, #tpu.memory_space<hbm>>) dst(%arg10 : memref<128x128xf32, #tpu.memory_space<vmem>>)
        %dma_start3A_99 = arith.constant 0 : i32
        %dma_start3A_100 = tpu.memref_slice %arg8[%add3A_80, %dma_start3A_99] : memref<40x128xi32, #tpu.memory_space<vmem>> -> memref<1x128xi32, #tpu.memory_space<vmem>>
        %dma_start3A_101 = tpu.memref_squeeze %dma_start3A_100 : memref<1x128xi32, #tpu.memory_space<vmem>> -> memref<128xi32, #tpu.memory_space<vmem>>
        %dma_start3A_102 = arith.constant 0 : i32
        %dma_start3A_103 = arith.constant 0 : i32
        %dma_start3A_104 = tpu.memref_slice %arg15[%dma_start3A_102, %dma_start3A_103] : memref<10240x128xf32, #tpu.memory_space<vmem_shared>> -> memref<10240x128xf32, #tpu.memory_space<vmem_shared>>
        tpu.enqueue_indirect_dma source(%arg10 : memref<128x128xf32, #tpu.memory_space<vmem>>) target(%dma_start3A_104 : memref<10240x128xf32, #tpu.memory_space<vmem_shared>>) offsets(%dma_start3A_101 : memref<128xi32, #tpu.memory_space<vmem>>) semaphore(%arg14 : memref<!tpu.dma_semaphore, #tpu.memory_space<semaphore_mem>>) {add = true}
      }
      %scan3A_47 = arith.constant 20 : i32
    }
    %scan3A_20 = arith.constant 2 : i32
    %dma_wait3A = arith.constant 0 : i32
    %dma_wait3A_21 = arith.constant 0 : i32
    %dma_wait3A_22 = tpu.memref_slice %arg4[%dma_wait3A, %dma_wait3A_21] : memref<12288x128xf32, #tpu.memory_space<hbm>> -> memref<128x128xf32, #tpu.memory_space<hbm>>
    %dma_wait3A_23 = arith.constant 0 : i32
    %dma_wait3A_24 = arith.constant 0 : i32
    %dma_wait3A_25 = tpu.memref_slice %arg4[%dma_wait3A_23, %dma_wait3A_24] : memref<12288x128xf32, #tpu.memory_space<hbm>> -> memref<128x128xf32, #tpu.memory_space<hbm>>
    tpu.wait_dma2 semaphore(%arg13 : memref<!tpu.dma_semaphore, #tpu.memory_space<semaphore_mem>>) src(%dma_wait3A_25 : memref<128x128xf32, #tpu.memory_space<hbm>>) dst(%arg9 : memref<128x128xf32, #tpu.memory_space<vmem>>)
    %dma_wait3A_26 = arith.constant 0 : i32
    %dma_wait3A_27 = arith.constant 0 : i32
    %dma_wait3A_28 = tpu.memref_slice %arg4[%dma_wait3A_26, %dma_wait3A_27] : memref<12288x128xf32, #tpu.memory_space<hbm>> -> memref<128x128xf32, #tpu.memory_space<hbm>>
    %dma_wait3A_29 = arith.constant 0 : i32
    %dma_wait3A_30 = arith.constant 0 : i32
    %dma_wait3A_31 = tpu.memref_slice %arg4[%dma_wait3A_29, %dma_wait3A_30] : memref<12288x128xf32, #tpu.memory_space<hbm>> -> memref<128x128xf32, #tpu.memory_space<hbm>>
    tpu.wait_dma2 semaphore(%arg14 : memref<!tpu.dma_semaphore, #tpu.memory_space<semaphore_mem>>) src(%dma_wait3A_31 : memref<128x128xf32, #tpu.memory_space<hbm>>) dst(%arg10 : memref<128x128xf32, #tpu.memory_space<vmem>>)
    %barrier3A_32 = arith.constant 0 : index
    tpu.barrier barrier_id(%barrier3A_32)
    %mul3A_33 = arith.constant 640 : i32
    %mul3A_34 = arith.muli %arg1, %mul3A_33 : i32
    %mul3A_35 = arith.constant 640 : i32
    %mul3A_36 = arith.muli %arg1, %mul3A_35 : i32
    "tpu.region"() ({
      %run_scoped3A = tpu.sem_alloc : memref<!tpu.dma_semaphore, #tpu.memory_space<semaphore_mem>>
      %dma_start3A_37 = arith.constant 0 : i32
      %dma_start3A_38 = tpu.memref_slice %arg6[%arg0, %mul3A_36, %dma_start3A_37] : memref<2x10240x128xf32, #tpu.memory_space<hbm>> -> memref<1x640x128xf32, #tpu.memory_space<hbm>>
      %dma_start3A_39 = tpu.memref_squeeze %dma_start3A_38 : memref<1x640x128xf32, #tpu.memory_space<hbm>> -> memref<640x128xf32, #tpu.memory_space<hbm>>
      %dma_start3A_40 = arith.constant 0 : i32
      %dma_start3A_41 = tpu.memref_slice %arg15[%mul3A_34, %dma_start3A_40] : memref<10240x128xf32, #tpu.memory_space<vmem_shared>> -> memref<640x128xf32, #tpu.memory_space<vmem_shared>>
      tpu.enqueue_dma source(%dma_start3A_41 : memref<640x128xf32, #tpu.memory_space<vmem_shared>>) target(%dma_start3A_39 : memref<640x128xf32, #tpu.memory_space<hbm>>) target_semaphore(%run_scoped3A : memref<!tpu.dma_semaphore, #tpu.memory_space<semaphore_mem>>)
      %dma_wait3A_42 = arith.constant 0 : i32
      %dma_wait3A_43 = tpu.memref_slice %arg6[%arg0, %mul3A_36, %dma_wait3A_42] : memref<2x10240x128xf32, #tpu.memory_space<hbm>> -> memref<1x640x128xf32, #tpu.memory_space<hbm>>
      %dma_wait3A_44 = tpu.memref_squeeze %dma_wait3A_43 : memref<1x640x128xf32, #tpu.memory_space<hbm>> -> memref<640x128xf32, #tpu.memory_space<hbm>>
      %dma_wait3A_45 = arith.constant 0 : i32
      %dma_wait3A_46 = tpu.memref_slice %arg15[%mul3A_34, %dma_wait3A_45] : memref<10240x128xf32, #tpu.memory_space<vmem_shared>> -> memref<640x128xf32, #tpu.memory_space<vmem_shared>>
      tpu.wait_dma2 semaphore(%run_scoped3A : memref<!tpu.dma_semaphore, #tpu.memory_space<semaphore_mem>>) src(%dma_wait3A_46 : memref<640x128xf32, #tpu.memory_space<vmem_shared>>) dst(%dma_wait3A_44 : memref<640x128xf32, #tpu.memory_space<hbm>>)
      tpu.yield
    }) : () -> ()
    return
  }
}

module attributes {stable_mosaic.version = 14 : i64} {
  func.func @_deg_body(%arg0: i32, %arg1: memref<1x4096xi32, #tpu.memory_space<vmem>>, %arg2: memref<80x128xf32, #tpu.memory_space<vmem>>) attributes {dimension_semantics = [#tpu.dimension_semantics<arbitrary>], iteration_bounds = array<i64: 80>, scalar_prefetch = 0 : i64, scratch_operands = 0 : i64, tpu.core_type = #tpu.core_type<tc>, window_params = [{transform_indices = @transform_0, window_bounds = array<i64: 1, 4096>}, {pipeline_mode = #tpu.pipeline_mode<synchronous>, transform_indices = @transform_1, window_bounds = array<i64: 80, 128>}]} {
    %eq3A = arith.constant 0 : i32
    %eq3A_0 = arith.cmpi eq, %arg0, %eq3A : i32
    %convert_element_type3A = arith.extui %eq3A_0 : i1 to i32
    %cond3A = arith.constant 0 : i32
    %cond3A_1 = arith.cmpi ne, %convert_element_type3A, %cond3A : i32
    scf.if %cond3A_1 {
      %broadcast_in_dim3A = arith.constant 0.000000e+00 : f32
      %broadcast_in_dim3A_45 = vector.broadcast %broadcast_in_dim3A : f32 to vector<80x128xf32>
      %swap3A_46 = arith.constant 0 : index
      %swap3A_47 = arith.constant 0 : index
      %swap3A_48 = vector.load %arg2[%swap3A_46, %swap3A_47] : memref<80x128xf32, #tpu.memory_space<vmem>>, vector<80x128xf32>
      tpu.vector_store %arg2[%swap3A_46, %swap3A_47], %broadcast_in_dim3A_45 {strides = array<i32>} : memref<80x128xf32, #tpu.memory_space<vmem>>, vector<80x128xf32>,
    } else {
    }
    %get3A = arith.constant 0 : index
    %get3A_2 = arith.constant 0 : index
    %get3A_3 = vector.load %arg1[%get3A, %get3A_2] : memref<1x4096xi32, #tpu.memory_space<vmem>>, vector<1x4096xi32>
    %jit3A = arith.constant 128 : i32
    %div3A = vector.broadcast %jit3A : i32 to vector<1x4096xi32>
    %div3A_4 = arith.divsi %get3A_3, %div3A : vector<1x4096xi32>
    %sign3A = arith.constant 0 : i32
    %sign3A_5 = vector.broadcast %sign3A : i32 to vector<1x4096xi32>
    %sign3A_6 = arith.cmpi sgt, %get3A_3, %sign3A_5 : vector<1x4096xi32>
    %sign3A_7 = arith.extui %sign3A_6 : vector<1x4096xi1> to vector<1x4096xi32>
    %sign3A_8 = arith.constant 0 : i32
    %sign3A_9 = vector.broadcast %sign3A_8 : i32 to vector<1x4096xi32>
    %sign3A_10 = arith.cmpi slt, %get3A_3, %sign3A_9 : vector<1x4096xi32>
    %sign3A_11 = arith.extui %sign3A_10 : vector<1x4096xi1> to vector<1x4096xi32>
    %sign3A_12 = arith.subi %sign3A_7, %sign3A_11 : vector<1x4096xi32>
    %sign3A_13 = arith.constant 0 : i32
    %sign3A_14 = arith.cmpi sgt, %jit3A, %sign3A_13 : i32
    %sign3A_15 = arith.extui %sign3A_14 : i1 to i32
    %sign3A_16 = arith.constant 0 : i32
    %sign3A_17 = arith.cmpi slt, %jit3A, %sign3A_16 : i32
    %sign3A_18 = arith.extui %sign3A_17 : i1 to i32
    %sign3A_19 = arith.subi %sign3A_15, %sign3A_18 : i32
    %ne3A = vector.broadcast %sign3A_19 : i32 to vector<1x4096xi32>
    %ne3A_20 = arith.cmpi ne, %sign3A_12, %ne3A : vector<1x4096xi32>
    %rem3A = vector.broadcast %jit3A : i32 to vector<1x4096xi32>
    %rem3A_21 = arith.remsi %get3A_3, %rem3A : vector<1x4096xi32>
    %ne3A_22 = arith.constant 0 : i32
    %ne3A_23 = vector.broadcast %ne3A_22 : i32 to vector<1x4096xi32>
    %ne3A_24 = arith.cmpi ne, %rem3A_21, %ne3A_23 : vector<1x4096xi32>
    %and3A = arith.andi %ne3A_20, %ne3A_24 : vector<1x4096xi1>
    %sub3A = arith.constant 1 : i32
    %sub3A_25 = vector.broadcast %sub3A : i32 to vector<1x4096xi32>
    %sub3A_26 = arith.subi %div3A_4, %sub3A_25 : vector<1x4096xi32>
    %select_n3A = arith.select %and3A, %sub3A_26, %div3A_4 : vector<1x4096xi1>, vector<1x4096xi32>
    %mul3A = arith.constant 128 : i32
    %mul3A_27 = vector.broadcast %mul3A : i32 to vector<1x4096xi32>
    %mul3A_28 = arith.muli %select_n3A, %mul3A_27 : vector<1x4096xi32>
    %sub3A_29 = arith.subi %get3A_3, %mul3A_28 : vector<1x4096xi32>
    %iota3A = tpu.iota {dimensions = array<i32: 0>} : vector<80x4096xi32>
    %eq3A_30 = vector.broadcast %select_n3A : vector<1x4096xi32> to vector<80x4096xi32>
    %eq3A_31 = arith.cmpi eq, %iota3A, %eq3A_30 : vector<80x4096xi32>
    %convert_element_type3A_32 = arith.extui %eq3A_31 : vector<80x4096xi1> to vector<80x4096xi32>
    %convert_element_type3A_33 = arith.sitofp %convert_element_type3A_32 : vector<80x4096xi32> to vector<80x4096xf32>
    %iota3A_34 = tpu.iota {dimensions = array<i32: 0>} : vector<128x4096xi32>
    %eq3A_35 = vector.broadcast %sub3A_29 : vector<1x4096xi32> to vector<128x4096xi32>
    %eq3A_36 = arith.cmpi eq, %iota3A_34, %eq3A_35 : vector<128x4096xi32>
    %convert_element_type3A_37 = arith.extui %eq3A_36 : vector<128x4096xi1> to vector<128x4096xi32>
    %convert_element_type3A_38 = arith.sitofp %convert_element_type3A_37 : vector<128x4096xi32> to vector<128x4096xf32>
    %get3A_39 = arith.constant 0 : index
    %get3A_40 = arith.constant 0 : index
    %get3A_41 = vector.load %arg2[%get3A_39, %get3A_40] : memref<80x128xf32, #tpu.memory_space<vmem>>, vector<80x128xf32>
    %dot_general3A = arith.constant dense<0.000000e+00> : vector<80x128xf32>
    %dot_general3A_42 = tpu.matmul %convert_element_type3A_33, %convert_element_type3A_38, %dot_general3A {dimension_numbers = #tpu.dot_dimension_numbers<[1], [1], [0], [0], [0, 0, 1, 0], [], []>, transpose_lhs_hint = false} : vector<80x4096xf32>, vector<128x4096xf32>, vector<80x128xf32> -> vector<80x128xf32>
    %add3A = arith.addf %get3A_41, %dot_general3A_42 : vector<80x128xf32>
    %swap3A = arith.constant 0 : index
    %swap3A_43 = arith.constant 0 : index
    %swap3A_44 = vector.load %arg2[%swap3A, %swap3A_43] : memref<80x128xf32, #tpu.memory_space<vmem>>, vector<80x128xf32>
    tpu.vector_store %arg2[%swap3A, %swap3A_43], %add3A {strides = array<i32>} : memref<80x128xf32, #tpu.memory_space<vmem>>, vector<80x128xf32>,
    return
  }
  func.func @transform_0(%arg0: i32) -> (i32, i32) {
    %c0_i32 = arith.constant 0 : i32
    %c0_i32_0 = arith.constant 0 : i32
    return %c0_i32, %arg0 : i32, i32
  }
  func.func @transform_1(%arg0: i32) -> (i32, i32) {
    %c0_i32 = arith.constant 0 : i32
    %c0_i32_0 = arith.constant 0 : i32
    %c0_i32_1 = arith.constant 0 : i32
    return %c0_i32, %c0_i32_0 : i32, i32
  }
}

module attributes {stable_mosaic.version = 14 : i64} {
  func.func @_layer_body(%arg0: memref<2x10240x128xf32, #tpu.memory_space<vmem>>, %arg1: memref<12288x128xf32, #tpu.memory_space<vmem>>, %arg2: memref<10000x1xf32, #tpu.memory_space<vmem>>, %arg3: memref<128x128xf32, #tpu.memory_space<vmem>>, %arg4: memref<128x128xf32, #tpu.memory_space<vmem>>, %arg5: memref<3x128xf32, #tpu.memory_space<vmem>>, %arg6: memref<12288x128xf32, #tpu.memory_space<vmem>>) attributes {dimension_semantics = [], scalar_prefetch = 0 : i64, scratch_operands = 0 : i64, tpu.core_type = #tpu.core_type<tc>} {
    %get3A = arith.constant 0 : index
    %get3A_0 = arith.constant 0 : index
    %get3A_1 = vector.load %arg2[%get3A, %get3A_0] : memref<10000x1xf32, #tpu.memory_space<vmem>>, vector<10000x1xf32>
    %get3A_2 = arith.constant 0 : index
    %get3A_3 = arith.constant 0 : index
    %get3A_4 = arith.constant 0 : index
    %get3A_5 = vector.load %arg0[%get3A_2, %get3A_3, %get3A_4] : memref<2x10240x128xf32, #tpu.memory_space<vmem>>, vector<1x10000x128xf32>
    %get3A_6 = vector.shape_cast %get3A_5 : vector<1x10000x128xf32> to vector<10000x128xf32>
    %get3A_7 = arith.constant 1 : index
    %get3A_8 = arith.constant 0 : index
    %get3A_9 = arith.constant 0 : index
    %get3A_10 = vector.load %arg0[%get3A_7, %get3A_8, %get3A_9] : memref<2x10240x128xf32, #tpu.memory_space<vmem>>, vector<1x10000x128xf32>
    %get3A_11 = vector.shape_cast %get3A_10 : vector<1x10000x128xf32> to vector<10000x128xf32>
    %add3A = arith.addf %get3A_6, %get3A_11 : vector<10000x128xf32>
    %max3A = arith.constant 1.000000e+00 : f32
    %max3A_12 = vector.broadcast %max3A : f32 to vector<10000x1xf32>
    %max3A_13 = arith.maximumf %get3A_1, %max3A_12 : vector<10000x1xf32>
    %div3A = vector.broadcast %max3A_13 : vector<10000x1xf32> to vector<10000x128xf32>
    %div3A_14 = arith.divf %add3A, %div3A : vector<10000x128xf32>
    %get3A_15 = arith.constant 0 : index
    %get3A_16 = arith.constant 0 : index
    %get3A_17 = vector.load %arg1[%get3A_15, %get3A_16] : memref<12288x128xf32, #tpu.memory_space<vmem>>, vector<10000x128xf32>
    %get3A_18 = arith.constant 0 : index
    %get3A_19 = arith.constant 0 : index
    %get3A_20 = vector.load %arg3[%get3A_18, %get3A_19] : memref<128x128xf32, #tpu.memory_space<vmem>>, vector<128x128xf32>
    %dot_general3A = arith.constant dense<0.000000e+00> : vector<10000x128xf32>
    %dot_general3A_21 = tpu.matmul %div3A_14, %get3A_20, %dot_general3A {dimension_numbers = #tpu.dot_dimension_numbers<[1], [0], [0], [1], [0, 0, 1, 1], [], []>, transpose_lhs_hint = false} : vector<10000x128xf32>, vector<128x128xf32>, vector<10000x128xf32> -> vector<10000x128xf32>
    %get3A_22 = arith.constant 0 : index
    %get3A_23 = arith.constant 0 : index
    %get3A_24 = vector.load %arg4[%get3A_22, %get3A_23] : memref<128x128xf32, #tpu.memory_space<vmem>>, vector<128x128xf32>
    %dot_general3A_25 = arith.constant dense<0.000000e+00> : vector<10000x128xf32>
    %dot_general3A_26 = tpu.matmul %get3A_17, %get3A_24, %dot_general3A_25 {dimension_numbers = #tpu.dot_dimension_numbers<[1], [0], [0], [1], [0, 0, 1, 1], [], []>, transpose_lhs_hint = false} : vector<10000x128xf32>, vector<128x128xf32>, vector<10000x128xf32> -> vector<10000x128xf32>
    %add3A_27 = arith.addf %dot_general3A_21, %dot_general3A_26 : vector<10000x128xf32>
    %get3A_28 = arith.constant 0 : index
    %get3A_29 = arith.constant 0 : index
    %get3A_30 = vector.load %arg5[%get3A_28, %get3A_29] : memref<3x128xf32, #tpu.memory_space<vmem>>, vector<1x128xf32>
    %add3A_31 = vector.broadcast %get3A_30 : vector<1x128xf32> to vector<10000x128xf32>
    %add3A_32 = arith.addf %add3A_27, %add3A_31 : vector<10000x128xf32>
    %reduce_sum3A = arith.constant dense<0.000000e+00> : vector<128xf32>
    %reduce_sum3A_33 = vector.multi_reduction <add>, %add3A_32, %reduce_sum3A [0] : vector<10000x128xf32> to vector<128xf32>
    %broadcast_in_dim3A = vector.shape_cast %reduce_sum3A_33 : vector<128xf32> to vector<1x128xf32>
    %div3A_34 = arith.constant 1.000000e+04 : f32
    %div3A_35 = vector.broadcast %div3A_34 : f32 to vector<1x128xf32>
    %div3A_36 = arith.divf %broadcast_in_dim3A, %div3A_35 : vector<1x128xf32>
    %sub3A = vector.broadcast %div3A_36 : vector<1x128xf32> to vector<10000x128xf32>
    %sub3A_37 = arith.subf %add3A_32, %sub3A : vector<10000x128xf32>
    %integer_pow3A = arith.mulf %sub3A_37, %sub3A_37 : vector<10000x128xf32>
    %reduce_sum3A_38 = arith.constant dense<0.000000e+00> : vector<128xf32>
    %reduce_sum3A_39 = vector.multi_reduction <add>, %integer_pow3A, %reduce_sum3A_38 [0] : vector<10000x128xf32> to vector<128xf32>
    %broadcast_in_dim3A_40 = vector.shape_cast %reduce_sum3A_39 : vector<128xf32> to vector<1x128xf32>
    %div3A_41 = arith.constant 1.000000e+04 : f32
    %div3A_42 = vector.broadcast %div3A_41 : f32 to vector<1x128xf32>
    %div3A_43 = arith.divf %broadcast_in_dim3A_40, %div3A_42 : vector<1x128xf32>
    %sub3A_44 = vector.broadcast %div3A_36 : vector<1x128xf32> to vector<10000x128xf32>
    %sub3A_45 = arith.subf %add3A_32, %sub3A_44 : vector<10000x128xf32>
    %add3A_46 = arith.constant 9.99999974E-6 : f32
    %add3A_47 = vector.broadcast %add3A_46 : f32 to vector<1x128xf32>
    %add3A_48 = arith.addf %div3A_43, %add3A_47 : vector<1x128xf32>
    %sqrt3A = math.sqrt %add3A_48 : vector<1x128xf32>
    %div3A_49 = vector.broadcast %sqrt3A : vector<1x128xf32> to vector<10000x128xf32>
    %div3A_50 = arith.divf %sub3A_45, %div3A_49 : vector<10000x128xf32>
    %get3A_51 = arith.constant 1 : index
    %get3A_52 = arith.constant 0 : index
    %get3A_53 = vector.load %arg5[%get3A_51, %get3A_52] : memref<3x128xf32, #tpu.memory_space<vmem>>, vector<1x128xf32>
    %mul3A = vector.broadcast %get3A_53 : vector<1x128xf32> to vector<10000x128xf32>
    %mul3A_54 = arith.mulf %div3A_50, %mul3A : vector<10000x128xf32>
    %get3A_55 = arith.constant 2 : index
    %get3A_56 = arith.constant 0 : index
    %get3A_57 = vector.load %arg5[%get3A_55, %get3A_56] : memref<3x128xf32, #tpu.memory_space<vmem>>, vector<1x128xf32>
    %add3A_58 = vector.broadcast %get3A_57 : vector<1x128xf32> to vector<10000x128xf32>
    %add3A_59 = arith.addf %mul3A_54, %add3A_58 : vector<10000x128xf32>
    %max3A_60 = arith.constant 0.000000e+00 : f32
    %max3A_61 = vector.broadcast %max3A_60 : f32 to vector<10000x128xf32>
    %max3A_62 = arith.maximumf %add3A_59, %max3A_61 : vector<10000x128xf32>
    %swap3A = arith.constant 0 : index
    %swap3A_63 = arith.constant 0 : index
    %swap3A_64 = vector.load %arg6[%swap3A, %swap3A_63] : memref<12288x128xf32, #tpu.memory_space<vmem>>, vector<10000x128xf32>
    tpu.vector_store %arg6[%swap3A, %swap3A_63], %max3A_62 {strides = array<i32>} : memref<12288x128xf32, #tpu.memory_space<vmem>>, vector<10000x128xf32>,
    %broadcast_in_dim3A_65 = arith.constant 0.000000e+00 : f32
    %broadcast_in_dim3A_66 = vector.broadcast %broadcast_in_dim3A_65 : f32 to vector<2288x128xf32>
    %swap3A_67 = arith.constant 10000 : index
    %swap3A_68 = arith.constant 0 : index
    %swap3A_69 = vector.load %arg6[%swap3A_67, %swap3A_68] : memref<12288x128xf32, #tpu.memory_space<vmem>>, vector<2288x128xf32>
    tpu.vector_store %arg6[%swap3A_67, %swap3A_68], %broadcast_in_dim3A_66 {strides = array<i32>} : memref<12288x128xf32, #tpu.memory_space<vmem>>, vector<2288x128xf32>,
    return
  }
}

module attributes {stable_mosaic.version = 14 : i64} {
  func.func @_pool_body(%arg0: memref<12288x128xf32, #tpu.memory_space<vmem>>, %arg1: memref<1x10000xi32, #tpu.memory_space<vmem>>, %arg2: memref<128x2xf32, #tpu.memory_space<vmem>>, %arg3: memref<1x2xf32, #tpu.memory_space<vmem>>, %arg4: memref<64x2xf32, #tpu.memory_space<vmem>>) attributes {dimension_semantics = [], scalar_prefetch = 0 : i64, scratch_operands = 0 : i64, tpu.core_type = #tpu.core_type<tc>} {
    %get3A = arith.constant 0 : index
    %get3A_0 = arith.constant 0 : index
    %get3A_1 = vector.load %arg0[%get3A, %get3A_0] : memref<12288x128xf32, #tpu.memory_space<vmem>>, vector<10000x128xf32>
    %iota3A = tpu.iota {dimensions = array<i32: 0>} : vector<64x10000xi32>
    %get3A_2 = arith.constant 0 : index
    %get3A_3 = arith.constant 0 : index
    %get3A_4 = vector.load %arg1[%get3A_2, %get3A_3] : memref<1x10000xi32, #tpu.memory_space<vmem>>, vector<1x10000xi32>
    %eq3A = vector.broadcast %get3A_4 : vector<1x10000xi32> to vector<64x10000xi32>
    %eq3A_5 = arith.cmpi eq, %iota3A, %eq3A : vector<64x10000xi32>
    %convert_element_type3A = arith.extui %eq3A_5 : vector<64x10000xi1> to vector<64x10000xi32>
    %convert_element_type3A_6 = arith.sitofp %convert_element_type3A : vector<64x10000xi32> to vector<64x10000xf32>
    %dot_general3A = arith.constant dense<0.000000e+00> : vector<64x128xf32>
    %dot_general3A_7 = tpu.matmul %convert_element_type3A_6, %get3A_1, %dot_general3A {dimension_numbers = #tpu.dot_dimension_numbers<[1], [0], [0], [1], [0, 0, 1, 1], [], []>, transpose_lhs_hint = false} : vector<64x10000xf32>, vector<10000x128xf32>, vector<64x128xf32> -> vector<64x128xf32>
    %reduce_sum3A = arith.constant dense<0.000000e+00> : vector<64xf32>
    %reduce_sum3A_8 = vector.multi_reduction <add>, %convert_element_type3A_6, %reduce_sum3A [1] : vector<64x10000xf32> to vector<64xf32>
    %broadcast_in_dim3A = vector.shape_cast %reduce_sum3A_8 : vector<64xf32> to vector<64x1xf32>
    %max3A = arith.constant 1.000000e+00 : f32
    %max3A_9 = vector.broadcast %max3A : f32 to vector<64x1xf32>
    %max3A_10 = arith.maximumf %broadcast_in_dim3A, %max3A_9 : vector<64x1xf32>
    %div3A = vector.broadcast %max3A_10 : vector<64x1xf32> to vector<64x128xf32>
    %div3A_11 = arith.divf %dot_general3A_7, %div3A : vector<64x128xf32>
    %get3A_12 = arith.constant 0 : index
    %get3A_13 = arith.constant 0 : index
    %get3A_14 = vector.load %arg2[%get3A_12, %get3A_13] : memref<128x2xf32, #tpu.memory_space<vmem>>, vector<128x2xf32>
    %dot_general3A_15 = arith.constant dense<0.000000e+00> : vector<64x2xf32>
    %dot_general3A_16 = tpu.matmul %div3A_11, %get3A_14, %dot_general3A_15 {dimension_numbers = #tpu.dot_dimension_numbers<[1], [0], [0], [1], [0, 0, 1, 1], [], []>, transpose_lhs_hint = false} : vector<64x128xf32>, vector<128x2xf32>, vector<64x2xf32> -> vector<64x2xf32>
    %get3A_17 = arith.constant 0 : index
    %get3A_18 = arith.constant 0 : index
    %get3A_19 = vector.load %arg3[%get3A_17, %get3A_18] : memref<1x2xf32, #tpu.memory_space<vmem>>, vector<1x2xf32>
    %add3A = vector.broadcast %get3A_19 : vector<1x2xf32> to vector<64x2xf32>
    %add3A_20 = arith.addf %dot_general3A_16, %add3A : vector<64x2xf32>
    %swap3A = arith.constant 0 : index
    %swap3A_21 = arith.constant 0 : index
    %swap3A_22 = vector.load %arg4[%swap3A, %swap3A_21] : memref<64x2xf32, #tpu.memory_space<vmem>>, vector<64x2xf32>
    tpu.vector_store %arg4[%swap3A, %swap3A_21], %add3A_20 {strides = array<i32>} : memref<64x2xf32, #tpu.memory_space<vmem>>, vector<64x2xf32>,
    return
  }
}

</mosaic_0001>

<sc_bundles>
// kernel: kernel.25.cloned.1.call-start
scs
__scs_entry_jumppad:
0x0: {  	(pc) =	sbr.rel $0x88, $3  }
0x1: {  	(tag) =	ssettag $0x0;
	lr =	simm.s32 $0x1  }
0x2: {  	[smem:$0x3F96] =	sst lr;
	_ =	strace $0xD0000000  }
0x3: {  	_ = 	snop  }
0x4: {  	_ = 	snop  }
0x5: {  	_ = 	snop  }
0x6: {  	_ = 	snop  }
0x7: {  	_ = 	snop  }
__scs_overlays_trampoline_lowered:
0x8: {  	[smem:$0x3FA5] =	sst s0  }
0x9: {  	[smem:$0x3FA6] =	sst s1  }
0xa: {  	[smem:$0x3FA7] =	sst s2  }
0xb: {  	[smem:$0x3FA8] =	sst s3  }
0xc: {  	[smem:$0x3FA9] =	sst s4  }
0xd: {  	[smem:$0x3FAA] =	sst s5  }
0xe: {  	[smem:$0x3FAB] =	sst s6  }
0xf: {  	[smem:$0x3FAC] =	sst s7  }
0x10: {  	[smem:$0x3FAD] =	sst s8  }
0x11: {  	[smem:$0x3FAE] =	sst s9;
	s0 =	simm.s32 @!p0 $0x0  }
0x12: {  	s1 =	sld [smem:$0x3F94];
	s0 =	simm.s32 @p0 $0x1  }
0x13: {  	[smem:$0x3FAF] =	sst s0;
	s0 =	simm.s32 @!p1 $0x0  }
0x14: {  	s2 =	sld [smem:$0x3F93];
	s0 =	simm.s32 @p1 $0x1  }
0x15: {  	[smem:$0x3FB0] =	sst s0;
	s0 =	simm.s32 @!p2 $0x0  }
0x16: {  	s3 =	sld [smem:$0x3FDB];
	s0 =	simm.s32 @p2 $0x1  }
0x17: {  	s4 =	simm.s32 $0x1BF5;
	[smem:$0x3FB2] =	sst s0  }
0x18: {  	s0 =	sld [smem:$0x3F95];
	_ =	swait.ge [sflag:s4], $0x0  }
0x19: {  	s7 =	sld [smem:$0x3F96]  }
0x1a: {  	s8 =	sadd.s32 $0xFFFFE003, lr  }
0x1b: {  	s9 =	sadd.s32 $0xFFFFFEF7, lr;
	s5 =	simm.s32 $0xFFFFFFFF;
	p2 =	slt.u32 s8, $0xFFFFF086  }
0x1c: {  	p1 =	slt.u32 s9, $0xF7A;
	s5 =	simm.s32 @!p2 $0x0  }
0x1d: {  	s5 =	simm.s32 @p1 $0x1;
	p0 =	seq.s32 s7, s2  }
0x1e: {  	s7 =	smul.u32 @!p0 $0xF7A, s2;
	p2 =	seq.s32 @!p0 s5, $0x0  }
0x1f: {  	s9 =	smul.u32 $0xF7A, s1;
	s8 =	simm.s32 @!p0 $0x1BF5;
	p2 =	por !p2, p0  }
0x20: {  	[sflag:s8] =	ssyncset.s32 @!p0 $0xFFFFF086;
	s6 =	sadd.s32 @!p0 s3, s7;
	s7 =	simm.s32 @!p0 $0x108  }
0x21: {  	s3 =	sadd.s32 s3, s9;
	s6 =	sadd.s32 @!p0 $0x88, s6;
	s7 =	simm.s32 @p2 $0x1082  }
0x22: {  	[simem:s7], [sflag:s8] =	dma.local @!p0 [hbm:s6], $0xF7A  }
0x23: {  	s9 =	sor.u32 $0xD0000000, s2;
	s6 =	simm.s32 $0x108;
	_ =	swait.ge @!p0 [sflag:s8], $0x0  }
0x24: {  	s3 =	sadd.s32 $0x88, s3;
	s6 =	simm.s32 @!p1 $0x1082;
	[sflag:s4] =	ssyncset.s32 $0xFFFFF086  }
0x25: {  	[simem:s6], [sflag:s4] =	dma.local [hbm:s3], $0xF7A  }
0x26: {  	[smem:$0x3F96] =	sst s1;
	(tag) =	ssettag s2;
	_ =	strace s9  }
0x27: {  	s1 =	sld [smem:$0x3FA6]  }
0x28: {  	s2 =	sld [smem:$0x3FA7]  }
0x29: {  	s4 =	sld [smem:$0x3FA9]  }
0x2a: {  	p0 =	seq.s32 s5, $0x0;
	s5 =	sld [smem:$0x3FAA]  }
0x2b: {  	s6 =	sld [smem:$0x3FAB]  }
0x2c: {  	s7 =	sld [smem:$0x3FAC]  }
0x2d: {  	s3 =	simm.s32 $0x108;
	s8 =	sld [smem:$0x3FAD]  }
0x2e: {  	s3 =	simm.s32 @!p0 $0x1082;
	s9 =	sld [smem:$0x3FAE]  }
0x2f: {  	lr =	sadd.s32 s0, s3;
	s0 =	sld [smem:$0x3FA5]  }
0x30: {  	s3 =	sld [smem:$0x3FA8]  }
0x31: {  	[smem:$0x3FB1] =	sst s10  }
0x32: {  	s10 =	sld [smem:$0x3FAF];
	_ =	sdelay $0x3  }
0x33: {  	p0 =	seq.s32 s10, $0x1;
	s10 =	sld [smem:$0x3FB1];
	_ =	sdelay $0x3  }
0x34: {  	[smem:$0x3FB1] =	sst s10  }
0x35: {  	s10 =	sld [smem:$0x3FB0];
	_ =	sdelay $0x3  }
0x36: {  	p1 =	seq.s32 s10, $0x1;
	s10 =	sld [smem:$0x3FB1];
	_ =	sdelay $0x3  }
0x37: {  	[smem:$0x3FB1] =	sst s10  }
0x38: {  	s10 =	sld [smem:$0x3FB2]  }
0x39: {  	_ = 	snop;
	(pc) =	sbr.ind lr, $3  }
0x3a: {  	_ = 	snop  }
0x3b: {  	_ = 	snop  }
0x3c: {  	p2 =	seq.s32 s10, $0x1;
	s10 =	sld [smem:$0x3FB1]  }
0x3d: {  	_ =	shalt  }
0x3e: {  	_ =	shalt  }
0x3f: {  	_ =	shalt  }
0x40: {  	_ =	shalt  }
0x41: {  	_ =	shalt  }
0x42: {  	_ =	shalt  }
0x43: {  	_ =	shalt  }
0x44: {  	_ =	shalt  }
0x45: {  	_ =	shalt  }
0x46: {  	_ =	shalt  }
0x47: {  	_ =	shalt  }
0x48: {  	_ =	shalt  }
0x49: {  	_ =	shalt  }
0x4a: {  	_ =	shalt  }
0x4b: {  	_ =	shalt  }
0x4c: {  	_ =	shalt  }
0x4d: {  	_ =	shalt  }
0x4e: {  	_ =	shalt  }
0x4f: {  	_ =	shalt  }
0x50: {  	_ =	shalt  }
0x51: {  	_ =	shalt  }
0x52: {  	_ =	shalt  }
0x53: {  	_ =	shalt  }
0x54: {  	_ =	shalt  }
0x55: {  	_ =	shalt  }
0x56: {  	_ =	shalt  }
0x57: {  	_ =	shalt  }
0x58: {  	_ =	shalt  }
0x59: {  	_ =	shalt  }
0x5a: {  	_ =	shalt  }
0x5b: {  	_ =	shalt  }
0x5c: {  	_ =	shalt  }
0x5d: {  	_ =	shalt  }
0x5e: {  	_ =	shalt  }
0x5f: {  	_ =	shalt  }
0x60: {  	_ =	shalt  }
0x61: {  	_ =	shalt  }
0x62: {  	_ =	shalt  }
0x63: {  	_ =	shalt  }
0x64: {  	_ =	shalt  }
0x65: {  	_ =	shalt  }
0x66: {  	_ =	shalt  }
0x67: {  	_ =	shalt  }
0x68: {  	_ =	shalt  }
0x69: {  	_ =	shalt  }
0x6a: {  	_ =	shalt  }
0x6b: {  	_ =	shalt  }
0x6c: {  	_ =	shalt  }
0x6d: {  	_ =	shalt  }
0x6e: {  	_ =	shalt  }
0x6f: {  	_ =	shalt  }
0x70: {  	_ =	shalt  }
0x71: {  	_ =	shalt  }
0x72: {  	_ =	shalt  }
0x73: {  	_ =	shalt  }
0x74: {  	_ =	shalt  }
0x75: {  	_ =	shalt  }
0x76: {  	_ =	shalt  }
0x77: {  	_ =	shalt  }
0x78: {  	_ =	shalt  }
0x79: {  	_ =	shalt  }
0x7a: {  	_ =	shalt  }
0x7b: {  	_ =	shalt  }
0x7c: {  	_ =	shalt  }
0x7d: {  	_ =	shalt  }
0x7e: {  	_ =	shalt  }
0x7f: {  	_ =	shalt  }
0x80: {  	_ =	shalt  }
0x81: {  	_ =	shalt  }
0x82: {  	_ =	shalt  }
0x83: {  	_ =	shalt  }
0x84: {  	_ =	shalt  }
0x85: {  	_ =	shalt  }
0x86: {  	_ =	shalt  }
0x87: {  	_ =	shalt  }
.Lfunc_end0:
.L_simem_size_0:
called_computation_lowered:
.L_overlay_start_0:
0x88: {  	s2 =	sld [smem:$0x3FD9]  }
0x89: {  	s3 =	sld [smem:$0x3FFE];
	_ =	sdelay $0x1  }
0x8a: {  	s1 =	srdreg.scid  }
0x8b: {  	s0 =	sand.u32 $0x1, s1  }
0x8c: {  	s17 =	sshll.u32 s0, $0xA;
	s2 =	sadd.s32 s3, s2  }
0x8d: {  	s2 =	sadd.s32 s2, s17  }
0x8e: {  	[smem:$0x3FBD] =	sst s2  }
0x8f: {  	_ = 	snop  }
0x90: {  	s2 =	sld [smem:$0x3FC6];
	(tm) =	ssettm $0x1  }
0x91: {  	s18 =	sld [smem:$0x3FFB];
	_ =	sdelay $0x3  }
0x92: {  	_ =	strace s18  }
0x93: {  	s3 =	sld [smem:$0x3FFC];
	_ =	sdelay $0x3  }
0x94: {  	_ =	strace s3  }
0x95: {  	s3 =	sld [smem:$0x3FFD];
	_ =	sdelay $0x3  }
0x96: {  	_ =	strace s3  }
0x97: {  	_ =	strace $0x8FFFFFFF  }
0x98: {  	s19 =	sld [smem:$0x3FDB];
	_ =	sdelay $0x1  }
0x99: {  	s4 =	simm.s32 $_scs_section_size  }
0x9a: {  	s5 =	simm.s32 $_size__tile_overlayer_lowered;
	s6 =	simm.s32 $_tile_overlayer_lowered  }
0x9b: {  	s22 =	simm.s32 $0x1BFF;
	s21 =	sshll.u32 s6, $0x1;
	s3 =	sadd.s32 s4, s19  }
0x9c: {  	s7 =	simm.s32 $0x0;
	s20 =	sshll.u32 s5, $0x1;
	s5 =	sadd.s32 s21, s3  }
0x9d: {  	[timem:s7], [sflag:s22] =	dma.local [hbm:s5], s20  }
0x9e: {  	_ =	swait.ge [sflag:s22], s20  }
0x9f: {  	s4 =	ssub.s32 $0x0, s20;
	[sflag:s22] =	ssyncset.done $0x0  }
0xa0: {  	[sflag:s22] =	ssyncadd.s32 s4;
	_ =	sdelay $0x1  }
0xa1: {  	s23 =	simm.s32 $0x1B8B  }
0xa2: {  	_ =	swait.ge [sflag:s23], $0x1  }
0xa3: {  	[sflag:s23] =	ssyncset.done $0x0  }
0xa4: {  	s25 =	simm.s32 $0x1B8E;
	s24 =	sld [smem:$0x3FFE];
	[sflag:s23] =	ssyncadd.s32 $0xFFFFFFFF  }
0xa5: {  	s26 =	simm.s32 $execute0_lowered;
	[smem:$0x3FD2] =	sst s25  }
0xa6: {  	s5 =	sshll.u32 s26, $0x1;
	_ =	strace $0x80000046;
	[dreg:$0x1] =	wrdreg $0xFFFFFFFF  }
0xa7: {  	s28 =	simm.s32 $_size_execute0_lowered;
	s3 =	sadd.s32 s3, s5;
	[dreg:$0x0] =	wrdreg $0x0  }
0xa8: {  	s5 =	sshll.u32 s28, $0x1;
	[dreg:$0x2] =	wrdreg s3  }
0xa9: {  	[dreg:$0x3] =	wrdreg s5  }
0xaa: {  	[dreg:$0x4] =	wrdreg $0xC0  }
0xab: {  	_ =	task [dreg:s7], $0x5FFFF  }
0xac: {  	[dreg:$0x1] =	wrdreg $0xFFFFFFFF  }
0xad: {  	[dreg:$0x0] =	wrdreg $0x60  }
0xae: {  	[dreg:$0x2] =	wrdreg s24  }
0xaf: {  	[dreg:$0x3] =	wrdreg s2  }
0xb0: {  	[dreg:$0x4] =	wrdreg $0x9  }
0xb1: {  	_ =	task.clear_ibuf [dreg:s7], $0x5FFFF;
	_ =	strace $0x90000046  }
0xb2: {  	s29 =	simm.s32 $0x9;
	_ =	strace $0x80000048  }
0xb3: {  	_ =	swait.ge [sflag:s29], $0x1  }
0xb4: {  	[sflag:s29] =	ssyncadd.s32 $0xFFFFFFFF  }
0xb5: {  	_ =	strace $0x90000048  }
0xb6: {  	_ =	sfence  }
0xb7: {  	s30 =	sld [smem:$0x0];
	_ =	sdelay $0x2  }
0xb8: {  	s31 =	sshll.u32 s1, $0xD;
	s1 =	sshrl.u32 s1, $0x2  }
0xb9: {  	s3 =	sand.u32 $0x4000, s31;
	s1 =	sadd.s32 s1, s30  }
0xba: {  	s0 =	sor.u32 s3, s0;
	s1 =	sshll.u32 s1, $0x11  }
0xbb: {  	s0 =	sor.u32 s1, s0  }
0xbc: {  	s0 =	sadd.s32 $0x8F2B, s0  }
0xbd: {  	[sflag:s0] =	ssyncadd.remote.s32 $0x1  }
0xbe: {  	_ =	sfence.sel $0xFFFF  }
0xbf: {  	[dreg:$0x0] =	wrdreg $0xFFFFFFFF;
	(pc) =	sbr.abs _section_cstart, $3  }
0xc0: {  	[dreg:$0x1] =	wrdreg $0xFFFFFFFF  }
0xc1: {  	_ =	task.clear_ibuf [dreg:s7], $0x2FFFF;
	_ =	strace $0x9FFFFFFF  }
0xc2: {  	(tm) =	ssettm $0x7FFFFFFF  }
0xc3: {  	_ =	shalt  }
tec
execute0_lowered:
.L_overlay_start_1:
0x0: {  	(tag) =	ssettag $0x1  }
0x1: {  	s1 =	srdreg.scid;
	s0 =	stileid.u32  }
0x2: {  	s9 =	rddreg [dreg:$0x0];
	s11 =	sand.u32 $0x1, s1;
	s29 =	sshll.u32 s0, $0x1  }
0x3: {  	s2 =	rddreg [dreg:$0x1];
	s10 =	sor.u32 s11, s29  }
0x4: {  	s3 =	simm.s32 $0x0;
	s1 =	rddreg [dreg:$0x2];
	s4 =	sshll.u32 s10, $0x6  }
0x5: {  	[smem:$0x7FF] =	sst s3;
	s4 =	sadd.s32 s4, s9  }
0x6: {  	_ =	strace $0x80000047;
	s5 =	sadd.s32 $0x8A00, s4;
	s4 =	simm.s32 $0x2  }
0x7: {  	[tilespmem:s3], [sflag:$0x2] =	stream.linear.gather [hbm4b:s5+s3], $0x180, $0x38;
	[tilespmem:$0x4200] =	vst v63  }
0x8: {  	_ =	swait.ge [sflag:s4], $0x180  }
0x9: {  	s6 =	simm.s32 $0x80;
	[sflag:s4] =	ssyncset.done $0x0  }
0xa: {  	s7 =	simm.s32 $0x200;
	s8 =	simm.s32 $0x1;
	[sflag:s4] =	ssyncadd.s32 $0xFFFFFE80  }
0xb: {  	[tilespmem:s7], [sflag:$0x1] =	stream.indirect.gather [hbm4b:s2+s6], $0x80, s3, s6, $0xb8;
	[tilespmem:$0x4200] =	vst v63  }
0xc: {  	s12 =	smul.u32 $0x1800, s10;
	_ =	swait.ge [sflag:s8], $0x4000  }
0xd: {  	s13 =	sadd.s32 $0x9200, s9;
	[sflag:s8] =	ssyncset.done $0x0  }
0xe: {  	s9 =	sadd.s32 s13, s12;
	[sflag:s8] =	ssyncadd.s32 $0xFFFFC000  }
0xf: {  	[hbm4b:s9+s3] =	stream.linear.scatter [tilespmem:s7], [sflag:$0x2], $0x4000, $0x38;
	[tilespmem:$0x4200] =	vst v63  }
0x10: {  	_ =	swait.ge [sflag:s4], $0x4000  }
0x11: {  	[sflag:s4] =	ssyncset.done $0x0  }
0x12: {  	s10 =	smul.u32 $0xC000, s10;
	[sflag:s4] =	ssyncadd.s32 $0xFFFFC000  }
0x13: {  	[tilespmem:s7], [sflag:$0x1] =	stream.indirect.gather [hbm4b:s2+s6], $0x80, s6, s6, $0xb8;
	[tilespmem:$0x4200] =	vst v63  }
0x14: {  	s10 =	sshrl.u32 s10, $0x3;
	_ =	swait.ge [sflag:s8], $0x4000  }
0x15: {  	s30 =	sadd.s32 s13, s10;
	[sflag:s8] =	ssyncset.done $0x0  }
0x16: {  	s31 =	ssub.s32 $0x2, s11;
	s10 =	sadd.s32 $0x800, s30;
	[sflag:s8] =	ssyncadd.s32 $0xFFFFC000  }
0x17: {  	[hbm4b:s10+s3] =	stream.linear.scatter [tilespmem:s7], [sflag:$0x2], $0x4000, $0x38;
	[tilespmem:$0x4200] =	vst v63  }
0x18: {  	s14 =	sshrl.u32 s31, $0x1;
	_ =	swait.ge [sflag:s4], $0x4000  }
0x19: {  	s13 =	ssub.s32 s31, s14;
	[sflag:s4] =	ssyncset.done $0x0  }
0x1a: {  	s11 =	simm.s32 $0x100;
	s13 =	smax.u32 s13, $0x1;
	[sflag:s4] =	ssyncadd.s32 $0xFFFFC000  }
0x1b: {  	[tilespmem:s7], [sflag:$0x1] =	stream.indirect.gather [hbm4b:s2+s6], $0x80, s11, s6, $0xb8;
	[tilespmem:$0x4200] =	vst v63  }
0x1c: {  	p0 =	sne.s32 s13, $0x1;
	_ =	swait.ge [sflag:s8], $0x4000  }
.Ltmp0:
0x1d: {  	[sflag:s8] =	ssyncset.done $0x0;
	(pc) =	sbr.rel @!p0 .LBB2_2-.Ltmp0, $4  }
0x1e: {  	s12 =	sadd.s32 $0x1000, s30;
	[sflag:s8] =	ssyncadd.s32 $0xFFFFC000  }
0x1f: {  	[hbm4b:s12+s3] =	stream.linear.scatter [tilespmem:s7], [sflag:$0x2], $0x4000, $0x38;
	[tilespmem:$0x4200] =	vst v63  }
0x20: {  	_ =	swait.ge [sflag:s4], $0x4000  }
0x21: {  	s13 =	sadd.s32 $0xFFFFFFFF, s13;
	[sflag:s4] =	ssyncset.done $0x0  }
.LBB2_1:
0x22: {  	p0 =	sne.s32 s13, $0x1;
	s13 =	sadd.s32 $0xFFFFFFFF, s13;
	[sflag:s4] =	ssyncadd.s32 $0xFFFFC000  }
0x23: {  	[tilespmem:s3], [sflag:$0x2] =	stream.linear.gather [hbm4b:s5+s3], $0x180, $0x38;
	[tilespmem:$0x4200] =	vst v63  }
0x24: {  	_ =	swait.ge [sflag:s4], $0x180  }
0x25: {  	[sflag:s4] =	ssyncset.done $0x0  }
0x26: {  	[sflag:s4] =	ssyncadd.s32 $0xFFFFFE80  }
0x27: {  	[tilespmem:s7], [sflag:$0x1] =	stream.indirect.gather [hbm4b:s2+s6], $0x80, s3, s6, $0xb8;
	[tilespmem:$0x4200] =	vst v63  }
0x28: {  	_ =	swait.ge [sflag:s8], $0x4000  }
0x29: {  	[sflag:s8] =	ssyncset.done $0x0  }
0x2a: {  	[sflag:s8] =	ssyncadd.s32 $0xFFFFC000  }
0x2b: {  	[hbm4b:s9+s3] =	stream.linear.scatter [tilespmem:s7], [sflag:$0x2], $0x4000, $0x38;
	[tilespmem:$0x4200] =	vst v63  }
0x2c: {  	_ =	swait.ge [sflag:s4], $0x4000  }
0x2d: {  	[sflag:s4] =	ssyncset.done $0x0  }
0x2e: {  	[sflag:s4] =	ssyncadd.s32 $0xFFFFC000  }
0x2f: {  	[tilespmem:s7], [sflag:$0x1] =	stream.indirect.gather [hbm4b:s2+s6], $0x80, s6, s6, $0xb8;
	[tilespmem:$0x4200] =	vst v63  }
0x30: {  	_ =	swait.ge [sflag:s8], $0x4000  }
0x31: {  	[sflag:s8] =	ssyncset.done $0x0  }
0x32: {  	[sflag:s8] =	ssyncadd.s32 $0xFFFFC000  }
0x33: {  	[hbm4b:s10+s3] =	stream.linear.scatter [tilespmem:s7], [sflag:$0x2], $0x4000, $0x38;
	[tilespmem:$0x4200] =	vst v63  }
0x34: {  	_ =	swait.ge [sflag:s4], $0x4000  }
0x35: {  	[sflag:s4] =	ssyncset.done $0x0  }
0x36: {  	[sflag:s4] =	ssyncadd.s32 $0xFFFFC000  }
0x37: {  	[tilespmem:s7], [sflag:$0x1] =	stream.indirect.gather [hbm4b:s2+s6], $0x80, s11, s6, $0xb8;
	[tilespmem:$0x4200] =	vst v63  }
0x38: {  	_ =	swait.ge [sflag:s8], $0x4000  }
.Ltmp1:
0x39: {  	[sflag:s8] =	ssyncset.done $0x0;
	(pc) =	sbr.rel @p0 .LBB2_1-.Ltmp1, $4  }
0x3a: {  	[sflag:s8] =	ssyncadd.s32 $0xFFFFC000  }
0x3b: {  	[hbm4b:s12+s3] =	stream.linear.scatter [tilespmem:s7], [sflag:$0x2], $0x4000, $0x38;
	[tilespmem:$0x4200] =	vst v63  }
0x3c: {  	_ =	swait.ge [sflag:s4], $0x4000  }
0x3d: {  	[sflag:s4] =	ssyncset.done $0x0  }
.LBB2_2:
0x3e: {  	[sflag:s4] =	ssyncadd.s32 $0xFFFFC000  }
0x3f: {  	_ =	sfence.sel $0x180000  }
0x40: {  	[bflag:$0x0] =	sbarrier.arrive $0xFFFF  }
0x41: {  	p0 =	sne.s32 s0, $0x0;
	_ =	strace $0x90000047  }
0x42: {  	s0 =	sadd.s32 @!p0 $0x100000, s1;
	[bflag:$0x2] =	sbarrier.arrive $0xFFFF  }
0x43: {  	[sflag:s0] =	ssyncadd.tile.s32 @!p0 $0x1;
	_ =	shalt  }
.Lfunc_end2:
_tile_overlayer_lowered:
.L_overlay_start_2:
0x44: {  	(tag) =	ssettag $0x2  }
0x45: {  	s0 =	rddreg [dreg:$0x0];
	s2 =	stileid.u32  }
0x46: {  	s1 =	rddreg [dreg:$0x1];
	p0 =	sne.s32 s2, $0x0  }
0x47: {  	s3 =	rddreg [dreg:$0x2];
	[bflag:$0x3] =	sbarrier.arrive $0xFFFF;
	s2 =	simm.s32 @!p0 $0x1C02  }
0x48: {  	[timem:s3], [sflag:s2] =	dma.local @!p0 [hbm:s0], s1  }
0x49: {  	s0 =	simm.s32 @!p0 $0x2  }
0x4a: {  	_ =	swait.ge @!p0 [sflag:s0], s1  }
0x4b: {  	s1 =	ssub.s32 @!p0 $0x0, s1;
	[sflag:s0] =	ssyncset.done @!p0 $0x0  }
0x4c: {  	[sflag:s0] =	ssyncadd.s32 @!p0 s1  }
0x4d: {  	[bflag:$0x3] =	sbarrier.arrive $0xFFFF  }
0x4e: {  	_ =	shalt  }

// kernel: kernel.28.cloned.1.call-start
scs
__scs_entry_jumppad:
0x0: {  	(pc) =	sbr.rel $0x88, $3  }
0x1: {  	(tag) =	ssettag $0x0;
	lr =	simm.s32 $0x1  }
0x2: {  	[smem:$0x3F96] =	sst lr;
	_ =	strace $0xD0000000  }
0x3: {  	_ = 	snop  }
0x4: {  	_ = 	snop  }
0x5: {  	_ = 	snop  }
0x6: {  	_ = 	snop  }
0x7: {  	_ = 	snop  }
__scs_overlays_trampoline_lowered:
0x8: {  	[smem:$0x3FA5] =	sst s0  }
0x9: {  	[smem:$0x3FA6] =	sst s1  }
0xa: {  	[smem:$0x3FA7] =	sst s2  }
0xb: {  	[smem:$0x3FA8] =	sst s3  }
0xc: {  	[smem:$0x3FA9] =	sst s4  }
0xd: {  	[smem:$0x3FAA] =	sst s5  }
0xe: {  	[smem:$0x3FAB] =	sst s6  }
0xf: {  	[smem:$0x3FAC] =	sst s7  }
0x10: {  	[smem:$0x3FAD] =	sst s8  }
0x11: {  	[smem:$0x3FAE] =	sst s9;
	s0 =	simm.s32 @!p0 $0x0  }
0x12: {  	s1 =	sld [smem:$0x3F94];
	s0 =	simm.s32 @p0 $0x1  }
0x13: {  	[smem:$0x3FAF] =	sst s0;
	s0 =	simm.s32 @!p1 $0x0  }
0x14: {  	s2 =	sld [smem:$0x3F93];
	s0 =	simm.s32 @p1 $0x1  }
0x15: {  	[smem:$0x3FB0] =	sst s0;
	s0 =	simm.s32 @!p2 $0x0  }
0x16: {  	s3 =	sld [smem:$0x3FDB];
	s0 =	simm.s32 @p2 $0x1  }
0x17: {  	s4 =	simm.s32 $0x1BF5;
	[smem:$0x3FB2] =	sst s0  }
0x18: {  	s0 =	sld [smem:$0x3F95];
	_ =	swait.ge [sflag:s4], $0x0  }
0x19: {  	s7 =	sld [smem:$0x3F96]  }
0x1a: {  	s8 =	sadd.s32 $0xFFFFE003, lr  }
0x1b: {  	s9 =	sadd.s32 $0xFFFFFEF7, lr;
	s5 =	simm.s32 $0xFFFFFFFF;
	p2 =	slt.u32 s8, $0xFFFFF086  }
0x1c: {  	p1 =	slt.u32 s9, $0xF7A;
	s5 =	simm.s32 @!p2 $0x0  }
0x1d: {  	s5 =	simm.s32 @p1 $0x1;
	p0 =	seq.s32 s7, s2  }
0x1e: {  	s7 =	smul.u32 @!p0 $0xF7A, s2;
	p2 =	seq.s32 @!p0 s5, $0x0  }
0x1f: {  	s9 =	smul.u32 $0xF7A, s1;
	s8 =	simm.s32 @!p0 $0x1BF5;
	p2 =	por !p2, p0  }
0x20: {  	[sflag:s8] =	ssyncset.s32 @!p0 $0xFFFFF086;
	s6 =	sadd.s32 @!p0 s3, s7;
	s7 =	simm.s32 @!p0 $0x108  }
0x21: {  	s3 =	sadd.s32 s3, s9;
	s6 =	sadd.s32 @!p0 $0x88, s6;
	s7 =	simm.s32 @p2 $0x1082  }
0x22: {  	[simem:s7], [sflag:s8] =	dma.local @!p0 [hbm:s6], $0xF7A  }
0x23: {  	s9 =	sor.u32 $0xD0000000, s2;
	s6 =	simm.s32 $0x108;
	_ =	swait.ge @!p0 [sflag:s8], $0x0  }
0x24: {  	s3 =	sadd.s32 $0x88, s3;
	s6 =	simm.s32 @!p1 $0x1082;
	[sflag:s4] =	ssyncset.s32 $0xFFFFF086  }
0x25: {  	[simem:s6], [sflag:s4] =	dma.local [hbm:s3], $0xF7A  }
0x26: {  	[smem:$0x3F96] =	sst s1;
	(tag) =	ssettag s2;
	_ =	strace s9  }
0x27: {  	s1 =	sld [smem:$0x3FA6]  }
0x28: {  	s2 =	sld [smem:$0x3FA7]  }
0x29: {  	s4 =	sld [smem:$0x3FA9]  }
0x2a: {  	p0 =	seq.s32 s5, $0x0;
	s5 =	sld [smem:$0x3FAA]  }
0x2b: {  	s6 =	sld [smem:$0x3FAB]  }
0x2c: {  	s7 =	sld [smem:$0x3FAC]  }
0x2d: {  	s3 =	simm.s32 $0x108;
	s8 =	sld [smem:$0x3FAD]  }
0x2e: {  	s3 =	simm.s32 @!p0 $0x1082;
	s9 =	sld [smem:$0x3FAE]  }
0x2f: {  	lr =	sadd.s32 s0, s3;
	s0 =	sld [smem:$0x3FA5]  }
0x30: {  	s3 =	sld [smem:$0x3FA8]  }
0x31: {  	[smem:$0x3FB1] =	sst s10  }
0x32: {  	s10 =	sld [smem:$0x3FAF];
	_ =	sdelay $0x3  }
0x33: {  	p0 =	seq.s32 s10, $0x1;
	s10 =	sld [smem:$0x3FB1];
	_ =	sdelay $0x3  }
0x34: {  	[smem:$0x3FB1] =	sst s10  }
0x35: {  	s10 =	sld [smem:$0x3FB0];
	_ =	sdelay $0x3  }
0x36: {  	p1 =	seq.s32 s10, $0x1;
	s10 =	sld [smem:$0x3FB1];
	_ =	sdelay $0x3  }
0x37: {  	[smem:$0x3FB1] =	sst s10  }
0x38: {  	s10 =	sld [smem:$0x3FB2]  }
0x39: {  	_ = 	snop;
	(pc) =	sbr.ind lr, $3  }
0x3a: {  	_ = 	snop  }
0x3b: {  	_ = 	snop  }
0x3c: {  	p2 =	seq.s32 s10, $0x1;
	s10 =	sld [smem:$0x3FB1]  }
0x3d: {  	_ =	shalt  }
0x3e: {  	_ =	shalt  }
0x3f: {  	_ =	shalt  }
0x40: {  	_ =	shalt  }
0x41: {  	_ =	shalt  }
0x42: {  	_ =	shalt  }
0x43: {  	_ =	shalt  }
0x44: {  	_ =	shalt  }
0x45: {  	_ =	shalt  }
0x46: {  	_ =	shalt  }
0x47: {  	_ =	shalt  }
0x48: {  	_ =	shalt  }
0x49: {  	_ =	shalt  }
0x4a: {  	_ =	shalt  }
0x4b: {  	_ =	shalt  }
0x4c: {  	_ =	shalt  }
0x4d: {  	_ =	shalt  }
0x4e: {  	_ =	shalt  }
0x4f: {  	_ =	shalt  }
0x50: {  	_ =	shalt  }
0x51: {  	_ =	shalt  }
0x52: {  	_ =	shalt  }
0x53: {  	_ =	shalt  }
0x54: {  	_ =	shalt  }
0x55: {  	_ =	shalt  }
0x56: {  	_ =	shalt  }
0x57: {  	_ =	shalt  }
0x58: {  	_ =	shalt  }
0x59: {  	_ =	shalt  }
0x5a: {  	_ =	shalt  }
0x5b: {  	_ =	shalt  }
0x5c: {  	_ =	shalt  }
0x5d: {  	_ =	shalt  }
0x5e: {  	_ =	shalt  }
0x5f: {  	_ =	shalt  }
0x60: {  	_ =	shalt  }
0x61: {  	_ =	shalt  }
0x62: {  	_ =	shalt  }
0x63: {  	_ =	shalt  }
0x64: {  	_ =	shalt  }
0x65: {  	_ =	shalt  }
0x66: {  	_ =	shalt  }
0x67: {  	_ =	shalt  }
0x68: {  	_ =	shalt  }
0x69: {  	_ =	shalt  }
0x6a: {  	_ =	shalt  }
0x6b: {  	_ =	shalt  }
0x6c: {  	_ =	shalt  }
0x6d: {  	_ =	shalt  }
0x6e: {  	_ =	shalt  }
0x6f: {  	_ =	shalt  }
0x70: {  	_ =	shalt  }
0x71: {  	_ =	shalt  }
0x72: {  	_ =	shalt  }
0x73: {  	_ =	shalt  }
0x74: {  	_ =	shalt  }
0x75: {  	_ =	shalt  }
0x76: {  	_ =	shalt  }
0x77: {  	_ =	shalt  }
0x78: {  	_ =	shalt  }
0x79: {  	_ =	shalt  }
0x7a: {  	_ =	shalt  }
0x7b: {  	_ =	shalt  }
0x7c: {  	_ =	shalt  }
0x7d: {  	_ =	shalt  }
0x7e: {  	_ =	shalt  }
0x7f: {  	_ =	shalt  }
0x80: {  	_ =	shalt  }
0x81: {  	_ =	shalt  }
0x82: {  	_ =	shalt  }
0x83: {  	_ =	shalt  }
0x84: {  	_ =	shalt  }
0x85: {  	_ =	shalt  }
0x86: {  	_ =	shalt  }
0x87: {  	_ =	shalt  }
.Lfunc_end0:
.L_simem_size_0:
called_computation.1_lowered:
.L_overlay_start_0:
0x88: {  	s2 =	sld [smem:$0x3FD9]  }
0x89: {  	s3 =	sld [smem:$0x3FFE];
	_ =	sdelay $0x1  }
0x8a: {  	s1 =	srdreg.scid  }
0x8b: {  	s0 =	sand.u32 $0x1, s1  }
0x8c: {  	s16 =	sshll.u32 s0, $0xA;
	s2 =	sadd.s32 s3, s2  }
0x8d: {  	s2 =	sadd.s32 s2, s16  }
0x8e: {  	[smem:$0x3FBD] =	sst s2  }
0x8f: {  	_ = 	snop  }
0x90: {  	(tm) =	ssettm $0x1  }
0x91: {  	s17 =	sld [smem:$0x3FFB];
	_ =	sdelay $0x3  }
0x92: {  	_ =	strace s17  }
0x93: {  	s2 =	sld [smem:$0x3FFC];
	_ =	sdelay $0x3  }
0x94: {  	_ =	strace s2  }
0x95: {  	s2 =	sld [smem:$0x3FFD];
	_ =	sdelay $0x3  }
0x96: {  	_ =	strace s2  }
0x97: {  	_ =	strace $0x8FFFFFFF  }
0x98: {  	s18 =	sld [smem:$0x3FDB];
	_ =	sdelay $0x1  }
0x99: {  	s19 =	simm.s32 $_scs_section_size  }
0x9a: {  	s4 =	simm.s32 $_size__tile_overlayer_lowered;
	s5 =	simm.s32 $_tile_overlayer_lowered  }
0x9b: {  	s22 =	simm.s32 $0x1BFF;
	s21 =	sshll.u32 s5, $0x1;
	s2 =	sadd.s32 s19, s18  }
0x9c: {  	s6 =	simm.s32 $0x0;
	s20 =	sshll.u32 s4, $0x1;
	s4 =	sadd.s32 s21, s2  }
0x9d: {  	[timem:s6], [sflag:s22] =	dma.local [hbm:s4], s20  }
0x9e: {  	_ =	swait.ge [sflag:s22], s20  }
0x9f: {  	s3 =	ssub.s32 $0x0, s20;
	[sflag:s22] =	ssyncset.done $0x0  }
0xa0: {  	[sflag:s22] =	ssyncadd.s32 s3;
	_ =	sdelay $0x1  }
0xa1: {  	s23 =	simm.s32 $0x1B8B  }
0xa2: {  	_ =	swait.ge [sflag:s23], $0x1  }
0xa3: {  	[sflag:s23] =	ssyncset.done $0x0  }
0xa4: {  	s25 =	simm.s32 $0x1B8E;
	s24 =	sld [smem:$0x3FFE];
	[sflag:s23] =	ssyncadd.s32 $0xFFFFFFFF  }
0xa5: {  	s26 =	simm.s32 $execute0_lowered;
	[smem:$0x3FD2] =	sst s25  }
0xa6: {  	s4 =	sshll.u32 s26, $0x1;
	_ =	strace $0x80000049;
	[dreg:$0x1] =	wrdreg $0xFFFFFFFF  }
0xa7: {  	s28 =	simm.s32 $_size_execute0_lowered;
	s2 =	sadd.s32 s2, s4;
	[dreg:$0x0] =	wrdreg $0x0  }
0xa8: {  	s4 =	sshll.u32 s28, $0x1;
	[dreg:$0x2] =	wrdreg s2  }
0xa9: {  	[dreg:$0x3] =	wrdreg s4  }
0xaa: {  	[dreg:$0x4] =	wrdreg $0xC0  }
0xab: {  	_ =	task [dreg:s6], $0x5FFFF  }
0xac: {  	[dreg:$0x1] =	wrdreg $0xFFFFFFFF  }
0xad: {  	[dreg:$0x0] =	wrdreg $0x60  }
0xae: {  	[dreg:$0x2] =	wrdreg s24  }
0xaf: {  	[dreg:$0x3] =	wrdreg $0xA8000  }
0xb0: {  	[dreg:$0x4] =	wrdreg $0x9  }
0xb1: {  	_ =	task.clear_ibuf [dreg:s6], $0x5FFFF;
	_ =	strace $0x90000049  }
0xb2: {  	s29 =	simm.s32 $0x9;
	_ =	strace $0x8000004B  }
0xb3: {  	_ =	swait.ge [sflag:s29], $0x1  }
0xb4: {  	[sflag:s29] =	ssyncadd.s32 $0xFFFFFFFF  }
0xb5: {  	_ =	strace $0x9000004B  }
0xb6: {  	_ =	sfence  }
0xb7: {  	s30 =	sld [smem:$0x0];
	_ =	sdelay $0x2  }
0xb8: {  	s31 =	sshll.u32 s1, $0xD;
	s1 =	sshrl.u32 s1, $0x2  }
0xb9: {  	s3 =	sand.u32 $0x4000, s31;
	s1 =	sadd.s32 s1, s30  }
0xba: {  	s0 =	sor.u32 s3, s0;
	s1 =	sshll.u32 s1, $0x11  }
0xbb: {  	s0 =	sor.u32 s1, s0  }
0xbc: {  	s0 =	sadd.s32 $0x8F2B, s0  }
0xbd: {  	[sflag:s0] =	ssyncadd.remote.s32 $0x1  }
0xbe: {  	_ =	sfence.sel $0xFFFF  }
0xbf: {  	[dreg:$0x0] =	wrdreg $0xFFFFFFFF;
	(pc) =	sbr.abs _section_cstart, $3  }
0xc0: {  	[dreg:$0x1] =	wrdreg $0xFFFFFFFF  }
0xc1: {  	_ =	task.clear_ibuf [dreg:s6], $0x2FFFF;
	_ =	strace $0x9FFFFFFF  }
0xc2: {  	(tm) =	ssettm $0x7FFFFFFF  }
0xc3: {  	_ =	shalt  }
tec
execute0_lowered:
.L_overlay_start_1:
0x0: {  	(tag) =	ssettag $0x1  }
0x1: {  	s5 =	rddreg [dreg:$0x0]  }
0x2: {  	s2 =	rddreg [dreg:$0x1]  }
0x3: {  	s0 =	rddreg [dreg:$0x2];
	s3 =	simm.s32 $0x0;
	s1 =	stileid.u32  }
0x4: {  	s4 =	srdreg.scid;
	s16 =	simm.s32 $0x6800;
	s17 =	simm.s32 $0x1400  }
0x5: {  	s18 =	simm.s32 $0x3;
	s19 =	simm.s32 $0x80;
	s20 =	simm.s32 $0x1  }
0x6: {  	s21 =	simm.s32 $0x4;
	s22 =	simm.s32 $0x2;
	[smem:$0x7FF] =	sst s3  }
0x7: {  	s6 =	smul.u32 $0x14000, s1;
	s7 =	sand.u32 $0x1, s4;
	s11 =	sadd.s32 $0x39200, s5  }
0x8: {  	s12 =	sadd.s32 $0x43200, s5;
	s4 =	sadd.s32 $0x9200, s5;
	s23 =	sshll.u32 s1, $0x1  }
0x9: {  	s10 =	smul.u32 $0x50000, s1;
	s30 =	sshll.u32 s1, $0x6;
	_ =	strace $0x8000004A  }
0xa: {  	s8 =	smul.u32 $0x140000, s7;
	s24 =	ssub.s32 $0x2, s7;
	s25 =	sor.u32 s7, s23  }
0xb: {  	s23 =	simm.s32 $0x0;
	s9 =	sshrl.u32 s6, $0x3;
	s26 =	sshrl.u32 s24, $0x1  }
0xc: {  	s28 =	sshrl.u32 s10, $0x2;
	s29 =	smul.u32 $0x2800, s25;
	s9 =	sadd.s32 s9, s5  }
0xd: {  	s6 =	sadd.s32 s6, s8;
	s14 =	ssub.s32 s24, s26;
	s15 =	sadd.s32 s28, s2  }
0xe: {  	s6 =	sshrl.u32 s6, $0x3;
	s10 =	sshrl.u32 s29, $0x3;
	s8 =	smax.u32 s14, $0x1  }
0xf: {  	s14 =	simm.s32 $0x5;
	s13 =	sadd.s32 s6, s5;
	s5 =	sadd.s32 $0x4D200, s9  }
0x10: {  	s6 =	sor.u32 $0x1C05, s30;
	s31 =	sadd.s32 $0x280, s10;
	s9 =	sadd.s32 s11, s10  }
0x11: {  	s10 =	sadd.s32 s12, s10;
	s7 =	sadd.s32 $0x75200, s13;
	s11 =	sadd.s32 s11, s31  }
0x12: {  	s12 =	sadd.s32 s12, s31;
	s13 =	sshrl.u32 s15, $0x3;
	s15 =	simm.s32 $0x2800  }
.LBB2_1:
0x13: {  	[spmem:s13], [sflag:s6] =	dma.local [hbm:s5], $0x2800  }
0x14: {  	_ =	swait.ge [sflag:s14], $0x2800  }
0x15: {  	[sflag:s14] =	ssyncset.done $0x0  }
0x16: {  	[sflag:s14] =	ssyncadd.s32 $0xFFFFD800  }
0x17: {  	[tilespmem:s15], [sflag:$0x3] =	stream.linear.gather [hbm4b:s4+s3], $0x4000, $0x38;
	[tilespmem:$0x1E800] =	vst v63  }
0x18: {  	_ = 	snop  }
0x19: {  	[tilespmem:s16], [sflag:$0x4] =	stream.linear.gather [hbm4b:s4+s3], $0x4000, $0x38;
	[tilespmem:$0x1E800] =	vst v63  }
0x1a: {  	[bflag:$0x0] =	sbarrier.arrive $0xFFFF  }
0x1b: {  	[tilespmem:s3], [sflag:$0x5] =	stream.linear.gather [hbm4b:s9+s3], $0x1400, $0x38;
	[tilespmem:$0x1E800] =	vst v63  }
0x1c: {  	_ =	swait.ge [sflag:s14], $0x1400  }
0x1d: {  	[sflag:s14] =	ssyncset.done $0x0  }
0x1e: {  	[sflag:s14] =	ssyncadd.s32 $0xFFFFEC00  }
0x1f: {  	[tilespmem:s17], [sflag:$0x5] =	stream.linear.gather [hbm4b:s10+s3], $0x1400, $0x38;
	[tilespmem:$0x1E800] =	vst v63  }
0x20: {  	_ =	swait.ge [sflag:s14], $0x1400  }
0x21: {  	[sflag:s14] =	ssyncset.done $0x0  }
0x22: {  	[sflag:s14] =	ssyncadd.s32 $0xFFFFEC00  }
0x23: {  	_ =	swait.ge [sflag:s18], $0x4000  }
0x24: {  	[sflag:s18] =	ssyncset.done $0x0  }
0x25: {  	s24 =	simm.s32 $0x0;
	[sflag:s18] =	ssyncadd.s32 $0xFFFFC000  }
0x26: {  	[tilespmem:s15], [sflag:$0x1] =	stream.indirect.gather [hbm4b:s4+s19], $0x80, s24, s19, $0xb8;
	[tilespmem:$0x1E800] =	vst v63  }
0x27: {  	_ =	swait.ge [sflag:s20], $0x4000  }
0x28: {  	[sflag:s20] =	ssyncset.done $0x0  }
0x29: {  	s30 =	simm.s32 $0x1400;
	[sflag:s20] =	ssyncadd.s32 $0xFFFFC000  }
0x2a: {  	[spmem:s2] =	stream.indirect.scatter.add.f32 [tilespmem:s15], [sflag:$0x3], $0x80, s30, s19, $0xb8;
	[tilespmem:$0x1E800] =	vst v63  }
0x2b: {  	_ =	swait.ge [sflag:s21], $0x4000  }
0x2c: {  	[sflag:s21] =	ssyncset.done $0x0  }
0x2d: {  	s31 =	simm.s32 $0x80;
	[sflag:s21] =	ssyncadd.s32 $0xFFFFC000  }
0x2e: {  	[tilespmem:s16], [sflag:$0x2] =	stream.indirect.gather [hbm4b:s4+s19], $0x80, s31, s19, $0xb8;
	[tilespmem:$0x1E800] =	vst v63  }
0x2f: {  	_ =	swait.ge [sflag:s22], $0x4000  }
0x30: {  	[sflag:s22] =	ssyncset.done $0x0  }
0x31: {  	s25 =	simm.s32 $0x1480;
	s24 =	simm.s32 $0x400;
	[sflag:s22] =	ssyncadd.s32 $0xFFFFC000  }
.LBB2_2:
0x32: {  	[spmem:s2] =	stream.indirect.scatter.add.f32 [tilespmem:s16], [sflag:$0x4], $0x80, s25, s19, $0xb8;
	[tilespmem:$0x1E800] =	vst v63  }
0x33: {  	s25 =	smov.u32 s24  }
0x34: {  	p0 =	sne.s32 s24, $0x4C00;
	s24 =	sadd.s32 $0x400, s24;
	_ =	swait.ge [sflag:s18], $0x4000  }
0x35: {  	[sflag:s18] =	ssyncset.done $0x0  }
0x36: {  	s25 =	sshra.s32 s25, $0x2;
	[sflag:s18] =	ssyncadd.s32 $0xFFFFC000  }
0x37: {  	[tilespmem:s15], [sflag:$0x1] =	stream.indirect.gather [hbm4b:s4+s19], $0x80, s25, s19, $0xb8;
	[tilespmem:$0x1E800] =	vst v63  }
0x38: {  	_ =	swait.ge [sflag:s20], $0x4000  }
0x39: {  	[sflag:s20] =	ssyncset.done $0x0  }
0x3a: {  	s26 =	sadd.s32 $0x1400, s25;
	[sflag:s20] =	ssyncadd.s32 $0xFFFFC000  }
0x3b: {  	[spmem:s2] =	stream.indirect.scatter.add.f32 [tilespmem:s15], [sflag:$0x3], $0x80, s26, s19, $0xb8;
	[tilespmem:$0x1E800] =	vst v63  }
0x3c: {  	_ =	swait.ge [sflag:s21], $0x4000  }
0x3d: {  	[sflag:s21] =	ssyncset.done $0x0  }
.Ltmp0:
0x3e: {  	s26 =	sadd.s32 $0x80, s25;
	[sflag:s21] =	ssyncadd.s32 $0xFFFFC000;
	(pc) =	sbr.rel @p0 .LBB2_2-.Ltmp0, $4  }
0x3f: {  	[tilespmem:s16], [sflag:$0x2] =	stream.indirect.gather [hbm4b:s4+s19], $0x80, s26, s19, $0xb8;
	[tilespmem:$0x1E800] =	vst v63  }
0x40: {  	_ =	swait.ge [sflag:s22], $0x4000  }
0x41: {  	[sflag:s22] =	ssyncset.done $0x0  }
0x42: {  	s25 =	sadd.s32 $0x1480, s25;
	[sflag:s22] =	ssyncadd.s32 $0xFFFFC000  }
0x43: {  	[spmem:s2] =	stream.indirect.scatter.add.f32 [tilespmem:s16], [sflag:$0x4], $0x80, s25, s19, $0xb8;
	[tilespmem:$0x1E800] =	vst v63  }
0x44: {  	s24 =	simm.s32 $0x0  }
0x45: {  	[tilespmem:s24], [sflag:$0x5] =	stream.linear.gather [hbm4b:s11+s24], $0x1400, $0x38;
	[tilespmem:$0x1E800] =	vst v63  }
0x46: {  	_ =	swait.ge [sflag:s14], $0x1400  }
0x47: {  	[sflag:s14] =	ssyncset.done $0x0  }
0x48: {  	[sflag:s14] =	ssyncadd.s32 $0xFFFFEC00  }
0x49: {  	[tilespmem:s17], [sflag:$0x5] =	stream.linear.gather [hbm4b:s12+s24], $0x1400, $0x38;
	[tilespmem:$0x1E800] =	vst v63  }
0x4a: {  	_ =	swait.ge [sflag:s14], $0x1400  }
0x4b: {  	[sflag:s14] =	ssyncset.done $0x0  }
0x4c: {  	[sflag:s14] =	ssyncadd.s32 $0xFFFFEC00  }
0x4d: {  	_ =	swait.ge [sflag:s18], $0x4000  }
0x4e: {  	[sflag:s18] =	ssyncset.done $0x0  }
0x4f: {  	s29 =	simm.s32 $0x0;
	[sflag:s18] =	ssyncadd.s32 $0xFFFFC000  }
0x50: {  	[tilespmem:s15], [sflag:$0x1] =	stream.indirect.gather [hbm4b:s4+s19], $0x80, s29, s19, $0xb8;
	[tilespmem:$0x1E800] =	vst v63  }
0x51: {  	_ =	swait.ge [sflag:s20], $0x4000  }
0x52: {  	[sflag:s20] =	ssyncset.done $0x0  }
0x53: {  	s30 =	simm.s32 $0x1400;
	[sflag:s20] =	ssyncadd.s32 $0xFFFFC000  }
0x54: {  	[spmem:s2] =	stream.indirect.scatter.add.f32 [tilespmem:s15], [sflag:$0x3], $0x80, s30, s19, $0xb8;
	[tilespmem:$0x1E800] =	vst v63  }
0x55: {  	_ =	swait.ge [sflag:s21], $0x4000  }
0x56: {  	[sflag:s21] =	ssyncset.done $0x0  }
0x57: {  	s31 =	simm.s32 $0x80;
	[sflag:s21] =	ssyncadd.s32 $0xFFFFC000  }
0x58: {  	[tilespmem:s16], [sflag:$0x2] =	stream.indirect.gather [hbm4b:s4+s19], $0x80, s31, s19, $0xb8;
	[tilespmem:$0x1E800] =	vst v63  }
0x59: {  	_ =	swait.ge [sflag:s22], $0x4000  }
0x5a: {  	[sflag:s22] =	ssyncset.done $0x0  }
0x5b: {  	s25 =	simm.s32 $0x1480;
	s24 =	simm.s32 $0x400;
	[sflag:s22] =	ssyncadd.s32 $0xFFFFC000  }
.LBB2_4:
0x5c: {  	[spmem:s2] =	stream.indirect.scatter.add.f32 [tilespmem:s16], [sflag:$0x4], $0x80, s25, s19, $0xb8;
	[tilespmem:$0x1E800] =	vst v63  }
0x5d: {  	s25 =	smov.u32 s24  }
0x5e: {  	p0 =	sne.s32 s24, $0x4C00;
	s24 =	sadd.s32 $0x400, s24;
	_ =	swait.ge [sflag:s18], $0x4000  }
0x5f: {  	[sflag:s18] =	ssyncset.done $0x0  }
0x60: {  	s25 =	sshra.s32 s25, $0x2;
	[sflag:s18] =	ssyncadd.s32 $0xFFFFC000  }
0x61: {  	[tilespmem:s15], [sflag:$0x1] =	stream.indirect.gather [hbm4b:s4+s19], $0x80, s25, s19, $0xb8;
	[tilespmem:$0x1E800] =	vst v63  }
0x62: {  	_ =	swait.ge [sflag:s20], $0x4000  }
0x63: {  	[sflag:s20] =	ssyncset.done $0x0  }
0x64: {  	s26 =	sadd.s32 $0x1400, s25;
	[sflag:s20] =	ssyncadd.s32 $0xFFFFC000  }
0x65: {  	[spmem:s2] =	stream.indirect.scatter.add.f32 [tilespmem:s15], [sflag:$0x3], $0x80, s26, s19, $0xb8;
	[tilespmem:$0x1E800] =	vst v63  }
0x66: {  	_ =	swait.ge [sflag:s21], $0x4000  }
0x67: {  	[sflag:s21] =	ssyncset.done $0x0  }
.Ltmp1:
0x68: {  	s26 =	sadd.s32 $0x80, s25;
	[sflag:s21] =	ssyncadd.s32 $0xFFFFC000;
	(pc) =	sbr.rel @p0 .LBB2_4-.Ltmp1, $4  }
0x69: {  	[tilespmem:s16], [sflag:$0x2] =	stream.indirect.gather [hbm4b:s4+s19], $0x80, s26, s19, $0xb8;
	[tilespmem:$0x1E800] =	vst v63  }
0x6a: {  	_ =	swait.ge [sflag:s22], $0x4000  }
0x6b: {  	[sflag:s22] =	ssyncset.done $0x0  }
0x6c: {  	s25 =	sadd.s32 $0x1480, s25;
	[sflag:s22] =	ssyncadd.s32 $0xFFFFC000  }
0x6d: {  	[spmem:s2] =	stream.indirect.scatter.add.f32 [tilespmem:s16], [sflag:$0x4], $0x80, s25, s19, $0xb8;
	[tilespmem:$0x1E800] =	vst v63  }
0x6e: {  	_ =	swait.ge [sflag:s18], $0x4000  }
0x6f: {  	[sflag:s18] =	ssyncset.done $0x0  }
0x70: {  	[sflag:s18] =	ssyncadd.s32 $0xFFFFC000  }
0x71: {  	_ =	swait.ge [sflag:s21], $0x4000  }
0x72: {  	s23 =	sadd.s32 $0x1, s23;
	[sflag:s21] =	ssyncset.done $0x0  }
0x73: {  	p0 =	sne.s32 s23, s8;
	[sflag:s21] =	ssyncadd.s32 $0xFFFFC000  }
.Ltmp2:
0x74: {  	[bflag:$0x0] =	sbarrier.arrive $0xFFFF;
	(pc) =	sbr.rel @p0 .LBB2_1-.Ltmp2, $4  }
0x75: {  	[hbm:s7], [sflag:s6] =	dma.local [spmem:s13], $0x2800  }
0x76: {  	_ =	swait.ge [sflag:s14], $0x2800  }
0x77: {  	[sflag:s14] =	ssyncset.done $0x0  }
0x78: {  	[sflag:s14] =	ssyncadd.s32 $0xFFFFD800  }
0x79: {  	_ =	sfence.sel $0x180000  }
0x7a: {  	[bflag:$0x0] =	sbarrier.arrive $0xFFFF  }
0x7b: {  	p0 =	sne.s32 s1, $0x0;
	_ =	strace $0x9000004A  }
0x7c: {  	s0 =	sadd.s32 @!p0 $0x100000, s0;
	[bflag:$0x2] =	sbarrier.arrive $0xFFFF  }
0x7d: {  	[sflag:s0] =	ssyncadd.tile.s32 @!p0 $0x1;
	_ =	shalt  }
.Lfunc_end2:
_tile_overlayer_lowered:
.L_overlay_start_2:
0x7e: {  	(tag) =	ssettag $0x2  }
0x7f: {  	s0 =	rddreg [dreg:$0x0];
	s2 =	stileid.u32  }
0x80: {  	s1 =	rddreg [dreg:$0x1];
	p0 =	sne.s32 s2, $0x0  }
0x81: {  	s3 =	rddreg [dreg:$0x2];
	[bflag:$0x3] =	sbarrier.arrive $0xFFFF;
	s2 =	simm.s32 @!p0 $0x1C05  }
0x82: {  	[timem:s3], [sflag:s2] =	dma.local @!p0 [hbm:s0], s1  }
0x83: {  	s0 =	simm.s32 @!p0 $0x5  }
0x84: {  	_ =	swait.ge @!p0 [sflag:s0], s1  }
0x85: {  	s1 =	ssub.s32 @!p0 $0x0, s1;
	[sflag:s0] =	ssyncset.done @!p0 $0x0  }
0x86: {  	[sflag:s0] =	ssyncadd.s32 @!p0 s1  }
0x87: {  	[bflag:$0x3] =	sbarrier.arrive $0xFFFF  }
0x88: {  	_ =	shalt  }

// kernel: kernel.31.cloned.1.call-start
scs
__scs_entry_jumppad:
0x0: {  	(pc) =	sbr.rel $0x88, $3  }
0x1: {  	(tag) =	ssettag $0x0;
	lr =	simm.s32 $0x1  }
0x2: {  	[smem:$0x3F96] =	sst lr;
	_ =	strace $0xD0000000  }
0x3: {  	_ = 	snop  }
0x4: {  	_ = 	snop  }
0x5: {  	_ = 	snop  }
0x6: {  	_ = 	snop  }
0x7: {  	_ = 	snop  }
__scs_overlays_trampoline_lowered:
0x8: {  	[smem:$0x3FA5] =	sst s0  }
0x9: {  	[smem:$0x3FA6] =	sst s1  }
0xa: {  	[smem:$0x3FA7] =	sst s2  }
0xb: {  	[smem:$0x3FA8] =	sst s3  }
0xc: {  	[smem:$0x3FA9] =	sst s4  }
0xd: {  	[smem:$0x3FAA] =	sst s5  }
0xe: {  	[smem:$0x3FAB] =	sst s6  }
0xf: {  	[smem:$0x3FAC] =	sst s7  }
0x10: {  	[smem:$0x3FAD] =	sst s8  }
0x11: {  	[smem:$0x3FAE] =	sst s9;
	s0 =	simm.s32 @!p0 $0x0  }
0x12: {  	s1 =	sld [smem:$0x3F94];
	s0 =	simm.s32 @p0 $0x1  }
0x13: {  	[smem:$0x3FAF] =	sst s0;
	s0 =	simm.s32 @!p1 $0x0  }
0x14: {  	s2 =	sld [smem:$0x3F93];
	s0 =	simm.s32 @p1 $0x1  }
0x15: {  	[smem:$0x3FB0] =	sst s0;
	s0 =	simm.s32 @!p2 $0x0  }
0x16: {  	s3 =	sld [smem:$0x3FDB];
	s0 =	simm.s32 @p2 $0x1  }
0x17: {  	s4 =	simm.s32 $0x1BF5;
	[smem:$0x3FB2] =	sst s0  }
0x18: {  	s0 =	sld [smem:$0x3F95];
	_ =	swait.ge [sflag:s4], $0x0  }
0x19: {  	s7 =	sld [smem:$0x3F96]  }
0x1a: {  	s8 =	sadd.s32 $0xFFFFE003, lr  }
0x1b: {  	s9 =	sadd.s32 $0xFFFFFEF7, lr;
	s5 =	simm.s32 $0xFFFFFFFF;
	p2 =	slt.u32 s8, $0xFFFFF086  }
0x1c: {  	p1 =	slt.u32 s9, $0xF7A;
	s5 =	simm.s32 @!p2 $0x0  }
0x1d: {  	s5 =	simm.s32 @p1 $0x1;
	p0 =	seq.s32 s7, s2  }
0x1e: {  	s7 =	smul.u32 @!p0 $0xF7A, s2;
	p2 =	seq.s32 @!p0 s5, $0x0  }
0x1f: {  	s9 =	smul.u32 $0xF7A, s1;
	s8 =	simm.s32 @!p0 $0x1BF5;
	p2 =	por !p2, p0  }
0x20: {  	[sflag:s8] =	ssyncset.s32 @!p0 $0xFFFFF086;
	s6 =	sadd.s32 @!p0 s3, s7;
	s7 =	simm.s32 @!p0 $0x108  }
0x21: {  	s3 =	sadd.s32 s3, s9;
	s6 =	sadd.s32 @!p0 $0x88, s6;
	s7 =	simm.s32 @p2 $0x1082  }
0x22: {  	[simem:s7], [sflag:s8] =	dma.local @!p0 [hbm:s6], $0xF7A  }
0x23: {  	s9 =	sor.u32 $0xD0000000, s2;
	s6 =	simm.s32 $0x108;
	_ =	swait.ge @!p0 [sflag:s8], $0x0  }
0x24: {  	s3 =	sadd.s32 $0x88, s3;
	s6 =	simm.s32 @!p1 $0x1082;
	[sflag:s4] =	ssyncset.s32 $0xFFFFF086  }
0x25: {  	[simem:s6], [sflag:s4] =	dma.local [hbm:s3], $0xF7A  }
0x26: {  	[smem:$0x3F96] =	sst s1;
	(tag) =	ssettag s2;
	_ =	strace s9  }
0x27: {  	s1 =	sld [smem:$0x3FA6]  }
0x28: {  	s2 =	sld [smem:$0x3FA7]  }
0x29: {  	s4 =	sld [smem:$0x3FA9]  }
0x2a: {  	p0 =	seq.s32 s5, $0x0;
	s5 =	sld [smem:$0x3FAA]  }
0x2b: {  	s6 =	sld [smem:$0x3FAB]  }
0x2c: {  	s7 =	sld [smem:$0x3FAC]  }
0x2d: {  	s3 =	simm.s32 $0x108;
	s8 =	sld [smem:$0x3FAD]  }
0x2e: {  	s3 =	simm.s32 @!p0 $0x1082;
	s9 =	sld [smem:$0x3FAE]  }
0x2f: {  	lr =	sadd.s32 s0, s3;
	s0 =	sld [smem:$0x3FA5]  }
0x30: {  	s3 =	sld [smem:$0x3FA8]  }
0x31: {  	[smem:$0x3FB1] =	sst s10  }
0x32: {  	s10 =	sld [smem:$0x3FAF];
	_ =	sdelay $0x3  }
0x33: {  	p0 =	seq.s32 s10, $0x1;
	s10 =	sld [smem:$0x3FB1];
	_ =	sdelay $0x3  }
0x34: {  	[smem:$0x3FB1] =	sst s10  }
0x35: {  	s10 =	sld [smem:$0x3FB0];
	_ =	sdelay $0x3  }
0x36: {  	p1 =	seq.s32 s10, $0x1;
	s10 =	sld [smem:$0x3FB1];
	_ =	sdelay $0x3  }
0x37: {  	[smem:$0x3FB1] =	sst s10  }
0x38: {  	s10 =	sld [smem:$0x3FB2]  }
0x39: {  	_ = 	snop;
	(pc) =	sbr.ind lr, $3  }
0x3a: {  	_ = 	snop  }
0x3b: {  	_ = 	snop  }
0x3c: {  	p2 =	seq.s32 s10, $0x1;
	s10 =	sld [smem:$0x3FB1]  }
0x3d: {  	_ =	shalt  }
0x3e: {  	_ =	shalt  }
0x3f: {  	_ =	shalt  }
0x40: {  	_ =	shalt  }
0x41: {  	_ =	shalt  }
0x42: {  	_ =	shalt  }
0x43: {  	_ =	shalt  }
0x44: {  	_ =	shalt  }
0x45: {  	_ =	shalt  }
0x46: {  	_ =	shalt  }
0x47: {  	_ =	shalt  }
0x48: {  	_ =	shalt  }
0x49: {  	_ =	shalt  }
0x4a: {  	_ =	shalt  }
0x4b: {  	_ =	shalt  }
0x4c: {  	_ =	shalt  }
0x4d: {  	_ =	shalt  }
0x4e: {  	_ =	shalt  }
0x4f: {  	_ =	shalt  }
0x50: {  	_ =	shalt  }
0x51: {  	_ =	shalt  }
0x52: {  	_ =	shalt  }
0x53: {  	_ =	shalt  }
0x54: {  	_ =	shalt  }
0x55: {  	_ =	shalt  }
0x56: {  	_ =	shalt  }
0x57: {  	_ =	shalt  }
0x58: {  	_ =	shalt  }
0x59: {  	_ =	shalt  }
0x5a: {  	_ =	shalt  }
0x5b: {  	_ =	shalt  }
0x5c: {  	_ =	shalt  }
0x5d: {  	_ =	shalt  }
0x5e: {  	_ =	shalt  }
0x5f: {  	_ =	shalt  }
0x60: {  	_ =	shalt  }
0x61: {  	_ =	shalt  }
0x62: {  	_ =	shalt  }
0x63: {  	_ =	shalt  }
0x64: {  	_ =	shalt  }
0x65: {  	_ =	shalt  }
0x66: {  	_ =	shalt  }
0x67: {  	_ =	shalt  }
0x68: {  	_ =	shalt  }
0x69: {  	_ =	shalt  }
0x6a: {  	_ =	shalt  }
0x6b: {  	_ =	shalt  }
0x6c: {  	_ =	shalt  }
0x6d: {  	_ =	shalt  }
0x6e: {  	_ =	shalt  }
0x6f: {  	_ =	shalt  }
0x70: {  	_ =	shalt  }
0x71: {  	_ =	shalt  }
0x72: {  	_ =	shalt  }
0x73: {  	_ =	shalt  }
0x74: {  	_ =	shalt  }
0x75: {  	_ =	shalt  }
0x76: {  	_ =	shalt  }
0x77: {  	_ =	shalt  }
0x78: {  	_ =	shalt  }
0x79: {  	_ =	shalt  }
0x7a: {  	_ =	shalt  }
0x7b: {  	_ =	shalt  }
0x7c: {  	_ =	shalt  }
0x7d: {  	_ =	shalt  }
0x7e: {  	_ =	shalt  }
0x7f: {  	_ =	shalt  }
0x80: {  	_ =	shalt  }
0x81: {  	_ =	shalt  }
0x82: {  	_ =	shalt  }
0x83: {  	_ =	shalt  }
0x84: {  	_ =	shalt  }
0x85: {  	_ =	shalt  }
0x86: {  	_ =	shalt  }
0x87: {  	_ =	shalt  }
.Lfunc_end0:
.L_simem_size_0:
called_computation.2_lowered:
.L_overlay_start_0:
0x88: {  	s2 =	sld [smem:$0x3FD9]  }
0x89: {  	s3 =	sld [smem:$0x3FFE];
	_ =	sdelay $0x1  }
0x8a: {  	s1 =	srdreg.scid  }
0x8b: {  	s0 =	sand.u32 $0x1, s1  }
0x8c: {  	s16 =	sshll.u32 s0, $0xA;
	s2 =	sadd.s32 s3, s2  }
0x8d: {  	s2 =	sadd.s32 s2, s16  }
0x8e: {  	[smem:$0x3FBD] =	sst s2  }
0x8f: {  	_ = 	snop  }
0x90: {  	(tm) =	ssettm $0x1  }
0x91: {  	s17 =	sld [smem:$0x3FFB];
	_ =	sdelay $0x3  }
0x92: {  	_ =	strace s17  }
0x93: {  	s2 =	sld [smem:$0x3FFC];
	_ =	sdelay $0x3  }
0x94: {  	_ =	strace s2  }
0x95: {  	s2 =	sld [smem:$0x3FFD];
	_ =	sdelay $0x3  }
0x96: {  	_ =	strace s2  }
0x97: {  	_ =	strace $0x8FFFFFFF  }
0x98: {  	s18 =	sld [smem:$0x3FDB];
	_ =	sdelay $0x1  }
0x99: {  	s19 =	simm.s32 $_scs_section_size  }
0x9a: {  	s4 =	simm.s32 $_size__tile_overlayer_lowered;
	s5 =	simm.s32 $_tile_overlayer_lowered  }
0x9b: {  	s22 =	simm.s32 $0x1BFF;
	s21 =	sshll.u32 s5, $0x1;
	s2 =	sadd.s32 s19, s18  }
0x9c: {  	s6 =	simm.s32 $0x0;
	s20 =	sshll.u32 s4, $0x1;
	s4 =	sadd.s32 s21, s2  }
0x9d: {  	[timem:s6], [sflag:s22] =	dma.local [hbm:s4], s20  }
0x9e: {  	_ =	swait.ge [sflag:s22], s20  }
0x9f: {  	s3 =	ssub.s32 $0x0, s20;
	[sflag:s22] =	ssyncset.done $0x0  }
0xa0: {  	[sflag:s22] =	ssyncadd.s32 s3;
	_ =	sdelay $0x1  }
0xa1: {  	s23 =	simm.s32 $0x1B8B  }
0xa2: {  	_ =	swait.ge [sflag:s23], $0x1  }
0xa3: {  	[sflag:s23] =	ssyncset.done $0x0  }
0xa4: {  	s25 =	simm.s32 $0x1B8E;
	s24 =	sld [smem:$0x3FFE];
	[sflag:s23] =	ssyncadd.s32 $0xFFFFFFFF  }
0xa5: {  	s26 =	simm.s32 $execute0_lowered;
	[smem:$0x3FD2] =	sst s25  }
0xa6: {  	s4 =	sshll.u32 s26, $0x1;
	_ =	strace $0x8000004C;
	[dreg:$0x1] =	wrdreg $0xFFFFFFFF  }
0xa7: {  	s28 =	simm.s32 $_size_execute0_lowered;
	s2 =	sadd.s32 s2, s4;
	[dreg:$0x0] =	wrdreg $0x0  }
0xa8: {  	s4 =	sshll.u32 s28, $0x1;
	[dreg:$0x2] =	wrdreg s2  }
0xa9: {  	[dreg:$0x3] =	wrdreg s4  }
0xaa: {  	[dreg:$0x4] =	wrdreg $0xC0  }
0xab: {  	_ =	task [dreg:s6], $0x5FFFF  }
0xac: {  	[dreg:$0x1] =	wrdreg $0xFFFFFFFF  }
0xad: {  	[dreg:$0x0] =	wrdreg $0x60  }
0xae: {  	[dreg:$0x2] =	wrdreg s24  }
0xaf: {  	[dreg:$0x3] =	wrdreg $0xA8000  }
0xb0: {  	[dreg:$0x4] =	wrdreg $0x9  }
0xb1: {  	_ =	task.clear_ibuf [dreg:s6], $0x5FFFF;
	_ =	strace $0x9000004C  }
0xb2: {  	s29 =	simm.s32 $0x9;
	_ =	strace $0x8000004E  }
0xb3: {  	_ =	swait.ge [sflag:s29], $0x1  }
0xb4: {  	[sflag:s29] =	ssyncadd.s32 $0xFFFFFFFF  }
0xb5: {  	_ =	strace $0x9000004E  }
0xb6: {  	_ =	sfence  }
0xb7: {  	s30 =	sld [smem:$0x0];
	_ =	sdelay $0x2  }
0xb8: {  	s31 =	sshll.u32 s1, $0xD;
	s1 =	sshrl.u32 s1, $0x2  }
0xb9: {  	s3 =	sand.u32 $0x4000, s31;
	s1 =	sadd.s32 s1, s30  }
0xba: {  	s0 =	sor.u32 s3, s0;
	s1 =	sshll.u32 s1, $0x11  }
0xbb: {  	s0 =	sor.u32 s1, s0  }
0xbc: {  	s0 =	sadd.s32 $0x8F2B, s0  }
0xbd: {  	[sflag:s0] =	ssyncadd.remote.s32 $0x1  }
0xbe: {  	_ =	sfence.sel $0xFFFF  }
0xbf: {  	[dreg:$0x0] =	wrdreg $0xFFFFFFFF;
	(pc) =	sbr.abs _section_cstart, $3  }
0xc0: {  	[dreg:$0x1] =	wrdreg $0xFFFFFFFF  }
0xc1: {  	_ =	task.clear_ibuf [dreg:s6], $0x2FFFF;
	_ =	strace $0x9FFFFFFF  }
0xc2: {  	(tm) =	ssettm $0x7FFFFFFF  }
0xc3: {  	_ =	shalt  }
tec
execute0_lowered:
.L_overlay_start_1:
0x0: {  	(tag) =	ssettag $0x1  }
0x1: {  	s5 =	rddreg [dreg:$0x0]  }
0x2: {  	s2 =	rddreg [dreg:$0x1]  }
0x3: {  	s0 =	rddreg [dreg:$0x2];
	s3 =	simm.s32 $0x0;
	s1 =	stileid.u32  }
0x4: {  	s4 =	srdreg.scid;
	s16 =	simm.s32 $0x6800;
	s17 =	simm.s32 $0x1400  }
0x5: {  	s18 =	simm.s32 $0x3;
	s19 =	simm.s32 $0x80;
	s20 =	simm.s32 $0x1  }
0x6: {  	s21 =	simm.s32 $0x4;
	s22 =	simm.s32 $0x2;
	[smem:$0x7FF] =	sst s3  }
0x7: {  	s6 =	smul.u32 $0x14000, s1;
	s7 =	sand.u32 $0x1, s4;
	s11 =	sadd.s32 $0x39200, s5  }
0x8: {  	s12 =	sadd.s32 $0x43200, s5;
	s4 =	sadd.s32 $0x9200, s5;
	s23 =	sshll.u32 s1, $0x1  }
0x9: {  	s10 =	smul.u32 $0x50000, s1;
	s30 =	sshll.u32 s1, $0x6;
	_ =	strace $0x8000004D  }
0xa: {  	s8 =	smul.u32 $0x140000, s7;
	s24 =	ssub.s32 $0x2, s7;
	s25 =	sor.u32 s7, s23  }
0xb: {  	s23 =	simm.s32 $0x0;
	s9 =	sshrl.u32 s6, $0x3;
	s26 =	sshrl.u32 s24, $0x1  }
0xc: {  	s28 =	sshrl.u32 s10, $0x2;
	s29 =	smul.u32 $0x2800, s25;
	s9 =	sadd.s32 s9, s5  }
0xd: {  	s6 =	sadd.s32 s6, s8;
	s14 =	ssub.s32 s24, s26;
	s15 =	sadd.s32 s28, s2  }
0xe: {  	s6 =	sshrl.u32 s6, $0x3;
	s10 =	sshrl.u32 s29, $0x3;
	s8 =	smax.u32 s14, $0x1  }
0xf: {  	s14 =	simm.s32 $0x5;
	s13 =	sadd.s32 s6, s5;
	s5 =	sadd.s32 $0x4D200, s9  }
0x10: {  	s6 =	sor.u32 $0x1C05, s30;
	s31 =	sadd.s32 $0x280, s10;
	s9 =	sadd.s32 s11, s10  }
0x11: {  	s10 =	sadd.s32 s12, s10;
	s7 =	sadd.s32 $0x75200, s13;
	s11 =	sadd.s32 s11, s31  }
0x12: {  	s12 =	sadd.s32 s12, s31;
	s13 =	sshrl.u32 s15, $0x3;
	s15 =	simm.s32 $0x2800  }
.LBB2_1:
0x13: {  	[spmem:s13], [sflag:s6] =	dma.local [hbm:s5], $0x2800  }
0x14: {  	_ =	swait.ge [sflag:s14], $0x2800  }
0x15: {  	[sflag:s14] =	ssyncset.done $0x0  }
0x16: {  	[sflag:s14] =	ssyncadd.s32 $0xFFFFD800  }
0x17: {  	[tilespmem:s15], [sflag:$0x3] =	stream.linear.gather [hbm4b:s4+s3], $0x4000, $0x38;
	[tilespmem:$0x1E800] =	vst v63  }
0x18: {  	_ = 	snop  }
0x19: {  	[tilespmem:s16], [sflag:$0x4] =	stream.linear.gather [hbm4b:s4+s3], $0x4000, $0x38;
	[tilespmem:$0x1E800] =	vst v63  }
0x1a: {  	[bflag:$0x0] =	sbarrier.arrive $0xFFFF  }
0x1b: {  	[tilespmem:s3], [sflag:$0x5] =	stream.linear.gather [hbm4b:s9+s3], $0x1400, $0x38;
	[tilespmem:$0x1E800] =	vst v63  }
0x1c: {  	_ =	swait.ge [sflag:s14], $0x1400  }
0x1d: {  	[sflag:s14] =	ssyncset.done $0x0  }
0x1e: {  	[sflag:s14] =	ssyncadd.s32 $0xFFFFEC00  }
0x1f: {  	[tilespmem:s17], [sflag:$0x5] =	stream.linear.gather [hbm4b:s10+s3], $0x1400, $0x38;
	[tilespmem:$0x1E800] =	vst v63  }
0x20: {  	_ =	swait.ge [sflag:s14], $0x1400  }
0x21: {  	[sflag:s14] =	ssyncset.done $0x0  }
0x22: {  	[sflag:s14] =	ssyncadd.s32 $0xFFFFEC00  }
0x23: {  	_ =	swait.ge [sflag:s18], $0x4000  }
0x24: {  	[sflag:s18] =	ssyncset.done $0x0  }
0x25: {  	s24 =	simm.s32 $0x0;
	[sflag:s18] =	ssyncadd.s32 $0xFFFFC000  }
0x26: {  	[tilespmem:s15], [sflag:$0x1] =	stream.indirect.gather [hbm4b:s4+s19], $0x80, s24, s19, $0xb8;
	[tilespmem:$0x1E800] =	vst v63  }
0x27: {  	_ =	swait.ge [sflag:s20], $0x4000  }
0x28: {  	[sflag:s20] =	ssyncset.done $0x0  }
0x29: {  	s30 =	simm.s32 $0x1400;
	[sflag:s20] =	ssyncadd.s32 $0xFFFFC000  }
0x2a: {  	[spmem:s2] =	stream.indirect.scatter.add.f32 [tilespmem:s15], [sflag:$0x3], $0x80, s30, s19, $0xb8;
	[tilespmem:$0x1E800] =	vst v63  }
0x2b: {  	_ =	swait.ge [sflag:s21], $0x4000  }
0x2c: {  	[sflag:s21] =	ssyncset.done $0x0  }
0x2d: {  	s31 =	simm.s32 $0x80;
	[sflag:s21] =	ssyncadd.s32 $0xFFFFC000  }
0x2e: {  	[tilespmem:s16], [sflag:$0x2] =	stream.indirect.gather [hbm4b:s4+s19], $0x80, s31, s19, $0xb8;
	[tilespmem:$0x1E800] =	vst v63  }
0x2f: {  	_ =	swait.ge [sflag:s22], $0x4000  }
0x30: {  	[sflag:s22] =	ssyncset.done $0x0  }
0x31: {  	s25 =	simm.s32 $0x1480;
	s24 =	simm.s32 $0x400;
	[sflag:s22] =	ssyncadd.s32 $0xFFFFC000  }
.LBB2_2:
0x32: {  	[spmem:s2] =	stream.indirect.scatter.add.f32 [tilespmem:s16], [sflag:$0x4], $0x80, s25, s19, $0xb8;
	[tilespmem:$0x1E800] =	vst v63  }
0x33: {  	s25 =	smov.u32 s24  }
0x34: {  	p0 =	sne.s32 s24, $0x4C00;
	s24 =	sadd.s32 $0x400, s24;
	_ =	swait.ge [sflag:s18], $0x4000  }
0x35: {  	[sflag:s18] =	ssyncset.done $0x0  }
0x36: {  	s25 =	sshra.s32 s25, $0x2;
	[sflag:s18] =	ssyncadd.s32 $0xFFFFC000  }
0x37: {  	[tilespmem:s15], [sflag:$0x1] =	stream.indirect.gather [hbm4b:s4+s19], $0x80, s25, s19, $0xb8;
	[tilespmem:$0x1E800] =	vst v63  }
0x38: {  	_ =	swait.ge [sflag:s20], $0x4000  }
0x39: {  	[sflag:s20] =	ssyncset.done $0x0  }
0x3a: {  	s26 =	sadd.s32 $0x1400, s25;
	[sflag:s20] =	ssyncadd.s32 $0xFFFFC000  }
0x3b: {  	[spmem:s2] =	stream.indirect.scatter.add.f32 [tilespmem:s15], [sflag:$0x3], $0x80, s26, s19, $0xb8;
	[tilespmem:$0x1E800] =	vst v63  }
0x3c: {  	_ =	swait.ge [sflag:s21], $0x4000  }
0x3d: {  	[sflag:s21] =	ssyncset.done $0x0  }
.Ltmp0:
0x3e: {  	s26 =	sadd.s32 $0x80, s25;
	[sflag:s21] =	ssyncadd.s32 $0xFFFFC000;
	(pc) =	sbr.rel @p0 .LBB2_2-.Ltmp0, $4  }
0x3f: {  	[tilespmem:s16], [sflag:$0x2] =	stream.indirect.gather [hbm4b:s4+s19], $0x80, s26, s19, $0xb8;
	[tilespmem:$0x1E800] =	vst v63  }
0x40: {  	_ =	swait.ge [sflag:s22], $0x4000  }
0x41: {  	[sflag:s22] =	ssyncset.done $0x0  }
0x42: {  	s25 =	sadd.s32 $0x1480, s25;
	[sflag:s22] =	ssyncadd.s32 $0xFFFFC000  }
0x43: {  	[spmem:s2] =	stream.indirect.scatter.add.f32 [tilespmem:s16], [sflag:$0x4], $0x80, s25, s19, $0xb8;
	[tilespmem:$0x1E800] =	vst v63  }
0x44: {  	s24 =	simm.s32 $0x0  }
0x45: {  	[tilespmem:s24], [sflag:$0x5] =	stream.linear.gather [hbm4b:s11+s24], $0x1400, $0x38;
	[tilespmem:$0x1E800] =	vst v63  }
0x46: {  	_ =	swait.ge [sflag:s14], $0x1400  }
0x47: {  	[sflag:s14] =	ssyncset.done $0x0  }
0x48: {  	[sflag:s14] =	ssyncadd.s32 $0xFFFFEC00  }
0x49: {  	[tilespmem:s17], [sflag:$0x5] =	stream.linear.gather [hbm4b:s12+s24], $0x1400, $0x38;
	[tilespmem:$0x1E800] =	vst v63  }
0x4a: {  	_ =	swait.ge [sflag:s14], $0x1400  }
0x4b: {  	[sflag:s14] =	ssyncset.done $0x0  }
0x4c: {  	[sflag:s14] =	ssyncadd.s32 $0xFFFFEC00  }
0x4d: {  	_ =	swait.ge [sflag:s18], $0x4000  }
0x4e: {  	[sflag:s18] =	ssyncset.done $0x0  }
0x4f: {  	s29 =	simm.s32 $0x0;
	[sflag:s18] =	ssyncadd.s32 $0xFFFFC000  }
0x50: {  	[tilespmem:s15], [sflag:$0x1] =	stream.indirect.gather [hbm4b:s4+s19], $0x80, s29, s19, $0xb8;
	[tilespmem:$0x1E800] =	vst v63  }
0x51: {  	_ =	swait.ge [sflag:s20], $0x4000  }
0x52: {  	[sflag:s20] =	ssyncset.done $0x0  }
0x53: {  	s30 =	simm.s32 $0x1400;
	[sflag:s20] =	ssyncadd.s32 $0xFFFFC000  }
0x54: {  	[spmem:s2] =	stream.indirect.scatter.add.f32 [tilespmem:s15], [sflag:$0x3], $0x80, s30, s19, $0xb8;
	[tilespmem:$0x1E800] =	vst v63  }
0x55: {  	_ =	swait.ge [sflag:s21], $0x4000  }
0x56: {  	[sflag:s21] =	ssyncset.done $0x0  }
0x57: {  	s31 =	simm.s32 $0x80;
	[sflag:s21] =	ssyncadd.s32 $0xFFFFC000  }
0x58: {  	[tilespmem:s16], [sflag:$0x2] =	stream.indirect.gather [hbm4b:s4+s19], $0x80, s31, s19, $0xb8;
	[tilespmem:$0x1E800] =	vst v63  }
0x59: {  	_ =	swait.ge [sflag:s22], $0x4000  }
0x5a: {  	[sflag:s22] =	ssyncset.done $0x0  }
0x5b: {  	s25 =	simm.s32 $0x1480;
	s24 =	simm.s32 $0x400;
	[sflag:s22] =	ssyncadd.s32 $0xFFFFC000  }
.LBB2_4:
0x5c: {  	[spmem:s2] =	stream.indirect.scatter.add.f32 [tilespmem:s16], [sflag:$0x4], $0x80, s25, s19, $0xb8;
	[tilespmem:$0x1E800] =	vst v63  }
0x5d: {  	s25 =	smov.u32 s24  }
0x5e: {  	p0 =	sne.s32 s24, $0x4C00;
	s24 =	sadd.s32 $0x400, s24;
	_ =	swait.ge [sflag:s18], $0x4000  }
0x5f: {  	[sflag:s18] =	ssyncset.done $0x0  }
0x60: {  	s25 =	sshra.s32 s25, $0x2;
	[sflag:s18] =	ssyncadd.s32 $0xFFFFC000  }
0x61: {  	[tilespmem:s15], [sflag:$0x1] =	stream.indirect.gather [hbm4b:s4+s19], $0x80, s25, s19, $0xb8;
	[tilespmem:$0x1E800] =	vst v63  }
0x62: {  	_ =	swait.ge [sflag:s20], $0x4000  }
0x63: {  	[sflag:s20] =	ssyncset.done $0x0  }
0x64: {  	s26 =	sadd.s32 $0x1400, s25;
	[sflag:s20] =	ssyncadd.s32 $0xFFFFC000  }
0x65: {  	[spmem:s2] =	stream.indirect.scatter.add.f32 [tilespmem:s15], [sflag:$0x3], $0x80, s26, s19, $0xb8;
	[tilespmem:$0x1E800] =	vst v63  }
0x66: {  	_ =	swait.ge [sflag:s21], $0x4000  }
0x67: {  	[sflag:s21] =	ssyncset.done $0x0  }
.Ltmp1:
0x68: {  	s26 =	sadd.s32 $0x80, s25;
	[sflag:s21] =	ssyncadd.s32 $0xFFFFC000;
	(pc) =	sbr.rel @p0 .LBB2_4-.Ltmp1, $4  }
0x69: {  	[tilespmem:s16], [sflag:$0x2] =	stream.indirect.gather [hbm4b:s4+s19], $0x80, s26, s19, $0xb8;
	[tilespmem:$0x1E800] =	vst v63  }
0x6a: {  	_ =	swait.ge [sflag:s22], $0x4000  }
0x6b: {  	[sflag:s22] =	ssyncset.done $0x0  }
0x6c: {  	s25 =	sadd.s32 $0x1480, s25;
	[sflag:s22] =	ssyncadd.s32 $0xFFFFC000  }
0x6d: {  	[spmem:s2] =	stream.indirect.scatter.add.f32 [tilespmem:s16], [sflag:$0x4], $0x80, s25, s19, $0xb8;
	[tilespmem:$0x1E800] =	vst v63  }
0x6e: {  	_ =	swait.ge [sflag:s18], $0x4000  }
0x6f: {  	[sflag:s18] =	ssyncset.done $0x0  }
0x70: {  	[sflag:s18] =	ssyncadd.s32 $0xFFFFC000  }
0x71: {  	_ =	swait.ge [sflag:s21], $0x4000  }
0x72: {  	s23 =	sadd.s32 $0x1, s23;
	[sflag:s21] =	ssyncset.done $0x0  }
0x73: {  	p0 =	sne.s32 s23, s8;
	[sflag:s21] =	ssyncadd.s32 $0xFFFFC000  }
.Ltmp2:
0x74: {  	[bflag:$0x0] =	sbarrier.arrive $0xFFFF;
	(pc) =	sbr.rel @p0 .LBB2_1-.Ltmp2, $4  }
0x75: {  	[hbm:s7], [sflag:s6] =	dma.local [spmem:s13], $0x2800  }
0x76: {  	_ =	swait.ge [sflag:s14], $0x2800  }
0x77: {  	[sflag:s14] =	ssyncset.done $0x0  }
0x78: {  	[sflag:s14] =	ssyncadd.s32 $0xFFFFD800  }
0x79: {  	_ =	sfence.sel $0x180000  }
0x7a: {  	[bflag:$0x0] =	sbarrier.arrive $0xFFFF  }
0x7b: {  	p0 =	sne.s32 s1, $0x0;
	_ =	strace $0x9000004D  }
0x7c: {  	s0 =	sadd.s32 @!p0 $0x100000, s0;
	[bflag:$0x2] =	sbarrier.arrive $0xFFFF  }
0x7d: {  	[sflag:s0] =	ssyncadd.tile.s32 @!p0 $0x1;
	_ =	shalt  }
.Lfunc_end2:
_tile_overlayer_lowered:
.L_overlay_start_2:
0x7e: {  	(tag) =	ssettag $0x2  }
0x7f: {  	s0 =	rddreg [dreg:$0x0];
	s2 =	stileid.u32  }
0x80: {  	s1 =	rddreg [dreg:$0x1];
	p0 =	sne.s32 s2, $0x0  }
0x81: {  	s3 =	rddreg [dreg:$0x2];
	[bflag:$0x3] =	sbarrier.arrive $0xFFFF;
	s2 =	simm.s32 @!p0 $0x1C05  }
0x82: {  	[timem:s3], [sflag:s2] =	dma.local @!p0 [hbm:s0], s1  }
0x83: {  	s0 =	simm.s32 @!p0 $0x5  }
0x84: {  	_ =	swait.ge @!p0 [sflag:s0], s1  }
0x85: {  	s1 =	ssub.s32 @!p0 $0x0, s1;
	[sflag:s0] =	ssyncset.done @!p0 $0x0  }
0x86: {  	[sflag:s0] =	ssyncadd.s32 @!p0 s1  }
0x87: {  	[bflag:$0x3] =	sbarrier.arrive $0xFFFF  }
0x88: {  	_ =	shalt  }

// kernel: kernel.34.cloned.1.call-start
scs
__scs_entry_jumppad:
0x0: {  	(pc) =	sbr.rel $0x88, $3  }
0x1: {  	(tag) =	ssettag $0x0;
	lr =	simm.s32 $0x1  }
0x2: {  	[smem:$0x3F96] =	sst lr;
	_ =	strace $0xD0000000  }
0x3: {  	_ = 	snop  }
0x4: {  	_ = 	snop  }
0x5: {  	_ = 	snop  }
0x6: {  	_ = 	snop  }
0x7: {  	_ = 	snop  }
__scs_overlays_trampoline_lowered:
0x8: {  	[smem:$0x3FA5] =	sst s0  }
0x9: {  	[smem:$0x3FA6] =	sst s1  }
0xa: {  	[smem:$0x3FA7] =	sst s2  }
0xb: {  	[smem:$0x3FA8] =	sst s3  }
0xc: {  	[smem:$0x3FA9] =	sst s4  }
0xd: {  	[smem:$0x3FAA] =	sst s5  }
0xe: {  	[smem:$0x3FAB] =	sst s6  }
0xf: {  	[smem:$0x3FAC] =	sst s7  }
0x10: {  	[smem:$0x3FAD] =	sst s8  }
0x11: {  	[smem:$0x3FAE] =	sst s9;
	s0 =	simm.s32 @!p0 $0x0  }
0x12: {  	s1 =	sld [smem:$0x3F94];
	s0 =	simm.s32 @p0 $0x1  }
0x13: {  	[smem:$0x3FAF] =	sst s0;
	s0 =	simm.s32 @!p1 $0x0  }
0x14: {  	s2 =	sld [smem:$0x3F93];
	s0 =	simm.s32 @p1 $0x1  }
0x15: {  	[smem:$0x3FB0] =	sst s0;
	s0 =	simm.s32 @!p2 $0x0  }
0x16: {  	s3 =	sld [smem:$0x3FDB];
	s0 =	simm.s32 @p2 $0x1  }
0x17: {  	s4 =	simm.s32 $0x1BF5;
	[smem:$0x3FB2] =	sst s0  }
0x18: {  	s0 =	sld [smem:$0x3F95];
	_ =	swait.ge [sflag:s4], $0x0  }
0x19: {  	s7 =	sld [smem:$0x3F96]  }
0x1a: {  	s8 =	sadd.s32 $0xFFFFE003, lr  }
0x1b: {  	s9 =	sadd.s32 $0xFFFFFEF7, lr;
	s5 =	simm.s32 $0xFFFFFFFF;
	p2 =	slt.u32 s8, $0xFFFFF086  }
0x1c: {  	p1 =	slt.u32 s9, $0xF7A;
	s5 =	simm.s32 @!p2 $0x0  }
0x1d: {  	s5 =	simm.s32 @p1 $0x1;
	p0 =	seq.s32 s7, s2  }
0x1e: {  	s7 =	smul.u32 @!p0 $0xF7A, s2;
	p2 =	seq.s32 @!p0 s5, $0x0  }
0x1f: {  	s9 =	smul.u32 $0xF7A, s1;
	s8 =	simm.s32 @!p0 $0x1BF5;
	p2 =	por !p2, p0  }
0x20: {  	[sflag:s8] =	ssyncset.s32 @!p0 $0xFFFFF086;
	s6 =	sadd.s32 @!p0 s3, s7;
	s7 =	simm.s32 @!p0 $0x108  }
0x21: {  	s3 =	sadd.s32 s3, s9;
	s6 =	sadd.s32 @!p0 $0x88, s6;
	s7 =	simm.s32 @p2 $0x1082  }
0x22: {  	[simem:s7], [sflag:s8] =	dma.local @!p0 [hbm:s6], $0xF7A  }
0x23: {  	s9 =	sor.u32 $0xD0000000, s2;
	s6 =	simm.s32 $0x108;
	_ =	swait.ge @!p0 [sflag:s8], $0x0  }
0x24: {  	s3 =	sadd.s32 $0x88, s3;
	s6 =	simm.s32 @!p1 $0x1082;
	[sflag:s4] =	ssyncset.s32 $0xFFFFF086  }
0x25: {  	[simem:s6], [sflag:s4] =	dma.local [hbm:s3], $0xF7A  }
0x26: {  	[smem:$0x3F96] =	sst s1;
	(tag) =	ssettag s2;
	_ =	strace s9  }
0x27: {  	s1 =	sld [smem:$0x3FA6]  }
0x28: {  	s2 =	sld [smem:$0x3FA7]  }
0x29: {  	s4 =	sld [smem:$0x3FA9]  }
0x2a: {  	p0 =	seq.s32 s5, $0x0;
	s5 =	sld [smem:$0x3FAA]  }
0x2b: {  	s6 =	sld [smem:$0x3FAB]  }
0x2c: {  	s7 =	sld [smem:$0x3FAC]  }
0x2d: {  	s3 =	simm.s32 $0x108;
	s8 =	sld [smem:$0x3FAD]  }
0x2e: {  	s3 =	simm.s32 @!p0 $0x1082;
	s9 =	sld [smem:$0x3FAE]  }
0x2f: {  	lr =	sadd.s32 s0, s3;
	s0 =	sld [smem:$0x3FA5]  }
0x30: {  	s3 =	sld [smem:$0x3FA8]  }
0x31: {  	[smem:$0x3FB1] =	sst s10  }
0x32: {  	s10 =	sld [smem:$0x3FAF];
	_ =	sdelay $0x3  }
0x33: {  	p0 =	seq.s32 s10, $0x1;
	s10 =	sld [smem:$0x3FB1];
	_ =	sdelay $0x3  }
0x34: {  	[smem:$0x3FB1] =	sst s10  }
0x35: {  	s10 =	sld [smem:$0x3FB0];
	_ =	sdelay $0x3  }
0x36: {  	p1 =	seq.s32 s10, $0x1;
	s10 =	sld [smem:$0x3FB1];
	_ =	sdelay $0x3  }
0x37: {  	[smem:$0x3FB1] =	sst s10  }
0x38: {  	s10 =	sld [smem:$0x3FB2]  }
0x39: {  	_ = 	snop;
	(pc) =	sbr.ind lr, $3  }
0x3a: {  	_ = 	snop  }
0x3b: {  	_ = 	snop  }
0x3c: {  	p2 =	seq.s32 s10, $0x1;
	s10 =	sld [smem:$0x3FB1]  }
0x3d: {  	_ =	shalt  }
0x3e: {  	_ =	shalt  }
0x3f: {  	_ =	shalt  }
0x40: {  	_ =	shalt  }
0x41: {  	_ =	shalt  }
0x42: {  	_ =	shalt  }
0x43: {  	_ =	shalt  }
0x44: {  	_ =	shalt  }
0x45: {  	_ =	shalt  }
0x46: {  	_ =	shalt  }
0x47: {  	_ =	shalt  }
0x48: {  	_ =	shalt  }
0x49: {  	_ =	shalt  }
0x4a: {  	_ =	shalt  }
0x4b: {  	_ =	shalt  }
0x4c: {  	_ =	shalt  }
0x4d: {  	_ =	shalt  }
0x4e: {  	_ =	shalt  }
0x4f: {  	_ =	shalt  }
0x50: {  	_ =	shalt  }
0x51: {  	_ =	shalt  }
0x52: {  	_ =	shalt  }
0x53: {  	_ =	shalt  }
0x54: {  	_ =	shalt  }
0x55: {  	_ =	shalt  }
0x56: {  	_ =	shalt  }
0x57: {  	_ =	shalt  }
0x58: {  	_ =	shalt  }
0x59: {  	_ =	shalt  }
0x5a: {  	_ =	shalt  }
0x5b: {  	_ =	shalt  }
0x5c: {  	_ =	shalt  }
0x5d: {  	_ =	shalt  }
0x5e: {  	_ =	shalt  }
0x5f: {  	_ =	shalt  }
0x60: {  	_ =	shalt  }
0x61: {  	_ =	shalt  }
0x62: {  	_ =	shalt  }
0x63: {  	_ =	shalt  }
0x64: {  	_ =	shalt  }
0x65: {  	_ =	shalt  }
0x66: {  	_ =	shalt  }
0x67: {  	_ =	shalt  }
0x68: {  	_ =	shalt  }
0x69: {  	_ =	shalt  }
0x6a: {  	_ =	shalt  }
0x6b: {  	_ =	shalt  }
0x6c: {  	_ =	shalt  }
0x6d: {  	_ =	shalt  }
0x6e: {  	_ =	shalt  }
0x6f: {  	_ =	shalt  }
0x70: {  	_ =	shalt  }
0x71: {  	_ =	shalt  }
0x72: {  	_ =	shalt  }
0x73: {  	_ =	shalt  }
0x74: {  	_ =	shalt  }
0x75: {  	_ =	shalt  }
0x76: {  	_ =	shalt  }
0x77: {  	_ =	shalt  }
0x78: {  	_ =	shalt  }
0x79: {  	_ =	shalt  }
0x7a: {  	_ =	shalt  }
0x7b: {  	_ =	shalt  }
0x7c: {  	_ =	shalt  }
0x7d: {  	_ =	shalt  }
0x7e: {  	_ =	shalt  }
0x7f: {  	_ =	shalt  }
0x80: {  	_ =	shalt  }
0x81: {  	_ =	shalt  }
0x82: {  	_ =	shalt  }
0x83: {  	_ =	shalt  }
0x84: {  	_ =	shalt  }
0x85: {  	_ =	shalt  }
0x86: {  	_ =	shalt  }
0x87: {  	_ =	shalt  }
.Lfunc_end0:
.L_simem_size_0:
called_computation.3_lowered:
.L_overlay_start_0:
0x88: {  	s2 =	sld [smem:$0x3FD9]  }
0x89: {  	s3 =	sld [smem:$0x3FFE];
	_ =	sdelay $0x1  }
0x8a: {  	s1 =	srdreg.scid  }
0x8b: {  	s0 =	sand.u32 $0x1, s1  }
0x8c: {  	s16 =	sshll.u32 s0, $0xA;
	s2 =	sadd.s32 s3, s2  }
0x8d: {  	s2 =	sadd.s32 s2, s16  }
0x8e: {  	[smem:$0x3FBD] =	sst s2  }
0x8f: {  	_ = 	snop  }
0x90: {  	(tm) =	ssettm $0x1  }
0x91: {  	s17 =	sld [smem:$0x3FFB];
	_ =	sdelay $0x3  }
0x92: {  	_ =	strace s17  }
0x93: {  	s2 =	sld [smem:$0x3FFC];
	_ =	sdelay $0x3  }
0x94: {  	_ =	strace s2  }
0x95: {  	s2 =	sld [smem:$0x3FFD];
	_ =	sdelay $0x3  }
0x96: {  	_ =	strace s2  }
0x97: {  	_ =	strace $0x8FFFFFFF  }
0x98: {  	s18 =	sld [smem:$0x3FDB];
	_ =	sdelay $0x1  }
0x99: {  	s19 =	simm.s32 $_scs_section_size  }
0x9a: {  	s4 =	simm.s32 $_size__tile_overlayer_lowered;
	s5 =	simm.s32 $_tile_overlayer_lowered  }
0x9b: {  	s22 =	simm.s32 $0x1BFF;
	s21 =	sshll.u32 s5, $0x1;
	s2 =	sadd.s32 s19, s18  }
0x9c: {  	s6 =	simm.s32 $0x0;
	s20 =	sshll.u32 s4, $0x1;
	s4 =	sadd.s32 s21, s2  }
0x9d: {  	[timem:s6], [sflag:s22] =	dma.local [hbm:s4], s20  }
0x9e: {  	_ =	swait.ge [sflag:s22], s20  }
0x9f: {  	s3 =	ssub.s32 $0x0, s20;
	[sflag:s22] =	ssyncset.done $0x0  }
0xa0: {  	[sflag:s22] =	ssyncadd.s32 s3;
	_ =	sdelay $0x1  }
0xa1: {  	s23 =	simm.s32 $0x1B8B  }
0xa2: {  	_ =	swait.ge [sflag:s23], $0x1  }
0xa3: {  	[sflag:s23] =	ssyncset.done $0x0  }
0xa4: {  	s25 =	simm.s32 $0x1B8E;
	s24 =	sld [smem:$0x3FFE];
	[sflag:s23] =	ssyncadd.s32 $0xFFFFFFFF  }
0xa5: {  	s26 =	simm.s32 $execute0_lowered;
	[smem:$0x3FD2] =	sst s25  }
0xa6: {  	s4 =	sshll.u32 s26, $0x1;
	_ =	strace $0x8000004F;
	[dreg:$0x1] =	wrdreg $0xFFFFFFFF  }
0xa7: {  	s28 =	simm.s32 $_size_execute0_lowered;
	s2 =	sadd.s32 s2, s4;
	[dreg:$0x0] =	wrdreg $0x0  }
0xa8: {  	s4 =	sshll.u32 s28, $0x1;
	[dreg:$0x2] =	wrdreg s2  }
0xa9: {  	[dreg:$0x3] =	wrdreg s4  }
0xaa: {  	[dreg:$0x4] =	wrdreg $0xC0  }
0xab: {  	_ =	task [dreg:s6], $0x5FFFF  }
0xac: {  	[dreg:$0x1] =	wrdreg $0xFFFFFFFF  }
0xad: {  	[dreg:$0x0] =	wrdreg $0x60  }
0xae: {  	[dreg:$0x2] =	wrdreg s24  }
0xaf: {  	[dreg:$0x3] =	wrdreg $0xA8000  }
0xb0: {  	[dreg:$0x4] =	wrdreg $0x9  }
0xb1: {  	_ =	task.clear_ibuf [dreg:s6], $0x5FFFF;
	_ =	strace $0x9000004F  }
0xb2: {  	s29 =	simm.s32 $0x9;
	_ =	strace $0x80000051  }
0xb3: {  	_ =	swait.ge [sflag:s29], $0x1  }
0xb4: {  	[sflag:s29] =	ssyncadd.s32 $0xFFFFFFFF  }
0xb5: {  	_ =	strace $0x90000051  }
0xb6: {  	_ =	sfence  }
0xb7: {  	s30 =	sld [smem:$0x0];
	_ =	sdelay $0x2  }
0xb8: {  	s31 =	sshll.u32 s1, $0xD;
	s1 =	sshrl.u32 s1, $0x2  }
0xb9: {  	s3 =	sand.u32 $0x4000, s31;
	s1 =	sadd.s32 s1, s30  }
0xba: {  	s0 =	sor.u32 s3, s0;
	s1 =	sshll.u32 s1, $0x11  }
0xbb: {  	s0 =	sor.u32 s1, s0  }
0xbc: {  	s0 =	sadd.s32 $0x8F2B, s0  }
0xbd: {  	[sflag:s0] =	ssyncadd.remote.s32 $0x1  }
0xbe: {  	_ =	sfence.sel $0xFFFF  }
0xbf: {  	[dreg:$0x0] =	wrdreg $0xFFFFFFFF;
	(pc) =	sbr.abs _section_cstart, $3  }
0xc0: {  	[dreg:$0x1] =	wrdreg $0xFFFFFFFF  }
0xc1: {  	_ =	task.clear_ibuf [dreg:s6], $0x2FFFF;
	_ =	strace $0x9FFFFFFF  }
0xc2: {  	(tm) =	ssettm $0x7FFFFFFF  }
0xc3: {  	_ =	shalt  }
tec
execute0_lowered:
.L_overlay_start_1:
0x0: {  	(tag) =	ssettag $0x1  }
0x1: {  	s5 =	rddreg [dreg:$0x0]  }
0x2: {  	s2 =	rddreg [dreg:$0x1]  }
0x3: {  	s0 =	rddreg [dreg:$0x2];
	s3 =	simm.s32 $0x0;
	s1 =	stileid.u32  }
0x4: {  	s4 =	srdreg.scid;
	s16 =	simm.s32 $0x6800;
	s17 =	simm.s32 $0x1400  }
0x5: {  	s18 =	simm.s32 $0x3;
	s19 =	simm.s32 $0x80;
	s20 =	simm.s32 $0x1  }
0x6: {  	s21 =	simm.s32 $0x4;
	s22 =	simm.s32 $0x2;
	[smem:$0x7FF] =	sst s3  }
0x7: {  	s6 =	smul.u32 $0x14000, s1;
	s7 =	sand.u32 $0x1, s4;
	s11 =	sadd.s32 $0x39200, s5  }
0x8: {  	s12 =	sadd.s32 $0x43200, s5;
	s4 =	sadd.s32 $0x9200, s5;
	s23 =	sshll.u32 s1, $0x1  }
0x9: {  	s10 =	smul.u32 $0x50000, s1;
	s30 =	sshll.u32 s1, $0x6;
	_ =	strace $0x80000050  }
0xa: {  	s8 =	smul.u32 $0x140000, s7;
	s24 =	ssub.s32 $0x2, s7;
	s25 =	sor.u32 s7, s23  }
0xb: {  	s23 =	simm.s32 $0x0;
	s9 =	sshrl.u32 s6, $0x3;
	s26 =	sshrl.u32 s24, $0x1  }
0xc: {  	s28 =	sshrl.u32 s10, $0x2;
	s29 =	smul.u32 $0x2800, s25;
	s9 =	sadd.s32 s9, s5  }
0xd: {  	s6 =	sadd.s32 s6, s8;
	s14 =	ssub.s32 s24, s26;
	s15 =	sadd.s32 s28, s2  }
0xe: {  	s6 =	sshrl.u32 s6, $0x3;
	s10 =	sshrl.u32 s29, $0x3;
	s8 =	smax.u32 s14, $0x1  }
0xf: {  	s14 =	simm.s32 $0x5;
	s13 =	sadd.s32 s6, s5;
	s5 =	sadd.s32 $0x4D200, s9  }
0x10: {  	s6 =	sor.u32 $0x1C05, s30;
	s31 =	sadd.s32 $0x280, s10;
	s9 =	sadd.s32 s11, s10  }
0x11: {  	s10 =	sadd.s32 s12, s10;
	s7 =	sadd.s32 $0x75200, s13;
	s11 =	sadd.s32 s11, s31  }
0x12: {  	s12 =	sadd.s32 s12, s31;
	s13 =	sshrl.u32 s15, $0x3;
	s15 =	simm.s32 $0x2800  }
.LBB2_1:
0x13: {  	[spmem:s13], [sflag:s6] =	dma.local [hbm:s5], $0x2800  }
0x14: {  	_ =	swait.ge [sflag:s14], $0x2800  }
0x15: {  	[sflag:s14] =	ssyncset.done $0x0  }
0x16: {  	[sflag:s14] =	ssyncadd.s32 $0xFFFFD800  }
0x17: {  	[tilespmem:s15], [sflag:$0x3] =	stream.linear.gather [hbm4b:s4+s3], $0x4000, $0x38;
	[tilespmem:$0x1E800] =	vst v63  }
0x18: {  	_ = 	snop  }
0x19: {  	[tilespmem:s16], [sflag:$0x4] =	stream.linear.gather [hbm4b:s4+s3], $0x4000, $0x38;
	[tilespmem:$0x1E800] =	vst v63  }
0x1a: {  	[bflag:$0x0] =	sbarrier.arrive $0xFFFF  }
0x1b: {  	[tilespmem:s3], [sflag:$0x5] =	stream.linear.gather [hbm4b:s9+s3], $0x1400, $0x38;
	[tilespmem:$0x1E800] =	vst v63  }
0x1c: {  	_ =	swait.ge [sflag:s14], $0x1400  }
0x1d: {  	[sflag:s14] =	ssyncset.done $0x0  }
0x1e: {  	[sflag:s14] =	ssyncadd.s32 $0xFFFFEC00  }
0x1f: {  	[tilespmem:s17], [sflag:$0x5] =	stream.linear.gather [hbm4b:s10+s3], $0x1400, $0x38;
	[tilespmem:$0x1E800] =	vst v63  }
0x20: {  	_ =	swait.ge [sflag:s14], $0x1400  }
0x21: {  	[sflag:s14] =	ssyncset.done $0x0  }
0x22: {  	[sflag:s14] =	ssyncadd.s32 $0xFFFFEC00  }
0x23: {  	_ =	swait.ge [sflag:s18], $0x4000  }
0x24: {  	[sflag:s18] =	ssyncset.done $0x0  }
0x25: {  	s24 =	simm.s32 $0x0;
	[sflag:s18] =	ssyncadd.s32 $0xFFFFC000  }
0x26: {  	[tilespmem:s15], [sflag:$0x1] =	stream.indirect.gather [hbm4b:s4+s19], $0x80, s24, s19, $0xb8;
	[tilespmem:$0x1E800] =	vst v63  }
0x27: {  	_ =	swait.ge [sflag:s20], $0x4000  }
0x28: {  	[sflag:s20] =	ssyncset.done $0x0  }
0x29: {  	s30 =	simm.s32 $0x1400;
	[sflag:s20] =	ssyncadd.s32 $0xFFFFC000  }
0x2a: {  	[spmem:s2] =	stream.indirect.scatter.add.f32 [tilespmem:s15], [sflag:$0x3], $0x80, s30, s19, $0xb8;
	[tilespmem:$0x1E800] =	vst v63  }
0x2b: {  	_ =	swait.ge [sflag:s21], $0x4000  }
0x2c: {  	[sflag:s21] =	ssyncset.done $0x0  }
0x2d: {  	s31 =	simm.s32 $0x80;
	[sflag:s21] =	ssyncadd.s32 $0xFFFFC000  }
0x2e: {  	[tilespmem:s16], [sflag:$0x2] =	stream.indirect.gather [hbm4b:s4+s19], $0x80, s31, s19, $0xb8;
	[tilespmem:$0x1E800] =	vst v63  }
0x2f: {  	_ =	swait.ge [sflag:s22], $0x4000  }
0x30: {  	[sflag:s22] =	ssyncset.done $0x0  }
0x31: {  	s25 =	simm.s32 $0x1480;
	s24 =	simm.s32 $0x400;
	[sflag:s22] =	ssyncadd.s32 $0xFFFFC000  }
.LBB2_2:
0x32: {  	[spmem:s2] =	stream.indirect.scatter.add.f32 [tilespmem:s16], [sflag:$0x4], $0x80, s25, s19, $0xb8;
	[tilespmem:$0x1E800] =	vst v63  }
0x33: {  	s25 =	smov.u32 s24  }
0x34: {  	p0 =	sne.s32 s24, $0x4C00;
	s24 =	sadd.s32 $0x400, s24;
	_ =	swait.ge [sflag:s18], $0x4000  }
0x35: {  	[sflag:s18] =	ssyncset.done $0x0  }
0x36: {  	s25 =	sshra.s32 s25, $0x2;
	[sflag:s18] =	ssyncadd.s32 $0xFFFFC000  }
0x37: {  	[tilespmem:s15], [sflag:$0x1] =	stream.indirect.gather [hbm4b:s4+s19], $0x80, s25, s19, $0xb8;
	[tilespmem:$0x1E800] =	vst v63  }
0x38: {  	_ =	swait.ge [sflag:s20], $0x4000  }
0x39: {  	[sflag:s20] =	ssyncset.done $0x0  }
0x3a: {  	s26 =	sadd.s32 $0x1400, s25;
	[sflag:s20] =	ssyncadd.s32 $0xFFFFC000  }
0x3b: {  	[spmem:s2] =	stream.indirect.scatter.add.f32 [tilespmem:s15], [sflag:$0x3], $0x80, s26, s19, $0xb8;
	[tilespmem:$0x1E800] =	vst v63  }
0x3c: {  	_ =	swait.ge [sflag:s21], $0x4000  }
0x3d: {  	[sflag:s21] =	ssyncset.done $0x0  }
.Ltmp0:
0x3e: {  	s26 =	sadd.s32 $0x80, s25;
	[sflag:s21] =	ssyncadd.s32 $0xFFFFC000;
	(pc) =	sbr.rel @p0 .LBB2_2-.Ltmp0, $4  }
0x3f: {  	[tilespmem:s16], [sflag:$0x2] =	stream.indirect.gather [hbm4b:s4+s19], $0x80, s26, s19, $0xb8;
	[tilespmem:$0x1E800] =	vst v63  }
0x40: {  	_ =	swait.ge [sflag:s22], $0x4000  }
0x41: {  	[sflag:s22] =	ssyncset.done $0x0  }
0x42: {  	s25 =	sadd.s32 $0x1480, s25;
	[sflag:s22] =	ssyncadd.s32 $0xFFFFC000  }
0x43: {  	[spmem:s2] =	stream.indirect.scatter.add.f32 [tilespmem:s16], [sflag:$0x4], $0x80, s25, s19, $0xb8;
	[tilespmem:$0x1E800] =	vst v63  }
0x44: {  	s24 =	simm.s32 $0x0  }
0x45: {  	[tilespmem:s24], [sflag:$0x5] =	stream.linear.gather [hbm4b:s11+s24], $0x1400, $0x38;
	[tilespmem:$0x1E800] =	vst v63  }
0x46: {  	_ =	swait.ge [sflag:s14], $0x1400  }
0x47: {  	[sflag:s14] =	ssyncset.done $0x0  }
0x48: {  	[sflag:s14] =	ssyncadd.s32 $0xFFFFEC00  }
0x49: {  	[tilespmem:s17], [sflag:$0x5] =	stream.linear.gather [hbm4b:s12+s24], $0x1400, $0x38;
	[tilespmem:$0x1E800] =	vst v63  }
0x4a: {  	_ =	swait.ge [sflag:s14], $0x1400  }
0x4b: {  	[sflag:s14] =	ssyncset.done $0x0  }
0x4c: {  	[sflag:s14] =	ssyncadd.s32 $0xFFFFEC00  }
0x4d: {  	_ =	swait.ge [sflag:s18], $0x4000  }
0x4e: {  	[sflag:s18] =	ssyncset.done $0x0  }
0x4f: {  	s29 =	simm.s32 $0x0;
	[sflag:s18] =	ssyncadd.s32 $0xFFFFC000  }
0x50: {  	[tilespmem:s15], [sflag:$0x1] =	stream.indirect.gather [hbm4b:s4+s19], $0x80, s29, s19, $0xb8;
	[tilespmem:$0x1E800] =	vst v63  }
0x51: {  	_ =	swait.ge [sflag:s20], $0x4000  }
0x52: {  	[sflag:s20] =	ssyncset.done $0x0  }
0x53: {  	s30 =	simm.s32 $0x1400;
	[sflag:s20] =	ssyncadd.s32 $0xFFFFC000  }
0x54: {  	[spmem:s2] =	stream.indirect.scatter.add.f32 [tilespmem:s15], [sflag:$0x3], $0x80, s30, s19, $0xb8;
	[tilespmem:$0x1E800] =	vst v63  }
0x55: {  	_ =	swait.ge [sflag:s21], $0x4000  }
0x56: {  	[sflag:s21] =	ssyncset.done $0x0  }
0x57: {  	s31 =	simm.s32 $0x80;
	[sflag:s21] =	ssyncadd.s32 $0xFFFFC000  }
0x58: {  	[tilespmem:s16], [sflag:$0x2] =	stream.indirect.gather [hbm4b:s4+s19], $0x80, s31, s19, $0xb8;
	[tilespmem:$0x1E800] =	vst v63  }
0x59: {  	_ =	swait.ge [sflag:s22], $0x4000  }
0x5a: {  	[sflag:s22] =	ssyncset.done $0x0  }
0x5b: {  	s25 =	simm.s32 $0x1480;
	s24 =	simm.s32 $0x400;
	[sflag:s22] =	ssyncadd.s32 $0xFFFFC000  }
.LBB2_4:
0x5c: {  	[spmem:s2] =	stream.indirect.scatter.add.f32 [tilespmem:s16], [sflag:$0x4], $0x80, s25, s19, $0xb8;
	[tilespmem:$0x1E800] =	vst v63  }
0x5d: {  	s25 =	smov.u32 s24  }
0x5e: {  	p0 =	sne.s32 s24, $0x4C00;
	s24 =	sadd.s32 $0x400, s24;
	_ =	swait.ge [sflag:s18], $0x4000  }
0x5f: {  	[sflag:s18] =	ssyncset.done $0x0  }
0x60: {  	s25 =	sshra.s32 s25, $0x2;
	[sflag:s18] =	ssyncadd.s32 $0xFFFFC000  }
0x61: {  	[tilespmem:s15], [sflag:$0x1] =	stream.indirect.gather [hbm4b:s4+s19], $0x80, s25, s19, $0xb8;
	[tilespmem:$0x1E800] =	vst v63  }
0x62: {  	_ =	swait.ge [sflag:s20], $0x4000  }
0x63: {  	[sflag:s20] =	ssyncset.done $0x0  }
0x64: {  	s26 =	sadd.s32 $0x1400, s25;
	[sflag:s20] =	ssyncadd.s32 $0xFFFFC000  }
0x65: {  	[spmem:s2] =	stream.indirect.scatter.add.f32 [tilespmem:s15], [sflag:$0x3], $0x80, s26, s19, $0xb8;
	[tilespmem:$0x1E800] =	vst v63  }
0x66: {  	_ =	swait.ge [sflag:s21], $0x4000  }
0x67: {  	[sflag:s21] =	ssyncset.done $0x0  }
.Ltmp1:
0x68: {  	s26 =	sadd.s32 $0x80, s25;
	[sflag:s21] =	ssyncadd.s32 $0xFFFFC000;
	(pc) =	sbr.rel @p0 .LBB2_4-.Ltmp1, $4  }
0x69: {  	[tilespmem:s16], [sflag:$0x2] =	stream.indirect.gather [hbm4b:s4+s19], $0x80, s26, s19, $0xb8;
	[tilespmem:$0x1E800] =	vst v63  }
0x6a: {  	_ =	swait.ge [sflag:s22], $0x4000  }
0x6b: {  	[sflag:s22] =	ssyncset.done $0x0  }
0x6c: {  	s25 =	sadd.s32 $0x1480, s25;
	[sflag:s22] =	ssyncadd.s32 $0xFFFFC000  }
0x6d: {  	[spmem:s2] =	stream.indirect.scatter.add.f32 [tilespmem:s16], [sflag:$0x4], $0x80, s25, s19, $0xb8;
	[tilespmem:$0x1E800] =	vst v63  }
0x6e: {  	_ =	swait.ge [sflag:s18], $0x4000  }
0x6f: {  	[sflag:s18] =	ssyncset.done $0x0  }
0x70: {  	[sflag:s18] =	ssyncadd.s32 $0xFFFFC000  }
0x71: {  	_ =	swait.ge [sflag:s21], $0x4000  }
0x72: {  	s23 =	sadd.s32 $0x1, s23;
	[sflag:s21] =	ssyncset.done $0x0  }
0x73: {  	p0 =	sne.s32 s23, s8;
	[sflag:s21] =	ssyncadd.s32 $0xFFFFC000  }
.Ltmp2:
0x74: {  	[bflag:$0x0] =	sbarrier.arrive $0xFFFF;
	(pc) =	sbr.rel @p0 .LBB2_1-.Ltmp2, $4  }
0x75: {  	[hbm:s7], [sflag:s6] =	dma.local [spmem:s13], $0x2800  }
0x76: {  	_ =	swait.ge [sflag:s14], $0x2800  }
0x77: {  	[sflag:s14] =	ssyncset.done $0x0  }
0x78: {  	[sflag:s14] =	ssyncadd.s32 $0xFFFFD800  }
0x79: {  	_ =	sfence.sel $0x180000  }
0x7a: {  	[bflag:$0x0] =	sbarrier.arrive $0xFFFF  }
0x7b: {  	p0 =	sne.s32 s1, $0x0;
	_ =	strace $0x90000050  }
0x7c: {  	s0 =	sadd.s32 @!p0 $0x100000, s0;
	[bflag:$0x2] =	sbarrier.arrive $0xFFFF  }
0x7d: {  	[sflag:s0] =	ssyncadd.tile.s32 @!p0 $0x1;
	_ =	shalt  }
.Lfunc_end2:
_tile_overlayer_lowered:
.L_overlay_start_2:
0x7e: {  	(tag) =	ssettag $0x2  }
0x7f: {  	s0 =	rddreg [dreg:$0x0];
	s2 =	stileid.u32  }
0x80: {  	s1 =	rddreg [dreg:$0x1];
	p0 =	sne.s32 s2, $0x0  }
0x81: {  	s3 =	rddreg [dreg:$0x2];
	[bflag:$0x3] =	sbarrier.arrive $0xFFFF;
	s2 =	simm.s32 @!p0 $0x1C05  }
0x82: {  	[timem:s3], [sflag:s2] =	dma.local @!p0 [hbm:s0], s1  }
0x83: {  	s0 =	simm.s32 @!p0 $0x5  }
0x84: {  	_ =	swait.ge @!p0 [sflag:s0], s1  }
0x85: {  	s1 =	ssub.s32 @!p0 $0x0, s1;
	[sflag:s0] =	ssyncset.done @!p0 $0x0  }
0x86: {  	[sflag:s0] =	ssyncadd.s32 @!p0 s1  }
0x87: {  	[bflag:$0x3] =	sbarrier.arrive $0xFFFF  }
0x88: {  	_ =	shalt  }

// kernel: kernel.37.cloned.1.call-start
scs
__scs_entry_jumppad:
0x0: {  	(pc) =	sbr.rel $0x88, $3  }
0x1: {  	(tag) =	ssettag $0x0;
	lr =	simm.s32 $0x1  }
0x2: {  	[smem:$0x3F96] =	sst lr;
	_ =	strace $0xD0000000  }
0x3: {  	_ = 	snop  }
0x4: {  	_ = 	snop  }
0x5: {  	_ = 	snop  }
0x6: {  	_ = 	snop  }
0x7: {  	_ = 	snop  }
__scs_overlays_trampoline_lowered:
0x8: {  	[smem:$0x3FA5] =	sst s0  }
0x9: {  	[smem:$0x3FA6] =	sst s1  }
0xa: {  	[smem:$0x3FA7] =	sst s2  }
0xb: {  	[smem:$0x3FA8] =	sst s3  }
0xc: {  	[smem:$0x3FA9] =	sst s4  }
0xd: {  	[smem:$0x3FAA] =	sst s5  }
0xe: {  	[smem:$0x3FAB] =	sst s6  }
0xf: {  	[smem:$0x3FAC] =	sst s7  }
0x10: {  	[smem:$0x3FAD] =	sst s8  }
0x11: {  	[smem:$0x3FAE] =	sst s9;
	s0 =	simm.s32 @!p0 $0x0  }
0x12: {  	s1 =	sld [smem:$0x3F94];
	s0 =	simm.s32 @p0 $0x1  }
0x13: {  	[smem:$0x3FAF] =	sst s0;
	s0 =	simm.s32 @!p1 $0x0  }
0x14: {  	s2 =	sld [smem:$0x3F93];
	s0 =	simm.s32 @p1 $0x1  }
0x15: {  	[smem:$0x3FB0] =	sst s0;
	s0 =	simm.s32 @!p2 $0x0  }
0x16: {  	s3 =	sld [smem:$0x3FDB];
	s0 =	simm.s32 @p2 $0x1  }
0x17: {  	s4 =	simm.s32 $0x1BF5;
	[smem:$0x3FB2] =	sst s0  }
0x18: {  	s0 =	sld [smem:$0x3F95];
	_ =	swait.ge [sflag:s4], $0x0  }
0x19: {  	s7 =	sld [smem:$0x3F96]  }
0x1a: {  	s8 =	sadd.s32 $0xFFFFE003, lr  }
0x1b: {  	s9 =	sadd.s32 $0xFFFFFEF7, lr;
	s5 =	simm.s32 $0xFFFFFFFF;
	p2 =	slt.u32 s8, $0xFFFFF086  }
0x1c: {  	p1 =	slt.u32 s9, $0xF7A;
	s5 =	simm.s32 @!p2 $0x0  }
0x1d: {  	s5 =	simm.s32 @p1 $0x1;
	p0 =	seq.s32 s7, s2  }
0x1e: {  	s7 =	smul.u32 @!p0 $0xF7A, s2;
	p2 =	seq.s32 @!p0 s5, $0x0  }
0x1f: {  	s9 =	smul.u32 $0xF7A, s1;
	s8 =	simm.s32 @!p0 $0x1BF5;
	p2 =	por !p2, p0  }
0x20: {  	[sflag:s8] =	ssyncset.s32 @!p0 $0xFFFFF086;
	s6 =	sadd.s32 @!p0 s3, s7;
	s7 =	simm.s32 @!p0 $0x108  }
0x21: {  	s3 =	sadd.s32 s3, s9;
	s6 =	sadd.s32 @!p0 $0x88, s6;
	s7 =	simm.s32 @p2 $0x1082  }
0x22: {  	[simem:s7], [sflag:s8] =	dma.local @!p0 [hbm:s6], $0xF7A  }
0x23: {  	s9 =	sor.u32 $0xD0000000, s2;
	s6 =	simm.s32 $0x108;
	_ =	swait.ge @!p0 [sflag:s8], $0x0  }
0x24: {  	s3 =	sadd.s32 $0x88, s3;
	s6 =	simm.s32 @!p1 $0x1082;
	[sflag:s4] =	ssyncset.s32 $0xFFFFF086  }
0x25: {  	[simem:s6], [sflag:s4] =	dma.local [hbm:s3], $0xF7A  }
0x26: {  	[smem:$0x3F96] =	sst s1;
	(tag) =	ssettag s2;
	_ =	strace s9  }
0x27: {  	s1 =	sld [smem:$0x3FA6]  }
0x28: {  	s2 =	sld [smem:$0x3FA7]  }
0x29: {  	s4 =	sld [smem:$0x3FA9]  }
0x2a: {  	p0 =	seq.s32 s5, $0x0;
	s5 =	sld [smem:$0x3FAA]  }
0x2b: {  	s6 =	sld [smem:$0x3FAB]  }
0x2c: {  	s7 =	sld [smem:$0x3FAC]  }
0x2d: {  	s3 =	simm.s32 $0x108;
	s8 =	sld [smem:$0x3FAD]  }
0x2e: {  	s3 =	simm.s32 @!p0 $0x1082;
	s9 =	sld [smem:$0x3FAE]  }
0x2f: {  	lr =	sadd.s32 s0, s3;
	s0 =	sld [smem:$0x3FA5]  }
0x30: {  	s3 =	sld [smem:$0x3FA8]  }
0x31: {  	[smem:$0x3FB1] =	sst s10  }
0x32: {  	s10 =	sld [smem:$0x3FAF];
	_ =	sdelay $0x3  }
0x33: {  	p0 =	seq.s32 s10, $0x1;
	s10 =	sld [smem:$0x3FB1];
	_ =	sdelay $0x3  }
0x34: {  	[smem:$0x3FB1] =	sst s10  }
0x35: {  	s10 =	sld [smem:$0x3FB0];
	_ =	sdelay $0x3  }
0x36: {  	p1 =	seq.s32 s10, $0x1;
	s10 =	sld [smem:$0x3FB1];
	_ =	sdelay $0x3  }
0x37: {  	[smem:$0x3FB1] =	sst s10  }
0x38: {  	s10 =	sld [smem:$0x3FB2]  }
0x39: {  	_ = 	snop;
	(pc) =	sbr.ind lr, $3  }
0x3a: {  	_ = 	snop  }
0x3b: {  	_ = 	snop  }
0x3c: {  	p2 =	seq.s32 s10, $0x1;
	s10 =	sld [smem:$0x3FB1]  }
0x3d: {  	_ =	shalt  }
0x3e: {  	_ =	shalt  }
0x3f: {  	_ =	shalt  }
0x40: {  	_ =	shalt  }
0x41: {  	_ =	shalt  }
0x42: {  	_ =	shalt  }
0x43: {  	_ =	shalt  }
0x44: {  	_ =	shalt  }
0x45: {  	_ =	shalt  }
0x46: {  	_ =	shalt  }
0x47: {  	_ =	shalt  }
0x48: {  	_ =	shalt  }
0x49: {  	_ =	shalt  }
0x4a: {  	_ =	shalt  }
0x4b: {  	_ =	shalt  }
0x4c: {  	_ =	shalt  }
0x4d: {  	_ =	shalt  }
0x4e: {  	_ =	shalt  }
0x4f: {  	_ =	shalt  }
0x50: {  	_ =	shalt  }
0x51: {  	_ =	shalt  }
0x52: {  	_ =	shalt  }
0x53: {  	_ =	shalt  }
0x54: {  	_ =	shalt  }
0x55: {  	_ =	shalt  }
0x56: {  	_ =	shalt  }
0x57: {  	_ =	shalt  }
0x58: {  	_ =	shalt  }
0x59: {  	_ =	shalt  }
0x5a: {  	_ =	shalt  }
0x5b: {  	_ =	shalt  }
0x5c: {  	_ =	shalt  }
0x5d: {  	_ =	shalt  }
0x5e: {  	_ =	shalt  }
0x5f: {  	_ =	shalt  }
0x60: {  	_ =	shalt  }
0x61: {  	_ =	shalt  }
0x62: {  	_ =	shalt  }
0x63: {  	_ =	shalt  }
0x64: {  	_ =	shalt  }
0x65: {  	_ =	shalt  }
0x66: {  	_ =	shalt  }
0x67: {  	_ =	shalt  }
0x68: {  	_ =	shalt  }
0x69: {  	_ =	shalt  }
0x6a: {  	_ =	shalt  }
0x6b: {  	_ =	shalt  }
0x6c: {  	_ =	shalt  }
0x6d: {  	_ =	shalt  }
0x6e: {  	_ =	shalt  }
0x6f: {  	_ =	shalt  }
0x70: {  	_ =	shalt  }
0x71: {  	_ =	shalt  }
0x72: {  	_ =	shalt  }
0x73: {  	_ =	shalt  }
0x74: {  	_ =	shalt  }
0x75: {  	_ =	shalt  }
0x76: {  	_ =	shalt  }
0x77: {  	_ =	shalt  }
0x78: {  	_ =	shalt  }
0x79: {  	_ =	shalt  }
0x7a: {  	_ =	shalt  }
0x7b: {  	_ =	shalt  }
0x7c: {  	_ =	shalt  }
0x7d: {  	_ =	shalt  }
0x7e: {  	_ =	shalt  }
0x7f: {  	_ =	shalt  }
0x80: {  	_ =	shalt  }
0x81: {  	_ =	shalt  }
0x82: {  	_ =	shalt  }
0x83: {  	_ =	shalt  }
0x84: {  	_ =	shalt  }
0x85: {  	_ =	shalt  }
0x86: {  	_ =	shalt  }
0x87: {  	_ =	shalt  }
.Lfunc_end0:
.L_simem_size_0:
called_computation.4_lowered:
.L_overlay_start_0:
0x88: {  	s2 =	sld [smem:$0x3FD9]  }
0x89: {  	s3 =	sld [smem:$0x3FFE];
	_ =	sdelay $0x1  }
0x8a: {  	s1 =	srdreg.scid  }
0x8b: {  	s0 =	sand.u32 $0x1, s1  }
0x8c: {  	s16 =	sshll.u32 s0, $0xA;
	s2 =	sadd.s32 s3, s2  }
0x8d: {  	s2 =	sadd.s32 s2, s16  }
0x8e: {  	[smem:$0x3FBD] =	sst s2  }
0x8f: {  	_ = 	snop  }
0x90: {  	(tm) =	ssettm $0x1  }
0x91: {  	s17 =	sld [smem:$0x3FFB];
	_ =	sdelay $0x3  }
0x92: {  	_ =	strace s17  }
0x93: {  	s2 =	sld [smem:$0x3FFC];
	_ =	sdelay $0x3  }
0x94: {  	_ =	strace s2  }
0x95: {  	s2 =	sld [smem:$0x3FFD];
	_ =	sdelay $0x3  }
0x96: {  	_ =	strace s2  }
0x97: {  	_ =	strace $0x8FFFFFFF  }
0x98: {  	s18 =	sld [smem:$0x3FDB];
	_ =	sdelay $0x1  }
0x99: {  	s19 =	simm.s32 $_scs_section_size  }
0x9a: {  	s4 =	simm.s32 $_size__tile_overlayer_lowered;
	s5 =	simm.s32 $_tile_overlayer_lowered  }
0x9b: {  	s22 =	simm.s32 $0x1BFF;
	s21 =	sshll.u32 s5, $0x1;
	s2 =	sadd.s32 s19, s18  }
0x9c: {  	s6 =	simm.s32 $0x0;
	s20 =	sshll.u32 s4, $0x1;
	s4 =	sadd.s32 s21, s2  }
0x9d: {  	[timem:s6], [sflag:s22] =	dma.local [hbm:s4], s20  }
0x9e: {  	_ =	swait.ge [sflag:s22], s20  }
0x9f: {  	s3 =	ssub.s32 $0x0, s20;
	[sflag:s22] =	ssyncset.done $0x0  }
0xa0: {  	[sflag:s22] =	ssyncadd.s32 s3;
	_ =	sdelay $0x1  }
0xa1: {  	s23 =	simm.s32 $0x1B8B  }
0xa2: {  	_ =	swait.ge [sflag:s23], $0x1  }
0xa3: {  	[sflag:s23] =	ssyncset.done $0x0  }
0xa4: {  	s25 =	simm.s32 $0x1B8E;
	s24 =	sld [smem:$0x3FFE];
	[sflag:s23] =	ssyncadd.s32 $0xFFFFFFFF  }
0xa5: {  	s26 =	simm.s32 $execute0_lowered;
	[smem:$0x3FD2] =	sst s25  }
0xa6: {  	s4 =	sshll.u32 s26, $0x1;
	_ =	strace $0x80000052;
	[dreg:$0x1] =	wrdreg $0xFFFFFFFF  }
0xa7: {  	s28 =	simm.s32 $_size_execute0_lowered;
	s2 =	sadd.s32 s2, s4;
	[dreg:$0x0] =	wrdreg $0x0  }
0xa8: {  	s4 =	sshll.u32 s28, $0x1;
	[dreg:$0x2] =	wrdreg s2  }
0xa9: {  	[dreg:$0x3] =	wrdreg s4  }
0xaa: {  	[dreg:$0x4] =	wrdreg $0xC0  }
0xab: {  	_ =	task [dreg:s6], $0x5FFFF  }
0xac: {  	[dreg:$0x1] =	wrdreg $0xFFFFFFFF  }
0xad: {  	[dreg:$0x0] =	wrdreg $0x60  }
0xae: {  	[dreg:$0x2] =	wrdreg s24  }
0xaf: {  	[dreg:$0x3] =	wrdreg $0xA8000  }
0xb0: {  	[dreg:$0x4] =	wrdreg $0x9  }
0xb1: {  	_ =	task.clear_ibuf [dreg:s6], $0x5FFFF;
	_ =	strace $0x90000052  }
0xb2: {  	s29 =	simm.s32 $0x9;
	_ =	strace $0x80000054  }
0xb3: {  	_ =	swait.ge [sflag:s29], $0x1  }
0xb4: {  	[sflag:s29] =	ssyncadd.s32 $0xFFFFFFFF  }
0xb5: {  	_ =	strace $0x90000054  }
0xb6: {  	_ =	sfence  }
0xb7: {  	s30 =	sld [smem:$0x0];
	_ =	sdelay $0x2  }
0xb8: {  	s31 =	sshll.u32 s1, $0xD;
	s1 =	sshrl.u32 s1, $0x2  }
0xb9: {  	s3 =	sand.u32 $0x4000, s31;
	s1 =	sadd.s32 s1, s30  }
0xba: {  	s0 =	sor.u32 s3, s0;
	s1 =	sshll.u32 s1, $0x11  }
0xbb: {  	s0 =	sor.u32 s1, s0  }
0xbc: {  	s0 =	sadd.s32 $0x8F2B, s0  }
0xbd: {  	[sflag:s0] =	ssyncadd.remote.s32 $0x1  }
0xbe: {  	_ =	sfence.sel $0xFFFF  }
0xbf: {  	[dreg:$0x0] =	wrdreg $0xFFFFFFFF;
	(pc) =	sbr.abs _section_cstart, $3  }
0xc0: {  	[dreg:$0x1] =	wrdreg $0xFFFFFFFF  }
0xc1: {  	_ =	task.clear_ibuf [dreg:s6], $0x2FFFF;
	_ =	strace $0x9FFFFFFF  }
0xc2: {  	(tm) =	ssettm $0x7FFFFFFF  }
0xc3: {  	_ =	shalt  }
tec
execute0_lowered:
.L_overlay_start_1:
0x0: {  	(tag) =	ssettag $0x1  }
0x1: {  	s5 =	rddreg [dreg:$0x0]  }
0x2: {  	s2 =	rddreg [dreg:$0x1]  }
0x3: {  	s0 =	rddreg [dreg:$0x2];
	s3 =	simm.s32 $0x0;
	s1 =	stileid.u32  }
0x4: {  	s4 =	srdreg.scid;
	s16 =	simm.s32 $0x6800;
	s17 =	simm.s32 $0x1400  }
0x5: {  	s18 =	simm.s32 $0x3;
	s19 =	simm.s32 $0x80;
	s20 =	simm.s32 $0x1  }
0x6: {  	s21 =	simm.s32 $0x4;
	s22 =	simm.s32 $0x2;
	[smem:$0x7FF] =	sst s3  }
0x7: {  	s6 =	smul.u32 $0x14000, s1;
	s7 =	sand.u32 $0x1, s4;
	s11 =	sadd.s32 $0x39200, s5  }
0x8: {  	s12 =	sadd.s32 $0x43200, s5;
	s4 =	sadd.s32 $0x9200, s5;
	s23 =	sshll.u32 s1, $0x1  }
0x9: {  	s10 =	smul.u32 $0x50000, s1;
	s30 =	sshll.u32 s1, $0x6;
	_ =	strace $0x80000053  }
0xa: {  	s8 =	smul.u32 $0x140000, s7;
	s24 =	ssub.s32 $0x2, s7;
	s25 =	sor.u32 s7, s23  }
0xb: {  	s23 =	simm.s32 $0x0;
	s9 =	sshrl.u32 s6, $0x3;
	s26 =	sshrl.u32 s24, $0x1  }
0xc: {  	s28 =	sshrl.u32 s10, $0x2;
	s29 =	smul.u32 $0x2800, s25;
	s9 =	sadd.s32 s9, s5  }
0xd: {  	s6 =	sadd.s32 s6, s8;
	s14 =	ssub.s32 s24, s26;
	s15 =	sadd.s32 s28, s2  }
0xe: {  	s6 =	sshrl.u32 s6, $0x3;
	s10 =	sshrl.u32 s29, $0x3;
	s8 =	smax.u32 s14, $0x1  }
0xf: {  	s14 =	simm.s32 $0x5;
	s13 =	sadd.s32 s6, s5;
	s5 =	sadd.s32 $0x4D200, s9  }
0x10: {  	s6 =	sor.u32 $0x1C05, s30;
	s31 =	sadd.s32 $0x280, s10;
	s9 =	sadd.s32 s11, s10  }
0x11: {  	s10 =	sadd.s32 s12, s10;
	s7 =	sadd.s32 $0x75200, s13;
	s11 =	sadd.s32 s11, s31  }
0x12: {  	s12 =	sadd.s32 s12, s31;
	s13 =	sshrl.u32 s15, $0x3;
	s15 =	simm.s32 $0x2800  }
.LBB2_1:
0x13: {  	[spmem:s13], [sflag:s6] =	dma.local [hbm:s5], $0x2800  }
0x14: {  	_ =	swait.ge [sflag:s14], $0x2800  }
0x15: {  	[sflag:s14] =	ssyncset.done $0x0  }
0x16: {  	[sflag:s14] =	ssyncadd.s32 $0xFFFFD800  }
0x17: {  	[tilespmem:s15], [sflag:$0x3] =	stream.linear.gather [hbm4b:s4+s3], $0x4000, $0x38;
	[tilespmem:$0x1E800] =	vst v63  }
0x18: {  	_ = 	snop  }
0x19: {  	[tilespmem:s16], [sflag:$0x4] =	stream.linear.gather [hbm4b:s4+s3], $0x4000, $0x38;
	[tilespmem:$0x1E800] =	vst v63  }
0x1a: {  	[bflag:$0x0] =	sbarrier.arrive $0xFFFF  }
0x1b: {  	[tilespmem:s3], [sflag:$0x5] =	stream.linear.gather [hbm4b:s9+s3], $0x1400, $0x38;
	[tilespmem:$0x1E800] =	vst v63  }
0x1c: {  	_ =	swait.ge [sflag:s14], $0x1400  }
0x1d: {  	[sflag:s14] =	ssyncset.done $0x0  }
0x1e: {  	[sflag:s14] =	ssyncadd.s32 $0xFFFFEC00  }
0x1f: {  	[tilespmem:s17], [sflag:$0x5] =	stream.linear.gather [hbm4b:s10+s3], $0x1400, $0x38;
	[tilespmem:$0x1E800] =	vst v63  }
0x20: {  	_ =	swait.ge [sflag:s14], $0x1400  }
0x21: {  	[sflag:s14] =	ssyncset.done $0x0  }
0x22: {  	[sflag:s14] =	ssyncadd.s32 $0xFFFFEC00  }
0x23: {  	_ =	swait.ge [sflag:s18], $0x4000  }
0x24: {  	[sflag:s18] =	ssyncset.done $0x0  }
0x25: {  	s24 =	simm.s32 $0x0;
	[sflag:s18] =	ssyncadd.s32 $0xFFFFC000  }
0x26: {  	[tilespmem:s15], [sflag:$0x1] =	stream.indirect.gather [hbm4b:s4+s19], $0x80, s24, s19, $0xb8;
	[tilespmem:$0x1E800] =	vst v63  }
0x27: {  	_ =	swait.ge [sflag:s20], $0x4000  }
0x28: {  	[sflag:s20] =	ssyncset.done $0x0  }
0x29: {  	s30 =	simm.s32 $0x1400;
	[sflag:s20] =	ssyncadd.s32 $0xFFFFC000  }
0x2a: {  	[spmem:s2] =	stream.indirect.scatter.add.f32 [tilespmem:s15], [sflag:$0x3], $0x80, s30, s19, $0xb8;
	[tilespmem:$0x1E800] =	vst v63  }
0x2b: {  	_ =	swait.ge [sflag:s21], $0x4000  }
0x2c: {  	[sflag:s21] =	ssyncset.done $0x0  }
0x2d: {  	s31 =	simm.s32 $0x80;
	[sflag:s21] =	ssyncadd.s32 $0xFFFFC000  }
0x2e: {  	[tilespmem:s16], [sflag:$0x2] =	stream.indirect.gather [hbm4b:s4+s19], $0x80, s31, s19, $0xb8;
	[tilespmem:$0x1E800] =	vst v63  }
0x2f: {  	_ =	swait.ge [sflag:s22], $0x4000  }
0x30: {  	[sflag:s22] =	ssyncset.done $0x0  }
0x31: {  	s25 =	simm.s32 $0x1480;
	s24 =	simm.s32 $0x400;
	[sflag:s22] =	ssyncadd.s32 $0xFFFFC000  }
.LBB2_2:
0x32: {  	[spmem:s2] =	stream.indirect.scatter.add.f32 [tilespmem:s16], [sflag:$0x4], $0x80, s25, s19, $0xb8;
	[tilespmem:$0x1E800] =	vst v63  }
0x33: {  	s25 =	smov.u32 s24  }
0x34: {  	p0 =	sne.s32 s24, $0x4C00;
	s24 =	sadd.s32 $0x400, s24;
	_ =	swait.ge [sflag:s18], $0x4000  }
0x35: {  	[sflag:s18] =	ssyncset.done $0x0  }
0x36: {  	s25 =	sshra.s32 s25, $0x2;
	[sflag:s18] =	ssyncadd.s32 $0xFFFFC000  }
0x37: {  	[tilespmem:s15], [sflag:$0x1] =	stream.indirect.gather [hbm4b:s4+s19], $0x80, s25, s19, $0xb8;
	[tilespmem:$0x1E800] =	vst v63  }
0x38: {  	_ =	swait.ge [sflag:s20], $0x4000  }
0x39: {  	[sflag:s20] =	ssyncset.done $0x0  }
0x3a: {  	s26 =	sadd.s32 $0x1400, s25;
	[sflag:s20] =	ssyncadd.s32 $0xFFFFC000  }
0x3b: {  	[spmem:s2] =	stream.indirect.scatter.add.f32 [tilespmem:s15], [sflag:$0x3], $0x80, s26, s19, $0xb8;
	[tilespmem:$0x1E800] =	vst v63  }
0x3c: {  	_ =	swait.ge [sflag:s21], $0x4000  }
0x3d: {  	[sflag:s21] =	ssyncset.done $0x0  }
.Ltmp0:
0x3e: {  	s26 =	sadd.s32 $0x80, s25;
	[sflag:s21] =	ssyncadd.s32 $0xFFFFC000;
	(pc) =	sbr.rel @p0 .LBB2_2-.Ltmp0, $4  }
0x3f: {  	[tilespmem:s16], [sflag:$0x2] =	stream.indirect.gather [hbm4b:s4+s19], $0x80, s26, s19, $0xb8;
	[tilespmem:$0x1E800] =	vst v63  }
0x40: {  	_ =	swait.ge [sflag:s22], $0x4000  }
0x41: {  	[sflag:s22] =	ssyncset.done $0x0  }
0x42: {  	s25 =	sadd.s32 $0x1480, s25;
	[sflag:s22] =	ssyncadd.s32 $0xFFFFC000  }
0x43: {  	[spmem:s2] =	stream.indirect.scatter.add.f32 [tilespmem:s16], [sflag:$0x4], $0x80, s25, s19, $0xb8;
	[tilespmem:$0x1E800] =	vst v63  }
0x44: {  	s24 =	simm.s32 $0x0  }
0x45: {  	[tilespmem:s24], [sflag:$0x5] =	stream.linear.gather [hbm4b:s11+s24], $0x1400, $0x38;
	[tilespmem:$0x1E800] =	vst v63  }
0x46: {  	_ =	swait.ge [sflag:s14], $0x1400  }
0x47: {  	[sflag:s14] =	ssyncset.done $0x0  }
0x48: {  	[sflag:s14] =	ssyncadd.s32 $0xFFFFEC00  }
0x49: {  	[tilespmem:s17], [sflag:$0x5] =	stream.linear.gather [hbm4b:s12+s24], $0x1400, $0x38;
	[tilespmem:$0x1E800] =	vst v63  }
0x4a: {  	_ =	swait.ge [sflag:s14], $0x1400  }
0x4b: {  	[sflag:s14] =	ssyncset.done $0x0  }
0x4c: {  	[sflag:s14] =	ssyncadd.s32 $0xFFFFEC00  }
0x4d: {  	_ =	swait.ge [sflag:s18], $0x4000  }
0x4e: {  	[sflag:s18] =	ssyncset.done $0x0  }
0x4f: {  	s29 =	simm.s32 $0x0;
	[sflag:s18] =	ssyncadd.s32 $0xFFFFC000  }
0x50: {  	[tilespmem:s15], [sflag:$0x1] =	stream.indirect.gather [hbm4b:s4+s19], $0x80, s29, s19, $0xb8;
	[tilespmem:$0x1E800] =	vst v63  }
0x51: {  	_ =	swait.ge [sflag:s20], $0x4000  }
0x52: {  	[sflag:s20] =	ssyncset.done $0x0  }
0x53: {  	s30 =	simm.s32 $0x1400;
	[sflag:s20] =	ssyncadd.s32 $0xFFFFC000  }
0x54: {  	[spmem:s2] =	stream.indirect.scatter.add.f32 [tilespmem:s15], [sflag:$0x3], $0x80, s30, s19, $0xb8;
	[tilespmem:$0x1E800] =	vst v63  }
0x55: {  	_ =	swait.ge [sflag:s21], $0x4000  }
0x56: {  	[sflag:s21] =	ssyncset.done $0x0  }
0x57: {  	s31 =	simm.s32 $0x80;
	[sflag:s21] =	ssyncadd.s32 $0xFFFFC000  }
0x58: {  	[tilespmem:s16], [sflag:$0x2] =	stream.indirect.gather [hbm4b:s4+s19], $0x80, s31, s19, $0xb8;
	[tilespmem:$0x1E800] =	vst v63  }
0x59: {  	_ =	swait.ge [sflag:s22], $0x4000  }
0x5a: {  	[sflag:s22] =	ssyncset.done $0x0  }
0x5b: {  	s25 =	simm.s32 $0x1480;
	s24 =	simm.s32 $0x400;
	[sflag:s22] =	ssyncadd.s32 $0xFFFFC000  }
.LBB2_4:
0x5c: {  	[spmem:s2] =	stream.indirect.scatter.add.f32 [tilespmem:s16], [sflag:$0x4], $0x80, s25, s19, $0xb8;
	[tilespmem:$0x1E800] =	vst v63  }
0x5d: {  	s25 =	smov.u32 s24  }
0x5e: {  	p0 =	sne.s32 s24, $0x4C00;
	s24 =	sadd.s32 $0x400, s24;
	_ =	swait.ge [sflag:s18], $0x4000  }
0x5f: {  	[sflag:s18] =	ssyncset.done $0x0  }
0x60: {  	s25 =	sshra.s32 s25, $0x2;
	[sflag:s18] =	ssyncadd.s32 $0xFFFFC000  }
0x61: {  	[tilespmem:s15], [sflag:$0x1] =	stream.indirect.gather [hbm4b:s4+s19], $0x80, s25, s19, $0xb8;
	[tilespmem:$0x1E800] =	vst v63  }
0x62: {  	_ =	swait.ge [sflag:s20], $0x4000  }
0x63: {  	[sflag:s20] =	ssyncset.done $0x0  }
0x64: {  	s26 =	sadd.s32 $0x1400, s25;
	[sflag:s20] =	ssyncadd.s32 $0xFFFFC000  }
0x65: {  	[spmem:s2] =	stream.indirect.scatter.add.f32 [tilespmem:s15], [sflag:$0x3], $0x80, s26, s19, $0xb8;
	[tilespmem:$0x1E800] =	vst v63  }
0x66: {  	_ =	swait.ge [sflag:s21], $0x4000  }
0x67: {  	[sflag:s21] =	ssyncset.done $0x0  }
.Ltmp1:
0x68: {  	s26 =	sadd.s32 $0x80, s25;
	[sflag:s21] =	ssyncadd.s32 $0xFFFFC000;
	(pc) =	sbr.rel @p0 .LBB2_4-.Ltmp1, $4  }
0x69: {  	[tilespmem:s16], [sflag:$0x2] =	stream.indirect.gather [hbm4b:s4+s19], $0x80, s26, s19, $0xb8;
	[tilespmem:$0x1E800] =	vst v63  }
0x6a: {  	_ =	swait.ge [sflag:s22], $0x4000  }
0x6b: {  	[sflag:s22] =	ssyncset.done $0x0  }
0x6c: {  	s25 =	sadd.s32 $0x1480, s25;
	[sflag:s22] =	ssyncadd.s32 $0xFFFFC000  }
0x6d: {  	[spmem:s2] =	stream.indirect.scatter.add.f32 [tilespmem:s16], [sflag:$0x4], $0x80, s25, s19, $0xb8;
	[tilespmem:$0x1E800] =	vst v63  }
0x6e: {  	_ =	swait.ge [sflag:s18], $0x4000  }
0x6f: {  	[sflag:s18] =	ssyncset.done $0x0  }
0x70: {  	[sflag:s18] =	ssyncadd.s32 $0xFFFFC000  }
0x71: {  	_ =	swait.ge [sflag:s21], $0x4000  }
0x72: {  	s23 =	sadd.s32 $0x1, s23;
	[sflag:s21] =	ssyncset.done $0x0  }
0x73: {  	p0 =	sne.s32 s23, s8;
	[sflag:s21] =	ssyncadd.s32 $0xFFFFC000  }
.Ltmp2:
0x74: {  	[bflag:$0x0] =	sbarrier.arrive $0xFFFF;
	(pc) =	sbr.rel @p0 .LBB2_1-.Ltmp2, $4  }
0x75: {  	[hbm:s7], [sflag:s6] =	dma.local [spmem:s13], $0x2800  }
0x76: {  	_ =	swait.ge [sflag:s14], $0x2800  }
0x77: {  	[sflag:s14] =	ssyncset.done $0x0  }
0x78: {  	[sflag:s14] =	ssyncadd.s32 $0xFFFFD800  }
0x79: {  	_ =	sfence.sel $0x180000  }
0x7a: {  	[bflag:$0x0] =	sbarrier.arrive $0xFFFF  }
0x7b: {  	p0 =	sne.s32 s1, $0x0;
	_ =	strace $0x90000053  }
0x7c: {  	s0 =	sadd.s32 @!p0 $0x100000, s0;
	[bflag:$0x2] =	sbarrier.arrive $0xFFFF  }
0x7d: {  	[sflag:s0] =	ssyncadd.tile.s32 @!p0 $0x1;
	_ =	shalt  }
.Lfunc_end2:
_tile_overlayer_lowered:
.L_overlay_start_2:
0x7e: {  	(tag) =	ssettag $0x2  }
0x7f: {  	s0 =	rddreg [dreg:$0x0];
	s2 =	stileid.u32  }
0x80: {  	s1 =	rddreg [dreg:$0x1];
	p0 =	sne.s32 s2, $0x0  }
0x81: {  	s3 =	rddreg [dreg:$0x2];
	[bflag:$0x3] =	sbarrier.arrive $0xFFFF;
	s2 =	simm.s32 @!p0 $0x1C05  }
0x82: {  	[timem:s3], [sflag:s2] =	dma.local @!p0 [hbm:s0], s1  }
0x83: {  	s0 =	simm.s32 @!p0 $0x5  }
0x84: {  	_ =	swait.ge @!p0 [sflag:s0], s1  }
0x85: {  	s1 =	ssub.s32 @!p0 $0x0, s1;
	[sflag:s0] =	ssyncset.done @!p0 $0x0  }
0x86: {  	[sflag:s0] =	ssyncadd.s32 @!p0 s1  }
0x87: {  	[bflag:$0x3] =	sbarrier.arrive $0xFFFF  }
0x88: {  	_ =	shalt  }

// kernel: kernel.40.cloned.1.call-start
scs
__scs_entry_jumppad:
0x0: {  	(pc) =	sbr.rel $0x88, $3  }
0x1: {  	(tag) =	ssettag $0x0;
	lr =	simm.s32 $0x1  }
0x2: {  	[smem:$0x3F96] =	sst lr;
	_ =	strace $0xD0000000  }
0x3: {  	_ = 	snop  }
0x4: {  	_ = 	snop  }
0x5: {  	_ = 	snop  }
0x6: {  	_ = 	snop  }
0x7: {  	_ = 	snop  }
__scs_overlays_trampoline_lowered:
0x8: {  	[smem:$0x3FA5] =	sst s0  }
0x9: {  	[smem:$0x3FA6] =	sst s1  }
0xa: {  	[smem:$0x3FA7] =	sst s2  }
0xb: {  	[smem:$0x3FA8] =	sst s3  }
0xc: {  	[smem:$0x3FA9] =	sst s4  }
0xd: {  	[smem:$0x3FAA] =	sst s5  }
0xe: {  	[smem:$0x3FAB] =	sst s6  }
0xf: {  	[smem:$0x3FAC] =	sst s7  }
0x10: {  	[smem:$0x3FAD] =	sst s8  }
0x11: {  	[smem:$0x3FAE] =	sst s9;
	s0 =	simm.s32 @!p0 $0x0  }
0x12: {  	s1 =	sld [smem:$0x3F94];
	s0 =	simm.s32 @p0 $0x1  }
0x13: {  	[smem:$0x3FAF] =	sst s0;
	s0 =	simm.s32 @!p1 $0x0  }
0x14: {  	s2 =	sld [smem:$0x3F93];
	s0 =	simm.s32 @p1 $0x1  }
0x15: {  	[smem:$0x3FB0] =	sst s0;
	s0 =	simm.s32 @!p2 $0x0  }
0x16: {  	s3 =	sld [smem:$0x3FDB];
	s0 =	simm.s32 @p2 $0x1  }
0x17: {  	s4 =	simm.s32 $0x1BF5;
	[smem:$0x3FB2] =	sst s0  }
0x18: {  	s0 =	sld [smem:$0x3F95];
	_ =	swait.ge [sflag:s4], $0x0  }
0x19: {  	s7 =	sld [smem:$0x3F96]  }
0x1a: {  	s8 =	sadd.s32 $0xFFFFE003, lr  }
0x1b: {  	s9 =	sadd.s32 $0xFFFFFEF7, lr;
	s5 =	simm.s32 $0xFFFFFFFF;
	p2 =	slt.u32 s8, $0xFFFFF086  }
0x1c: {  	p1 =	slt.u32 s9, $0xF7A;
	s5 =	simm.s32 @!p2 $0x0  }
0x1d: {  	s5 =	simm.s32 @p1 $0x1;
	p0 =	seq.s32 s7, s2  }
0x1e: {  	s7 =	smul.u32 @!p0 $0xF7A, s2;
	p2 =	seq.s32 @!p0 s5, $0x0  }
0x1f: {  	s9 =	smul.u32 $0xF7A, s1;
	s8 =	simm.s32 @!p0 $0x1BF5;
	p2 =	por !p2, p0  }
0x20: {  	[sflag:s8] =	ssyncset.s32 @!p0 $0xFFFFF086;
	s6 =	sadd.s32 @!p0 s3, s7;
	s7 =	simm.s32 @!p0 $0x108  }
0x21: {  	s3 =	sadd.s32 s3, s9;
	s6 =	sadd.s32 @!p0 $0x88, s6;
	s7 =	simm.s32 @p2 $0x1082  }
0x22: {  	[simem:s7], [sflag:s8] =	dma.local @!p0 [hbm:s6], $0xF7A  }
0x23: {  	s9 =	sor.u32 $0xD0000000, s2;
	s6 =	simm.s32 $0x108;
	_ =	swait.ge @!p0 [sflag:s8], $0x0  }
0x24: {  	s3 =	sadd.s32 $0x88, s3;
	s6 =	simm.s32 @!p1 $0x1082;
	[sflag:s4] =	ssyncset.s32 $0xFFFFF086  }
0x25: {  	[simem:s6], [sflag:s4] =	dma.local [hbm:s3], $0xF7A  }
0x26: {  	[smem:$0x3F96] =	sst s1;
	(tag) =	ssettag s2;
	_ =	strace s9  }
0x27: {  	s1 =	sld [smem:$0x3FA6]  }
0x28: {  	s2 =	sld [smem:$0x3FA7]  }
0x29: {  	s4 =	sld [smem:$0x3FA9]  }
0x2a: {  	p0 =	seq.s32 s5, $0x0;
	s5 =	sld [smem:$0x3FAA]  }
0x2b: {  	s6 =	sld [smem:$0x3FAB]  }
0x2c: {  	s7 =	sld [smem:$0x3FAC]  }
0x2d: {  	s3 =	simm.s32 $0x108;
	s8 =	sld [smem:$0x3FAD]  }
0x2e: {  	s3 =	simm.s32 @!p0 $0x1082;
	s9 =	sld [smem:$0x3FAE]  }
0x2f: {  	lr =	sadd.s32 s0, s3;
	s0 =	sld [smem:$0x3FA5]  }
0x30: {  	s3 =	sld [smem:$0x3FA8]  }
0x31: {  	[smem:$0x3FB1] =	sst s10  }
0x32: {  	s10 =	sld [smem:$0x3FAF];
	_ =	sdelay $0x3  }
0x33: {  	p0 =	seq.s32 s10, $0x1;
	s10 =	sld [smem:$0x3FB1];
	_ =	sdelay $0x3  }
0x34: {  	[smem:$0x3FB1] =	sst s10  }
0x35: {  	s10 =	sld [smem:$0x3FB0];
	_ =	sdelay $0x3  }
0x36: {  	p1 =	seq.s32 s10, $0x1;
	s10 =	sld [smem:$0x3FB1];
	_ =	sdelay $0x3  }
0x37: {  	[smem:$0x3FB1] =	sst s10  }
0x38: {  	s10 =	sld [smem:$0x3FB2]  }
0x39: {  	_ = 	snop;
	(pc) =	sbr.ind lr, $3  }
0x3a: {  	_ = 	snop  }
0x3b: {  	_ = 	snop  }
0x3c: {  	p2 =	seq.s32 s10, $0x1;
	s10 =	sld [smem:$0x3FB1]  }
0x3d: {  	_ =	shalt  }
0x3e: {  	_ =	shalt  }
0x3f: {  	_ =	shalt  }
0x40: {  	_ =	shalt  }
0x41: {  	_ =	shalt  }
0x42: {  	_ =	shalt  }
0x43: {  	_ =	shalt  }
0x44: {  	_ =	shalt  }
0x45: {  	_ =	shalt  }
0x46: {  	_ =	shalt  }
0x47: {  	_ =	shalt  }
0x48: {  	_ =	shalt  }
0x49: {  	_ =	shalt  }
0x4a: {  	_ =	shalt  }
0x4b: {  	_ =	shalt  }
0x4c: {  	_ =	shalt  }
0x4d: {  	_ =	shalt  }
0x4e: {  	_ =	shalt  }
0x4f: {  	_ =	shalt  }
0x50: {  	_ =	shalt  }
0x51: {  	_ =	shalt  }
0x52: {  	_ =	shalt  }
0x53: {  	_ =	shalt  }
0x54: {  	_ =	shalt  }
0x55: {  	_ =	shalt  }
0x56: {  	_ =	shalt  }
0x57: {  	_ =	shalt  }
0x58: {  	_ =	shalt  }
0x59: {  	_ =	shalt  }
0x5a: {  	_ =	shalt  }
0x5b: {  	_ =	shalt  }
0x5c: {  	_ =	shalt  }
0x5d: {  	_ =	shalt  }
0x5e: {  	_ =	shalt  }
0x5f: {  	_ =	shalt  }
0x60: {  	_ =	shalt  }
0x61: {  	_ =	shalt  }
0x62: {  	_ =	shalt  }
0x63: {  	_ =	shalt  }
0x64: {  	_ =	shalt  }
0x65: {  	_ =	shalt  }
0x66: {  	_ =	shalt  }
0x67: {  	_ =	shalt  }
0x68: {  	_ =	shalt  }
0x69: {  	_ =	shalt  }
0x6a: {  	_ =	shalt  }
0x6b: {  	_ =	shalt  }
0x6c: {  	_ =	shalt  }
0x6d: {  	_ =	shalt  }
0x6e: {  	_ =	shalt  }
0x6f: {  	_ =	shalt  }
0x70: {  	_ =	shalt  }
0x71: {  	_ =	shalt  }
0x72: {  	_ =	shalt  }
0x73: {  	_ =	shalt  }
0x74: {  	_ =	shalt  }
0x75: {  	_ =	shalt  }
0x76: {  	_ =	shalt  }
0x77: {  	_ =	shalt  }
0x78: {  	_ =	shalt  }
0x79: {  	_ =	shalt  }
0x7a: {  	_ =	shalt  }
0x7b: {  	_ =	shalt  }
0x7c: {  	_ =	shalt  }
0x7d: {  	_ =	shalt  }
0x7e: {  	_ =	shalt  }
0x7f: {  	_ =	shalt  }
0x80: {  	_ =	shalt  }
0x81: {  	_ =	shalt  }
0x82: {  	_ =	shalt  }
0x83: {  	_ =	shalt  }
0x84: {  	_ =	shalt  }
0x85: {  	_ =	shalt  }
0x86: {  	_ =	shalt  }
0x87: {  	_ =	shalt  }
.Lfunc_end0:
.L_simem_size_0:
called_computation.5_lowered:
.L_overlay_start_0:
0x88: {  	s2 =	sld [smem:$0x3FD9]  }
0x89: {  	s3 =	sld [smem:$0x3FFE];
	_ =	sdelay $0x1  }
0x8a: {  	s1 =	srdreg.scid  }
0x8b: {  	s0 =	sand.u32 $0x1, s1  }
0x8c: {  	s16 =	sshll.u32 s0, $0xA;
	s2 =	sadd.s32 s3, s2  }
0x8d: {  	s2 =	sadd.s32 s2, s16  }
0x8e: {  	[smem:$0x3FBD] =	sst s2  }
0x8f: {  	_ = 	snop  }
0x90: {  	(tm) =	ssettm $0x1  }
0x91: {  	s17 =	sld [smem:$0x3FFB];
	_ =	sdelay $0x3  }
0x92: {  	_ =	strace s17  }
0x93: {  	s2 =	sld [smem:$0x3FFC];
	_ =	sdelay $0x3  }
0x94: {  	_ =	strace s2  }
0x95: {  	s2 =	sld [smem:$0x3FFD];
	_ =	sdelay $0x3  }
0x96: {  	_ =	strace s2  }
0x97: {  	_ =	strace $0x8FFFFFFF  }
0x98: {  	s18 =	sld [smem:$0x3FDB];
	_ =	sdelay $0x1  }
0x99: {  	s19 =	simm.s32 $_scs_section_size  }
0x9a: {  	s4 =	simm.s32 $_size__tile_overlayer_lowered;
	s5 =	simm.s32 $_tile_overlayer_lowered  }
0x9b: {  	s22 =	simm.s32 $0x1BFF;
	s21 =	sshll.u32 s5, $0x1;
	s2 =	sadd.s32 s19, s18  }
0x9c: {  	s6 =	simm.s32 $0x0;
	s20 =	sshll.u32 s4, $0x1;
	s4 =	sadd.s32 s21, s2  }
0x9d: {  	[timem:s6], [sflag:s22] =	dma.local [hbm:s4], s20  }
0x9e: {  	_ =	swait.ge [sflag:s22], s20  }
0x9f: {  	s3 =	ssub.s32 $0x0, s20;
	[sflag:s22] =	ssyncset.done $0x0  }
0xa0: {  	[sflag:s22] =	ssyncadd.s32 s3;
	_ =	sdelay $0x1  }
0xa1: {  	s23 =	simm.s32 $0x1B8B  }
0xa2: {  	_ =	swait.ge [sflag:s23], $0x1  }
0xa3: {  	[sflag:s23] =	ssyncset.done $0x0  }
0xa4: {  	s25 =	simm.s32 $0x1B8E;
	s24 =	sld [smem:$0x3FFE];
	[sflag:s23] =	ssyncadd.s32 $0xFFFFFFFF  }
0xa5: {  	s26 =	simm.s32 $execute0_lowered;
	[smem:$0x3FD2] =	sst s25  }
0xa6: {  	s4 =	sshll.u32 s26, $0x1;
	_ =	strace $0x80000055;
	[dreg:$0x1] =	wrdreg $0xFFFFFFFF  }
0xa7: {  	s28 =	simm.s32 $_size_execute0_lowered;
	s2 =	sadd.s32 s2, s4;
	[dreg:$0x0] =	wrdreg $0x0  }
0xa8: {  	s4 =	sshll.u32 s28, $0x1;
	[dreg:$0x2] =	wrdreg s2  }
0xa9: {  	[dreg:$0x3] =	wrdreg s4  }
0xaa: {  	[dreg:$0x4] =	wrdreg $0xC0  }
0xab: {  	_ =	task [dreg:s6], $0x5FFFF  }
0xac: {  	[dreg:$0x1] =	wrdreg $0xFFFFFFFF  }
0xad: {  	[dreg:$0x0] =	wrdreg $0x60  }
0xae: {  	[dreg:$0x2] =	wrdreg s24  }
0xaf: {  	[dreg:$0x3] =	wrdreg $0xA8000  }
0xb0: {  	[dreg:$0x4] =	wrdreg $0x9  }
0xb1: {  	_ =	task.clear_ibuf [dreg:s6], $0x5FFFF;
	_ =	strace $0x90000055  }
0xb2: {  	s29 =	simm.s32 $0x9;
	_ =	strace $0x80000057  }
0xb3: {  	_ =	swait.ge [sflag:s29], $0x1  }
0xb4: {  	[sflag:s29] =	ssyncadd.s32 $0xFFFFFFFF  }
0xb5: {  	_ =	strace $0x90000057  }
0xb6: {  	_ =	sfence  }
0xb7: {  	s30 =	sld [smem:$0x0];
	_ =	sdelay $0x2  }
0xb8: {  	s31 =	sshll.u32 s1, $0xD;
	s1 =	sshrl.u32 s1, $0x2  }
0xb9: {  	s3 =	sand.u32 $0x4000, s31;
	s1 =	sadd.s32 s1, s30  }
0xba: {  	s0 =	sor.u32 s3, s0;
	s1 =	sshll.u32 s1, $0x11  }
0xbb: {  	s0 =	sor.u32 s1, s0  }
0xbc: {  	s0 =	sadd.s32 $0x8F2B, s0  }
0xbd: {  	[sflag:s0] =	ssyncadd.remote.s32 $0x1  }
0xbe: {  	_ =	sfence.sel $0xFFFF  }
0xbf: {  	[dreg:$0x0] =	wrdreg $0xFFFFFFFF;
	(pc) =	sbr.abs _section_cstart, $3  }
0xc0: {  	[dreg:$0x1] =	wrdreg $0xFFFFFFFF  }
0xc1: {  	_ =	task.clear_ibuf [dreg:s6], $0x2FFFF;
	_ =	strace $0x9FFFFFFF  }
0xc2: {  	(tm) =	ssettm $0x7FFFFFFF  }
0xc3: {  	_ =	shalt  }
tec
execute0_lowered:
.L_overlay_start_1:
0x0: {  	(tag) =	ssettag $0x1  }
0x1: {  	s5 =	rddreg [dreg:$0x0]  }
0x2: {  	s2 =	rddreg [dreg:$0x1]  }
0x3: {  	s0 =	rddreg [dreg:$0x2];
	s3 =	simm.s32 $0x0;
	s1 =	stileid.u32  }
0x4: {  	s4 =	srdreg.scid;
	s16 =	simm.s32 $0x6800;
	s17 =	simm.s32 $0x1400  }
0x5: {  	s18 =	simm.s32 $0x3;
	s19 =	simm.s32 $0x80;
	s20 =	simm.s32 $0x1  }
0x6: {  	s21 =	simm.s32 $0x4;
	s22 =	simm.s32 $0x2;
	[smem:$0x7FF] =	sst s3  }
0x7: {  	s6 =	smul.u32 $0x14000, s1;
	s7 =	sand.u32 $0x1, s4;
	s11 =	sadd.s32 $0x39200, s5  }
0x8: {  	s12 =	sadd.s32 $0x43200, s5;
	s4 =	sadd.s32 $0x9200, s5;
	s23 =	sshll.u32 s1, $0x1  }
0x9: {  	s10 =	smul.u32 $0x50000, s1;
	s30 =	sshll.u32 s1, $0x6;
	_ =	strace $0x80000056  }
0xa: {  	s8 =	smul.u32 $0x140000, s7;
	s24 =	ssub.s32 $0x2, s7;
	s25 =	sor.u32 s7, s23  }
0xb: {  	s23 =	simm.s32 $0x0;
	s9 =	sshrl.u32 s6, $0x3;
	s26 =	sshrl.u32 s24, $0x1  }
0xc: {  	s28 =	sshrl.u32 s10, $0x2;
	s29 =	smul.u32 $0x2800, s25;
	s9 =	sadd.s32 s9, s5  }
0xd: {  	s6 =	sadd.s32 s6, s8;
	s14 =	ssub.s32 s24, s26;
	s15 =	sadd.s32 s28, s2  }
0xe: {  	s6 =	sshrl.u32 s6, $0x3;
	s10 =	sshrl.u32 s29, $0x3;
	s8 =	smax.u32 s14, $0x1  }
0xf: {  	s14 =	simm.s32 $0x5;
	s13 =	sadd.s32 s6, s5;
	s5 =	sadd.s32 $0x4D200, s9  }
0x10: {  	s6 =	sor.u32 $0x1C05, s30;
	s31 =	sadd.s32 $0x280, s10;
	s9 =	sadd.s32 s11, s10  }
0x11: {  	s10 =	sadd.s32 s12, s10;
	s7 =	sadd.s32 $0x75200, s13;
	s11 =	sadd.s32 s11, s31  }
0x12: {  	s12 =	sadd.s32 s12, s31;
	s13 =	sshrl.u32 s15, $0x3;
	s15 =	simm.s32 $0x2800  }
.LBB2_1:
0x13: {  	[spmem:s13], [sflag:s6] =	dma.local [hbm:s5], $0x2800  }
0x14: {  	_ =	swait.ge [sflag:s14], $0x2800  }
0x15: {  	[sflag:s14] =	ssyncset.done $0x0  }
0x16: {  	[sflag:s14] =	ssyncadd.s32 $0xFFFFD800  }
0x17: {  	[tilespmem:s15], [sflag:$0x3] =	stream.linear.gather [hbm4b:s4+s3], $0x4000, $0x38;
	[tilespmem:$0x1E800] =	vst v63  }
0x18: {  	_ = 	snop  }
0x19: {  	[tilespmem:s16], [sflag:$0x4] =	stream.linear.gather [hbm4b:s4+s3], $0x4000, $0x38;
	[tilespmem:$0x1E800] =	vst v63  }
0x1a: {  	[bflag:$0x0] =	sbarrier.arrive $0xFFFF  }
0x1b: {  	[tilespmem:s3], [sflag:$0x5] =	stream.linear.gather [hbm4b:s9+s3], $0x1400, $0x38;
	[tilespmem:$0x1E800] =	vst v63  }
0x1c: {  	_ =	swait.ge [sflag:s14], $0x1400  }
0x1d: {  	[sflag:s14] =	ssyncset.done $0x0  }
0x1e: {  	[sflag:s14] =	ssyncadd.s32 $0xFFFFEC00  }
0x1f: {  	[tilespmem:s17], [sflag:$0x5] =	stream.linear.gather [hbm4b:s10+s3], $0x1400, $0x38;
	[tilespmem:$0x1E800] =	vst v63  }
0x20: {  	_ =	swait.ge [sflag:s14], $0x1400  }
0x21: {  	[sflag:s14] =	ssyncset.done $0x0  }
0x22: {  	[sflag:s14] =	ssyncadd.s32 $0xFFFFEC00  }
0x23: {  	_ =	swait.ge [sflag:s18], $0x4000  }
0x24: {  	[sflag:s18] =	ssyncset.done $0x0  }
0x25: {  	s24 =	simm.s32 $0x0;
	[sflag:s18] =	ssyncadd.s32 $0xFFFFC000  }
0x26: {  	[tilespmem:s15], [sflag:$0x1] =	stream.indirect.gather [hbm4b:s4+s19], $0x80, s24, s19, $0xb8;
	[tilespmem:$0x1E800] =	vst v63  }
0x27: {  	_ =	swait.ge [sflag:s20], $0x4000  }
0x28: {  	[sflag:s20] =	ssyncset.done $0x0  }
0x29: {  	s30 =	simm.s32 $0x1400;
	[sflag:s20] =	ssyncadd.s32 $0xFFFFC000  }
0x2a: {  	[spmem:s2] =	stream.indirect.scatter.add.f32 [tilespmem:s15], [sflag:$0x3], $0x80, s30, s19, $0xb8;
	[tilespmem:$0x1E800] =	vst v63  }
0x2b: {  	_ =	swait.ge [sflag:s21], $0x4000  }
0x2c: {  	[sflag:s21] =	ssyncset.done $0x0  }
0x2d: {  	s31 =	simm.s32 $0x80;
	[sflag:s21] =	ssyncadd.s32 $0xFFFFC000  }
0x2e: {  	[tilespmem:s16], [sflag:$0x2] =	stream.indirect.gather [hbm4b:s4+s19], $0x80, s31, s19, $0xb8;
	[tilespmem:$0x1E800] =	vst v63  }
0x2f: {  	_ =	swait.ge [sflag:s22], $0x4000  }
0x30: {  	[sflag:s22] =	ssyncset.done $0x0  }
0x31: {  	s25 =	simm.s32 $0x1480;
	s24 =	simm.s32 $0x400;
	[sflag:s22] =	ssyncadd.s32 $0xFFFFC000  }
.LBB2_2:
0x32: {  	[spmem:s2] =	stream.indirect.scatter.add.f32 [tilespmem:s16], [sflag:$0x4], $0x80, s25, s19, $0xb8;
	[tilespmem:$0x1E800] =	vst v63  }
0x33: {  	s25 =	smov.u32 s24  }
0x34: {  	p0 =	sne.s32 s24, $0x4C00;
	s24 =	sadd.s32 $0x400, s24;
	_ =	swait.ge [sflag:s18], $0x4000  }
0x35: {  	[sflag:s18] =	ssyncset.done $0x0  }
0x36: {  	s25 =	sshra.s32 s25, $0x2;
	[sflag:s18] =	ssyncadd.s32 $0xFFFFC000  }
0x37: {  	[tilespmem:s15], [sflag:$0x1] =	stream.indirect.gather [hbm4b:s4+s19], $0x80, s25, s19, $0xb8;
	[tilespmem:$0x1E800] =	vst v63  }
0x38: {  	_ =	swait.ge [sflag:s20], $0x4000  }
0x39: {  	[sflag:s20] =	ssyncset.done $0x0  }
0x3a: {  	s26 =	sadd.s32 $0x1400, s25;
	[sflag:s20] =	ssyncadd.s32 $0xFFFFC000  }
0x3b: {  	[spmem:s2] =	stream.indirect.scatter.add.f32 [tilespmem:s15], [sflag:$0x3], $0x80, s26, s19, $0xb8;
	[tilespmem:$0x1E800] =	vst v63  }
0x3c: {  	_ =	swait.ge [sflag:s21], $0x4000  }
0x3d: {  	[sflag:s21] =	ssyncset.done $0x0  }
.Ltmp0:
0x3e: {  	s26 =	sadd.s32 $0x80, s25;
	[sflag:s21] =	ssyncadd.s32 $0xFFFFC000;
	(pc) =	sbr.rel @p0 .LBB2_2-.Ltmp0, $4  }
0x3f: {  	[tilespmem:s16], [sflag:$0x2] =	stream.indirect.gather [hbm4b:s4+s19], $0x80, s26, s19, $0xb8;
	[tilespmem:$0x1E800] =	vst v63  }
0x40: {  	_ =	swait.ge [sflag:s22], $0x4000  }
0x41: {  	[sflag:s22] =	ssyncset.done $0x0  }
0x42: {  	s25 =	sadd.s32 $0x1480, s25;
	[sflag:s22] =	ssyncadd.s32 $0xFFFFC000  }
0x43: {  	[spmem:s2] =	stream.indirect.scatter.add.f32 [tilespmem:s16], [sflag:$0x4], $0x80, s25, s19, $0xb8;
	[tilespmem:$0x1E800] =	vst v63  }
0x44: {  	s24 =	simm.s32 $0x0  }
0x45: {  	[tilespmem:s24], [sflag:$0x5] =	stream.linear.gather [hbm4b:s11+s24], $0x1400, $0x38;
	[tilespmem:$0x1E800] =	vst v63  }
0x46: {  	_ =	swait.ge [sflag:s14], $0x1400  }
0x47: {  	[sflag:s14] =	ssyncset.done $0x0  }
0x48: {  	[sflag:s14] =	ssyncadd.s32 $0xFFFFEC00  }
0x49: {  	[tilespmem:s17], [sflag:$0x5] =	stream.linear.gather [hbm4b:s12+s24], $0x1400, $0x38;
	[tilespmem:$0x1E800] =	vst v63  }
0x4a: {  	_ =	swait.ge [sflag:s14], $0x1400  }
0x4b: {  	[sflag:s14] =	ssyncset.done $0x0  }
0x4c: {  	[sflag:s14] =	ssyncadd.s32 $0xFFFFEC00  }
0x4d: {  	_ =	swait.ge [sflag:s18], $0x4000  }
0x4e: {  	[sflag:s18] =	ssyncset.done $0x0  }
0x4f: {  	s29 =	simm.s32 $0x0;
	[sflag:s18] =	ssyncadd.s32 $0xFFFFC000  }
0x50: {  	[tilespmem:s15], [sflag:$0x1] =	stream.indirect.gather [hbm4b:s4+s19], $0x80, s29, s19, $0xb8;
	[tilespmem:$0x1E800] =	vst v63  }
0x51: {  	_ =	swait.ge [sflag:s20], $0x4000  }
0x52: {  	[sflag:s20] =	ssyncset.done $0x0  }
0x53: {  	s30 =	simm.s32 $0x1400;
	[sflag:s20] =	ssyncadd.s32 $0xFFFFC000  }
0x54: {  	[spmem:s2] =	stream.indirect.scatter.add.f32 [tilespmem:s15], [sflag:$0x3], $0x80, s30, s19, $0xb8;
	[tilespmem:$0x1E800] =	vst v63  }
0x55: {  	_ =	swait.ge [sflag:s21], $0x4000  }
0x56: {  	[sflag:s21] =	ssyncset.done $0x0  }
0x57: {  	s31 =	simm.s32 $0x80;
	[sflag:s21] =	ssyncadd.s32 $0xFFFFC000  }
0x58: {  	[tilespmem:s16], [sflag:$0x2] =	stream.indirect.gather [hbm4b:s4+s19], $0x80, s31, s19, $0xb8;
	[tilespmem:$0x1E800] =	vst v63  }
0x59: {  	_ =	swait.ge [sflag:s22], $0x4000  }
0x5a: {  	[sflag:s22] =	ssyncset.done $0x0  }
0x5b: {  	s25 =	simm.s32 $0x1480;
	s24 =	simm.s32 $0x400;
	[sflag:s22] =	ssyncadd.s32 $0xFFFFC000  }
.LBB2_4:
0x5c: {  	[spmem:s2] =	stream.indirect.scatter.add.f32 [tilespmem:s16], [sflag:$0x4], $0x80, s25, s19, $0xb8;
	[tilespmem:$0x1E800] =	vst v63  }
0x5d: {  	s25 =	smov.u32 s24  }
0x5e: {  	p0 =	sne.s32 s24, $0x4C00;
	s24 =	sadd.s32 $0x400, s24;
	_ =	swait.ge [sflag:s18], $0x4000  }
0x5f: {  	[sflag:s18] =	ssyncset.done $0x0  }
0x60: {  	s25 =	sshra.s32 s25, $0x2;
	[sflag:s18] =	ssyncadd.s32 $0xFFFFC000  }
0x61: {  	[tilespmem:s15], [sflag:$0x1] =	stream.indirect.gather [hbm4b:s4+s19], $0x80, s25, s19, $0xb8;
	[tilespmem:$0x1E800] =	vst v63  }
0x62: {  	_ =	swait.ge [sflag:s20], $0x4000  }
0x63: {  	[sflag:s20] =	ssyncset.done $0x0  }
0x64: {  	s26 =	sadd.s32 $0x1400, s25;
	[sflag:s20] =	ssyncadd.s32 $0xFFFFC000  }
0x65: {  	[spmem:s2] =	stream.indirect.scatter.add.f32 [tilespmem:s15], [sflag:$0x3], $0x80, s26, s19, $0xb8;
	[tilespmem:$0x1E800] =	vst v63  }
0x66: {  	_ =	swait.ge [sflag:s21], $0x4000  }
0x67: {  	[sflag:s21] =	ssyncset.done $0x0  }
.Ltmp1:
0x68: {  	s26 =	sadd.s32 $0x80, s25;
	[sflag:s21] =	ssyncadd.s32 $0xFFFFC000;
	(pc) =	sbr.rel @p0 .LBB2_4-.Ltmp1, $4  }
0x69: {  	[tilespmem:s16], [sflag:$0x2] =	stream.indirect.gather [hbm4b:s4+s19], $0x80, s26, s19, $0xb8;
	[tilespmem:$0x1E800] =	vst v63  }
0x6a: {  	_ =	swait.ge [sflag:s22], $0x4000  }
0x6b: {  	[sflag:s22] =	ssyncset.done $0x0  }
0x6c: {  	s25 =	sadd.s32 $0x1480, s25;
	[sflag:s22] =	ssyncadd.s32 $0xFFFFC000  }
0x6d: {  	[spmem:s2] =	stream.indirect.scatter.add.f32 [tilespmem:s16], [sflag:$0x4], $0x80, s25, s19, $0xb8;
	[tilespmem:$0x1E800] =	vst v63  }
0x6e: {  	_ =	swait.ge [sflag:s18], $0x4000  }
0x6f: {  	[sflag:s18] =	ssyncset.done $0x0  }
0x70: {  	[sflag:s18] =	ssyncadd.s32 $0xFFFFC000  }
0x71: {  	_ =	swait.ge [sflag:s21], $0x4000  }
0x72: {  	s23 =	sadd.s32 $0x1, s23;
	[sflag:s21] =	ssyncset.done $0x0  }
0x73: {  	p0 =	sne.s32 s23, s8;
	[sflag:s21] =	ssyncadd.s32 $0xFFFFC000  }
.Ltmp2:
0x74: {  	[bflag:$0x0] =	sbarrier.arrive $0xFFFF;
	(pc) =	sbr.rel @p0 .LBB2_1-.Ltmp2, $4  }
0x75: {  	[hbm:s7], [sflag:s6] =	dma.local [spmem:s13], $0x2800  }
0x76: {  	_ =	swait.ge [sflag:s14], $0x2800  }
0x77: {  	[sflag:s14] =	ssyncset.done $0x0  }
0x78: {  	[sflag:s14] =	ssyncadd.s32 $0xFFFFD800  }
0x79: {  	_ =	sfence.sel $0x180000  }
0x7a: {  	[bflag:$0x0] =	sbarrier.arrive $0xFFFF  }
0x7b: {  	p0 =	sne.s32 s1, $0x0;
	_ =	strace $0x90000056  }
0x7c: {  	s0 =	sadd.s32 @!p0 $0x100000, s0;
	[bflag:$0x2] =	sbarrier.arrive $0xFFFF  }
0x7d: {  	[sflag:s0] =	ssyncadd.tile.s32 @!p0 $0x1;
	_ =	shalt  }
.Lfunc_end2:
_tile_overlayer_lowered:
.L_overlay_start_2:
0x7e: {  	(tag) =	ssettag $0x2  }
0x7f: {  	s0 =	rddreg [dreg:$0x0];
	s2 =	stileid.u32  }
0x80: {  	s1 =	rddreg [dreg:$0x1];
	p0 =	sne.s32 s2, $0x0  }
0x81: {  	s3 =	rddreg [dreg:$0x2];
	[bflag:$0x3] =	sbarrier.arrive $0xFFFF;
	s2 =	simm.s32 @!p0 $0x1C05  }
0x82: {  	[timem:s3], [sflag:s2] =	dma.local @!p0 [hbm:s0], s1  }
0x83: {  	s0 =	simm.s32 @!p0 $0x5  }
0x84: {  	_ =	swait.ge @!p0 [sflag:s0], s1  }
0x85: {  	s1 =	ssub.s32 @!p0 $0x0, s1;
	[sflag:s0] =	ssyncset.done @!p0 $0x0  }
0x86: {  	[sflag:s0] =	ssyncadd.s32 @!p0 s1  }
0x87: {  	[bflag:$0x3] =	sbarrier.arrive $0xFFFF  }
0x88: {  	_ =	shalt  }

// kernel: kernel.43.cloned.1.call-start
scs
__scs_entry_jumppad:
0x0: {  	(pc) =	sbr.rel $0x88, $3  }
0x1: {  	(tag) =	ssettag $0x0;
	lr =	simm.s32 $0x1  }
0x2: {  	[smem:$0x3F96] =	sst lr;
	_ =	strace $0xD0000000  }
0x3: {  	_ = 	snop  }
0x4: {  	_ = 	snop  }
0x5: {  	_ = 	snop  }
0x6: {  	_ = 	snop  }
0x7: {  	_ = 	snop  }
__scs_overlays_trampoline_lowered:
0x8: {  	[smem:$0x3FA5] =	sst s0  }
0x9: {  	[smem:$0x3FA6] =	sst s1  }
0xa: {  	[smem:$0x3FA7] =	sst s2  }
0xb: {  	[smem:$0x3FA8] =	sst s3  }
0xc: {  	[smem:$0x3FA9] =	sst s4  }
0xd: {  	[smem:$0x3FAA] =	sst s5  }
0xe: {  	[smem:$0x3FAB] =	sst s6  }
0xf: {  	[smem:$0x3FAC] =	sst s7  }
0x10: {  	[smem:$0x3FAD] =	sst s8  }
0x11: {  	[smem:$0x3FAE] =	sst s9;
	s0 =	simm.s32 @!p0 $0x0  }
0x12: {  	s1 =	sld [smem:$0x3F94];
	s0 =	simm.s32 @p0 $0x1  }
0x13: {  	[smem:$0x3FAF] =	sst s0;
	s0 =	simm.s32 @!p1 $0x0  }
0x14: {  	s2 =	sld [smem:$0x3F93];
	s0 =	simm.s32 @p1 $0x1  }
0x15: {  	[smem:$0x3FB0] =	sst s0;
	s0 =	simm.s32 @!p2 $0x0  }
0x16: {  	s3 =	sld [smem:$0x3FDB];
	s0 =	simm.s32 @p2 $0x1  }
0x17: {  	s4 =	simm.s32 $0x1BF5;
	[smem:$0x3FB2] =	sst s0  }
0x18: {  	s0 =	sld [smem:$0x3F95];
	_ =	swait.ge [sflag:s4], $0x0  }
0x19: {  	s7 =	sld [smem:$0x3F96]  }
0x1a: {  	s8 =	sadd.s32 $0xFFFFE003, lr  }
0x1b: {  	s9 =	sadd.s32 $0xFFFFFEF7, lr;
	s5 =	simm.s32 $0xFFFFFFFF;
	p2 =	slt.u32 s8, $0xFFFFF086  }
0x1c: {  	p1 =	slt.u32 s9, $0xF7A;
	s5 =	simm.s32 @!p2 $0x0  }
0x1d: {  	s5 =	simm.s32 @p1 $0x1;
	p0 =	seq.s32 s7, s2  }
0x1e: {  	s7 =	smul.u32 @!p0 $0xF7A, s2;
	p2 =	seq.s32 @!p0 s5, $0x0  }
0x1f: {  	s9 =	smul.u32 $0xF7A, s1;
	s8 =	simm.s32 @!p0 $0x1BF5;
	p2 =	por !p2, p0  }
0x20: {  	[sflag:s8] =	ssyncset.s32 @!p0 $0xFFFFF086;
	s6 =	sadd.s32 @!p0 s3, s7;
	s7 =	simm.s32 @!p0 $0x108  }
0x21: {  	s3 =	sadd.s32 s3, s9;
	s6 =	sadd.s32 @!p0 $0x88, s6;
	s7 =	simm.s32 @p2 $0x1082  }
0x22: {  	[simem:s7], [sflag:s8] =	dma.local @!p0 [hbm:s6], $0xF7A  }
0x23: {  	s9 =	sor.u32 $0xD0000000, s2;
	s6 =	simm.s32 $0x108;
	_ =	swait.ge @!p0 [sflag:s8], $0x0  }
0x24: {  	s3 =	sadd.s32 $0x88, s3;
	s6 =	simm.s32 @!p1 $0x1082;
	[sflag:s4] =	ssyncset.s32 $0xFFFFF086  }
0x25: {  	[simem:s6], [sflag:s4] =	dma.local [hbm:s3], $0xF7A  }
0x26: {  	[smem:$0x3F96] =	sst s1;
	(tag) =	ssettag s2;
	_ =	strace s9  }
0x27: {  	s1 =	sld [smem:$0x3FA6]  }
0x28: {  	s2 =	sld [smem:$0x3FA7]  }
0x29: {  	s4 =	sld [smem:$0x3FA9]  }
0x2a: {  	p0 =	seq.s32 s5, $0x0;
	s5 =	sld [smem:$0x3FAA]  }
0x2b: {  	s6 =	sld [smem:$0x3FAB]  }
0x2c: {  	s7 =	sld [smem:$0x3FAC]  }
0x2d: {  	s3 =	simm.s32 $0x108;
	s8 =	sld [smem:$0x3FAD]  }
0x2e: {  	s3 =	simm.s32 @!p0 $0x1082;
	s9 =	sld [smem:$0x3FAE]  }
0x2f: {  	lr =	sadd.s32 s0, s3;
	s0 =	sld [smem:$0x3FA5]  }
0x30: {  	s3 =	sld [smem:$0x3FA8]  }
0x31: {  	[smem:$0x3FB1] =	sst s10  }
0x32: {  	s10 =	sld [smem:$0x3FAF];
	_ =	sdelay $0x3  }
0x33: {  	p0 =	seq.s32 s10, $0x1;
	s10 =	sld [smem:$0x3FB1];
	_ =	sdelay $0x3  }
0x34: {  	[smem:$0x3FB1] =	sst s10  }
0x35: {  	s10 =	sld [smem:$0x3FB0];
	_ =	sdelay $0x3  }
0x36: {  	p1 =	seq.s32 s10, $0x1;
	s10 =	sld [smem:$0x3FB1];
	_ =	sdelay $0x3  }
0x37: {  	[smem:$0x3FB1] =	sst s10  }
0x38: {  	s10 =	sld [smem:$0x3FB2]  }
0x39: {  	_ = 	snop;
	(pc) =	sbr.ind lr, $3  }
0x3a: {  	_ = 	snop  }
0x3b: {  	_ = 	snop  }
0x3c: {  	p2 =	seq.s32 s10, $0x1;
	s10 =	sld [smem:$0x3FB1]  }
0x3d: {  	_ =	shalt  }
0x3e: {  	_ =	shalt  }
0x3f: {  	_ =	shalt  }
0x40: {  	_ =	shalt  }
0x41: {  	_ =	shalt  }
0x42: {  	_ =	shalt  }
0x43: {  	_ =	shalt  }
0x44: {  	_ =	shalt  }
0x45: {  	_ =	shalt  }
0x46: {  	_ =	shalt  }
0x47: {  	_ =	shalt  }
0x48: {  	_ =	shalt  }
0x49: {  	_ =	shalt  }
0x4a: {  	_ =	shalt  }
0x4b: {  	_ =	shalt  }
0x4c: {  	_ =	shalt  }
0x4d: {  	_ =	shalt  }
0x4e: {  	_ =	shalt  }
0x4f: {  	_ =	shalt  }
0x50: {  	_ =	shalt  }
0x51: {  	_ =	shalt  }
0x52: {  	_ =	shalt  }
0x53: {  	_ =	shalt  }
0x54: {  	_ =	shalt  }
0x55: {  	_ =	shalt  }
0x56: {  	_ =	shalt  }
0x57: {  	_ =	shalt  }
0x58: {  	_ =	shalt  }
0x59: {  	_ =	shalt  }
0x5a: {  	_ =	shalt  }
0x5b: {  	_ =	shalt  }
0x5c: {  	_ =	shalt  }
0x5d: {  	_ =	shalt  }
0x5e: {  	_ =	shalt  }
0x5f: {  	_ =	shalt  }
0x60: {  	_ =	shalt  }
0x61: {  	_ =	shalt  }
0x62: {  	_ =	shalt  }
0x63: {  	_ =	shalt  }
0x64: {  	_ =	shalt  }
0x65: {  	_ =	shalt  }
0x66: {  	_ =	shalt  }
0x67: {  	_ =	shalt  }
0x68: {  	_ =	shalt  }
0x69: {  	_ =	shalt  }
0x6a: {  	_ =	shalt  }
0x6b: {  	_ =	shalt  }
0x6c: {  	_ =	shalt  }
0x6d: {  	_ =	shalt  }
0x6e: {  	_ =	shalt  }
0x6f: {  	_ =	shalt  }
0x70: {  	_ =	shalt  }
0x71: {  	_ =	shalt  }
0x72: {  	_ =	shalt  }
0x73: {  	_ =	shalt  }
0x74: {  	_ =	shalt  }
0x75: {  	_ =	shalt  }
0x76: {  	_ =	shalt  }
0x77: {  	_ =	shalt  }
0x78: {  	_ =	shalt  }
0x79: {  	_ =	shalt  }
0x7a: {  	_ =	shalt  }
0x7b: {  	_ =	shalt  }
0x7c: {  	_ =	shalt  }
0x7d: {  	_ =	shalt  }
0x7e: {  	_ =	shalt  }
0x7f: {  	_ =	shalt  }
0x80: {  	_ =	shalt  }
0x81: {  	_ =	shalt  }
0x82: {  	_ =	shalt  }
0x83: {  	_ =	shalt  }
0x84: {  	_ =	shalt  }
0x85: {  	_ =	shalt  }
0x86: {  	_ =	shalt  }
0x87: {  	_ =	shalt  }
.Lfunc_end0:
.L_simem_size_0:
called_computation.6_lowered:
.L_overlay_start_0:
0x88: {  	s2 =	sld [smem:$0x3FD9]  }
0x89: {  	s3 =	sld [smem:$0x3FFE];
	_ =	sdelay $0x1  }
0x8a: {  	s1 =	srdreg.scid  }
0x8b: {  	s0 =	sand.u32 $0x1, s1  }
0x8c: {  	s16 =	sshll.u32 s0, $0xA;
	s2 =	sadd.s32 s3, s2  }
0x8d: {  	s2 =	sadd.s32 s2, s16  }
0x8e: {  	[smem:$0x3FBD] =	sst s2  }
0x8f: {  	_ = 	snop  }
0x90: {  	(tm) =	ssettm $0x1  }
0x91: {  	s17 =	sld [smem:$0x3FFB];
	_ =	sdelay $0x3  }
0x92: {  	_ =	strace s17  }
0x93: {  	s2 =	sld [smem:$0x3FFC];
	_ =	sdelay $0x3  }
0x94: {  	_ =	strace s2  }
0x95: {  	s2 =	sld [smem:$0x3FFD];
	_ =	sdelay $0x3  }
0x96: {  	_ =	strace s2  }
0x97: {  	_ =	strace $0x8FFFFFFF  }
0x98: {  	s18 =	sld [smem:$0x3FDB];
	_ =	sdelay $0x1  }
0x99: {  	s19 =	simm.s32 $_scs_section_size  }
0x9a: {  	s4 =	simm.s32 $_size__tile_overlayer_lowered;
	s5 =	simm.s32 $_tile_overlayer_lowered  }
0x9b: {  	s22 =	simm.s32 $0x1BFF;
	s21 =	sshll.u32 s5, $0x1;
	s2 =	sadd.s32 s19, s18  }
0x9c: {  	s6 =	simm.s32 $0x0;
	s20 =	sshll.u32 s4, $0x1;
	s4 =	sadd.s32 s21, s2  }
0x9d: {  	[timem:s6], [sflag:s22] =	dma.local [hbm:s4], s20  }
0x9e: {  	_ =	swait.ge [sflag:s22], s20  }
0x9f: {  	s3 =	ssub.s32 $0x0, s20;
	[sflag:s22] =	ssyncset.done $0x0  }
0xa0: {  	[sflag:s22] =	ssyncadd.s32 s3;
	_ =	sdelay $0x1  }
0xa1: {  	s23 =	simm.s32 $0x1B8B  }
0xa2: {  	_ =	swait.ge [sflag:s23], $0x1  }
0xa3: {  	[sflag:s23] =	ssyncset.done $0x0  }
0xa4: {  	s25 =	simm.s32 $0x1B8E;
	s24 =	sld [smem:$0x3FFE];
	[sflag:s23] =	ssyncadd.s32 $0xFFFFFFFF  }
0xa5: {  	s26 =	simm.s32 $execute0_lowered;
	[smem:$0x3FD2] =	sst s25  }
0xa6: {  	s4 =	sshll.u32 s26, $0x1;
	_ =	strace $0x80000058;
	[dreg:$0x1] =	wrdreg $0xFFFFFFFF  }
0xa7: {  	s28 =	simm.s32 $_size_execute0_lowered;
	s2 =	sadd.s32 s2, s4;
	[dreg:$0x0] =	wrdreg $0x0  }
0xa8: {  	s4 =	sshll.u32 s28, $0x1;
	[dreg:$0x2] =	wrdreg s2  }
0xa9: {  	[dreg:$0x3] =	wrdreg s4  }
0xaa: {  	[dreg:$0x4] =	wrdreg $0xC0  }
0xab: {  	_ =	task [dreg:s6], $0x5FFFF  }
0xac: {  	[dreg:$0x1] =	wrdreg $0xFFFFFFFF  }
0xad: {  	[dreg:$0x0] =	wrdreg $0x60  }
0xae: {  	[dreg:$0x2] =	wrdreg s24  }
0xaf: {  	[dreg:$0x3] =	wrdreg $0xA8000  }
0xb0: {  	[dreg:$0x4] =	wrdreg $0x9  }
0xb1: {  	_ =	task.clear_ibuf [dreg:s6], $0x5FFFF;
	_ =	strace $0x90000058  }
0xb2: {  	s29 =	simm.s32 $0x9;
	_ =	strace $0x8000005A  }
0xb3: {  	_ =	swait.ge [sflag:s29], $0x1  }
0xb4: {  	[sflag:s29] =	ssyncadd.s32 $0xFFFFFFFF  }
0xb5: {  	_ =	strace $0x9000005A  }
0xb6: {  	_ =	sfence  }
0xb7: {  	s30 =	sld [smem:$0x0];
	_ =	sdelay $0x2  }
0xb8: {  	s31 =	sshll.u32 s1, $0xD;
	s1 =	sshrl.u32 s1, $0x2  }
0xb9: {  	s3 =	sand.u32 $0x4000, s31;
	s1 =	sadd.s32 s1, s30  }
0xba: {  	s0 =	sor.u32 s3, s0;
	s1 =	sshll.u32 s1, $0x11  }
0xbb: {  	s0 =	sor.u32 s1, s0  }
0xbc: {  	s0 =	sadd.s32 $0x8F2B, s0  }
0xbd: {  	[sflag:s0] =	ssyncadd.remote.s32 $0x1  }
0xbe: {  	_ =	sfence.sel $0xFFFF  }
0xbf: {  	[dreg:$0x0] =	wrdreg $0xFFFFFFFF;
	(pc) =	sbr.abs _section_cstart, $3  }
0xc0: {  	[dreg:$0x1] =	wrdreg $0xFFFFFFFF  }
0xc1: {  	_ =	task.clear_ibuf [dreg:s6], $0x2FFFF;
	_ =	strace $0x9FFFFFFF  }
0xc2: {  	(tm) =	ssettm $0x7FFFFFFF  }
0xc3: {  	_ =	shalt  }
tec
execute0_lowered:
.L_overlay_start_1:
0x0: {  	(tag) =	ssettag $0x1  }
0x1: {  	s5 =	rddreg [dreg:$0x0]  }
0x2: {  	s2 =	rddreg [dreg:$0x1]  }
0x3: {  	s0 =	rddreg [dreg:$0x2];
	s3 =	simm.s32 $0x0;
	s1 =	stileid.u32  }
0x4: {  	s4 =	srdreg.scid;
	s16 =	simm.s32 $0x6800;
	s17 =	simm.s32 $0x1400  }
0x5: {  	s18 =	simm.s32 $0x3;
	s19 =	simm.s32 $0x80;
	s20 =	simm.s32 $0x1  }
0x6: {  	s21 =	simm.s32 $0x4;
	s22 =	simm.s32 $0x2;
	[smem:$0x7FF] =	sst s3  }
0x7: {  	s6 =	smul.u32 $0x14000, s1;
	s7 =	sand.u32 $0x1, s4;
	s11 =	sadd.s32 $0x39200, s5  }
0x8: {  	s12 =	sadd.s32 $0x43200, s5;
	s4 =	sadd.s32 $0x9200, s5;
	s23 =	sshll.u32 s1, $0x1  }
0x9: {  	s10 =	smul.u32 $0x50000, s1;
	s30 =	sshll.u32 s1, $0x6;
	_ =	strace $0x80000059  }
0xa: {  	s8 =	smul.u32 $0x140000, s7;
	s24 =	ssub.s32 $0x2, s7;
	s25 =	sor.u32 s7, s23  }
0xb: {  	s23 =	simm.s32 $0x0;
	s9 =	sshrl.u32 s6, $0x3;
	s26 =	sshrl.u32 s24, $0x1  }
0xc: {  	s28 =	sshrl.u32 s10, $0x2;
	s29 =	smul.u32 $0x2800, s25;
	s9 =	sadd.s32 s9, s5  }
0xd: {  	s6 =	sadd.s32 s6, s8;
	s14 =	ssub.s32 s24, s26;
	s15 =	sadd.s32 s28, s2  }
0xe: {  	s6 =	sshrl.u32 s6, $0x3;
	s10 =	sshrl.u32 s29, $0x3;
	s8 =	smax.u32 s14, $0x1  }
0xf: {  	s14 =	simm.s32 $0x5;
	s13 =	sadd.s32 s6, s5;
	s5 =	sadd.s32 $0x4D200, s9  }
0x10: {  	s6 =	sor.u32 $0x1C05, s30;
	s31 =	sadd.s32 $0x280, s10;
	s9 =	sadd.s32 s11, s10  }
0x11: {  	s10 =	sadd.s32 s12, s10;
	s7 =	sadd.s32 $0x75200, s13;
	s11 =	sadd.s32 s11, s31  }
0x12: {  	s12 =	sadd.s32 s12, s31;
	s13 =	sshrl.u32 s15, $0x3;
	s15 =	simm.s32 $0x2800  }
.LBB2_1:
0x13: {  	[spmem:s13], [sflag:s6] =	dma.local [hbm:s5], $0x2800  }
0x14: {  	_ =	swait.ge [sflag:s14], $0x2800  }
0x15: {  	[sflag:s14] =	ssyncset.done $0x0  }
0x16: {  	[sflag:s14] =	ssyncadd.s32 $0xFFFFD800  }
0x17: {  	[tilespmem:s15], [sflag:$0x3] =	stream.linear.gather [hbm4b:s4+s3], $0x4000, $0x38;
	[tilespmem:$0x1E800] =	vst v63  }
0x18: {  	_ = 	snop  }
0x19: {  	[tilespmem:s16], [sflag:$0x4] =	stream.linear.gather [hbm4b:s4+s3], $0x4000, $0x38;
	[tilespmem:$0x1E800] =	vst v63  }
0x1a: {  	[bflag:$0x0] =	sbarrier.arrive $0xFFFF  }
0x1b: {  	[tilespmem:s3], [sflag:$0x5] =	stream.linear.gather [hbm4b:s9+s3], $0x1400, $0x38;
	[tilespmem:$0x1E800] =	vst v63  }
0x1c: {  	_ =	swait.ge [sflag:s14], $0x1400  }
0x1d: {  	[sflag:s14] =	ssyncset.done $0x0  }
0x1e: {  	[sflag:s14] =	ssyncadd.s32 $0xFFFFEC00  }
0x1f: {  	[tilespmem:s17], [sflag:$0x5] =	stream.linear.gather [hbm4b:s10+s3], $0x1400, $0x38;
	[tilespmem:$0x1E800] =	vst v63  }
0x20: {  	_ =	swait.ge [sflag:s14], $0x1400  }
0x21: {  	[sflag:s14] =	ssyncset.done $0x0  }
0x22: {  	[sflag:s14] =	ssyncadd.s32 $0xFFFFEC00  }
0x23: {  	_ =	swait.ge [sflag:s18], $0x4000  }
0x24: {  	[sflag:s18] =	ssyncset.done $0x0  }
0x25: {  	s24 =	simm.s32 $0x0;
	[sflag:s18] =	ssyncadd.s32 $0xFFFFC000  }
0x26: {  	[tilespmem:s15], [sflag:$0x1] =	stream.indirect.gather [hbm4b:s4+s19], $0x80, s24, s19, $0xb8;
	[tilespmem:$0x1E800] =	vst v63  }
0x27: {  	_ =	swait.ge [sflag:s20], $0x4000  }
0x28: {  	[sflag:s20] =	ssyncset.done $0x0  }
0x29: {  	s30 =	simm.s32 $0x1400;
	[sflag:s20] =	ssyncadd.s32 $0xFFFFC000  }
0x2a: {  	[spmem:s2] =	stream.indirect.scatter.add.f32 [tilespmem:s15], [sflag:$0x3], $0x80, s30, s19, $0xb8;
	[tilespmem:$0x1E800] =	vst v63  }
0x2b: {  	_ =	swait.ge [sflag:s21], $0x4000  }
0x2c: {  	[sflag:s21] =	ssyncset.done $0x0  }
0x2d: {  	s31 =	simm.s32 $0x80;
	[sflag:s21] =	ssyncadd.s32 $0xFFFFC000  }
0x2e: {  	[tilespmem:s16], [sflag:$0x2] =	stream.indirect.gather [hbm4b:s4+s19], $0x80, s31, s19, $0xb8;
	[tilespmem:$0x1E800] =	vst v63  }
0x2f: {  	_ =	swait.ge [sflag:s22], $0x4000  }
0x30: {  	[sflag:s22] =	ssyncset.done $0x0  }
0x31: {  	s25 =	simm.s32 $0x1480;
	s24 =	simm.s32 $0x400;
	[sflag:s22] =	ssyncadd.s32 $0xFFFFC000  }
.LBB2_2:
0x32: {  	[spmem:s2] =	stream.indirect.scatter.add.f32 [tilespmem:s16], [sflag:$0x4], $0x80, s25, s19, $0xb8;
	[tilespmem:$0x1E800] =	vst v63  }
0x33: {  	s25 =	smov.u32 s24  }
0x34: {  	p0 =	sne.s32 s24, $0x4C00;
	s24 =	sadd.s32 $0x400, s24;
	_ =	swait.ge [sflag:s18], $0x4000  }
0x35: {  	[sflag:s18] =	ssyncset.done $0x0  }
0x36: {  	s25 =	sshra.s32 s25, $0x2;
	[sflag:s18] =	ssyncadd.s32 $0xFFFFC000  }
0x37: {  	[tilespmem:s15], [sflag:$0x1] =	stream.indirect.gather [hbm4b:s4+s19], $0x80, s25, s19, $0xb8;
	[tilespmem:$0x1E800] =	vst v63  }
0x38: {  	_ =	swait.ge [sflag:s20], $0x4000  }
0x39: {  	[sflag:s20] =	ssyncset.done $0x0  }
0x3a: {  	s26 =	sadd.s32 $0x1400, s25;
	[sflag:s20] =	ssyncadd.s32 $0xFFFFC000  }
0x3b: {  	[spmem:s2] =	stream.indirect.scatter.add.f32 [tilespmem:s15], [sflag:$0x3], $0x80, s26, s19, $0xb8;
	[tilespmem:$0x1E800] =	vst v63  }
0x3c: {  	_ =	swait.ge [sflag:s21], $0x4000  }
0x3d: {  	[sflag:s21] =	ssyncset.done $0x0  }
.Ltmp0:
0x3e: {  	s26 =	sadd.s32 $0x80, s25;
	[sflag:s21] =	ssyncadd.s32 $0xFFFFC000;
	(pc) =	sbr.rel @p0 .LBB2_2-.Ltmp0, $4  }
0x3f: {  	[tilespmem:s16], [sflag:$0x2] =	stream.indirect.gather [hbm4b:s4+s19], $0x80, s26, s19, $0xb8;
	[tilespmem:$0x1E800] =	vst v63  }
0x40: {  	_ =	swait.ge [sflag:s22], $0x4000  }
0x41: {  	[sflag:s22] =	ssyncset.done $0x0  }
0x42: {  	s25 =	sadd.s32 $0x1480, s25;
	[sflag:s22] =	ssyncadd.s32 $0xFFFFC000  }
0x43: {  	[spmem:s2] =	stream.indirect.scatter.add.f32 [tilespmem:s16], [sflag:$0x4], $0x80, s25, s19, $0xb8;
	[tilespmem:$0x1E800] =	vst v63  }
0x44: {  	s24 =	simm.s32 $0x0  }
0x45: {  	[tilespmem:s24], [sflag:$0x5] =	stream.linear.gather [hbm4b:s11+s24], $0x1400, $0x38;
	[tilespmem:$0x1E800] =	vst v63  }
0x46: {  	_ =	swait.ge [sflag:s14], $0x1400  }
0x47: {  	[sflag:s14] =	ssyncset.done $0x0  }
0x48: {  	[sflag:s14] =	ssyncadd.s32 $0xFFFFEC00  }
0x49: {  	[tilespmem:s17], [sflag:$0x5] =	stream.linear.gather [hbm4b:s12+s24], $0x1400, $0x38;
	[tilespmem:$0x1E800] =	vst v63  }
0x4a: {  	_ =	swait.ge [sflag:s14], $0x1400  }
0x4b: {  	[sflag:s14] =	ssyncset.done $0x0  }
0x4c: {  	[sflag:s14] =	ssyncadd.s32 $0xFFFFEC00  }
0x4d: {  	_ =	swait.ge [sflag:s18], $0x4000  }
0x4e: {  	[sflag:s18] =	ssyncset.done $0x0  }
0x4f: {  	s29 =	simm.s32 $0x0;
	[sflag:s18] =	ssyncadd.s32 $0xFFFFC000  }
0x50: {  	[tilespmem:s15], [sflag:$0x1] =	stream.indirect.gather [hbm4b:s4+s19], $0x80, s29, s19, $0xb8;
	[tilespmem:$0x1E800] =	vst v63  }
0x51: {  	_ =	swait.ge [sflag:s20], $0x4000  }
0x52: {  	[sflag:s20] =	ssyncset.done $0x0  }
0x53: {  	s30 =	simm.s32 $0x1400;
	[sflag:s20] =	ssyncadd.s32 $0xFFFFC000  }
0x54: {  	[spmem:s2] =	stream.indirect.scatter.add.f32 [tilespmem:s15], [sflag:$0x3], $0x80, s30, s19, $0xb8;
	[tilespmem:$0x1E800] =	vst v63  }
0x55: {  	_ =	swait.ge [sflag:s21], $0x4000  }
0x56: {  	[sflag:s21] =	ssyncset.done $0x0  }
0x57: {  	s31 =	simm.s32 $0x80;
	[sflag:s21] =	ssyncadd.s32 $0xFFFFC000  }
0x58: {  	[tilespmem:s16], [sflag:$0x2] =	stream.indirect.gather [hbm4b:s4+s19], $0x80, s31, s19, $0xb8;
	[tilespmem:$0x1E800] =	vst v63  }
0x59: {  	_ =	swait.ge [sflag:s22], $0x4000  }
0x5a: {  	[sflag:s22] =	ssyncset.done $0x0  }
0x5b: {  	s25 =	simm.s32 $0x1480;
	s24 =	simm.s32 $0x400;
	[sflag:s22] =	ssyncadd.s32 $0xFFFFC000  }
.LBB2_4:
0x5c: {  	[spmem:s2] =	stream.indirect.scatter.add.f32 [tilespmem:s16], [sflag:$0x4], $0x80, s25, s19, $0xb8;
	[tilespmem:$0x1E800] =	vst v63  }
0x5d: {  	s25 =	smov.u32 s24  }
0x5e: {  	p0 =	sne.s32 s24, $0x4C00;
	s24 =	sadd.s32 $0x400, s24;
	_ =	swait.ge [sflag:s18], $0x4000  }
0x5f: {  	[sflag:s18] =	ssyncset.done $0x0  }
0x60: {  	s25 =	sshra.s32 s25, $0x2;
	[sflag:s18] =	ssyncadd.s32 $0xFFFFC000  }
0x61: {  	[tilespmem:s15], [sflag:$0x1] =	stream.indirect.gather [hbm4b:s4+s19], $0x80, s25, s19, $0xb8;
	[tilespmem:$0x1E800] =	vst v63  }
0x62: {  	_ =	swait.ge [sflag:s20], $0x4000  }
0x63: {  	[sflag:s20] =	ssyncset.done $0x0  }
0x64: {  	s26 =	sadd.s32 $0x1400, s25;
	[sflag:s20] =	ssyncadd.s32 $0xFFFFC000  }
0x65: {  	[spmem:s2] =	stream.indirect.scatter.add.f32 [tilespmem:s15], [sflag:$0x3], $0x80, s26, s19, $0xb8;
	[tilespmem:$0x1E800] =	vst v63  }
0x66: {  	_ =	swait.ge [sflag:s21], $0x4000  }
0x67: {  	[sflag:s21] =	ssyncset.done $0x0  }
.Ltmp1:
0x68: {  	s26 =	sadd.s32 $0x80, s25;
	[sflag:s21] =	ssyncadd.s32 $0xFFFFC000;
	(pc) =	sbr.rel @p0 .LBB2_4-.Ltmp1, $4  }
0x69: {  	[tilespmem:s16], [sflag:$0x2] =	stream.indirect.gather [hbm4b:s4+s19], $0x80, s26, s19, $0xb8;
	[tilespmem:$0x1E800] =	vst v63  }
0x6a: {  	_ =	swait.ge [sflag:s22], $0x4000  }
0x6b: {  	[sflag:s22] =	ssyncset.done $0x0  }
0x6c: {  	s25 =	sadd.s32 $0x1480, s25;
	[sflag:s22] =	ssyncadd.s32 $0xFFFFC000  }
0x6d: {  	[spmem:s2] =	stream.indirect.scatter.add.f32 [tilespmem:s16], [sflag:$0x4], $0x80, s25, s19, $0xb8;
	[tilespmem:$0x1E800] =	vst v63  }
0x6e: {  	_ =	swait.ge [sflag:s18], $0x4000  }
0x6f: {  	[sflag:s18] =	ssyncset.done $0x0  }
0x70: {  	[sflag:s18] =	ssyncadd.s32 $0xFFFFC000  }
0x71: {  	_ =	swait.ge [sflag:s21], $0x4000  }
0x72: {  	s23 =	sadd.s32 $0x1, s23;
	[sflag:s21] =	ssyncset.done $0x0  }
0x73: {  	p0 =	sne.s32 s23, s8;
	[sflag:s21] =	ssyncadd.s32 $0xFFFFC000  }
.Ltmp2:
0x74: {  	[bflag:$0x0] =	sbarrier.arrive $0xFFFF;
	(pc) =	sbr.rel @p0 .LBB2_1-.Ltmp2, $4  }
0x75: {  	[hbm:s7], [sflag:s6] =	dma.local [spmem:s13], $0x2800  }
0x76: {  	_ =	swait.ge [sflag:s14], $0x2800  }
0x77: {  	[sflag:s14] =	ssyncset.done $0x0  }
0x78: {  	[sflag:s14] =	ssyncadd.s32 $0xFFFFD800  }
0x79: {  	_ =	sfence.sel $0x180000  }
0x7a: {  	[bflag:$0x0] =	sbarrier.arrive $0xFFFF  }
0x7b: {  	p0 =	sne.s32 s1, $0x0;
	_ =	strace $0x90000059  }
0x7c: {  	s0 =	sadd.s32 @!p0 $0x100000, s0;
	[bflag:$0x2] =	sbarrier.arrive $0xFFFF  }
0x7d: {  	[sflag:s0] =	ssyncadd.tile.s32 @!p0 $0x1;
	_ =	shalt  }
.Lfunc_end2:
_tile_overlayer_lowered:
.L_overlay_start_2:
0x7e: {  	(tag) =	ssettag $0x2  }
0x7f: {  	s0 =	rddreg [dreg:$0x0];
	s2 =	stileid.u32  }
0x80: {  	s1 =	rddreg [dreg:$0x1];
	p0 =	sne.s32 s2, $0x0  }
0x81: {  	s3 =	rddreg [dreg:$0x2];
	[bflag:$0x3] =	sbarrier.arrive $0xFFFF;
	s2 =	simm.s32 @!p0 $0x1C05  }
0x82: {  	[timem:s3], [sflag:s2] =	dma.local @!p0 [hbm:s0], s1  }
0x83: {  	s0 =	simm.s32 @!p0 $0x5  }
0x84: {  	_ =	swait.ge @!p0 [sflag:s0], s1  }
0x85: {  	s1 =	ssub.s32 @!p0 $0x0, s1;
	[sflag:s0] =	ssyncset.done @!p0 $0x0  }
0x86: {  	[sflag:s0] =	ssyncadd.s32 @!p0 s1  }
0x87: {  	[bflag:$0x3] =	sbarrier.arrive $0xFFFF  }
0x88: {  	_ =	shalt  }

// kernel: kernel.46.cloned.1.call-start
scs
__scs_entry_jumppad:
0x0: {  	(pc) =	sbr.rel $0x88, $3  }
0x1: {  	(tag) =	ssettag $0x0;
	lr =	simm.s32 $0x1  }
0x2: {  	[smem:$0x3F96] =	sst lr;
	_ =	strace $0xD0000000  }
0x3: {  	_ = 	snop  }
0x4: {  	_ = 	snop  }
0x5: {  	_ = 	snop  }
0x6: {  	_ = 	snop  }
0x7: {  	_ = 	snop  }
__scs_overlays_trampoline_lowered:
0x8: {  	[smem:$0x3FA5] =	sst s0  }
0x9: {  	[smem:$0x3FA6] =	sst s1  }
0xa: {  	[smem:$0x3FA7] =	sst s2  }
0xb: {  	[smem:$0x3FA8] =	sst s3  }
0xc: {  	[smem:$0x3FA9] =	sst s4  }
0xd: {  	[smem:$0x3FAA] =	sst s5  }
0xe: {  	[smem:$0x3FAB] =	sst s6  }
0xf: {  	[smem:$0x3FAC] =	sst s7  }
0x10: {  	[smem:$0x3FAD] =	sst s8  }
0x11: {  	[smem:$0x3FAE] =	sst s9;
	s0 =	simm.s32 @!p0 $0x0  }
0x12: {  	s1 =	sld [smem:$0x3F94];
	s0 =	simm.s32 @p0 $0x1  }
0x13: {  	[smem:$0x3FAF] =	sst s0;
	s0 =	simm.s32 @!p1 $0x0  }
0x14: {  	s2 =	sld [smem:$0x3F93];
	s0 =	simm.s32 @p1 $0x1  }
0x15: {  	[smem:$0x3FB0] =	sst s0;
	s0 =	simm.s32 @!p2 $0x0  }
0x16: {  	s3 =	sld [smem:$0x3FDB];
	s0 =	simm.s32 @p2 $0x1  }
0x17: {  	s4 =	simm.s32 $0x1BF5;
	[smem:$0x3FB2] =	sst s0  }
0x18: {  	s0 =	sld [smem:$0x3F95];
	_ =	swait.ge [sflag:s4], $0x0  }
0x19: {  	s7 =	sld [smem:$0x3F96]  }
0x1a: {  	s8 =	sadd.s32 $0xFFFFE003, lr  }
0x1b: {  	s9 =	sadd.s32 $0xFFFFFEF7, lr;
	s5 =	simm.s32 $0xFFFFFFFF;
	p2 =	slt.u32 s8, $0xFFFFF086  }
0x1c: {  	p1 =	slt.u32 s9, $0xF7A;
	s5 =	simm.s32 @!p2 $0x0  }
0x1d: {  	s5 =	simm.s32 @p1 $0x1;
	p0 =	seq.s32 s7, s2  }
0x1e: {  	s7 =	smul.u32 @!p0 $0xF7A, s2;
	p2 =	seq.s32 @!p0 s5, $0x0  }
0x1f: {  	s9 =	smul.u32 $0xF7A, s1;
	s8 =	simm.s32 @!p0 $0x1BF5;
	p2 =	por !p2, p0  }
0x20: {  	[sflag:s8] =	ssyncset.s32 @!p0 $0xFFFFF086;
	s6 =	sadd.s32 @!p0 s3, s7;
	s7 =	simm.s32 @!p0 $0x108  }
0x21: {  	s3 =	sadd.s32 s3, s9;
	s6 =	sadd.s32 @!p0 $0x88, s6;
	s7 =	simm.s32 @p2 $0x1082  }
0x22: {  	[simem:s7], [sflag:s8] =	dma.local @!p0 [hbm:s6], $0xF7A  }
0x23: {  	s9 =	sor.u32 $0xD0000000, s2;
	s6 =	simm.s32 $0x108;
	_ =	swait.ge @!p0 [sflag:s8], $0x0  }
0x24: {  	s3 =	sadd.s32 $0x88, s3;
	s6 =	simm.s32 @!p1 $0x1082;
	[sflag:s4] =	ssyncset.s32 $0xFFFFF086  }
0x25: {  	[simem:s6], [sflag:s4] =	dma.local [hbm:s3], $0xF7A  }
0x26: {  	[smem:$0x3F96] =	sst s1;
	(tag) =	ssettag s2;
	_ =	strace s9  }
0x27: {  	s1 =	sld [smem:$0x3FA6]  }
0x28: {  	s2 =	sld [smem:$0x3FA7]  }
0x29: {  	s4 =	sld [smem:$0x3FA9]  }
0x2a: {  	p0 =	seq.s32 s5, $0x0;
	s5 =	sld [smem:$0x3FAA]  }
0x2b: {  	s6 =	sld [smem:$0x3FAB]  }
0x2c: {  	s7 =	sld [smem:$0x3FAC]  }
0x2d: {  	s3 =	simm.s32 $0x108;
	s8 =	sld [smem:$0x3FAD]  }
0x2e: {  	s3 =	simm.s32 @!p0 $0x1082;
	s9 =	sld [smem:$0x3FAE]  }
0x2f: {  	lr =	sadd.s32 s0, s3;
	s0 =	sld [smem:$0x3FA5]  }
0x30: {  	s3 =	sld [smem:$0x3FA8]  }
0x31: {  	[smem:$0x3FB1] =	sst s10  }
0x32: {  	s10 =	sld [smem:$0x3FAF];
	_ =	sdelay $0x3  }
0x33: {  	p0 =	seq.s32 s10, $0x1;
	s10 =	sld [smem:$0x3FB1];
	_ =	sdelay $0x3  }
0x34: {  	[smem:$0x3FB1] =	sst s10  }
0x35: {  	s10 =	sld [smem:$0x3FB0];
	_ =	sdelay $0x3  }
0x36: {  	p1 =	seq.s32 s10, $0x1;
	s10 =	sld [smem:$0x3FB1];
	_ =	sdelay $0x3  }
0x37: {  	[smem:$0x3FB1] =	sst s10  }
0x38: {  	s10 =	sld [smem:$0x3FB2]  }
0x39: {  	_ = 	snop;
	(pc) =	sbr.ind lr, $3  }
0x3a: {  	_ = 	snop  }
0x3b: {  	_ = 	snop  }
0x3c: {  	p2 =	seq.s32 s10, $0x1;
	s10 =	sld [smem:$0x3FB1]  }
0x3d: {  	_ =	shalt  }
0x3e: {  	_ =	shalt  }
0x3f: {  	_ =	shalt  }
0x40: {  	_ =	shalt  }
0x41: {  	_ =	shalt  }
0x42: {  	_ =	shalt  }
0x43: {  	_ =	shalt  }
0x44: {  	_ =	shalt  }
0x45: {  	_ =	shalt  }
0x46: {  	_ =	shalt  }
0x47: {  	_ =	shalt  }
0x48: {  	_ =	shalt  }
0x49: {  	_ =	shalt  }
0x4a: {  	_ =	shalt  }
0x4b: {  	_ =	shalt  }
0x4c: {  	_ =	shalt  }
0x4d: {  	_ =	shalt  }
0x4e: {  	_ =	shalt  }
0x4f: {  	_ =	shalt  }
0x50: {  	_ =	shalt  }
0x51: {  	_ =	shalt  }
0x52: {  	_ =	shalt  }
0x53: {  	_ =	shalt  }
0x54: {  	_ =	shalt  }
0x55: {  	_ =	shalt  }
0x56: {  	_ =	shalt  }
0x57: {  	_ =	shalt  }
0x58: {  	_ =	shalt  }
0x59: {  	_ =	shalt  }
0x5a: {  	_ =	shalt  }
0x5b: {  	_ =	shalt  }
0x5c: {  	_ =	shalt  }
0x5d: {  	_ =	shalt  }
0x5e: {  	_ =	shalt  }
0x5f: {  	_ =	shalt  }
0x60: {  	_ =	shalt  }
0x61: {  	_ =	shalt  }
0x62: {  	_ =	shalt  }
0x63: {  	_ =	shalt  }
0x64: {  	_ =	shalt  }
0x65: {  	_ =	shalt  }
0x66: {  	_ =	shalt  }
0x67: {  	_ =	shalt  }
0x68: {  	_ =	shalt  }
0x69: {  	_ =	shalt  }
0x6a: {  	_ =	shalt  }
0x6b: {  	_ =	shalt  }
0x6c: {  	_ =	shalt  }
0x6d: {  	_ =	shalt  }
0x6e: {  	_ =	shalt  }
0x6f: {  	_ =	shalt  }
0x70: {  	_ =	shalt  }
0x71: {  	_ =	shalt  }
0x72: {  	_ =	shalt  }
0x73: {  	_ =	shalt  }
0x74: {  	_ =	shalt  }
0x75: {  	_ =	shalt  }
0x76: {  	_ =	shalt  }
0x77: {  	_ =	shalt  }
0x78: {  	_ =	shalt  }
0x79: {  	_ =	shalt  }
0x7a: {  	_ =	shalt  }
0x7b: {  	_ =	shalt  }
0x7c: {  	_ =	shalt  }
0x7d: {  	_ =	shalt  }
0x7e: {  	_ =	shalt  }
0x7f: {  	_ =	shalt  }
0x80: {  	_ =	shalt  }
0x81: {  	_ =	shalt  }
0x82: {  	_ =	shalt  }
0x83: {  	_ =	shalt  }
0x84: {  	_ =	shalt  }
0x85: {  	_ =	shalt  }
0x86: {  	_ =	shalt  }
0x87: {  	_ =	shalt  }
.Lfunc_end0:
.L_simem_size_0:
called_computation.7_lowered:
.L_overlay_start_0:
0x88: {  	s2 =	sld [smem:$0x3FD9]  }
0x89: {  	s3 =	sld [smem:$0x3FFE];
	_ =	sdelay $0x1  }
0x8a: {  	s1 =	srdreg.scid  }
0x8b: {  	s0 =	sand.u32 $0x1, s1  }
0x8c: {  	s16 =	sshll.u32 s0, $0xA;
	s2 =	sadd.s32 s3, s2  }
0x8d: {  	s2 =	sadd.s32 s2, s16  }
0x8e: {  	[smem:$0x3FBD] =	sst s2  }
0x8f: {  	_ = 	snop  }
0x90: {  	(tm) =	ssettm $0x1  }
0x91: {  	s17 =	sld [smem:$0x3FFB];
	_ =	sdelay $0x3  }
0x92: {  	_ =	strace s17  }
0x93: {  	s2 =	sld [smem:$0x3FFC];
	_ =	sdelay $0x3  }
0x94: {  	_ =	strace s2  }
0x95: {  	s2 =	sld [smem:$0x3FFD];
	_ =	sdelay $0x3  }
0x96: {  	_ =	strace s2  }
0x97: {  	_ =	strace $0x8FFFFFFF  }
0x98: {  	s18 =	sld [smem:$0x3FDB];
	_ =	sdelay $0x1  }
0x99: {  	s19 =	simm.s32 $_scs_section_size  }
0x9a: {  	s4 =	simm.s32 $_size__tile_overlayer_lowered;
	s5 =	simm.s32 $_tile_overlayer_lowered  }
0x9b: {  	s22 =	simm.s32 $0x1BFF;
	s21 =	sshll.u32 s5, $0x1;
	s2 =	sadd.s32 s19, s18  }
0x9c: {  	s6 =	simm.s32 $0x0;
	s20 =	sshll.u32 s4, $0x1;
	s4 =	sadd.s32 s21, s2  }
0x9d: {  	[timem:s6], [sflag:s22] =	dma.local [hbm:s4], s20  }
0x9e: {  	_ =	swait.ge [sflag:s22], s20  }
0x9f: {  	s3 =	ssub.s32 $0x0, s20;
	[sflag:s22] =	ssyncset.done $0x0  }
0xa0: {  	[sflag:s22] =	ssyncadd.s32 s3;
	_ =	sdelay $0x1  }
0xa1: {  	s23 =	simm.s32 $0x1B8B  }
0xa2: {  	_ =	swait.ge [sflag:s23], $0x1  }
0xa3: {  	[sflag:s23] =	ssyncset.done $0x0  }
0xa4: {  	s25 =	simm.s32 $0x1B8E;
	s24 =	sld [smem:$0x3FFE];
	[sflag:s23] =	ssyncadd.s32 $0xFFFFFFFF  }
0xa5: {  	s26 =	simm.s32 $execute0_lowered;
	[smem:$0x3FD2] =	sst s25  }
0xa6: {  	s4 =	sshll.u32 s26, $0x1;
	_ =	strace $0x8000005B;
	[dreg:$0x1] =	wrdreg $0xFFFFFFFF  }
0xa7: {  	s28 =	simm.s32 $_size_execute0_lowered;
	s2 =	sadd.s32 s2, s4;
	[dreg:$0x0] =	wrdreg $0x0  }
0xa8: {  	s4 =	sshll.u32 s28, $0x1;
	[dreg:$0x2] =	wrdreg s2  }
0xa9: {  	[dreg:$0x3] =	wrdreg s4  }
0xaa: {  	[dreg:$0x4] =	wrdreg $0xC0  }
0xab: {  	_ =	task [dreg:s6], $0x5FFFF  }
0xac: {  	[dreg:$0x1] =	wrdreg $0xFFFFFFFF  }
0xad: {  	[dreg:$0x0] =	wrdreg $0x60  }
0xae: {  	[dreg:$0x2] =	wrdreg s24  }
0xaf: {  	[dreg:$0x3] =	wrdreg $0xA8000  }
0xb0: {  	[dreg:$0x4] =	wrdreg $0x9  }
0xb1: {  	_ =	task.clear_ibuf [dreg:s6], $0x5FFFF;
	_ =	strace $0x9000005B  }
0xb2: {  	s29 =	simm.s32 $0x9;
	_ =	strace $0x8000005D  }
0xb3: {  	_ =	swait.ge [sflag:s29], $0x1  }
0xb4: {  	[sflag:s29] =	ssyncadd.s32 $0xFFFFFFFF  }
0xb5: {  	_ =	strace $0x9000005D  }
0xb6: {  	_ =	sfence  }
0xb7: {  	s30 =	sld [smem:$0x0];
	_ =	sdelay $0x2  }
0xb8: {  	s31 =	sshll.u32 s1, $0xD;
	s1 =	sshrl.u32 s1, $0x2  }
0xb9: {  	s3 =	sand.u32 $0x4000, s31;
	s1 =	sadd.s32 s1, s30  }
0xba: {  	s0 =	sor.u32 s3, s0;
	s1 =	sshll.u32 s1, $0x11  }
0xbb: {  	s0 =	sor.u32 s1, s0  }
0xbc: {  	s0 =	sadd.s32 $0x8F2B, s0  }
0xbd: {  	[sflag:s0] =	ssyncadd.remote.s32 $0x1  }
0xbe: {  	_ =	sfence.sel $0xFFFF  }
0xbf: {  	[dreg:$0x0] =	wrdreg $0xFFFFFFFF;
	(pc) =	sbr.abs _section_cstart, $3  }
0xc0: {  	[dreg:$0x1] =	wrdreg $0xFFFFFFFF  }
0xc1: {  	_ =	task.clear_ibuf [dreg:s6], $0x2FFFF;
	_ =	strace $0x9FFFFFFF  }
0xc2: {  	(tm) =	ssettm $0x7FFFFFFF  }
0xc3: {  	_ =	shalt  }
tec
execute0_lowered:
.L_overlay_start_1:
0x0: {  	(tag) =	ssettag $0x1  }
0x1: {  	s5 =	rddreg [dreg:$0x0]  }
0x2: {  	s2 =	rddreg [dreg:$0x1]  }
0x3: {  	s0 =	rddreg [dreg:$0x2];
	s3 =	simm.s32 $0x0;
	s1 =	stileid.u32  }
0x4: {  	s4 =	srdreg.scid;
	s16 =	simm.s32 $0x6800;
	s17 =	simm.s32 $0x1400  }
0x5: {  	s18 =	simm.s32 $0x3;
	s19 =	simm.s32 $0x80;
	s20 =	simm.s32 $0x1  }
0x6: {  	s21 =	simm.s32 $0x4;
	s22 =	simm.s32 $0x2;
	[smem:$0x7FF] =	sst s3  }
0x7: {  	s6 =	smul.u32 $0x14000, s1;
	s7 =	sand.u32 $0x1, s4;
	s11 =	sadd.s32 $0x39200, s5  }
0x8: {  	s12 =	sadd.s32 $0x43200, s5;
	s4 =	sadd.s32 $0x9200, s5;
	s23 =	sshll.u32 s1, $0x1  }
0x9: {  	s10 =	smul.u32 $0x50000, s1;
	s30 =	sshll.u32 s1, $0x6;
	_ =	strace $0x8000005C  }
0xa: {  	s8 =	smul.u32 $0x140000, s7;
	s24 =	ssub.s32 $0x2, s7;
	s25 =	sor.u32 s7, s23  }
0xb: {  	s23 =	simm.s32 $0x0;
	s9 =	sshrl.u32 s6, $0x3;
	s26 =	sshrl.u32 s24, $0x1  }
0xc: {  	s28 =	sshrl.u32 s10, $0x2;
	s29 =	smul.u32 $0x2800, s25;
	s9 =	sadd.s32 s9, s5  }
0xd: {  	s6 =	sadd.s32 s6, s8;
	s14 =	ssub.s32 s24, s26;
	s15 =	sadd.s32 s28, s2  }
0xe: {  	s6 =	sshrl.u32 s6, $0x3;
	s10 =	sshrl.u32 s29, $0x3;
	s8 =	smax.u32 s14, $0x1  }
0xf: {  	s14 =	simm.s32 $0x5;
	s13 =	sadd.s32 s6, s5;
	s5 =	sadd.s32 $0x4D200, s9  }
0x10: {  	s6 =	sor.u32 $0x1C05, s30;
	s31 =	sadd.s32 $0x280, s10;
	s9 =	sadd.s32 s11, s10  }
0x11: {  	s10 =	sadd.s32 s12, s10;
	s7 =	sadd.s32 $0x75200, s13;
	s11 =	sadd.s32 s11, s31  }
0x12: {  	s12 =	sadd.s32 s12, s31;
	s13 =	sshrl.u32 s15, $0x3;
	s15 =	simm.s32 $0x2800  }
.LBB2_1:
0x13: {  	[spmem:s13], [sflag:s6] =	dma.local [hbm:s5], $0x2800  }
0x14: {  	_ =	swait.ge [sflag:s14], $0x2800  }
0x15: {  	[sflag:s14] =	ssyncset.done $0x0  }
0x16: {  	[sflag:s14] =	ssyncadd.s32 $0xFFFFD800  }
0x17: {  	[tilespmem:s15], [sflag:$0x3] =	stream.linear.gather [hbm4b:s4+s3], $0x4000, $0x38;
	[tilespmem:$0x1E800] =	vst v63  }
0x18: {  	_ = 	snop  }
0x19: {  	[tilespmem:s16], [sflag:$0x4] =	stream.linear.gather [hbm4b:s4+s3], $0x4000, $0x38;
	[tilespmem:$0x1E800] =	vst v63  }
0x1a: {  	[bflag:$0x0] =	sbarrier.arrive $0xFFFF  }
0x1b: {  	[tilespmem:s3], [sflag:$0x5] =	stream.linear.gather [hbm4b:s9+s3], $0x1400, $0x38;
	[tilespmem:$0x1E800] =	vst v63  }
0x1c: {  	_ =	swait.ge [sflag:s14], $0x1400  }
0x1d: {  	[sflag:s14] =	ssyncset.done $0x0  }
0x1e: {  	[sflag:s14] =	ssyncadd.s32 $0xFFFFEC00  }
0x1f: {  	[tilespmem:s17], [sflag:$0x5] =	stream.linear.gather [hbm4b:s10+s3], $0x1400, $0x38;
	[tilespmem:$0x1E800] =	vst v63  }
0x20: {  	_ =	swait.ge [sflag:s14], $0x1400  }
0x21: {  	[sflag:s14] =	ssyncset.done $0x0  }
0x22: {  	[sflag:s14] =	ssyncadd.s32 $0xFFFFEC00  }
0x23: {  	_ =	swait.ge [sflag:s18], $0x4000  }
0x24: {  	[sflag:s18] =	ssyncset.done $0x0  }
0x25: {  	s24 =	simm.s32 $0x0;
	[sflag:s18] =	ssyncadd.s32 $0xFFFFC000  }
0x26: {  	[tilespmem:s15], [sflag:$0x1] =	stream.indirect.gather [hbm4b:s4+s19], $0x80, s24, s19, $0xb8;
	[tilespmem:$0x1E800] =	vst v63  }
0x27: {  	_ =	swait.ge [sflag:s20], $0x4000  }
0x28: {  	[sflag:s20] =	ssyncset.done $0x0  }
0x29: {  	s30 =	simm.s32 $0x1400;
	[sflag:s20] =	ssyncadd.s32 $0xFFFFC000  }
0x2a: {  	[spmem:s2] =	stream.indirect.scatter.add.f32 [tilespmem:s15], [sflag:$0x3], $0x80, s30, s19, $0xb8;
	[tilespmem:$0x1E800] =	vst v63  }
0x2b: {  	_ =	swait.ge [sflag:s21], $0x4000  }
0x2c: {  	[sflag:s21] =	ssyncset.done $0x0  }
0x2d: {  	s31 =	simm.s32 $0x80;
	[sflag:s21] =	ssyncadd.s32 $0xFFFFC000  }
0x2e: {  	[tilespmem:s16], [sflag:$0x2] =	stream.indirect.gather [hbm4b:s4+s19], $0x80, s31, s19, $0xb8;
	[tilespmem:$0x1E800] =	vst v63  }
0x2f: {  	_ =	swait.ge [sflag:s22], $0x4000  }
0x30: {  	[sflag:s22] =	ssyncset.done $0x0  }
0x31: {  	s25 =	simm.s32 $0x1480;
	s24 =	simm.s32 $0x400;
	[sflag:s22] =	ssyncadd.s32 $0xFFFFC000  }
.LBB2_2:
0x32: {  	[spmem:s2] =	stream.indirect.scatter.add.f32 [tilespmem:s16], [sflag:$0x4], $0x80, s25, s19, $0xb8;
	[tilespmem:$0x1E800] =	vst v63  }
0x33: {  	s25 =	smov.u32 s24  }
0x34: {  	p0 =	sne.s32 s24, $0x4C00;
	s24 =	sadd.s32 $0x400, s24;
	_ =	swait.ge [sflag:s18], $0x4000  }
0x35: {  	[sflag:s18] =	ssyncset.done $0x0  }
0x36: {  	s25 =	sshra.s32 s25, $0x2;
	[sflag:s18] =	ssyncadd.s32 $0xFFFFC000  }
0x37: {  	[tilespmem:s15], [sflag:$0x1] =	stream.indirect.gather [hbm4b:s4+s19], $0x80, s25, s19, $0xb8;
	[tilespmem:$0x1E800] =	vst v63  }
0x38: {  	_ =	swait.ge [sflag:s20], $0x4000  }
0x39: {  	[sflag:s20] =	ssyncset.done $0x0  }
0x3a: {  	s26 =	sadd.s32 $0x1400, s25;
	[sflag:s20] =	ssyncadd.s32 $0xFFFFC000  }
0x3b: {  	[spmem:s2] =	stream.indirect.scatter.add.f32 [tilespmem:s15], [sflag:$0x3], $0x80, s26, s19, $0xb8;
	[tilespmem:$0x1E800] =	vst v63  }
0x3c: {  	_ =	swait.ge [sflag:s21], $0x4000  }
0x3d: {  	[sflag:s21] =	ssyncset.done $0x0  }
.Ltmp0:
0x3e: {  	s26 =	sadd.s32 $0x80, s25;
	[sflag:s21] =	ssyncadd.s32 $0xFFFFC000;
	(pc) =	sbr.rel @p0 .LBB2_2-.Ltmp0, $4  }
0x3f: {  	[tilespmem:s16], [sflag:$0x2] =	stream.indirect.gather [hbm4b:s4+s19], $0x80, s26, s19, $0xb8;
	[tilespmem:$0x1E800] =	vst v63  }
0x40: {  	_ =	swait.ge [sflag:s22], $0x4000  }
0x41: {  	[sflag:s22] =	ssyncset.done $0x0  }
0x42: {  	s25 =	sadd.s32 $0x1480, s25;
	[sflag:s22] =	ssyncadd.s32 $0xFFFFC000  }
0x43: {  	[spmem:s2] =	stream.indirect.scatter.add.f32 [tilespmem:s16], [sflag:$0x4], $0x80, s25, s19, $0xb8;
	[tilespmem:$0x1E800] =	vst v63  }
0x44: {  	s24 =	simm.s32 $0x0  }
0x45: {  	[tilespmem:s24], [sflag:$0x5] =	stream.linear.gather [hbm4b:s11+s24], $0x1400, $0x38;
	[tilespmem:$0x1E800] =	vst v63  }
0x46: {  	_ =	swait.ge [sflag:s14], $0x1400  }
0x47: {  	[sflag:s14] =	ssyncset.done $0x0  }
0x48: {  	[sflag:s14] =	ssyncadd.s32 $0xFFFFEC00  }
0x49: {  	[tilespmem:s17], [sflag:$0x5] =	stream.linear.gather [hbm4b:s12+s24], $0x1400, $0x38;
	[tilespmem:$0x1E800] =	vst v63  }
0x4a: {  	_ =	swait.ge [sflag:s14], $0x1400  }
0x4b: {  	[sflag:s14] =	ssyncset.done $0x0  }
0x4c: {  	[sflag:s14] =	ssyncadd.s32 $0xFFFFEC00  }
0x4d: {  	_ =	swait.ge [sflag:s18], $0x4000  }
0x4e: {  	[sflag:s18] =	ssyncset.done $0x0  }
0x4f: {  	s29 =	simm.s32 $0x0;
	[sflag:s18] =	ssyncadd.s32 $0xFFFFC000  }
0x50: {  	[tilespmem:s15], [sflag:$0x1] =	stream.indirect.gather [hbm4b:s4+s19], $0x80, s29, s19, $0xb8;
	[tilespmem:$0x1E800] =	vst v63  }
0x51: {  	_ =	swait.ge [sflag:s20], $0x4000  }
0x52: {  	[sflag:s20] =	ssyncset.done $0x0  }
0x53: {  	s30 =	simm.s32 $0x1400;
	[sflag:s20] =	ssyncadd.s32 $0xFFFFC000  }
0x54: {  	[spmem:s2] =	stream.indirect.scatter.add.f32 [tilespmem:s15], [sflag:$0x3], $0x80, s30, s19, $0xb8;
	[tilespmem:$0x1E800] =	vst v63  }
0x55: {  	_ =	swait.ge [sflag:s21], $0x4000  }
0x56: {  	[sflag:s21] =	ssyncset.done $0x0  }
0x57: {  	s31 =	simm.s32 $0x80;
	[sflag:s21] =	ssyncadd.s32 $0xFFFFC000  }
0x58: {  	[tilespmem:s16], [sflag:$0x2] =	stream.indirect.gather [hbm4b:s4+s19], $0x80, s31, s19, $0xb8;
	[tilespmem:$0x1E800] =	vst v63  }
0x59: {  	_ =	swait.ge [sflag:s22], $0x4000  }
0x5a: {  	[sflag:s22] =	ssyncset.done $0x0  }
0x5b: {  	s25 =	simm.s32 $0x1480;
	s24 =	simm.s32 $0x400;
	[sflag:s22] =	ssyncadd.s32 $0xFFFFC000  }
.LBB2_4:
0x5c: {  	[spmem:s2] =	stream.indirect.scatter.add.f32 [tilespmem:s16], [sflag:$0x4], $0x80, s25, s19, $0xb8;
	[tilespmem:$0x1E800] =	vst v63  }
0x5d: {  	s25 =	smov.u32 s24  }
0x5e: {  	p0 =	sne.s32 s24, $0x4C00;
	s24 =	sadd.s32 $0x400, s24;
	_ =	swait.ge [sflag:s18], $0x4000  }
0x5f: {  	[sflag:s18] =	ssyncset.done $0x0  }
0x60: {  	s25 =	sshra.s32 s25, $0x2;
	[sflag:s18] =	ssyncadd.s32 $0xFFFFC000  }
0x61: {  	[tilespmem:s15], [sflag:$0x1] =	stream.indirect.gather [hbm4b:s4+s19], $0x80, s25, s19, $0xb8;
	[tilespmem:$0x1E800] =	vst v63  }
0x62: {  	_ =	swait.ge [sflag:s20], $0x4000  }
0x63: {  	[sflag:s20] =	ssyncset.done $0x0  }
0x64: {  	s26 =	sadd.s32 $0x1400, s25;
	[sflag:s20] =	ssyncadd.s32 $0xFFFFC000  }
0x65: {  	[spmem:s2] =	stream.indirect.scatter.add.f32 [tilespmem:s15], [sflag:$0x3], $0x80, s26, s19, $0xb8;
	[tilespmem:$0x1E800] =	vst v63  }
0x66: {  	_ =	swait.ge [sflag:s21], $0x4000  }
0x67: {  	[sflag:s21] =	ssyncset.done $0x0  }
.Ltmp1:
0x68: {  	s26 =	sadd.s32 $0x80, s25;
	[sflag:s21] =	ssyncadd.s32 $0xFFFFC000;
	(pc) =	sbr.rel @p0 .LBB2_4-.Ltmp1, $4  }
0x69: {  	[tilespmem:s16], [sflag:$0x2] =	stream.indirect.gather [hbm4b:s4+s19], $0x80, s26, s19, $0xb8;
	[tilespmem:$0x1E800] =	vst v63  }
0x6a: {  	_ =	swait.ge [sflag:s22], $0x4000  }
0x6b: {  	[sflag:s22] =	ssyncset.done $0x0  }
0x6c: {  	s25 =	sadd.s32 $0x1480, s25;
	[sflag:s22] =	ssyncadd.s32 $0xFFFFC000  }
0x6d: {  	[spmem:s2] =	stream.indirect.scatter.add.f32 [tilespmem:s16], [sflag:$0x4], $0x80, s25, s19, $0xb8;
	[tilespmem:$0x1E800] =	vst v63  }
0x6e: {  	_ =	swait.ge [sflag:s18], $0x4000  }
0x6f: {  	[sflag:s18] =	ssyncset.done $0x0  }
0x70: {  	[sflag:s18] =	ssyncadd.s32 $0xFFFFC000  }
0x71: {  	_ =	swait.ge [sflag:s21], $0x4000  }
0x72: {  	s23 =	sadd.s32 $0x1, s23;
	[sflag:s21] =	ssyncset.done $0x0  }
0x73: {  	p0 =	sne.s32 s23, s8;
	[sflag:s21] =	ssyncadd.s32 $0xFFFFC000  }
.Ltmp2:
0x74: {  	[bflag:$0x0] =	sbarrier.arrive $0xFFFF;
	(pc) =	sbr.rel @p0 .LBB2_1-.Ltmp2, $4  }
0x75: {  	[hbm:s7], [sflag:s6] =	dma.local [spmem:s13], $0x2800  }
0x76: {  	_ =	swait.ge [sflag:s14], $0x2800  }
0x77: {  	[sflag:s14] =	ssyncset.done $0x0  }
0x78: {  	[sflag:s14] =	ssyncadd.s32 $0xFFFFD800  }
0x79: {  	_ =	sfence.sel $0x180000  }
0x7a: {  	[bflag:$0x0] =	sbarrier.arrive $0xFFFF  }
0x7b: {  	p0 =	sne.s32 s1, $0x0;
	_ =	strace $0x9000005C  }
0x7c: {  	s0 =	sadd.s32 @!p0 $0x100000, s0;
	[bflag:$0x2] =	sbarrier.arrive $0xFFFF  }
0x7d: {  	[sflag:s0] =	ssyncadd.tile.s32 @!p0 $0x1;
	_ =	shalt  }
.Lfunc_end2:
_tile_overlayer_lowered:
.L_overlay_start_2:
0x7e: {  	(tag) =	ssettag $0x2  }
0x7f: {  	s0 =	rddreg [dreg:$0x0];
	s2 =	stileid.u32  }
0x80: {  	s1 =	rddreg [dreg:$0x1];
	p0 =	sne.s32 s2, $0x0  }
0x81: {  	s3 =	rddreg [dreg:$0x2];
	[bflag:$0x3] =	sbarrier.arrive $0xFFFF;
	s2 =	simm.s32 @!p0 $0x1C05  }
0x82: {  	[timem:s3], [sflag:s2] =	dma.local @!p0 [hbm:s0], s1  }
0x83: {  	s0 =	simm.s32 @!p0 $0x5  }
0x84: {  	_ =	swait.ge @!p0 [sflag:s0], s1  }
0x85: {  	s1 =	ssub.s32 @!p0 $0x0, s1;
	[sflag:s0] =	ssyncset.done @!p0 $0x0  }
0x86: {  	[sflag:s0] =	ssyncadd.s32 @!p0 s1  }
0x87: {  	[bflag:$0x3] =	sbarrier.arrive $0xFFFF  }
0x88: {  	_ =	shalt  }

// kernel: kernel.49.cloned.1.call-start
scs
__scs_entry_jumppad:
0x0: {  	(pc) =	sbr.rel $0x88, $3  }
0x1: {  	(tag) =	ssettag $0x0;
	lr =	simm.s32 $0x1  }
0x2: {  	[smem:$0x3F96] =	sst lr;
	_ =	strace $0xD0000000  }
0x3: {  	_ = 	snop  }
0x4: {  	_ = 	snop  }
0x5: {  	_ = 	snop  }
0x6: {  	_ = 	snop  }
0x7: {  	_ = 	snop  }
__scs_overlays_trampoline_lowered:
0x8: {  	[smem:$0x3FA5] =	sst s0  }
0x9: {  	[smem:$0x3FA6] =	sst s1  }
0xa: {  	[smem:$0x3FA7] =	sst s2  }
0xb: {  	[smem:$0x3FA8] =	sst s3  }
0xc: {  	[smem:$0x3FA9] =	sst s4  }
0xd: {  	[smem:$0x3FAA] =	sst s5  }
0xe: {  	[smem:$0x3FAB] =	sst s6  }
0xf: {  	[smem:$0x3FAC] =	sst s7  }
0x10: {  	[smem:$0x3FAD] =	sst s8  }
0x11: {  	[smem:$0x3FAE] =	sst s9;
	s0 =	simm.s32 @!p0 $0x0  }
0x12: {  	s1 =	sld [smem:$0x3F94];
	s0 =	simm.s32 @p0 $0x1  }
0x13: {  	[smem:$0x3FAF] =	sst s0;
	s0 =	simm.s32 @!p1 $0x0  }
0x14: {  	s2 =	sld [smem:$0x3F93];
	s0 =	simm.s32 @p1 $0x1  }
0x15: {  	[smem:$0x3FB0] =	sst s0;
	s0 =	simm.s32 @!p2 $0x0  }
0x16: {  	s3 =	sld [smem:$0x3FDB];
	s0 =	simm.s32 @p2 $0x1  }
0x17: {  	s4 =	simm.s32 $0x1BF5;
	[smem:$0x3FB2] =	sst s0  }
0x18: {  	s0 =	sld [smem:$0x3F95];
	_ =	swait.ge [sflag:s4], $0x0  }
0x19: {  	s7 =	sld [smem:$0x3F96]  }
0x1a: {  	s8 =	sadd.s32 $0xFFFFE003, lr  }
0x1b: {  	s9 =	sadd.s32 $0xFFFFFEF7, lr;
	s5 =	simm.s32 $0xFFFFFFFF;
	p2 =	slt.u32 s8, $0xFFFFF086  }
0x1c: {  	p1 =	slt.u32 s9, $0xF7A;
	s5 =	simm.s32 @!p2 $0x0  }
0x1d: {  	s5 =	simm.s32 @p1 $0x1;
	p0 =	seq.s32 s7, s2  }
0x1e: {  	s7 =	smul.u32 @!p0 $0xF7A, s2;
	p2 =	seq.s32 @!p0 s5, $0x0  }
0x1f: {  	s9 =	smul.u32 $0xF7A, s1;
	s8 =	simm.s32 @!p0 $0x1BF5;
	p2 =	por !p2, p0  }
0x20: {  	[sflag:s8] =	ssyncset.s32 @!p0 $0xFFFFF086;
	s6 =	sadd.s32 @!p0 s3, s7;
	s7 =	simm.s32 @!p0 $0x108  }
0x21: {  	s3 =	sadd.s32 s3, s9;
	s6 =	sadd.s32 @!p0 $0x88, s6;
	s7 =	simm.s32 @p2 $0x1082  }
0x22: {  	[simem:s7], [sflag:s8] =	dma.local @!p0 [hbm:s6], $0xF7A  }
0x23: {  	s9 =	sor.u32 $0xD0000000, s2;
	s6 =	simm.s32 $0x108;
	_ =	swait.ge @!p0 [sflag:s8], $0x0  }
0x24: {  	s3 =	sadd.s32 $0x88, s3;
	s6 =	simm.s32 @!p1 $0x1082;
	[sflag:s4] =	ssyncset.s32 $0xFFFFF086  }
0x25: {  	[simem:s6], [sflag:s4] =	dma.local [hbm:s3], $0xF7A  }
0x26: {  	[smem:$0x3F96] =	sst s1;
	(tag) =	ssettag s2;
	_ =	strace s9  }
0x27: {  	s1 =	sld [smem:$0x3FA6]  }
0x28: {  	s2 =	sld [smem:$0x3FA7]  }
0x29: {  	s4 =	sld [smem:$0x3FA9]  }
0x2a: {  	p0 =	seq.s32 s5, $0x0;
	s5 =	sld [smem:$0x3FAA]  }
0x2b: {  	s6 =	sld [smem:$0x3FAB]  }
0x2c: {  	s7 =	sld [smem:$0x3FAC]  }
0x2d: {  	s3 =	simm.s32 $0x108;
	s8 =	sld [smem:$0x3FAD]  }
0x2e: {  	s3 =	simm.s32 @!p0 $0x1082;
	s9 =	sld [smem:$0x3FAE]  }
0x2f: {  	lr =	sadd.s32 s0, s3;
	s0 =	sld [smem:$0x3FA5]  }
0x30: {  	s3 =	sld [smem:$0x3FA8]  }
0x31: {  	[smem:$0x3FB1] =	sst s10  }
0x32: {  	s10 =	sld [smem:$0x3FAF];
	_ =	sdelay $0x3  }
0x33: {  	p0 =	seq.s32 s10, $0x1;
	s10 =	sld [smem:$0x3FB1];
	_ =	sdelay $0x3  }
0x34: {  	[smem:$0x3FB1] =	sst s10  }
0x35: {  	s10 =	sld [smem:$0x3FB0];
	_ =	sdelay $0x3  }
0x36: {  	p1 =	seq.s32 s10, $0x1;
	s10 =	sld [smem:$0x3FB1];
	_ =	sdelay $0x3  }
0x37: {  	[smem:$0x3FB1] =	sst s10  }
0x38: {  	s10 =	sld [smem:$0x3FB2]  }
0x39: {  	_ = 	snop;
	(pc) =	sbr.ind lr, $3  }
0x3a: {  	_ = 	snop  }
0x3b: {  	_ = 	snop  }
0x3c: {  	p2 =	seq.s32 s10, $0x1;
	s10 =	sld [smem:$0x3FB1]  }
0x3d: {  	_ =	shalt  }
0x3e: {  	_ =	shalt  }
0x3f: {  	_ =	shalt  }
0x40: {  	_ =	shalt  }
0x41: {  	_ =	shalt  }
0x42: {  	_ =	shalt  }
0x43: {  	_ =	shalt  }
0x44: {  	_ =	shalt  }
0x45: {  	_ =	shalt  }
0x46: {  	_ =	shalt  }
0x47: {  	_ =	shalt  }
0x48: {  	_ =	shalt  }
0x49: {  	_ =	shalt  }
0x4a: {  	_ =	shalt  }
0x4b: {  	_ =	shalt  }
0x4c: {  	_ =	shalt  }
0x4d: {  	_ =	shalt  }
0x4e: {  	_ =	shalt  }
0x4f: {  	_ =	shalt  }
0x50: {  	_ =	shalt  }
0x51: {  	_ =	shalt  }
0x52: {  	_ =	shalt  }
0x53: {  	_ =	shalt  }
0x54: {  	_ =	shalt  }
0x55: {  	_ =	shalt  }
0x56: {  	_ =	shalt  }
0x57: {  	_ =	shalt  }
0x58: {  	_ =	shalt  }
0x59: {  	_ =	shalt  }
0x5a: {  	_ =	shalt  }
0x5b: {  	_ =	shalt  }
0x5c: {  	_ =	shalt  }
0x5d: {  	_ =	shalt  }
0x5e: {  	_ =	shalt  }
0x5f: {  	_ =	shalt  }
0x60: {  	_ =	shalt  }
0x61: {  	_ =	shalt  }
0x62: {  	_ =	shalt  }
0x63: {  	_ =	shalt  }
0x64: {  	_ =	shalt  }
0x65: {  	_ =	shalt  }
0x66: {  	_ =	shalt  }
0x67: {  	_ =	shalt  }
0x68: {  	_ =	shalt  }
0x69: {  	_ =	shalt  }
0x6a: {  	_ =	shalt  }
0x6b: {  	_ =	shalt  }
0x6c: {  	_ =	shalt  }
0x6d: {  	_ =	shalt  }
0x6e: {  	_ =	shalt  }
0x6f: {  	_ =	shalt  }
0x70: {  	_ =	shalt  }
0x71: {  	_ =	shalt  }
0x72: {  	_ =	shalt  }
0x73: {  	_ =	shalt  }
0x74: {  	_ =	shalt  }
0x75: {  	_ =	shalt  }
0x76: {  	_ =	shalt  }
0x77: {  	_ =	shalt  }
0x78: {  	_ =	shalt  }
0x79: {  	_ =	shalt  }
0x7a: {  	_ =	shalt  }
0x7b: {  	_ =	shalt  }
0x7c: {  	_ =	shalt  }
0x7d: {  	_ =	shalt  }
0x7e: {  	_ =	shalt  }
0x7f: {  	_ =	shalt  }
0x80: {  	_ =	shalt  }
0x81: {  	_ =	shalt  }
0x82: {  	_ =	shalt  }
0x83: {  	_ =	shalt  }
0x84: {  	_ =	shalt  }
0x85: {  	_ =	shalt  }
0x86: {  	_ =	shalt  }
0x87: {  	_ =	shalt  }
.Lfunc_end0:
.L_simem_size_0:
called_computation.8_lowered:
.L_overlay_start_0:
0x88: {  	s2 =	sld [smem:$0x3FD9]  }
0x89: {  	s3 =	sld [smem:$0x3FFE];
	_ =	sdelay $0x1  }
0x8a: {  	s1 =	srdreg.scid  }
0x8b: {  	s0 =	sand.u32 $0x1, s1  }
0x8c: {  	s16 =	sshll.u32 s0, $0xA;
	s2 =	sadd.s32 s3, s2  }
0x8d: {  	s2 =	sadd.s32 s2, s16  }
0x8e: {  	[smem:$0x3FBD] =	sst s2  }
0x8f: {  	_ = 	snop  }
0x90: {  	(tm) =	ssettm $0x1  }
0x91: {  	s17 =	sld [smem:$0x3FFB];
	_ =	sdelay $0x3  }
0x92: {  	_ =	strace s17  }
0x93: {  	s2 =	sld [smem:$0x3FFC];
	_ =	sdelay $0x3  }
0x94: {  	_ =	strace s2  }
0x95: {  	s2 =	sld [smem:$0x3FFD];
	_ =	sdelay $0x3  }
0x96: {  	_ =	strace s2  }
0x97: {  	_ =	strace $0x8FFFFFFF  }
0x98: {  	s18 =	sld [smem:$0x3FDB];
	_ =	sdelay $0x1  }
0x99: {  	s19 =	simm.s32 $_scs_section_size  }
0x9a: {  	s4 =	simm.s32 $_size__tile_overlayer_lowered;
	s5 =	simm.s32 $_tile_overlayer_lowered  }
0x9b: {  	s22 =	simm.s32 $0x1BFF;
	s21 =	sshll.u32 s5, $0x1;
	s2 =	sadd.s32 s19, s18  }
0x9c: {  	s6 =	simm.s32 $0x0;
	s20 =	sshll.u32 s4, $0x1;
	s4 =	sadd.s32 s21, s2  }
0x9d: {  	[timem:s6], [sflag:s22] =	dma.local [hbm:s4], s20  }
0x9e: {  	_ =	swait.ge [sflag:s22], s20  }
0x9f: {  	s3 =	ssub.s32 $0x0, s20;
	[sflag:s22] =	ssyncset.done $0x0  }
0xa0: {  	[sflag:s22] =	ssyncadd.s32 s3;
	_ =	sdelay $0x1  }
0xa1: {  	s23 =	simm.s32 $0x1B8B  }
0xa2: {  	_ =	swait.ge [sflag:s23], $0x1  }
0xa3: {  	[sflag:s23] =	ssyncset.done $0x0  }
0xa4: {  	s25 =	simm.s32 $0x1B8E;
	s24 =	sld [smem:$0x3FFE];
	[sflag:s23] =	ssyncadd.s32 $0xFFFFFFFF  }
0xa5: {  	s26 =	simm.s32 $execute0_lowered;
	[smem:$0x3FD2] =	sst s25  }
0xa6: {  	s4 =	sshll.u32 s26, $0x1;
	_ =	strace $0x8000005E;
	[dreg:$0x1] =	wrdreg $0xFFFFFFFF  }
0xa7: {  	s28 =	simm.s32 $_size_execute0_lowered;
	s2 =	sadd.s32 s2, s4;
	[dreg:$0x0] =	wrdreg $0x0  }
0xa8: {  	s4 =	sshll.u32 s28, $0x1;
	[dreg:$0x2] =	wrdreg s2  }
0xa9: {  	[dreg:$0x3] =	wrdreg s4  }
0xaa: {  	[dreg:$0x4] =	wrdreg $0xC0  }
0xab: {  	_ =	task [dreg:s6], $0x5FFFF  }
0xac: {  	[dreg:$0x1] =	wrdreg $0xFFFFFFFF  }
0xad: {  	[dreg:$0x0] =	wrdreg $0x60  }
0xae: {  	[dreg:$0x2] =	wrdreg s24  }
0xaf: {  	[dreg:$0x3] =	wrdreg $0xA8000  }
0xb0: {  	[dreg:$0x4] =	wrdreg $0x9  }
0xb1: {  	_ =	task.clear_ibuf [dreg:s6], $0x5FFFF;
	_ =	strace $0x9000005E  }
0xb2: {  	s29 =	simm.s32 $0x9;
	_ =	strace $0x80000060  }
0xb3: {  	_ =	swait.ge [sflag:s29], $0x1  }
0xb4: {  	[sflag:s29] =	ssyncadd.s32 $0xFFFFFFFF  }
0xb5: {  	_ =	strace $0x90000060  }
0xb6: {  	_ =	sfence  }
0xb7: {  	s30 =	sld [smem:$0x0];
	_ =	sdelay $0x2  }
0xb8: {  	s31 =	sshll.u32 s1, $0xD;
	s1 =	sshrl.u32 s1, $0x2  }
0xb9: {  	s3 =	sand.u32 $0x4000, s31;
	s1 =	sadd.s32 s1, s30  }
0xba: {  	s0 =	sor.u32 s3, s0;
	s1 =	sshll.u32 s1, $0x11  }
0xbb: {  	s0 =	sor.u32 s1, s0  }
0xbc: {  	s0 =	sadd.s32 $0x8F2B, s0  }
0xbd: {  	[sflag:s0] =	ssyncadd.remote.s32 $0x1  }
0xbe: {  	_ =	sfence.sel $0xFFFF  }
0xbf: {  	[dreg:$0x0] =	wrdreg $0xFFFFFFFF;
	(pc) =	sbr.abs _section_cstart, $3  }
0xc0: {  	[dreg:$0x1] =	wrdreg $0xFFFFFFFF  }
0xc1: {  	_ =	task.clear_ibuf [dreg:s6], $0x2FFFF;
	_ =	strace $0x9FFFFFFF  }
0xc2: {  	(tm) =	ssettm $0x7FFFFFFF  }
0xc3: {  	_ =	shalt  }
tec
execute0_lowered:
.L_overlay_start_1:
0x0: {  	(tag) =	ssettag $0x1  }
0x1: {  	s5 =	rddreg [dreg:$0x0]  }
0x2: {  	s2 =	rddreg [dreg:$0x1]  }
0x3: {  	s0 =	rddreg [dreg:$0x2];
	s3 =	simm.s32 $0x0;
	s1 =	stileid.u32  }
0x4: {  	s4 =	srdreg.scid;
	s16 =	simm.s32 $0x6800;
	s17 =	simm.s32 $0x1400  }
0x5: {  	s18 =	simm.s32 $0x3;
	s19 =	simm.s32 $0x80;
	s20 =	simm.s32 $0x1  }
0x6: {  	s21 =	simm.s32 $0x4;
	s22 =	simm.s32 $0x2;
	[smem:$0x7FF] =	sst s3  }
0x7: {  	s6 =	smul.u32 $0x14000, s1;
	s7 =	sand.u32 $0x1, s4;
	s11 =	sadd.s32 $0x39200, s5  }
0x8: {  	s12 =	sadd.s32 $0x43200, s5;
	s4 =	sadd.s32 $0x9200, s5;
	s23 =	sshll.u32 s1, $0x1  }
0x9: {  	s10 =	smul.u32 $0x50000, s1;
	s30 =	sshll.u32 s1, $0x6;
	_ =	strace $0x8000005F  }
0xa: {  	s8 =	smul.u32 $0x140000, s7;
	s24 =	ssub.s32 $0x2, s7;
	s25 =	sor.u32 s7, s23  }
0xb: {  	s23 =	simm.s32 $0x0;
	s9 =	sshrl.u32 s6, $0x3;
	s26 =	sshrl.u32 s24, $0x1  }
0xc: {  	s28 =	sshrl.u32 s10, $0x2;
	s29 =	smul.u32 $0x2800, s25;
	s9 =	sadd.s32 s9, s5  }
0xd: {  	s6 =	sadd.s32 s6, s8;
	s14 =	ssub.s32 s24, s26;
	s15 =	sadd.s32 s28, s2  }
0xe: {  	s6 =	sshrl.u32 s6, $0x3;
	s10 =	sshrl.u32 s29, $0x3;
	s8 =	smax.u32 s14, $0x1  }
0xf: {  	s14 =	simm.s32 $0x5;
	s13 =	sadd.s32 s6, s5;
	s5 =	sadd.s32 $0x4D200, s9  }
0x10: {  	s6 =	sor.u32 $0x1C05, s30;
	s31 =	sadd.s32 $0x280, s10;
	s9 =	sadd.s32 s11, s10  }
0x11: {  	s10 =	sadd.s32 s12, s10;
	s7 =	sadd.s32 $0x75200, s13;
	s11 =	sadd.s32 s11, s31  }
0x12: {  	s12 =	sadd.s32 s12, s31;
	s13 =	sshrl.u32 s15, $0x3;
	s15 =	simm.s32 $0x2800  }
.LBB2_1:
0x13: {  	[spmem:s13], [sflag:s6] =	dma.local [hbm:s5], $0x2800  }
0x14: {  	_ =	swait.ge [sflag:s14], $0x2800  }
0x15: {  	[sflag:s14] =	ssyncset.done $0x0  }
0x16: {  	[sflag:s14] =	ssyncadd.s32 $0xFFFFD800  }
0x17: {  	[tilespmem:s15], [sflag:$0x3] =	stream.linear.gather [hbm4b:s4+s3], $0x4000, $0x38;
	[tilespmem:$0x1E800] =	vst v63  }
0x18: {  	_ = 	snop  }
0x19: {  	[tilespmem:s16], [sflag:$0x4] =	stream.linear.gather [hbm4b:s4+s3], $0x4000, $0x38;
	[tilespmem:$0x1E800] =	vst v63  }
0x1a: {  	[bflag:$0x0] =	sbarrier.arrive $0xFFFF  }
0x1b: {  	[tilespmem:s3], [sflag:$0x5] =	stream.linear.gather [hbm4b:s9+s3], $0x1400, $0x38;
	[tilespmem:$0x1E800] =	vst v63  }
0x1c: {  	_ =	swait.ge [sflag:s14], $0x1400  }
0x1d: {  	[sflag:s14] =	ssyncset.done $0x0  }
0x1e: {  	[sflag:s14] =	ssyncadd.s32 $0xFFFFEC00  }
0x1f: {  	[tilespmem:s17], [sflag:$0x5] =	stream.linear.gather [hbm4b:s10+s3], $0x1400, $0x38;
	[tilespmem:$0x1E800] =	vst v63  }
0x20: {  	_ =	swait.ge [sflag:s14], $0x1400  }
0x21: {  	[sflag:s14] =	ssyncset.done $0x0  }
0x22: {  	[sflag:s14] =	ssyncadd.s32 $0xFFFFEC00  }
0x23: {  	_ =	swait.ge [sflag:s18], $0x4000  }
0x24: {  	[sflag:s18] =	ssyncset.done $0x0  }
0x25: {  	s24 =	simm.s32 $0x0;
	[sflag:s18] =	ssyncadd.s32 $0xFFFFC000  }
0x26: {  	[tilespmem:s15], [sflag:$0x1] =	stream.indirect.gather [hbm4b:s4+s19], $0x80, s24, s19, $0xb8;
	[tilespmem:$0x1E800] =	vst v63  }
0x27: {  	_ =	swait.ge [sflag:s20], $0x4000  }
0x28: {  	[sflag:s20] =	ssyncset.done $0x0  }
0x29: {  	s30 =	simm.s32 $0x1400;
	[sflag:s20] =	ssyncadd.s32 $0xFFFFC000  }
0x2a: {  	[spmem:s2] =	stream.indirect.scatter.add.f32 [tilespmem:s15], [sflag:$0x3], $0x80, s30, s19, $0xb8;
	[tilespmem:$0x1E800] =	vst v63  }
0x2b: {  	_ =	swait.ge [sflag:s21], $0x4000  }
0x2c: {  	[sflag:s21] =	ssyncset.done $0x0  }
0x2d: {  	s31 =	simm.s32 $0x80;
	[sflag:s21] =	ssyncadd.s32 $0xFFFFC000  }
0x2e: {  	[tilespmem:s16], [sflag:$0x2] =	stream.indirect.gather [hbm4b:s4+s19], $0x80, s31, s19, $0xb8;
	[tilespmem:$0x1E800] =	vst v63  }
0x2f: {  	_ =	swait.ge [sflag:s22], $0x4000  }
0x30: {  	[sflag:s22] =	ssyncset.done $0x0  }
0x31: {  	s25 =	simm.s32 $0x1480;
	s24 =	simm.s32 $0x400;
	[sflag:s22] =	ssyncadd.s32 $0xFFFFC000  }
.LBB2_2:
0x32: {  	[spmem:s2] =	stream.indirect.scatter.add.f32 [tilespmem:s16], [sflag:$0x4], $0x80, s25, s19, $0xb8;
	[tilespmem:$0x1E800] =	vst v63  }
0x33: {  	s25 =	smov.u32 s24  }
0x34: {  	p0 =	sne.s32 s24, $0x4C00;
	s24 =	sadd.s32 $0x400, s24;
	_ =	swait.ge [sflag:s18], $0x4000  }
0x35: {  	[sflag:s18] =	ssyncset.done $0x0  }
0x36: {  	s25 =	sshra.s32 s25, $0x2;
	[sflag:s18] =	ssyncadd.s32 $0xFFFFC000  }
0x37: {  	[tilespmem:s15], [sflag:$0x1] =	stream.indirect.gather [hbm4b:s4+s19], $0x80, s25, s19, $0xb8;
	[tilespmem:$0x1E800] =	vst v63  }
0x38: {  	_ =	swait.ge [sflag:s20], $0x4000  }
0x39: {  	[sflag:s20] =	ssyncset.done $0x0  }
0x3a: {  	s26 =	sadd.s32 $0x1400, s25;
	[sflag:s20] =	ssyncadd.s32 $0xFFFFC000  }
0x3b: {  	[spmem:s2] =	stream.indirect.scatter.add.f32 [tilespmem:s15], [sflag:$0x3], $0x80, s26, s19, $0xb8;
	[tilespmem:$0x1E800] =	vst v63  }
0x3c: {  	_ =	swait.ge [sflag:s21], $0x4000  }
0x3d: {  	[sflag:s21] =	ssyncset.done $0x0  }
.Ltmp0:
0x3e: {  	s26 =	sadd.s32 $0x80, s25;
	[sflag:s21] =	ssyncadd.s32 $0xFFFFC000;
	(pc) =	sbr.rel @p0 .LBB2_2-.Ltmp0, $4  }
0x3f: {  	[tilespmem:s16], [sflag:$0x2] =	stream.indirect.gather [hbm4b:s4+s19], $0x80, s26, s19, $0xb8;
	[tilespmem:$0x1E800] =	vst v63  }
0x40: {  	_ =	swait.ge [sflag:s22], $0x4000  }
0x41: {  	[sflag:s22] =	ssyncset.done $0x0  }
0x42: {  	s25 =	sadd.s32 $0x1480, s25;
	[sflag:s22] =	ssyncadd.s32 $0xFFFFC000  }
0x43: {  	[spmem:s2] =	stream.indirect.scatter.add.f32 [tilespmem:s16], [sflag:$0x4], $0x80, s25, s19, $0xb8;
	[tilespmem:$0x1E800] =	vst v63  }
0x44: {  	s24 =	simm.s32 $0x0  }
0x45: {  	[tilespmem:s24], [sflag:$0x5] =	stream.linear.gather [hbm4b:s11+s24], $0x1400, $0x38;
	[tilespmem:$0x1E800] =	vst v63  }
0x46: {  	_ =	swait.ge [sflag:s14], $0x1400  }
0x47: {  	[sflag:s14] =	ssyncset.done $0x0  }
0x48: {  	[sflag:s14] =	ssyncadd.s32 $0xFFFFEC00  }
0x49: {  	[tilespmem:s17], [sflag:$0x5] =	stream.linear.gather [hbm4b:s12+s24], $0x1400, $0x38;
	[tilespmem:$0x1E800] =	vst v63  }
0x4a: {  	_ =	swait.ge [sflag:s14], $0x1400  }
0x4b: {  	[sflag:s14] =	ssyncset.done $0x0  }
0x4c: {  	[sflag:s14] =	ssyncadd.s32 $0xFFFFEC00  }
0x4d: {  	_ =	swait.ge [sflag:s18], $0x4000  }
0x4e: {  	[sflag:s18] =	ssyncset.done $0x0  }
0x4f: {  	s29 =	simm.s32 $0x0;
	[sflag:s18] =	ssyncadd.s32 $0xFFFFC000  }
0x50: {  	[tilespmem:s15], [sflag:$0x1] =	stream.indirect.gather [hbm4b:s4+s19], $0x80, s29, s19, $0xb8;
	[tilespmem:$0x1E800] =	vst v63  }
0x51: {  	_ =	swait.ge [sflag:s20], $0x4000  }
0x52: {  	[sflag:s20] =	ssyncset.done $0x0  }
0x53: {  	s30 =	simm.s32 $0x1400;
	[sflag:s20] =	ssyncadd.s32 $0xFFFFC000  }
0x54: {  	[spmem:s2] =	stream.indirect.scatter.add.f32 [tilespmem:s15], [sflag:$0x3], $0x80, s30, s19, $0xb8;
	[tilespmem:$0x1E800] =	vst v63  }
0x55: {  	_ =	swait.ge [sflag:s21], $0x4000  }
0x56: {  	[sflag:s21] =	ssyncset.done $0x0  }
0x57: {  	s31 =	simm.s32 $0x80;
	[sflag:s21] =	ssyncadd.s32 $0xFFFFC000  }
0x58: {  	[tilespmem:s16], [sflag:$0x2] =	stream.indirect.gather [hbm4b:s4+s19], $0x80, s31, s19, $0xb8;
	[tilespmem:$0x1E800] =	vst v63  }
0x59: {  	_ =	swait.ge [sflag:s22], $0x4000  }
0x5a: {  	[sflag:s22] =	ssyncset.done $0x0  }
0x5b: {  	s25 =	simm.s32 $0x1480;
	s24 =	simm.s32 $0x400;
	[sflag:s22] =	ssyncadd.s32 $0xFFFFC000  }
.LBB2_4:
0x5c: {  	[spmem:s2] =	stream.indirect.scatter.add.f32 [tilespmem:s16], [sflag:$0x4], $0x80, s25, s19, $0xb8;
	[tilespmem:$0x1E800] =	vst v63  }
0x5d: {  	s25 =	smov.u32 s24  }
0x5e: {  	p0 =	sne.s32 s24, $0x4C00;
	s24 =	sadd.s32 $0x400, s24;
	_ =	swait.ge [sflag:s18], $0x4000  }
0x5f: {  	[sflag:s18] =	ssyncset.done $0x0  }
0x60: {  	s25 =	sshra.s32 s25, $0x2;
	[sflag:s18] =	ssyncadd.s32 $0xFFFFC000  }
0x61: {  	[tilespmem:s15], [sflag:$0x1] =	stream.indirect.gather [hbm4b:s4+s19], $0x80, s25, s19, $0xb8;
	[tilespmem:$0x1E800] =	vst v63  }
0x62: {  	_ =	swait.ge [sflag:s20], $0x4000  }
0x63: {  	[sflag:s20] =	ssyncset.done $0x0  }
0x64: {  	s26 =	sadd.s32 $0x1400, s25;
	[sflag:s20] =	ssyncadd.s32 $0xFFFFC000  }
0x65: {  	[spmem:s2] =	stream.indirect.scatter.add.f32 [tilespmem:s15], [sflag:$0x3], $0x80, s26, s19, $0xb8;
	[tilespmem:$0x1E800] =	vst v63  }
0x66: {  	_ =	swait.ge [sflag:s21], $0x4000  }
0x67: {  	[sflag:s21] =	ssyncset.done $0x0  }
.Ltmp1:
0x68: {  	s26 =	sadd.s32 $0x80, s25;
	[sflag:s21] =	ssyncadd.s32 $0xFFFFC000;
	(pc) =	sbr.rel @p0 .LBB2_4-.Ltmp1, $4  }
0x69: {  	[tilespmem:s16], [sflag:$0x2] =	stream.indirect.gather [hbm4b:s4+s19], $0x80, s26, s19, $0xb8;
	[tilespmem:$0x1E800] =	vst v63  }
0x6a: {  	_ =	swait.ge [sflag:s22], $0x4000  }
0x6b: {  	[sflag:s22] =	ssyncset.done $0x0  }
0x6c: {  	s25 =	sadd.s32 $0x1480, s25;
	[sflag:s22] =	ssyncadd.s32 $0xFFFFC000  }
0x6d: {  	[spmem:s2] =	stream.indirect.scatter.add.f32 [tilespmem:s16], [sflag:$0x4], $0x80, s25, s19, $0xb8;
	[tilespmem:$0x1E800] =	vst v63  }
0x6e: {  	_ =	swait.ge [sflag:s18], $0x4000  }
0x6f: {  	[sflag:s18] =	ssyncset.done $0x0  }
0x70: {  	[sflag:s18] =	ssyncadd.s32 $0xFFFFC000  }
0x71: {  	_ =	swait.ge [sflag:s21], $0x4000  }
0x72: {  	s23 =	sadd.s32 $0x1, s23;
	[sflag:s21] =	ssyncset.done $0x0  }
0x73: {  	p0 =	sne.s32 s23, s8;
	[sflag:s21] =	ssyncadd.s32 $0xFFFFC000  }
.Ltmp2:
0x74: {  	[bflag:$0x0] =	sbarrier.arrive $0xFFFF;
	(pc) =	sbr.rel @p0 .LBB2_1-.Ltmp2, $4  }
0x75: {  	[hbm:s7], [sflag:s6] =	dma.local [spmem:s13], $0x2800  }
0x76: {  	_ =	swait.ge [sflag:s14], $0x2800  }
0x77: {  	[sflag:s14] =	ssyncset.done $0x0  }
0x78: {  	[sflag:s14] =	ssyncadd.s32 $0xFFFFD800  }
0x79: {  	_ =	sfence.sel $0x180000  }
0x7a: {  	[bflag:$0x0] =	sbarrier.arrive $0xFFFF  }
0x7b: {  	p0 =	sne.s32 s1, $0x0;
	_ =	strace $0x9000005F  }
0x7c: {  	s0 =	sadd.s32 @!p0 $0x100000, s0;
	[bflag:$0x2] =	sbarrier.arrive $0xFFFF  }
0x7d: {  	[sflag:s0] =	ssyncadd.tile.s32 @!p0 $0x1;
	_ =	shalt  }
.Lfunc_end2:
_tile_overlayer_lowered:
.L_overlay_start_2:
0x7e: {  	(tag) =	ssettag $0x2  }
0x7f: {  	s0 =	rddreg [dreg:$0x0];
	s2 =	stileid.u32  }
0x80: {  	s1 =	rddreg [dreg:$0x1];
	p0 =	sne.s32 s2, $0x0  }
0x81: {  	s3 =	rddreg [dreg:$0x2];
	[bflag:$0x3] =	sbarrier.arrive $0xFFFF;
	s2 =	simm.s32 @!p0 $0x1C05  }
0x82: {  	[timem:s3], [sflag:s2] =	dma.local @!p0 [hbm:s0], s1  }
0x83: {  	s0 =	simm.s32 @!p0 $0x5  }
0x84: {  	_ =	swait.ge @!p0 [sflag:s0], s1  }
0x85: {  	s1 =	ssub.s32 @!p0 $0x0, s1;
	[sflag:s0] =	ssyncset.done @!p0 $0x0  }
0x86: {  	[sflag:s0] =	ssyncadd.s32 @!p0 s1  }
0x87: {  	[bflag:$0x3] =	sbarrier.arrive $0xFFFF  }
0x88: {  	_ =	shalt  }

// kernel: kernel.52.cloned.1.call-start
scs
__scs_entry_jumppad:
0x0: {  	(pc) =	sbr.rel $0x88, $3  }
0x1: {  	(tag) =	ssettag $0x0;
	lr =	simm.s32 $0x1  }
0x2: {  	[smem:$0x3F96] =	sst lr;
	_ =	strace $0xD0000000  }
0x3: {  	_ = 	snop  }
0x4: {  	_ = 	snop  }
0x5: {  	_ = 	snop  }
0x6: {  	_ = 	snop  }
0x7: {  	_ = 	snop  }
__scs_overlays_trampoline_lowered:
0x8: {  	[smem:$0x3FA5] =	sst s0  }
0x9: {  	[smem:$0x3FA6] =	sst s1  }
0xa: {  	[smem:$0x3FA7] =	sst s2  }
0xb: {  	[smem:$0x3FA8] =	sst s3  }
0xc: {  	[smem:$0x3FA9] =	sst s4  }
0xd: {  	[smem:$0x3FAA] =	sst s5  }
0xe: {  	[smem:$0x3FAB] =	sst s6  }
0xf: {  	[smem:$0x3FAC] =	sst s7  }
0x10: {  	[smem:$0x3FAD] =	sst s8  }
0x11: {  	[smem:$0x3FAE] =	sst s9;
	s0 =	simm.s32 @!p0 $0x0  }
0x12: {  	s1 =	sld [smem:$0x3F94];
	s0 =	simm.s32 @p0 $0x1  }
0x13: {  	[smem:$0x3FAF] =	sst s0;
	s0 =	simm.s32 @!p1 $0x0  }
0x14: {  	s2 =	sld [smem:$0x3F93];
	s0 =	simm.s32 @p1 $0x1  }
0x15: {  	[smem:$0x3FB0] =	sst s0;
	s0 =	simm.s32 @!p2 $0x0  }
0x16: {  	s3 =	sld [smem:$0x3FDB];
	s0 =	simm.s32 @p2 $0x1  }
0x17: {  	s4 =	simm.s32 $0x1BF5;
	[smem:$0x3FB2] =	sst s0  }
0x18: {  	s0 =	sld [smem:$0x3F95];
	_ =	swait.ge [sflag:s4], $0x0  }
0x19: {  	s7 =	sld [smem:$0x3F96]  }
0x1a: {  	s8 =	sadd.s32 $0xFFFFE003, lr  }
0x1b: {  	s9 =	sadd.s32 $0xFFFFFEF7, lr;
	s5 =	simm.s32 $0xFFFFFFFF;
	p2 =	slt.u32 s8, $0xFFFFF086  }
0x1c: {  	p1 =	slt.u32 s9, $0xF7A;
	s5 =	simm.s32 @!p2 $0x0  }
0x1d: {  	s5 =	simm.s32 @p1 $0x1;
	p0 =	seq.s32 s7, s2  }
0x1e: {  	s7 =	smul.u32 @!p0 $0xF7A, s2;
	p2 =	seq.s32 @!p0 s5, $0x0  }
0x1f: {  	s9 =	smul.u32 $0xF7A, s1;
	s8 =	simm.s32 @!p0 $0x1BF5;
	p2 =	por !p2, p0  }
0x20: {  	[sflag:s8] =	ssyncset.s32 @!p0 $0xFFFFF086;
	s6 =	sadd.s32 @!p0 s3, s7;
	s7 =	simm.s32 @!p0 $0x108  }
0x21: {  	s3 =	sadd.s32 s3, s9;
	s6 =	sadd.s32 @!p0 $0x88, s6;
	s7 =	simm.s32 @p2 $0x1082  }
0x22: {  	[simem:s7], [sflag:s8] =	dma.local @!p0 [hbm:s6], $0xF7A  }
0x23: {  	s9 =	sor.u32 $0xD0000000, s2;
	s6 =	simm.s32 $0x108;
	_ =	swait.ge @!p0 [sflag:s8], $0x0  }
0x24: {  	s3 =	sadd.s32 $0x88, s3;
	s6 =	simm.s32 @!p1 $0x1082;
	[sflag:s4] =	ssyncset.s32 $0xFFFFF086  }
0x25: {  	[simem:s6], [sflag:s4] =	dma.local [hbm:s3], $0xF7A  }
0x26: {  	[smem:$0x3F96] =	sst s1;
	(tag) =	ssettag s2;
	_ =	strace s9  }
0x27: {  	s1 =	sld [smem:$0x3FA6]  }
0x28: {  	s2 =	sld [smem:$0x3FA7]  }
0x29: {  	s4 =	sld [smem:$0x3FA9]  }
0x2a: {  	p0 =	seq.s32 s5, $0x0;
	s5 =	sld [smem:$0x3FAA]  }
0x2b: {  	s6 =	sld [smem:$0x3FAB]  }
0x2c: {  	s7 =	sld [smem:$0x3FAC]  }
0x2d: {  	s3 =	simm.s32 $0x108;
	s8 =	sld [smem:$0x3FAD]  }
0x2e: {  	s3 =	simm.s32 @!p0 $0x1082;
	s9 =	sld [smem:$0x3FAE]  }
0x2f: {  	lr =	sadd.s32 s0, s3;
	s0 =	sld [smem:$0x3FA5]  }
0x30: {  	s3 =	sld [smem:$0x3FA8]  }
0x31: {  	[smem:$0x3FB1] =	sst s10  }
0x32: {  	s10 =	sld [smem:$0x3FAF];
	_ =	sdelay $0x3  }
0x33: {  	p0 =	seq.s32 s10, $0x1;
	s10 =	sld [smem:$0x3FB1];
	_ =	sdelay $0x3  }
0x34: {  	[smem:$0x3FB1] =	sst s10  }
0x35: {  	s10 =	sld [smem:$0x3FB0];
	_ =	sdelay $0x3  }
0x36: {  	p1 =	seq.s32 s10, $0x1;
	s10 =	sld [smem:$0x3FB1];
	_ =	sdelay $0x3  }
0x37: {  	[smem:$0x3FB1] =	sst s10  }
0x38: {  	s10 =	sld [smem:$0x3FB2]  }
0x39: {  	_ = 	snop;
	(pc) =	sbr.ind lr, $3  }
0x3a: {  	_ = 	snop  }
0x3b: {  	_ = 	snop  }
0x3c: {  	p2 =	seq.s32 s10, $0x1;
	s10 =	sld [smem:$0x3FB1]  }
0x3d: {  	_ =	shalt  }
0x3e: {  	_ =	shalt  }
0x3f: {  	_ =	shalt  }
0x40: {  	_ =	shalt  }
0x41: {  	_ =	shalt  }
0x42: {  	_ =	shalt  }
0x43: {  	_ =	shalt  }
0x44: {  	_ =	shalt  }
0x45: {  	_ =	shalt  }
0x46: {  	_ =	shalt  }
0x47: {  	_ =	shalt  }
0x48: {  	_ =	shalt  }
0x49: {  	_ =	shalt  }
0x4a: {  	_ =	shalt  }
0x4b: {  	_ =	shalt  }
0x4c: {  	_ =	shalt  }
0x4d: {  	_ =	shalt  }
0x4e: {  	_ =	shalt  }
0x4f: {  	_ =	shalt  }
0x50: {  	_ =	shalt  }
0x51: {  	_ =	shalt  }
0x52: {  	_ =	shalt  }
0x53: {  	_ =	shalt  }
0x54: {  	_ =	shalt  }
0x55: {  	_ =	shalt  }
0x56: {  	_ =	shalt  }
0x57: {  	_ =	shalt  }
0x58: {  	_ =	shalt  }
0x59: {  	_ =	shalt  }
0x5a: {  	_ =	shalt  }
0x5b: {  	_ =	shalt  }
0x5c: {  	_ =	shalt  }
0x5d: {  	_ =	shalt  }
0x5e: {  	_ =	shalt  }
0x5f: {  	_ =	shalt  }
0x60: {  	_ =	shalt  }
0x61: {  	_ =	shalt  }
0x62: {  	_ =	shalt  }
0x63: {  	_ =	shalt  }
0x64: {  	_ =	shalt  }
0x65: {  	_ =	shalt  }
0x66: {  	_ =	shalt  }
0x67: {  	_ =	shalt  }
0x68: {  	_ =	shalt  }
0x69: {  	_ =	shalt  }
0x6a: {  	_ =	shalt  }
0x6b: {  	_ =	shalt  }
0x6c: {  	_ =	shalt  }
0x6d: {  	_ =	shalt  }
0x6e: {  	_ =	shalt  }
0x6f: {  	_ =	shalt  }
0x70: {  	_ =	shalt  }
0x71: {  	_ =	shalt  }
0x72: {  	_ =	shalt  }
0x73: {  	_ =	shalt  }
0x74: {  	_ =	shalt  }
0x75: {  	_ =	shalt  }
0x76: {  	_ =	shalt  }
0x77: {  	_ =	shalt  }
0x78: {  	_ =	shalt  }
0x79: {  	_ =	shalt  }
0x7a: {  	_ =	shalt  }
0x7b: {  	_ =	shalt  }
0x7c: {  	_ =	shalt  }
0x7d: {  	_ =	shalt  }
0x7e: {  	_ =	shalt  }
0x7f: {  	_ =	shalt  }
0x80: {  	_ =	shalt  }
0x81: {  	_ =	shalt  }
0x82: {  	_ =	shalt  }
0x83: {  	_ =	shalt  }
0x84: {  	_ =	shalt  }
0x85: {  	_ =	shalt  }
0x86: {  	_ =	shalt  }
0x87: {  	_ =	shalt  }
.Lfunc_end0:
.L_simem_size_0:
called_computation.9_lowered:
.L_overlay_start_0:
0x88: {  	s2 =	sld [smem:$0x3FD9]  }
0x89: {  	s3 =	sld [smem:$0x3FFE];
	_ =	sdelay $0x1  }
0x8a: {  	s1 =	srdreg.scid  }
0x8b: {  	s0 =	sand.u32 $0x1, s1  }
0x8c: {  	s16 =	sshll.u32 s0, $0xA;
	s2 =	sadd.s32 s3, s2  }
0x8d: {  	s2 =	sadd.s32 s2, s16  }
0x8e: {  	[smem:$0x3FBD] =	sst s2  }
0x8f: {  	_ = 	snop  }
0x90: {  	(tm) =	ssettm $0x1  }
0x91: {  	s17 =	sld [smem:$0x3FFB];
	_ =	sdelay $0x3  }
0x92: {  	_ =	strace s17  }
0x93: {  	s2 =	sld [smem:$0x3FFC];
	_ =	sdelay $0x3  }
0x94: {  	_ =	strace s2  }
0x95: {  	s2 =	sld [smem:$0x3FFD];
	_ =	sdelay $0x3  }
0x96: {  	_ =	strace s2  }
0x97: {  	_ =	strace $0x8FFFFFFF  }
0x98: {  	s18 =	sld [smem:$0x3FDB];
	_ =	sdelay $0x1  }
0x99: {  	s19 =	simm.s32 $_scs_section_size  }
0x9a: {  	s4 =	simm.s32 $_size__tile_overlayer_lowered;
	s5 =	simm.s32 $_tile_overlayer_lowered  }
0x9b: {  	s22 =	simm.s32 $0x1BFF;
	s21 =	sshll.u32 s5, $0x1;
	s2 =	sadd.s32 s19, s18  }
0x9c: {  	s6 =	simm.s32 $0x0;
	s20 =	sshll.u32 s4, $0x1;
	s4 =	sadd.s32 s21, s2  }
0x9d: {  	[timem:s6], [sflag:s22] =	dma.local [hbm:s4], s20  }
0x9e: {  	_ =	swait.ge [sflag:s22], s20  }
0x9f: {  	s3 =	ssub.s32 $0x0, s20;
	[sflag:s22] =	ssyncset.done $0x0  }
0xa0: {  	[sflag:s22] =	ssyncadd.s32 s3;
	_ =	sdelay $0x1  }
0xa1: {  	s23 =	simm.s32 $0x1B8B  }
0xa2: {  	_ =	swait.ge [sflag:s23], $0x1  }
0xa3: {  	[sflag:s23] =	ssyncset.done $0x0  }
0xa4: {  	s25 =	simm.s32 $0x1B8E;
	s24 =	sld [smem:$0x3FFE];
	[sflag:s23] =	ssyncadd.s32 $0xFFFFFFFF  }
0xa5: {  	s26 =	simm.s32 $execute0_lowered;
	[smem:$0x3FD2] =	sst s25  }
0xa6: {  	s4 =	sshll.u32 s26, $0x1;
	_ =	strace $0x80000061;
	[dreg:$0x1] =	wrdreg $0xFFFFFFFF  }
0xa7: {  	s28 =	simm.s32 $_size_execute0_lowered;
	s2 =	sadd.s32 s2, s4;
	[dreg:$0x0] =	wrdreg $0x0  }
0xa8: {  	s4 =	sshll.u32 s28, $0x1;
	[dreg:$0x2] =	wrdreg s2  }
0xa9: {  	[dreg:$0x3] =	wrdreg s4  }
0xaa: {  	[dreg:$0x4] =	wrdreg $0xC0  }
0xab: {  	_ =	task [dreg:s6], $0x5FFFF  }
0xac: {  	[dreg:$0x1] =	wrdreg $0xFFFFFFFF  }
0xad: {  	[dreg:$0x0] =	wrdreg $0x60  }
0xae: {  	[dreg:$0x2] =	wrdreg s24  }
0xaf: {  	[dreg:$0x3] =	wrdreg $0xA8000  }
0xb0: {  	[dreg:$0x4] =	wrdreg $0x9  }
0xb1: {  	_ =	task.clear_ibuf [dreg:s6], $0x5FFFF;
	_ =	strace $0x90000061  }
0xb2: {  	s29 =	simm.s32 $0x9;
	_ =	strace $0x80000063  }
0xb3: {  	_ =	swait.ge [sflag:s29], $0x1  }
0xb4: {  	[sflag:s29] =	ssyncadd.s32 $0xFFFFFFFF  }
0xb5: {  	_ =	strace $0x90000063  }
0xb6: {  	_ =	sfence  }
0xb7: {  	s30 =	sld [smem:$0x0];
	_ =	sdelay $0x2  }
0xb8: {  	s31 =	sshll.u32 s1, $0xD;
	s1 =	sshrl.u32 s1, $0x2  }
0xb9: {  	s3 =	sand.u32 $0x4000, s31;
	s1 =	sadd.s32 s1, s30  }
0xba: {  	s0 =	sor.u32 s3, s0;
	s1 =	sshll.u32 s1, $0x11  }
0xbb: {  	s0 =	sor.u32 s1, s0  }
0xbc: {  	s0 =	sadd.s32 $0x8F2B, s0  }
0xbd: {  	[sflag:s0] =	ssyncadd.remote.s32 $0x1  }
0xbe: {  	_ =	sfence.sel $0xFFFF  }
0xbf: {  	[dreg:$0x0] =	wrdreg $0xFFFFFFFF;
	(pc) =	sbr.abs _section_cstart, $3  }
0xc0: {  	[dreg:$0x1] =	wrdreg $0xFFFFFFFF  }
0xc1: {  	_ =	task.clear_ibuf [dreg:s6], $0x2FFFF;
	_ =	strace $0x9FFFFFFF  }
0xc2: {  	(tm) =	ssettm $0x7FFFFFFF  }
0xc3: {  	_ =	shalt  }
tec
execute0_lowered:
.L_overlay_start_1:
0x0: {  	(tag) =	ssettag $0x1  }
0x1: {  	s5 =	rddreg [dreg:$0x0]  }
0x2: {  	s2 =	rddreg [dreg:$0x1]  }
0x3: {  	s0 =	rddreg [dreg:$0x2];
	s3 =	simm.s32 $0x0;
	s1 =	stileid.u32  }
0x4: {  	s4 =	srdreg.scid;
	s16 =	simm.s32 $0x6800;
	s17 =	simm.s32 $0x1400  }
0x5: {  	s18 =	simm.s32 $0x3;
	s19 =	simm.s32 $0x80;
	s20 =	simm.s32 $0x1  }
0x6: {  	s21 =	simm.s32 $0x4;
	s22 =	simm.s32 $0x2;
	[smem:$0x7FF] =	sst s3  }
0x7: {  	s6 =	smul.u32 $0x14000, s1;
	s7 =	sand.u32 $0x1, s4;
	s11 =	sadd.s32 $0x39200, s5  }
0x8: {  	s12 =	sadd.s32 $0x43200, s5;
	s4 =	sadd.s32 $0x9200, s5;
	s23 =	sshll.u32 s1, $0x1  }
0x9: {  	s10 =	smul.u32 $0x50000, s1;
	s30 =	sshll.u32 s1, $0x6;
	_ =	strace $0x80000062  }
0xa: {  	s8 =	smul.u32 $0x140000, s7;
	s24 =	ssub.s32 $0x2, s7;
	s25 =	sor.u32 s7, s23  }
0xb: {  	s23 =	simm.s32 $0x0;
	s9 =	sshrl.u32 s6, $0x3;
	s26 =	sshrl.u32 s24, $0x1  }
0xc: {  	s28 =	sshrl.u32 s10, $0x2;
	s29 =	smul.u32 $0x2800, s25;
	s9 =	sadd.s32 s9, s5  }
0xd: {  	s6 =	sadd.s32 s6, s8;
	s14 =	ssub.s32 s24, s26;
	s15 =	sadd.s32 s28, s2  }
0xe: {  	s6 =	sshrl.u32 s6, $0x3;
	s10 =	sshrl.u32 s29, $0x3;
	s8 =	smax.u32 s14, $0x1  }
0xf: {  	s14 =	simm.s32 $0x5;
	s13 =	sadd.s32 s6, s5;
	s5 =	sadd.s32 $0x4D200, s9  }
0x10: {  	s6 =	sor.u32 $0x1C05, s30;
	s31 =	sadd.s32 $0x280, s10;
	s9 =	sadd.s32 s11, s10  }
0x11: {  	s10 =	sadd.s32 s12, s10;
	s7 =	sadd.s32 $0x75200, s13;
	s11 =	sadd.s32 s11, s31  }
0x12: {  	s12 =	sadd.s32 s12, s31;
	s13 =	sshrl.u32 s15, $0x3;
	s15 =	simm.s32 $0x2800  }
.LBB2_1:
0x13: {  	[spmem:s13], [sflag:s6] =	dma.local [hbm:s5], $0x2800  }
0x14: {  	_ =	swait.ge [sflag:s14], $0x2800  }
0x15: {  	[sflag:s14] =	ssyncset.done $0x0  }
0x16: {  	[sflag:s14] =	ssyncadd.s32 $0xFFFFD800  }
0x17: {  	[tilespmem:s15], [sflag:$0x3] =	stream.linear.gather [hbm4b:s4+s3], $0x4000, $0x38;
	[tilespmem:$0x1E800] =	vst v63  }
0x18: {  	_ = 	snop  }
0x19: {  	[tilespmem:s16], [sflag:$0x4] =	stream.linear.gather [hbm4b:s4+s3], $0x4000, $0x38;
	[tilespmem:$0x1E800] =	vst v63  }
0x1a: {  	[bflag:$0x0] =	sbarrier.arrive $0xFFFF  }
0x1b: {  	[tilespmem:s3], [sflag:$0x5] =	stream.linear.gather [hbm4b:s9+s3], $0x1400, $0x38;
	[tilespmem:$0x1E800] =	vst v63  }
0x1c: {  	_ =	swait.ge [sflag:s14], $0x1400  }
0x1d: {  	[sflag:s14] =	ssyncset.done $0x0  }
0x1e: {  	[sflag:s14] =	ssyncadd.s32 $0xFFFFEC00  }
0x1f: {  	[tilespmem:s17], [sflag:$0x5] =	stream.linear.gather [hbm4b:s10+s3], $0x1400, $0x38;
	[tilespmem:$0x1E800] =	vst v63  }
0x20: {  	_ =	swait.ge [sflag:s14], $0x1400  }
0x21: {  	[sflag:s14] =	ssyncset.done $0x0  }
0x22: {  	[sflag:s14] =	ssyncadd.s32 $0xFFFFEC00  }
0x23: {  	_ =	swait.ge [sflag:s18], $0x4000  }
0x24: {  	[sflag:s18] =	ssyncset.done $0x0  }
0x25: {  	s24 =	simm.s32 $0x0;
	[sflag:s18] =	ssyncadd.s32 $0xFFFFC000  }
0x26: {  	[tilespmem:s15], [sflag:$0x1] =	stream.indirect.gather [hbm4b:s4+s19], $0x80, s24, s19, $0xb8;
	[tilespmem:$0x1E800] =	vst v63  }
0x27: {  	_ =	swait.ge [sflag:s20], $0x4000  }
0x28: {  	[sflag:s20] =	ssyncset.done $0x0  }
0x29: {  	s30 =	simm.s32 $0x1400;
	[sflag:s20] =	ssyncadd.s32 $0xFFFFC000  }
0x2a: {  	[spmem:s2] =	stream.indirect.scatter.add.f32 [tilespmem:s15], [sflag:$0x3], $0x80, s30, s19, $0xb8;
	[tilespmem:$0x1E800] =	vst v63  }
0x2b: {  	_ =	swait.ge [sflag:s21], $0x4000  }
0x2c: {  	[sflag:s21] =	ssyncset.done $0x0  }
0x2d: {  	s31 =	simm.s32 $0x80;
	[sflag:s21] =	ssyncadd.s32 $0xFFFFC000  }
0x2e: {  	[tilespmem:s16], [sflag:$0x2] =	stream.indirect.gather [hbm4b:s4+s19], $0x80, s31, s19, $0xb8;
	[tilespmem:$0x1E800] =	vst v63  }
0x2f: {  	_ =	swait.ge [sflag:s22], $0x4000  }
0x30: {  	[sflag:s22] =	ssyncset.done $0x0  }
0x31: {  	s25 =	simm.s32 $0x1480;
	s24 =	simm.s32 $0x400;
	[sflag:s22] =	ssyncadd.s32 $0xFFFFC000  }
.LBB2_2:
0x32: {  	[spmem:s2] =	stream.indirect.scatter.add.f32 [tilespmem:s16], [sflag:$0x4], $0x80, s25, s19, $0xb8;
	[tilespmem:$0x1E800] =	vst v63  }
0x33: {  	s25 =	smov.u32 s24  }
0x34: {  	p0 =	sne.s32 s24, $0x4C00;
	s24 =	sadd.s32 $0x400, s24;
	_ =	swait.ge [sflag:s18], $0x4000  }
0x35: {  	[sflag:s18] =	ssyncset.done $0x0  }
0x36: {  	s25 =	sshra.s32 s25, $0x2;
	[sflag:s18] =	ssyncadd.s32 $0xFFFFC000  }
0x37: {  	[tilespmem:s15], [sflag:$0x1] =	stream.indirect.gather [hbm4b:s4+s19], $0x80, s25, s19, $0xb8;
	[tilespmem:$0x1E800] =	vst v63  }
0x38: {  	_ =	swait.ge [sflag:s20], $0x4000  }
0x39: {  	[sflag:s20] =	ssyncset.done $0x0  }
0x3a: {  	s26 =	sadd.s32 $0x1400, s25;
	[sflag:s20] =	ssyncadd.s32 $0xFFFFC000  }
0x3b: {  	[spmem:s2] =	stream.indirect.scatter.add.f32 [tilespmem:s15], [sflag:$0x3], $0x80, s26, s19, $0xb8;
	[tilespmem:$0x1E800] =	vst v63  }
0x3c: {  	_ =	swait.ge [sflag:s21], $0x4000  }
0x3d: {  	[sflag:s21] =	ssyncset.done $0x0  }
.Ltmp0:
0x3e: {  	s26 =	sadd.s32 $0x80, s25;
	[sflag:s21] =	ssyncadd.s32 $0xFFFFC000;
	(pc) =	sbr.rel @p0 .LBB2_2-.Ltmp0, $4  }
0x3f: {  	[tilespmem:s16], [sflag:$0x2] =	stream.indirect.gather [hbm4b:s4+s19], $0x80, s26, s19, $0xb8;
	[tilespmem:$0x1E800] =	vst v63  }
0x40: {  	_ =	swait.ge [sflag:s22], $0x4000  }
0x41: {  	[sflag:s22] =	ssyncset.done $0x0  }
0x42: {  	s25 =	sadd.s32 $0x1480, s25;
	[sflag:s22] =	ssyncadd.s32 $0xFFFFC000  }
0x43: {  	[spmem:s2] =	stream.indirect.scatter.add.f32 [tilespmem:s16], [sflag:$0x4], $0x80, s25, s19, $0xb8;
	[tilespmem:$0x1E800] =	vst v63  }
0x44: {  	s24 =	simm.s32 $0x0  }
0x45: {  	[tilespmem:s24], [sflag:$0x5] =	stream.linear.gather [hbm4b:s11+s24], $0x1400, $0x38;
	[tilespmem:$0x1E800] =	vst v63  }
0x46: {  	_ =	swait.ge [sflag:s14], $0x1400  }
0x47: {  	[sflag:s14] =	ssyncset.done $0x0  }
0x48: {  	[sflag:s14] =	ssyncadd.s32 $0xFFFFEC00  }
0x49: {  	[tilespmem:s17], [sflag:$0x5] =	stream.linear.gather [hbm4b:s12+s24], $0x1400, $0x38;
	[tilespmem:$0x1E800] =	vst v63  }
0x4a: {  	_ =	swait.ge [sflag:s14], $0x1400  }
0x4b: {  	[sflag:s14] =	ssyncset.done $0x0  }
0x4c: {  	[sflag:s14] =	ssyncadd.s32 $0xFFFFEC00  }
0x4d: {  	_ =	swait.ge [sflag:s18], $0x4000  }
0x4e: {  	[sflag:s18] =	ssyncset.done $0x0  }
0x4f: {  	s29 =	simm.s32 $0x0;
	[sflag:s18] =	ssyncadd.s32 $0xFFFFC000  }
0x50: {  	[tilespmem:s15], [sflag:$0x1] =	stream.indirect.gather [hbm4b:s4+s19], $0x80, s29, s19, $0xb8;
	[tilespmem:$0x1E800] =	vst v63  }
0x51: {  	_ =	swait.ge [sflag:s20], $0x4000  }
0x52: {  	[sflag:s20] =	ssyncset.done $0x0  }
0x53: {  	s30 =	simm.s32 $0x1400;
	[sflag:s20] =	ssyncadd.s32 $0xFFFFC000  }
0x54: {  	[spmem:s2] =	stream.indirect.scatter.add.f32 [tilespmem:s15], [sflag:$0x3], $0x80, s30, s19, $0xb8;
	[tilespmem:$0x1E800] =	vst v63  }
0x55: {  	_ =	swait.ge [sflag:s21], $0x4000  }
0x56: {  	[sflag:s21] =	ssyncset.done $0x0  }
0x57: {  	s31 =	simm.s32 $0x80;
	[sflag:s21] =	ssyncadd.s32 $0xFFFFC000  }
0x58: {  	[tilespmem:s16], [sflag:$0x2] =	stream.indirect.gather [hbm4b:s4+s19], $0x80, s31, s19, $0xb8;
	[tilespmem:$0x1E800] =	vst v63  }
0x59: {  	_ =	swait.ge [sflag:s22], $0x4000  }
0x5a: {  	[sflag:s22] =	ssyncset.done $0x0  }
0x5b: {  	s25 =	simm.s32 $0x1480;
	s24 =	simm.s32 $0x400;
	[sflag:s22] =	ssyncadd.s32 $0xFFFFC000  }
.LBB2_4:
0x5c: {  	[spmem:s2] =	stream.indirect.scatter.add.f32 [tilespmem:s16], [sflag:$0x4], $0x80, s25, s19, $0xb8;
	[tilespmem:$0x1E800] =	vst v63  }
0x5d: {  	s25 =	smov.u32 s24  }
0x5e: {  	p0 =	sne.s32 s24, $0x4C00;
	s24 =	sadd.s32 $0x400, s24;
	_ =	swait.ge [sflag:s18], $0x4000  }
0x5f: {  	[sflag:s18] =	ssyncset.done $0x0  }
0x60: {  	s25 =	sshra.s32 s25, $0x2;
	[sflag:s18] =	ssyncadd.s32 $0xFFFFC000  }
0x61: {  	[tilespmem:s15], [sflag:$0x1] =	stream.indirect.gather [hbm4b:s4+s19], $0x80, s25, s19, $0xb8;
	[tilespmem:$0x1E800] =	vst v63  }
0x62: {  	_ =	swait.ge [sflag:s20], $0x4000  }
0x63: {  	[sflag:s20] =	ssyncset.done $0x0  }
0x64: {  	s26 =	sadd.s32 $0x1400, s25;
	[sflag:s20] =	ssyncadd.s32 $0xFFFFC000  }
0x65: {  	[spmem:s2] =	stream.indirect.scatter.add.f32 [tilespmem:s15], [sflag:$0x3], $0x80, s26, s19, $0xb8;
	[tilespmem:$0x1E800] =	vst v63  }
0x66: {  	_ =	swait.ge [sflag:s21], $0x4000  }
0x67: {  	[sflag:s21] =	ssyncset.done $0x0  }
.Ltmp1:
0x68: {  	s26 =	sadd.s32 $0x80, s25;
	[sflag:s21] =	ssyncadd.s32 $0xFFFFC000;
	(pc) =	sbr.rel @p0 .LBB2_4-.Ltmp1, $4  }
0x69: {  	[tilespmem:s16], [sflag:$0x2] =	stream.indirect.gather [hbm4b:s4+s19], $0x80, s26, s19, $0xb8;
	[tilespmem:$0x1E800] =	vst v63  }
0x6a: {  	_ =	swait.ge [sflag:s22], $0x4000  }
0x6b: {  	[sflag:s22] =	ssyncset.done $0x0  }
0x6c: {  	s25 =	sadd.s32 $0x1480, s25;
	[sflag:s22] =	ssyncadd.s32 $0xFFFFC000  }
0x6d: {  	[spmem:s2] =	stream.indirect.scatter.add.f32 [tilespmem:s16], [sflag:$0x4], $0x80, s25, s19, $0xb8;
	[tilespmem:$0x1E800] =	vst v63  }
0x6e: {  	_ =	swait.ge [sflag:s18], $0x4000  }
0x6f: {  	[sflag:s18] =	ssyncset.done $0x0  }
0x70: {  	[sflag:s18] =	ssyncadd.s32 $0xFFFFC000  }
0x71: {  	_ =	swait.ge [sflag:s21], $0x4000  }
0x72: {  	s23 =	sadd.s32 $0x1, s23;
	[sflag:s21] =	ssyncset.done $0x0  }
0x73: {  	p0 =	sne.s32 s23, s8;
	[sflag:s21] =	ssyncadd.s32 $0xFFFFC000  }
.Ltmp2:
0x74: {  	[bflag:$0x0] =	sbarrier.arrive $0xFFFF;
	(pc) =	sbr.rel @p0 .LBB2_1-.Ltmp2, $4  }
0x75: {  	[hbm:s7], [sflag:s6] =	dma.local [spmem:s13], $0x2800  }
0x76: {  	_ =	swait.ge [sflag:s14], $0x2800  }
0x77: {  	[sflag:s14] =	ssyncset.done $0x0  }
0x78: {  	[sflag:s14] =	ssyncadd.s32 $0xFFFFD800  }
0x79: {  	_ =	sfence.sel $0x180000  }
0x7a: {  	[bflag:$0x0] =	sbarrier.arrive $0xFFFF  }
0x7b: {  	p0 =	sne.s32 s1, $0x0;
	_ =	strace $0x90000062  }
0x7c: {  	s0 =	sadd.s32 @!p0 $0x100000, s0;
	[bflag:$0x2] =	sbarrier.arrive $0xFFFF  }
0x7d: {  	[sflag:s0] =	ssyncadd.tile.s32 @!p0 $0x1;
	_ =	shalt  }
.Lfunc_end2:
_tile_overlayer_lowered:
.L_overlay_start_2:
0x7e: {  	(tag) =	ssettag $0x2  }
0x7f: {  	s0 =	rddreg [dreg:$0x0];
	s2 =	stileid.u32  }
0x80: {  	s1 =	rddreg [dreg:$0x1];
	p0 =	sne.s32 s2, $0x0  }
0x81: {  	s3 =	rddreg [dreg:$0x2];
	[bflag:$0x3] =	sbarrier.arrive $0xFFFF;
	s2 =	simm.s32 @!p0 $0x1C05  }
0x82: {  	[timem:s3], [sflag:s2] =	dma.local @!p0 [hbm:s0], s1  }
0x83: {  	s0 =	simm.s32 @!p0 $0x5  }
0x84: {  	_ =	swait.ge @!p0 [sflag:s0], s1  }
0x85: {  	s1 =	ssub.s32 @!p0 $0x0, s1;
	[sflag:s0] =	ssyncset.done @!p0 $0x0  }
0x86: {  	[sflag:s0] =	ssyncadd.s32 @!p0 s1  }
0x87: {  	[bflag:$0x3] =	sbarrier.arrive $0xFFFF  }
0x88: {  	_ =	shalt  }

// kernel: kernel.55.cloned.1.call-start
scs
__scs_entry_jumppad:
0x0: {  	(pc) =	sbr.rel $0x88, $3  }
0x1: {  	(tag) =	ssettag $0x0;
	lr =	simm.s32 $0x1  }
0x2: {  	[smem:$0x3F96] =	sst lr;
	_ =	strace $0xD0000000  }
0x3: {  	_ = 	snop  }
0x4: {  	_ = 	snop  }
0x5: {  	_ = 	snop  }
0x6: {  	_ = 	snop  }
0x7: {  	_ = 	snop  }
__scs_overlays_trampoline_lowered:
0x8: {  	[smem:$0x3FA5] =	sst s0  }
0x9: {  	[smem:$0x3FA6] =	sst s1  }
0xa: {  	[smem:$0x3FA7] =	sst s2  }
0xb: {  	[smem:$0x3FA8] =	sst s3  }
0xc: {  	[smem:$0x3FA9] =	sst s4  }
0xd: {  	[smem:$0x3FAA] =	sst s5  }
0xe: {  	[smem:$0x3FAB] =	sst s6  }
0xf: {  	[smem:$0x3FAC] =	sst s7  }
0x10: {  	[smem:$0x3FAD] =	sst s8  }
0x11: {  	[smem:$0x3FAE] =	sst s9;
	s0 =	simm.s32 @!p0 $0x0  }
0x12: {  	s1 =	sld [smem:$0x3F94];
	s0 =	simm.s32 @p0 $0x1  }
0x13: {  	[smem:$0x3FAF] =	sst s0;
	s0 =	simm.s32 @!p1 $0x0  }
0x14: {  	s2 =	sld [smem:$0x3F93];
	s0 =	simm.s32 @p1 $0x1  }
0x15: {  	[smem:$0x3FB0] =	sst s0;
	s0 =	simm.s32 @!p2 $0x0  }
0x16: {  	s3 =	sld [smem:$0x3FDB];
	s0 =	simm.s32 @p2 $0x1  }
0x17: {  	s4 =	simm.s32 $0x1BF5;
	[smem:$0x3FB2] =	sst s0  }
0x18: {  	s0 =	sld [smem:$0x3F95];
	_ =	swait.ge [sflag:s4], $0x0  }
0x19: {  	s7 =	sld [smem:$0x3F96]  }
0x1a: {  	s8 =	sadd.s32 $0xFFFFE003, lr  }
0x1b: {  	s9 =	sadd.s32 $0xFFFFFEF7, lr;
	s5 =	simm.s32 $0xFFFFFFFF;
	p2 =	slt.u32 s8, $0xFFFFF086  }
0x1c: {  	p1 =	slt.u32 s9, $0xF7A;
	s5 =	simm.s32 @!p2 $0x0  }
0x1d: {  	s5 =	simm.s32 @p1 $0x1;
	p0 =	seq.s32 s7, s2  }
0x1e: {  	s7 =	smul.u32 @!p0 $0xF7A, s2;
	p2 =	seq.s32 @!p0 s5, $0x0  }
0x1f: {  	s9 =	smul.u32 $0xF7A, s1;
	s8 =	simm.s32 @!p0 $0x1BF5;
	p2 =	por !p2, p0  }
0x20: {  	[sflag:s8] =	ssyncset.s32 @!p0 $0xFFFFF086;
	s6 =	sadd.s32 @!p0 s3, s7;
	s7 =	simm.s32 @!p0 $0x108  }
0x21: {  	s3 =	sadd.s32 s3, s9;
	s6 =	sadd.s32 @!p0 $0x88, s6;
	s7 =	simm.s32 @p2 $0x1082  }
0x22: {  	[simem:s7], [sflag:s8] =	dma.local @!p0 [hbm:s6], $0xF7A  }
0x23: {  	s9 =	sor.u32 $0xD0000000, s2;
	s6 =	simm.s32 $0x108;
	_ =	swait.ge @!p0 [sflag:s8], $0x0  }
0x24: {  	s3 =	sadd.s32 $0x88, s3;
	s6 =	simm.s32 @!p1 $0x1082;
	[sflag:s4] =	ssyncset.s32 $0xFFFFF086  }
0x25: {  	[simem:s6], [sflag:s4] =	dma.local [hbm:s3], $0xF7A  }
0x26: {  	[smem:$0x3F96] =	sst s1;
	(tag) =	ssettag s2;
	_ =	strace s9  }
0x27: {  	s1 =	sld [smem:$0x3FA6]  }
0x28: {  	s2 =	sld [smem:$0x3FA7]  }
0x29: {  	s4 =	sld [smem:$0x3FA9]  }
0x2a: {  	p0 =	seq.s32 s5, $0x0;
	s5 =	sld [smem:$0x3FAA]  }
0x2b: {  	s6 =	sld [smem:$0x3FAB]  }
0x2c: {  	s7 =	sld [smem:$0x3FAC]  }
0x2d: {  	s3 =	simm.s32 $0x108;
	s8 =	sld [smem:$0x3FAD]  }
0x2e: {  	s3 =	simm.s32 @!p0 $0x1082;
	s9 =	sld [smem:$0x3FAE]  }
0x2f: {  	lr =	sadd.s32 s0, s3;
	s0 =	sld [smem:$0x3FA5]  }
0x30: {  	s3 =	sld [smem:$0x3FA8]  }
0x31: {  	[smem:$0x3FB1] =	sst s10  }
0x32: {  	s10 =	sld [smem:$0x3FAF];
	_ =	sdelay $0x3  }
0x33: {  	p0 =	seq.s32 s10, $0x1;
	s10 =	sld [smem:$0x3FB1];
	_ =	sdelay $0x3  }
0x34: {  	[smem:$0x3FB1] =	sst s10  }
0x35: {  	s10 =	sld [smem:$0x3FB0];
	_ =	sdelay $0x3  }
0x36: {  	p1 =	seq.s32 s10, $0x1;
	s10 =	sld [smem:$0x3FB1];
	_ =	sdelay $0x3  }
0x37: {  	[smem:$0x3FB1] =	sst s10  }
0x38: {  	s10 =	sld [smem:$0x3FB2]  }
0x39: {  	_ = 	snop;
	(pc) =	sbr.ind lr, $3  }
0x3a: {  	_ = 	snop  }
0x3b: {  	_ = 	snop  }
0x3c: {  	p2 =	seq.s32 s10, $0x1;
	s10 =	sld [smem:$0x3FB1]  }
0x3d: {  	_ =	shalt  }
0x3e: {  	_ =	shalt  }
0x3f: {  	_ =	shalt  }
0x40: {  	_ =	shalt  }
0x41: {  	_ =	shalt  }
0x42: {  	_ =	shalt  }
0x43: {  	_ =	shalt  }
0x44: {  	_ =	shalt  }
0x45: {  	_ =	shalt  }
0x46: {  	_ =	shalt  }
0x47: {  	_ =	shalt  }
0x48: {  	_ =	shalt  }
0x49: {  	_ =	shalt  }
0x4a: {  	_ =	shalt  }
0x4b: {  	_ =	shalt  }
0x4c: {  	_ =	shalt  }
0x4d: {  	_ =	shalt  }
0x4e: {  	_ =	shalt  }
0x4f: {  	_ =	shalt  }
0x50: {  	_ =	shalt  }
0x51: {  	_ =	shalt  }
0x52: {  	_ =	shalt  }
0x53: {  	_ =	shalt  }
0x54: {  	_ =	shalt  }
0x55: {  	_ =	shalt  }
0x56: {  	_ =	shalt  }
0x57: {  	_ =	shalt  }
0x58: {  	_ =	shalt  }
0x59: {  	_ =	shalt  }
0x5a: {  	_ =	shalt  }
0x5b: {  	_ =	shalt  }
0x5c: {  	_ =	shalt  }
0x5d: {  	_ =	shalt  }
0x5e: {  	_ =	shalt  }
0x5f: {  	_ =	shalt  }
0x60: {  	_ =	shalt  }
0x61: {  	_ =	shalt  }
0x62: {  	_ =	shalt  }
0x63: {  	_ =	shalt  }
0x64: {  	_ =	shalt  }
0x65: {  	_ =	shalt  }
0x66: {  	_ =	shalt  }
0x67: {  	_ =	shalt  }
0x68: {  	_ =	shalt  }
0x69: {  	_ =	shalt  }
0x6a: {  	_ =	shalt  }
0x6b: {  	_ =	shalt  }
0x6c: {  	_ =	shalt  }
0x6d: {  	_ =	shalt  }
0x6e: {  	_ =	shalt  }
0x6f: {  	_ =	shalt  }
0x70: {  	_ =	shalt  }
0x71: {  	_ =	shalt  }
0x72: {  	_ =	shalt  }
0x73: {  	_ =	shalt  }
0x74: {  	_ =	shalt  }
0x75: {  	_ =	shalt  }
0x76: {  	_ =	shalt  }
0x77: {  	_ =	shalt  }
0x78: {  	_ =	shalt  }
0x79: {  	_ =	shalt  }
0x7a: {  	_ =	shalt  }
0x7b: {  	_ =	shalt  }
0x7c: {  	_ =	shalt  }
0x7d: {  	_ =	shalt  }
0x7e: {  	_ =	shalt  }
0x7f: {  	_ =	shalt  }
0x80: {  	_ =	shalt  }
0x81: {  	_ =	shalt  }
0x82: {  	_ =	shalt  }
0x83: {  	_ =	shalt  }
0x84: {  	_ =	shalt  }
0x85: {  	_ =	shalt  }
0x86: {  	_ =	shalt  }
0x87: {  	_ =	shalt  }
.Lfunc_end0:
.L_simem_size_0:
called_computation.10_lowered:
.L_overlay_start_0:
0x88: {  	s2 =	sld [smem:$0x3FD9]  }
0x89: {  	s3 =	sld [smem:$0x3FFE];
	_ =	sdelay $0x1  }
0x8a: {  	s1 =	srdreg.scid  }
0x8b: {  	s0 =	sand.u32 $0x1, s1  }
0x8c: {  	s16 =	sshll.u32 s0, $0xA;
	s2 =	sadd.s32 s3, s2  }
0x8d: {  	s2 =	sadd.s32 s2, s16  }
0x8e: {  	[smem:$0x3FBD] =	sst s2  }
0x8f: {  	_ = 	snop  }
0x90: {  	(tm) =	ssettm $0x1  }
0x91: {  	s17 =	sld [smem:$0x3FFB];
	_ =	sdelay $0x3  }
0x92: {  	_ =	strace s17  }
0x93: {  	s2 =	sld [smem:$0x3FFC];
	_ =	sdelay $0x3  }
0x94: {  	_ =	strace s2  }
0x95: {  	s2 =	sld [smem:$0x3FFD];
	_ =	sdelay $0x3  }
0x96: {  	_ =	strace s2  }
0x97: {  	_ =	strace $0x8FFFFFFF  }
0x98: {  	s18 =	sld [smem:$0x3FDB];
	_ =	sdelay $0x1  }
0x99: {  	s19 =	simm.s32 $_scs_section_size  }
0x9a: {  	s4 =	simm.s32 $_size__tile_overlayer_lowered;
	s5 =	simm.s32 $_tile_overlayer_lowered  }
0x9b: {  	s22 =	simm.s32 $0x1BFF;
	s21 =	sshll.u32 s5, $0x1;
	s2 =	sadd.s32 s19, s18  }
0x9c: {  	s6 =	simm.s32 $0x0;
	s20 =	sshll.u32 s4, $0x1;
	s4 =	sadd.s32 s21, s2  }
0x9d: {  	[timem:s6], [sflag:s22] =	dma.local [hbm:s4], s20  }
0x9e: {  	_ =	swait.ge [sflag:s22], s20  }
0x9f: {  	s3 =	ssub.s32 $0x0, s20;
	[sflag:s22] =	ssyncset.done $0x0  }
0xa0: {  	[sflag:s22] =	ssyncadd.s32 s3;
	_ =	sdelay $0x1  }
0xa1: {  	s23 =	simm.s32 $0x1B8B  }
0xa2: {  	_ =	swait.ge [sflag:s23], $0x1  }
0xa3: {  	[sflag:s23] =	ssyncset.done $0x0  }
0xa4: {  	s25 =	simm.s32 $0x1B8E;
	s24 =	sld [smem:$0x3FFE];
	[sflag:s23] =	ssyncadd.s32 $0xFFFFFFFF  }
0xa5: {  	s26 =	simm.s32 $execute0_lowered;
	[smem:$0x3FD2] =	sst s25  }
0xa6: {  	s4 =	sshll.u32 s26, $0x1;
	_ =	strace $0x80000064;
	[dreg:$0x1] =	wrdreg $0xFFFFFFFF  }
0xa7: {  	s28 =	simm.s32 $_size_execute0_lowered;
	s2 =	sadd.s32 s2, s4;
	[dreg:$0x0] =	wrdreg $0x0  }
0xa8: {  	s4 =	sshll.u32 s28, $0x1;
	[dreg:$0x2] =	wrdreg s2  }
0xa9: {  	[dreg:$0x3] =	wrdreg s4  }
0xaa: {  	[dreg:$0x4] =	wrdreg $0xC0  }
0xab: {  	_ =	task [dreg:s6], $0x5FFFF  }
0xac: {  	[dreg:$0x1] =	wrdreg $0xFFFFFFFF  }
0xad: {  	[dreg:$0x0] =	wrdreg $0x60  }
0xae: {  	[dreg:$0x2] =	wrdreg s24  }
0xaf: {  	[dreg:$0x3] =	wrdreg $0xA8000  }
0xb0: {  	[dreg:$0x4] =	wrdreg $0x9  }
0xb1: {  	_ =	task.clear_ibuf [dreg:s6], $0x5FFFF;
	_ =	strace $0x90000064  }
0xb2: {  	s29 =	simm.s32 $0x9;
	_ =	strace $0x80000066  }
0xb3: {  	_ =	swait.ge [sflag:s29], $0x1  }
0xb4: {  	[sflag:s29] =	ssyncadd.s32 $0xFFFFFFFF  }
0xb5: {  	_ =	strace $0x90000066  }
0xb6: {  	_ =	sfence  }
0xb7: {  	s30 =	sld [smem:$0x0];
	_ =	sdelay $0x2  }
0xb8: {  	s31 =	sshll.u32 s1, $0xD;
	s1 =	sshrl.u32 s1, $0x2  }
0xb9: {  	s3 =	sand.u32 $0x4000, s31;
	s1 =	sadd.s32 s1, s30  }
0xba: {  	s0 =	sor.u32 s3, s0;
	s1 =	sshll.u32 s1, $0x11  }
0xbb: {  	s0 =	sor.u32 s1, s0  }
0xbc: {  	s0 =	sadd.s32 $0x8F2B, s0  }
0xbd: {  	[sflag:s0] =	ssyncadd.remote.s32 $0x1  }
0xbe: {  	_ =	sfence.sel $0xFFFF  }
0xbf: {  	[dreg:$0x0] =	wrdreg $0xFFFFFFFF;
	(pc) =	sbr.abs _section_cstart, $3  }
0xc0: {  	[dreg:$0x1] =	wrdreg $0xFFFFFFFF  }
0xc1: {  	_ =	task.clear_ibuf [dreg:s6], $0x2FFFF;
	_ =	strace $0x9FFFFFFF  }
0xc2: {  	(tm) =	ssettm $0x7FFFFFFF  }
0xc3: {  	_ =	shalt  }
tec
execute0_lowered:
.L_overlay_start_1:
0x0: {  	(tag) =	ssettag $0x1  }
0x1: {  	s5 =	rddreg [dreg:$0x0]  }
0x2: {  	s2 =	rddreg [dreg:$0x1]  }
0x3: {  	s0 =	rddreg [dreg:$0x2];
	s3 =	simm.s32 $0x0;
	s1 =	stileid.u32  }
0x4: {  	s4 =	srdreg.scid;
	s16 =	simm.s32 $0x6800;
	s17 =	simm.s32 $0x1400  }
0x5: {  	s18 =	simm.s32 $0x3;
	s19 =	simm.s32 $0x80;
	s20 =	simm.s32 $0x1  }
0x6: {  	s21 =	simm.s32 $0x4;
	s22 =	simm.s32 $0x2;
	[smem:$0x7FF] =	sst s3  }
0x7: {  	s6 =	smul.u32 $0x14000, s1;
	s7 =	sand.u32 $0x1, s4;
	s11 =	sadd.s32 $0x39200, s5  }
0x8: {  	s12 =	sadd.s32 $0x43200, s5;
	s4 =	sadd.s32 $0x8A00, s5;
	s23 =	sshll.u32 s1, $0x1  }
0x9: {  	s10 =	smul.u32 $0x50000, s1;
	s30 =	sshll.u32 s1, $0x6;
	_ =	strace $0x80000065  }
0xa: {  	s8 =	smul.u32 $0x140000, s7;
	s24 =	ssub.s32 $0x2, s7;
	s25 =	sor.u32 s7, s23  }
0xb: {  	s23 =	simm.s32 $0x0;
	s9 =	sshrl.u32 s6, $0x3;
	s26 =	sshrl.u32 s24, $0x1  }
0xc: {  	s28 =	sshrl.u32 s10, $0x2;
	s29 =	smul.u32 $0x2800, s25;
	s9 =	sadd.s32 s9, s5  }
0xd: {  	s6 =	sadd.s32 s6, s8;
	s14 =	ssub.s32 s24, s26;
	s15 =	sadd.s32 s28, s2  }
0xe: {  	s6 =	sshrl.u32 s6, $0x3;
	s10 =	sshrl.u32 s29, $0x3;
	s8 =	smax.u32 s14, $0x1  }
0xf: {  	s14 =	simm.s32 $0x5;
	s13 =	sadd.s32 s6, s5;
	s5 =	sadd.s32 $0x4D200, s9  }
0x10: {  	s6 =	sor.u32 $0x1C05, s30;
	s31 =	sadd.s32 $0x280, s10;
	s9 =	sadd.s32 s11, s10  }
0x11: {  	s10 =	sadd.s32 s12, s10;
	s7 =	sadd.s32 $0x75200, s13;
	s11 =	sadd.s32 s11, s31  }
0x12: {  	s12 =	sadd.s32 s12, s31;
	s13 =	sshrl.u32 s15, $0x3;
	s15 =	simm.s32 $0x2800  }
.LBB2_1:
0x13: {  	[spmem:s13], [sflag:s6] =	dma.local [hbm:s5], $0x2800  }
0x14: {  	_ =	swait.ge [sflag:s14], $0x2800  }
0x15: {  	[sflag:s14] =	ssyncset.done $0x0  }
0x16: {  	[sflag:s14] =	ssyncadd.s32 $0xFFFFD800  }
0x17: {  	[tilespmem:s15], [sflag:$0x3] =	stream.linear.gather [hbm4b:s4+s3], $0x4000, $0x38;
	[tilespmem:$0x1E800] =	vst v63  }
0x18: {  	_ = 	snop  }
0x19: {  	[tilespmem:s16], [sflag:$0x4] =	stream.linear.gather [hbm4b:s4+s3], $0x4000, $0x38;
	[tilespmem:$0x1E800] =	vst v63  }
0x1a: {  	[bflag:$0x0] =	sbarrier.arrive $0xFFFF  }
0x1b: {  	[tilespmem:s3], [sflag:$0x5] =	stream.linear.gather [hbm4b:s9+s3], $0x1400, $0x38;
	[tilespmem:$0x1E800] =	vst v63  }
0x1c: {  	_ =	swait.ge [sflag:s14], $0x1400  }
0x1d: {  	[sflag:s14] =	ssyncset.done $0x0  }
0x1e: {  	[sflag:s14] =	ssyncadd.s32 $0xFFFFEC00  }
0x1f: {  	[tilespmem:s17], [sflag:$0x5] =	stream.linear.gather [hbm4b:s10+s3], $0x1400, $0x38;
	[tilespmem:$0x1E800] =	vst v63  }
0x20: {  	_ =	swait.ge [sflag:s14], $0x1400  }
0x21: {  	[sflag:s14] =	ssyncset.done $0x0  }
0x22: {  	[sflag:s14] =	ssyncadd.s32 $0xFFFFEC00  }
0x23: {  	_ =	swait.ge [sflag:s18], $0x4000  }
0x24: {  	[sflag:s18] =	ssyncset.done $0x0  }
0x25: {  	s24 =	simm.s32 $0x0;
	[sflag:s18] =	ssyncadd.s32 $0xFFFFC000  }
0x26: {  	[tilespmem:s15], [sflag:$0x1] =	stream.indirect.gather [hbm4b:s4+s19], $0x80, s24, s19, $0xb8;
	[tilespmem:$0x1E800] =	vst v63  }
0x27: {  	_ =	swait.ge [sflag:s20], $0x4000  }
0x28: {  	[sflag:s20] =	ssyncset.done $0x0  }
0x29: {  	s30 =	simm.s32 $0x1400;
	[sflag:s20] =	ssyncadd.s32 $0xFFFFC000  }
0x2a: {  	[spmem:s2] =	stream.indirect.scatter.add.f32 [tilespmem:s15], [sflag:$0x3], $0x80, s30, s19, $0xb8;
	[tilespmem:$0x1E800] =	vst v63  }
0x2b: {  	_ =	swait.ge [sflag:s21], $0x4000  }
0x2c: {  	[sflag:s21] =	ssyncset.done $0x0  }
0x2d: {  	s31 =	simm.s32 $0x80;
	[sflag:s21] =	ssyncadd.s32 $0xFFFFC000  }
0x2e: {  	[tilespmem:s16], [sflag:$0x2] =	stream.indirect.gather [hbm4b:s4+s19], $0x80, s31, s19, $0xb8;
	[tilespmem:$0x1E800] =	vst v63  }
0x2f: {  	_ =	swait.ge [sflag:s22], $0x4000  }
0x30: {  	[sflag:s22] =	ssyncset.done $0x0  }
0x31: {  	s25 =	simm.s32 $0x1480;
	s24 =	simm.s32 $0x400;
	[sflag:s22] =	ssyncadd.s32 $0xFFFFC000  }
.LBB2_2:
0x32: {  	[spmem:s2] =	stream.indirect.scatter.add.f32 [tilespmem:s16], [sflag:$0x4], $0x80, s25, s19, $0xb8;
	[tilespmem:$0x1E800] =	vst v63  }
0x33: {  	s25 =	smov.u32 s24  }
0x34: {  	p0 =	sne.s32 s24, $0x4C00;
	s24 =	sadd.s32 $0x400, s24;
	_ =	swait.ge [sflag:s18], $0x4000  }
0x35: {  	[sflag:s18] =	ssyncset.done $0x0  }
0x36: {  	s25 =	sshra.s32 s25, $0x2;
	[sflag:s18] =	ssyncadd.s32 $0xFFFFC000  }
0x37: {  	[tilespmem:s15], [sflag:$0x1] =	stream.indirect.gather [hbm4b:s4+s19], $0x80, s25, s19, $0xb8;
	[tilespmem:$0x1E800] =	vst v63  }
0x38: {  	_ =	swait.ge [sflag:s20], $0x4000  }
0x39: {  	[sflag:s20] =	ssyncset.done $0x0  }
0x3a: {  	s26 =	sadd.s32 $0x1400, s25;
	[sflag:s20] =	ssyncadd.s32 $0xFFFFC000  }
0x3b: {  	[spmem:s2] =	stream.indirect.scatter.add.f32 [tilespmem:s15], [sflag:$0x3], $0x80, s26, s19, $0xb8;
	[tilespmem:$0x1E800] =	vst v63  }
0x3c: {  	_ =	swait.ge [sflag:s21], $0x4000  }
0x3d: {  	[sflag:s21] =	ssyncset.done $0x0  }
.Ltmp0:
0x3e: {  	s26 =	sadd.s32 $0x80, s25;
	[sflag:s21] =	ssyncadd.s32 $0xFFFFC000;
	(pc) =	sbr.rel @p0 .LBB2_2-.Ltmp0, $4  }
0x3f: {  	[tilespmem:s16], [sflag:$0x2] =	stream.indirect.gather [hbm4b:s4+s19], $0x80, s26, s19, $0xb8;
	[tilespmem:$0x1E800] =	vst v63  }
0x40: {  	_ =	swait.ge [sflag:s22], $0x4000  }
0x41: {  	[sflag:s22] =	ssyncset.done $0x0  }
0x42: {  	s25 =	sadd.s32 $0x1480, s25;
	[sflag:s22] =	ssyncadd.s32 $0xFFFFC000  }
0x43: {  	[spmem:s2] =	stream.indirect.scatter.add.f32 [tilespmem:s16], [sflag:$0x4], $0x80, s25, s19, $0xb8;
	[tilespmem:$0x1E800] =	vst v63  }
0x44: {  	s24 =	simm.s32 $0x0  }
0x45: {  	[tilespmem:s24], [sflag:$0x5] =	stream.linear.gather [hbm4b:s11+s24], $0x1400, $0x38;
	[tilespmem:$0x1E800] =	vst v63  }
0x46: {  	_ =	swait.ge [sflag:s14], $0x1400  }
0x47: {  	[sflag:s14] =	ssyncset.done $0x0  }
0x48: {  	[sflag:s14] =	ssyncadd.s32 $0xFFFFEC00  }
0x49: {  	[tilespmem:s17], [sflag:$0x5] =	stream.linear.gather [hbm4b:s12+s24], $0x1400, $0x38;
	[tilespmem:$0x1E800] =	vst v63  }
0x4a: {  	_ =	swait.ge [sflag:s14], $0x1400  }
0x4b: {  	[sflag:s14] =	ssyncset.done $0x0  }
0x4c: {  	[sflag:s14] =	ssyncadd.s32 $0xFFFFEC00  }
0x4d: {  	_ =	swait.ge [sflag:s18], $0x4000  }
0x4e: {  	[sflag:s18] =	ssyncset.done $0x0  }
0x4f: {  	s29 =	simm.s32 $0x0;
	[sflag:s18] =	ssyncadd.s32 $0xFFFFC000  }
0x50: {  	[tilespmem:s15], [sflag:$0x1] =	stream.indirect.gather [hbm4b:s4+s19], $0x80, s29, s19, $0xb8;
	[tilespmem:$0x1E800] =	vst v63  }
0x51: {  	_ =	swait.ge [sflag:s20], $0x4000  }
0x52: {  	[sflag:s20] =	ssyncset.done $0x0  }
0x53: {  	s30 =	simm.s32 $0x1400;
	[sflag:s20] =	ssyncadd.s32 $0xFFFFC000  }
0x54: {  	[spmem:s2] =	stream.indirect.scatter.add.f32 [tilespmem:s15], [sflag:$0x3], $0x80, s30, s19, $0xb8;
	[tilespmem:$0x1E800] =	vst v63  }
0x55: {  	_ =	swait.ge [sflag:s21], $0x4000  }
0x56: {  	[sflag:s21] =	ssyncset.done $0x0  }
0x57: {  	s31 =	simm.s32 $0x80;
	[sflag:s21] =	ssyncadd.s32 $0xFFFFC000  }
0x58: {  	[tilespmem:s16], [sflag:$0x2] =	stream.indirect.gather [hbm4b:s4+s19], $0x80, s31, s19, $0xb8;
	[tilespmem:$0x1E800] =	vst v63  }
0x59: {  	_ =	swait.ge [sflag:s22], $0x4000  }
0x5a: {  	[sflag:s22] =	ssyncset.done $0x0  }
0x5b: {  	s25 =	simm.s32 $0x1480;
	s24 =	simm.s32 $0x400;
	[sflag:s22] =	ssyncadd.s32 $0xFFFFC000  }
.LBB2_4:
0x5c: {  	[spmem:s2] =	stream.indirect.scatter.add.f32 [tilespmem:s16], [sflag:$0x4], $0x80, s25, s19, $0xb8;
	[tilespmem:$0x1E800] =	vst v63  }
0x5d: {  	s25 =	smov.u32 s24  }
0x5e: {  	p0 =	sne.s32 s24, $0x4C00;
	s24 =	sadd.s32 $0x400, s24;
	_ =	swait.ge [sflag:s18], $0x4000  }
0x5f: {  	[sflag:s18] =	ssyncset.done $0x0  }
0x60: {  	s25 =	sshra.s32 s25, $0x2;
	[sflag:s18] =	ssyncadd.s32 $0xFFFFC000  }
0x61: {  	[tilespmem:s15], [sflag:$0x1] =	stream.indirect.gather [hbm4b:s4+s19], $0x80, s25, s19, $0xb8;
	[tilespmem:$0x1E800] =	vst v63  }
0x62: {  	_ =	swait.ge [sflag:s20], $0x4000  }
0x63: {  	[sflag:s20] =	ssyncset.done $0x0  }
0x64: {  	s26 =	sadd.s32 $0x1400, s25;
	[sflag:s20] =	ssyncadd.s32 $0xFFFFC000  }
0x65: {  	[spmem:s2] =	stream.indirect.scatter.add.f32 [tilespmem:s15], [sflag:$0x3], $0x80, s26, s19, $0xb8;
	[tilespmem:$0x1E800] =	vst v63  }
0x66: {  	_ =	swait.ge [sflag:s21], $0x4000  }
0x67: {  	[sflag:s21] =	ssyncset.done $0x0  }
.Ltmp1:
0x68: {  	s26 =	sadd.s32 $0x80, s25;
	[sflag:s21] =	ssyncadd.s32 $0xFFFFC000;
	(pc) =	sbr.rel @p0 .LBB2_4-.Ltmp1, $4  }
0x69: {  	[tilespmem:s16], [sflag:$0x2] =	stream.indirect.gather [hbm4b:s4+s19], $0x80, s26, s19, $0xb8;
	[tilespmem:$0x1E800] =	vst v63  }
0x6a: {  	_ =	swait.ge [sflag:s22], $0x4000  }
0x6b: {  	[sflag:s22] =	ssyncset.done $0x0  }
0x6c: {  	s25 =	sadd.s32 $0x1480, s25;
	[sflag:s22] =	ssyncadd.s32 $0xFFFFC000  }
0x6d: {  	[spmem:s2] =	stream.indirect.scatter.add.f32 [tilespmem:s16], [sflag:$0x4], $0x80, s25, s19, $0xb8;
	[tilespmem:$0x1E800] =	vst v63  }
0x6e: {  	_ =	swait.ge [sflag:s18], $0x4000  }
0x6f: {  	[sflag:s18] =	ssyncset.done $0x0  }
0x70: {  	[sflag:s18] =	ssyncadd.s32 $0xFFFFC000  }
0x71: {  	_ =	swait.ge [sflag:s21], $0x4000  }
0x72: {  	s23 =	sadd.s32 $0x1, s23;
	[sflag:s21] =	ssyncset.done $0x0  }
0x73: {  	p0 =	sne.s32 s23, s8;
	[sflag:s21] =	ssyncadd.s32 $0xFFFFC000  }
.Ltmp2:
0x74: {  	[bflag:$0x0] =	sbarrier.arrive $0xFFFF;
	(pc) =	sbr.rel @p0 .LBB2_1-.Ltmp2, $4  }
0x75: {  	[hbm:s7], [sflag:s6] =	dma.local [spmem:s13], $0x2800  }
0x76: {  	_ =	swait.ge [sflag:s14], $0x2800  }
0x77: {  	[sflag:s14] =	ssyncset.done $0x0  }
0x78: {  	[sflag:s14] =	ssyncadd.s32 $0xFFFFD800  }
0x79: {  	_ =	sfence.sel $0x180000  }
0x7a: {  	[bflag:$0x0] =	sbarrier.arrive $0xFFFF  }
0x7b: {  	p0 =	sne.s32 s1, $0x0;
	_ =	strace $0x90000065  }
0x7c: {  	s0 =	sadd.s32 @!p0 $0x100000, s0;
	[bflag:$0x2] =	sbarrier.arrive $0xFFFF  }
0x7d: {  	[sflag:s0] =	ssyncadd.tile.s32 @!p0 $0x1;
	_ =	shalt  }
.Lfunc_end2:
_tile_overlayer_lowered:
.L_overlay_start_2:
0x7e: {  	(tag) =	ssettag $0x2  }
0x7f: {  	s0 =	rddreg [dreg:$0x0];
	s2 =	stileid.u32  }
0x80: {  	s1 =	rddreg [dreg:$0x1];
	p0 =	sne.s32 s2, $0x0  }
0x81: {  	s3 =	rddreg [dreg:$0x2];
	[bflag:$0x3] =	sbarrier.arrive $0xFFFF;
	s2 =	simm.s32 @!p0 $0x1C05  }
0x82: {  	[timem:s3], [sflag:s2] =	dma.local @!p0 [hbm:s0], s1  }
0x83: {  	s0 =	simm.s32 @!p0 $0x5  }
0x84: {  	_ =	swait.ge @!p0 [sflag:s0], s1  }
0x85: {  	s1 =	ssub.s32 @!p0 $0x0, s1;
	[sflag:s0] =	ssyncset.done @!p0 $0x0  }
0x86: {  	[sflag:s0] =	ssyncadd.s32 @!p0 s1  }
0x87: {  	[bflag:$0x3] =	sbarrier.arrive $0xFFFF  }
0x88: {  	_ =	shalt  }

</sc_bundles>
